<compile_context>
chip_gen: v7x
topology: tpu7x:2x2x1
jax: 0.10.2.dev20260603
libtpu: 0.0.44.dev20260713+nightly
codegen_flags: <defaults>
</compile_context>

<pallas_src>
import functools

import jax
import jax.numpy as jnp
from jax import lax
from jax.experimental import pallas as pl
from jax.experimental.pallas import tpu as pltpu
from jax.experimental.pallas import tpu_sc as plsc

H = 128
NRBF = 20
CUT = 5.0
EPS = 1e-8
NG = 64
N_E = 320000
N_N = 10000
E_PAD = 327680
N_PAD = 10240

CH = 128
NROWS = E_PAD // CH
GW_ROWS = NROWS // 32
SC_ROWS = NROWS // 16
NPT = N_PAD // 16
BE = 512
BN = 1024



CH_G = 64
GROWS = E_PAD // CH_G
GW_FAT = GROWS // 32


def _sc_gather_fat():
    mesh = plsc.VectorSubcoreMesh(core_axis_name="c", subcore_axis_name="s")

    @functools.partial(
        pl.kernel, mesh=mesh,
        out_type=jax.ShapeDtypeStruct((E_PAD, 2 * H), jnp.int32),
        scratch_types=[
            pltpu.VMEM((GW_FAT, CH_G), jnp.int32),
        ] + [pltpu.VMEM((CH_G, 2 * H), jnp.int32)] * 4
          + [pltpu.SemaphoreType.DMA] * 8,
    )
    def k(table, idx_hbm, out, idx_v, b0, b1, b2, b3, *sems):
        bufs = (b0, b1, b2, b3)
        gsems = sems[:4]
        wsems = sems[4:]
        wid = lax.axis_index("c") * 16 + lax.axis_index("s")
        row0 = wid * GW_FAT
        pltpu.sync_copy(idx_hbm.at[pl.ds(row0, GW_FAT)], idx_v)

        def body(i0, _):
            for b in range(4):
                @pl.when(i0 > 0)
                def _(b=b):
                    pltpu.make_async_copy(
                        bufs[b], out.at[pl.ds((row0 + i0 + b) * CH_G, CH_G)],
                        wsems[b]).wait()
            hs = [pltpu.async_copy(table.at[idx_v.at[i0 + b]],
                                   bufs[b], gsems[b]) for b in range(4)]
            for b in range(4):
                hs[b].wait()
                pltpu.async_copy(
                    bufs[b], out.at[pl.ds((row0 + i0 + b) * CH_G, CH_G)],
                    wsems[b])
            return ()
        lax.fori_loop(0, GW_FAT // 4, lambda i, c: body(i * 4, c), ())
        for b in range(4):
            pltpu.make_async_copy(
                bufs[b], out.at[pl.ds(row0 * CH_G, CH_G)], wsems[b]).wait()

    return k


GEO_W = 128


def _sc_gather_geo():
    mesh = plsc.VectorSubcoreMesh(core_axis_name="c", subcore_axis_name="s")

    @functools.partial(
        pl.kernel, mesh=mesh,
        out_type=[jax.ShapeDtypeStruct((E_PAD, GEO_W), jnp.float32)] * 2,
        scratch_types=[
            pltpu.VMEM((GW_ROWS, CH), jnp.int32),
        ] + [pltpu.VMEM((CH, GEO_W), jnp.float32)] * 4
          + [pltpu.SemaphoreType.DMA] * 8,
    )
    def k(geo, ei_hbm, ej_hbm, oi, oj, idx_v, b0, b1, b2, b3, *sems):
        bufs = (b0, b1, b2, b3)
        gsems = sems[:4]
        wsems = sems[4:]
        wid = lax.axis_index("c") * 16 + lax.axis_index("s")
        row0 = wid * GW_ROWS
        for idxh, ob in ((ei_hbm, oi), (ej_hbm, oj)):
            pltpu.sync_copy(idxh.at[pl.ds(row0, GW_ROWS)], idx_v)

            def body(i0, _, ob=ob):
                for b in range(4):
                    @pl.when(i0 > 0)
                    def _(b=b, ob=ob):
                        pltpu.make_async_copy(
                            bufs[b], ob.at[pl.ds((row0 + i0 + b) * CH, CH)],
                            wsems[b]).wait()
                hs = [pltpu.async_copy(geo.at[idx_v.at[i0 + b]],
                                       bufs[b], gsems[b]) for b in range(4)]
                for b in range(4):
                    hs[b].wait()
                    pltpu.async_copy(
                        bufs[b], ob.at[pl.ds((row0 + i0 + b) * CH, CH)],
                        wsems[b])
                return ()
            lax.fori_loop(0, GW_ROWS // 4, lambda i, c: body(i * 4, c), ())
            for b in range(4):
                pltpu.make_async_copy(
                    bufs[b], ob.at[pl.ds(row0 * CH, CH)], wsems[b]).wait()

    return k


SC_ROWS_T = NROWS // 32


def _sc_scatter4():
    mesh = plsc.VectorSubcoreMesh(core_axis_name="c", subcore_axis_name="s")

    @functools.partial(
        pl.kernel, mesh=mesh,
        out_type=[jax.ShapeDtypeStruct((2, N_PAD, H), jnp.float32)] * 4,
        scratch_types=[
            pltpu.VMEM((SC_ROWS_T, CH), jnp.int32),
            pltpu.VMEM((CH, H), jnp.float32),
            pltpu.VMEM((CH, H), jnp.float32),
            pltpu.VMEM((32, H), jnp.float32),
            pltpu.VMEM_SHARED((N_PAD, H), jnp.float32),
            pltpu.SemaphoreType.DMA,
            pltpu.SemaphoreType.DMA,
        ],
    )
    def k(v0, v1, v2, v3, idx_hbm, o0, o1, o2, o3,
          idx_v, rb0, rb1, zbuf, acc, sm0, sm1):
        bufs = (rb0, rb1)
        sems = (sm0, sm1)
        c = lax.axis_index("c")
        s = lax.axis_index("s")
        row0 = c * (NROWS // 2) + s * SC_ROWS_T
        pltpu.sync_copy(idx_hbm.at[pl.ds(row0, SC_ROWS_T)], idx_v)

        def zfill(t, _):
            i = t // 8
            j = (t % 8) * 16
            zbuf[i, pl.ds(j, 16)] = jnp.zeros((16,), jnp.float32)
            return ()
        lax.fori_loop(0, 32 * 8, zfill, ())

        nbase = s * NPT

        def do_array(vals, out):
            def zb(t, _):
                pltpu.sync_copy(zbuf, acc.at[pl.ds(nbase + t * 32, 32)])
                return ()
            lax.fori_loop(0, NPT // 32, zb, ())
            plsc.subcore_barrier()

            def body(t0, _, vals=vals):
                hs = [pltpu.async_copy(
                          vals.at[pl.ds((row0 + t0 + b) * CH, CH)],
                          bufs[b], sems[b])
                      for b in range(2)]
                for b in range(2):
                    hs[b].wait()
                    pltpu.sync_copy(bufs[b], acc.at[idx_v.at[t0 + b]],
                                    add=True)
                return ()
            lax.fori_loop(0, SC_ROWS_T // 2, lambda i, cc: body(i * 2, cc), ())
            plsc.subcore_barrier()
            pltpu.sync_copy(acc.at[pl.ds(nbase, NPT)],
                            out.at[c].at[pl.ds(nbase, NPT)])

        do_array(v0, o0)
        do_array(v1, o1)
        do_array(v2, o2)
        do_array(v3, o3)

    return k



def _silu(x):
    return x * (1.0 / (1.0 + jnp.exp(-x)))


def _geom_body(gi, gj, ef_o, rt_o):
    a = gi[...]
    b = gj[...]
    dx = b[:, 0:1] - a[:, 0:1]
    dy = b[:, 1:2] - a[:, 1:2]
    dz = b[:, 2:3] - a[:, 2:3]
    dist = jnp.sqrt(dx * dx + dy * dy + dz * dz)
    dsafe = jnp.maximum(dist, EPS)
    inv = 1.0 / dsafe
    ef_o[...] = jnp.concatenate(
        [dx * inv, dy * inv, dz * inv, dsafe, b[:, 3:4],
         jnp.zeros((BE, 3), jnp.float32)], axis=1)
    rt_o[...] = jnp.transpose(dsafe)


def _tc_geom(interpret=False):
    nb = E_PAD // BE
    gspec = pl.BlockSpec((BE, GEO_W), lambda t: (t, 0))
    return pl.pallas_call(
        _geom_body,
        grid=(nb,),
        in_specs=[gspec, gspec],
        out_specs=[pl.BlockSpec((BE, 8), lambda t: (t, 0)),
                   pl.BlockSpec((1, BE), lambda t: (0, t))],
        out_shape=[jax.ShapeDtypeStruct((E_PAD, 8), jnp.float32),
                   jax.ShapeDtypeStruct((1, E_PAD), jnp.float32)],
        interpret=interpret,
    )


def _edge_body(has_v, refs):
    if has_v:
        (ef, rt, pk, w1t, b1, w2t, b2, wst, bs, wvt, bv,
         ms_o, a0_o, a1_o, a2_o) = refs
    else:
        (ef, rt, embp, w1t, b1, w2t, b2, wst, bs, wvt, bv,
         ms_o, a0_o, a1_o, a2_o) = refs
    e = ef[...]
    u0 = e[:, 0:1]
    u1 = e[:, 1:2]
    u2 = e[:, 2:3]
    if not has_v:
        kcol = lax.broadcasted_iota(jnp.int32, (BE, H), 1).astype(jnp.float32)
        onehot = (e[:, 4:5] == kcol).astype(jnp.float32)
        sj_v = jnp.dot(onehot, embp[...], preferred_element_type=jnp.float32)
    rr = rt[...]
    x = rr * (jnp.pi / CUT)
    c1 = jnp.cos(x)
    s1 = jnp.sin(x)
    cv = jnp.where(rr < CUT, 0.5 * (c1 + 1.0), 0.0)
    scale = cv / rr
    two_c1 = 2.0 * c1
    p_prev = jnp.zeros((1, BE), jnp.float32)
    p_cur = s1 * scale
    rows = [p_cur]
    for _ in range(NRBF - 1):
        p_prev, p_cur = p_cur, two_c1 * p_cur - p_prev
        rows.append(p_cur)
    rows.append(jnp.zeros((12, BE), jnp.float32))
    rbf_t = jnp.concatenate(rows, axis=0)
    h1 = _silu(lax.dot_general(rbf_t, w1t[...],
                               (((0,), (0,)), ((), ())),
                               preferred_element_type=jnp.float32)
               + b1[...])
    w = jnp.dot(h1, w2t[...], preferred_element_type=jnp.float32) + b2[...]
    if has_v:
        ui = lax.bitcast_convert_type(pk[...], jnp.uint32)
        hi = lax.bitcast_convert_type((ui >> 16).astype(jnp.uint16),
                                      jnp.bfloat16).astype(jnp.float32)
        lo = lax.bitcast_convert_type((ui & 0xFFFF).astype(jnp.uint16),
                                      jnp.bfloat16).astype(jnp.float32)
        sj_v = hi[:, :H]
    ms = (jnp.dot(sj_v, wst[...], preferred_element_type=jnp.float32)
          + bs[...]) * w
    if has_v:
        proj = u0 * hi[:, H:] + u1 * lo[:, :H] + u2 * lo[:, H:]
        mv = (jnp.dot(proj, wvt[...], preferred_element_type=jnp.float32)
              + bv[...]) * w
    else:
        mv = bv[...] * w
    ms_o[...] = ms
    a0_o[...] = u0 * mv
    a1_o[...] = u1 * mv
    a2_o[...] = u2 * mv


def _tc_edge(has_v, interpret=False):
    nb = E_PAD // BE
    big = pl.BlockSpec((BE, H), lambda t: (t, 0))
    wspec = pl.BlockSpec((H, H), lambda t: (0, 0))
    bspec = pl.BlockSpec((1, H), lambda t: (0, 0))
    rtspec = pl.BlockSpec((1, BE), lambda t: (0, t))
    if has_v:
        in_specs = [pl.BlockSpec((BE, 8), lambda t: (t, 0)), rtspec,
                    pl.BlockSpec((BE, 2 * H), lambda t: (t, 0))]
    else:
        in_specs = [pl.BlockSpec((BE, 8), lambda t: (t, 0)), rtspec, wspec]
    in_specs += [pl.BlockSpec((32, H), lambda t: (0, 0)),
                 bspec, wspec, bspec, wspec, bspec, wspec, bspec]
    return pl.pallas_call(
        lambda *refs: _edge_body(has_v, refs),
        grid=(nb,),
        in_specs=in_specs,
        out_specs=[big, big, big, big],
        out_shape=[jax.ShapeDtypeStruct((E_PAD, H), jnp.float32)] * 4,
        interpret=interpret,
    )


def _node_body(first, *refs):
    if first:
        (zf, embp, ms, a0, a1, a2,
         us1t, usb1, us2t, usb2, uv1t, uvb1, uv2t, uvb2,
         out, outb) = refs
    else:
        (sv, ms, a0, a1, a2,
         us1t, usb1, us2t, usb2, uv1t, uvb1, uv2t, uvb2,
         out, outb) = refs

    def mlp(x, w1t, bb1, w2t, bb2):
        h = _silu(jnp.dot(x, w1t[...], preferred_element_type=jnp.float32)
                  + bb1[...])
        return jnp.dot(h, w2t[...], preferred_element_type=jnp.float32) + bb2[...]

    if first:
        zrow = zf[0]
        gid = lax.broadcasted_iota(jnp.int32, (H, BN), 0).astype(jnp.float32)
        onehot_t = (gid == zrow).astype(jnp.float32)
        s = lax.dot_general(onehot_t, embp[...], (((0,), (0,)), ((), ())),
                            preferred_element_type=jnp.float32)
    else:
        svv = sv[...]
        s = svv[:, 0:H]
    s_n = s + mlp(ms[0] + ms[1], us1t, usb1, us2t, usb2)
    outs = [s_n]
    for d, a in enumerate((a0, a1, a2)):
        upd = mlp(a[0] + a[1], uv1t, uvb1, uv2t, uvb2)
        if first:
            outs.append(upd)
        else:
            outs.append(svv[:, (d + 1) * H:(d + 2) * H] + upd)
    fused = jnp.concatenate(outs, axis=1)
    out[...] = fused
    fb = fused.astype(jnp.bfloat16)
    hi16 = lax.bitcast_convert_type(fb[:, :2 * H],
                                    jnp.uint16).astype(jnp.uint32)
    lo16 = lax.bitcast_convert_type(fb[:, 2 * H:],
                                    jnp.uint16).astype(jnp.uint32)
    outb[...] = lax.bitcast_convert_type((hi16 << 16) | lo16, jnp.int32)


def _tc_node(first, interpret=False):
    nb = N_PAD // BN
    big = pl.BlockSpec((BN, H), lambda t: (t, 0))
    fat = pl.BlockSpec((BN, 4 * H), lambda t: (t, 0))
    wspec = pl.BlockSpec((H, H), lambda t: (0, 0))
    bspec = pl.BlockSpec((1, H), lambda t: (0, 0))
    part = pl.BlockSpec((2, BN, H), lambda t: (0, t, 0))
    if first:
        lead = [pl.BlockSpec((1, 1, BN), lambda t: (t, 0, 0)), wspec]
    else:
        lead = [fat]
    return pl.pallas_call(
        functools.partial(_node_body, first),
        grid=(nb,),
        in_specs=lead + [part] * 4 + [wspec, bspec, wspec, bspec] * 2,
        out_specs=[fat, pl.BlockSpec((BN, 2 * H), lambda t: (t, 0))],
        out_shape=[jax.ShapeDtypeStruct((N_PAD, 4 * H), jnp.float32),
                   jax.ShapeDtypeStruct((N_PAD, 2 * H), jnp.int32)],
        interpret=interpret,
    )


def _readout_body(s, batch, wrot, brow, out):
    @pl.when(pl.program_id(0) == 0)
    def _():
        out[...] = jnp.zeros_like(out)
    per_atom = (jnp.dot(s[...], wrot[...], preferred_element_type=jnp.float32)
                + brow[...])
    bvec = batch[0]
    gid = lax.broadcasted_iota(jnp.int32, (NG, BN), 0)
    onehot = (gid == bvec).astype(jnp.float32)
    out[...] += jnp.dot(onehot, per_atom, preferred_element_type=jnp.float32)


def _tc_readout(interpret=False):
    nb = N_PAD // BN
    return pl.pallas_call(
        _readout_body,
        grid=(nb,),
        in_specs=[
            pl.BlockSpec((BN, H), lambda t: (t, 0)),
            pl.BlockSpec((1, 1, BN), lambda t: (t, 0, 0)),
            pl.BlockSpec((H, H), lambda t: (0, 0)),
            pl.BlockSpec((1, H), lambda t: (0, 0)),
        ],
        out_specs=pl.BlockSpec((NG, H), lambda t: (0, 0)),
        out_shape=jax.ShapeDtypeStruct((NG, H), jnp.float32),
        interpret=interpret,
    )



def _row(b):
    return b.reshape(1, H)


def kernel(z, pos, edge_index, batch, emb, layers, W_ro, b_ro):
    ei = edge_index[0].astype(jnp.int32)
    ej = edge_index[1].astype(jnp.int32)

    ei2d = jnp.concatenate(
        [ei, jnp.full((E_PAD - N_E,), N_N, jnp.int32)]).reshape(NROWS, CH)
    ej_pad = jnp.concatenate([ej, jnp.zeros((E_PAD - N_E,), jnp.int32)])
    ej2d = ej_pad.reshape(NROWS, CH)
    ej2d_g = ej_pad.reshape(GROWS, CH_G)

    geo = jnp.zeros((N_PAD, GEO_W), jnp.float32)
    geo = geo.at[:N_N, 0:3].set(pos).at[:N_N, 3].set(z.astype(jnp.float32))
    gi, gj = _sc_gather_geo()(geo, ei2d, ej2d)
    ef, r_t = _tc_geom()(gi, gj)

    z3 = jnp.concatenate(
        [z.astype(jnp.float32), jnp.zeros((N_PAD - N_N,), jnp.float32)]
    ).reshape(N_PAD // BN, 1, BN)
    emb_pad = jnp.zeros((H, H), jnp.float32).at[:emb.shape[0]].set(emb)

    gather = _sc_gather_fat()
    scatter4 = _sc_scatter4()
    edge1 = _tc_edge(False)
    edge2 = _tc_edge(True)

    sv = None
    for li, p in enumerate(layers):
        w1t = jnp.zeros((32, H), jnp.float32).at[:NRBF, :].set(p['phi'][0].T)
        wargs = (w1t, _row(p['phi'][1]), p['phi'][2].T, _row(p['phi'][3]),
                 p['Ws_W'].T, _row(p['Ws_b']), p['Wv_W'].T, _row(p['Wv_b']))
        if li == 0:
            ms_e, a0_e, a1_e, a2_e = edge1(ef, r_t, emb_pad, *wargs)
        else:
            svj = gather(svb, ej2d_g)
            ms_e, a0_e, a1_e, a2_e = edge2(ef, r_t, svj, *wargs)
        MS, A0, A1, A2 = scatter4(ms_e, a0_e, a1_e, a2_e, ei2d)
        lead = (z3, emb_pad) if li == 0 else (sv,)
        sv, svb = _tc_node(li == 0)(
            *lead, MS, A0, A1, A2,
            p['Us'][0].T, _row(p['Us'][1]), p['Us'][2].T, _row(p['Us'][3]),
            p['Uv'][0].T, _row(p['Uv'][1]), p['Uv'][2].T, _row(p['Uv'][3]))

    wrot = jnp.zeros((H, H), jnp.float32).at[:, :3].set(W_ro.T)
    brow = jnp.zeros((1, H), jnp.float32).at[0, :3].set(b_ro)
    batch3 = jnp.concatenate(
        [batch.astype(jnp.int32), jnp.full((N_PAD - N_N,), NG, jnp.int32)]
    ).reshape(N_PAD // BN, 1, BN)
    pred_pad = _tc_readout()(sv, batch3, wrot, brow)
    return pred_pad[:, :3]

# --- scband reference (transcript-rebuilt; emitter-appended) ---
"""Pipeline reference for scband-equivariant-model-84327387890482 (READ-ONLY COPY).

The authoritative reference and input builder live on the scoring server;
editing this copy changes nothing except your own understanding.
"""

import jax, jax.numpy as jnp
import numpy as np

HIDDEN_DIM = 128
N_RBF = 20
CUTOFF = 5.0
N_LAYERS = 2
EMB_SIZE = 100
N_NODES = 10000
N_EDGES = 320000
N_GRAPHS = 64
EPSILON = 1e-8


def _lin(x, W, b):
    return x @ W.T + b


def _mlp(x, p):
    return _lin(jax.nn.silu(_lin(x, p[0], p[1])), p[2], p[3])


def _rbf(r):
    freqs = jnp.arange(1, N_RBF + 1, dtype=jnp.float32)
    r = jnp.maximum(r, EPSILON)
    x = r[..., None] * freqs * jnp.pi / CUTOFF
    rbf = jnp.sin(x) / r[..., None]
    mask = (r < CUTOFF).astype(jnp.float32)
    cv = 0.5 * (jnp.cos(jnp.pi * r / CUTOFF) + 1.0) * mask
    return rbf * cv[..., None]


def _layer(s, v, pos, edge_index, p):
    i, j = edge_index[0], edge_index[1]
    rij = pos[j] - pos[i]
    dist = jnp.linalg.norm(rij, axis=-1)
    dist_safe = jnp.maximum(dist, EPSILON)
    unit = rij / dist_safe[:, None]
    w_ij = _mlp(_rbf(dist_safe), p['phi'])
    s_j = s[j]
    v_j = v[j]
    m_s_ij = _lin(s_j, p['Ws_W'], p['Ws_b']) * w_ij
    proj = (v_j * unit[:, :, None]).sum(axis=1)
    m_v_ij = _lin(proj, p['Wv_W'], p['Wv_b']) * w_ij
    m_v_ij = unit[:, :, None] * m_v_ij[:, None, :]
    m_s = jax.ops.segment_sum(m_s_ij, i, num_segments=s.shape[0])
    m_v = jax.ops.segment_sum(m_v_ij, i, num_segments=v.shape[0])
    s = s + _mlp(m_s, p['Us'])
    N = m_v.shape[0]
    m_v = _mlp(m_v.reshape(N * 3, HIDDEN_DIM), p['Uv']).reshape(N, 3, HIDDEN_DIM)
    v = v + m_v
    return s, v


def setup_inputs(seed: int = 0) -> dict:
    key = jax.random.key(seed)
    ks = jax.random.split(key, 64)
    kit = iter(ks)

    def W(o, i):
        return jax.random.normal(next(kit), (o, i), dtype=jnp.float32) * 0.05

    def b(o):
        return jnp.zeros((o,), dtype=jnp.float32)

    z = jax.random.randint(next(kit), (N_NODES,), 0, EMB_SIZE)
    pos = jax.random.normal(next(kit), (N_NODES, 3), dtype=jnp.float32)
    edge_index = jax.random.randint(next(kit), (2, N_EDGES), 0, N_NODES)
    batch = jnp.sort(jax.random.randint(next(kit), (N_NODES,), 0, N_GRAPHS))
    emb = jax.random.normal(next(kit), (EMB_SIZE, HIDDEN_DIM), dtype=jnp.float32) * 0.05
    layers = []
    for _ in range(N_LAYERS):
        layers.append({
            'phi': [W(HIDDEN_DIM, N_RBF), b(HIDDEN_DIM), W(HIDDEN_DIM, HIDDEN_DIM), b(HIDDEN_DIM)],
            'Ws_W': W(HIDDEN_DIM, HIDDEN_DIM), 'Ws_b': b(HIDDEN_DIM),
            'Wv_W': W(HIDDEN_DIM, HIDDEN_DIM), 'Wv_b': b(HIDDEN_DIM),
            'Us': [W(HIDDEN_DIM, HIDDEN_DIM), b(HIDDEN_DIM), W(HIDDEN_DIM, HIDDEN_DIM), b(HIDDEN_DIM)],
            'Uv': [W(HIDDEN_DIM, HIDDEN_DIM), b(HIDDEN_DIM), W(HIDDEN_DIM, HIDDEN_DIM), b(HIDDEN_DIM)],
        })
    W_ro = W(3, HIDDEN_DIM)
    b_ro = b(3)
    return {'z': z, 'pos': pos, 'edge_index': edge_index, 'batch': batch,
            'emb': emb, 'layers': layers, 'W_ro': W_ro, 'b_ro': b_ro}


def reference(z, pos, edge_index, batch, emb, layers, W_ro, b_ro):
    s = emb[z]
    v = jnp.zeros((s.shape[0], 3, HIDDEN_DIM), dtype=s.dtype)
    for p in layers:
        s, v = _layer(s, v, pos, edge_index, p)
    per_atom = _lin(s, W_ro, b_ro)
    pred = jax.ops.segment_sum(per_atom, batch, num_segments=N_GRAPHS)
    return pred

if __name__ == "__main__":
    import jax
    _d = setup_inputs()
    print(jax.jit(kernel)(*tuple(_d.values())))

</pallas_src>

<mosaic_0001>
#map = affine_map<(d0, d1) -> (0, 0)>
module attributes {stable_mosaic.version = 14 : i64} {
  func.func @k(%arg0: i32, %arg1: i32, %arg2: memref<10240x128xf32, #tpu.memory_space<hbm>>, %arg3: memref<2560x128xi32, #tpu.memory_space<hbm>>, %arg4: memref<2560x128xi32, #tpu.memory_space<hbm>>, %arg5: memref<327680x128xf32, #tpu.memory_space<hbm>>, %arg6: memref<327680x128xf32, #tpu.memory_space<hbm>>, %arg7: memref<80x128xi32, #tpu.memory_space<vmem>>, %arg8: memref<128x128xf32, #tpu.memory_space<vmem>>, %arg9: memref<128x128xf32, #tpu.memory_space<vmem>>, %arg10: memref<128x128xf32, #tpu.memory_space<vmem>>, %arg11: memref<128x128xf32, #tpu.memory_space<vmem>>, %arg12: memref<!tpu.dma_semaphore, #tpu.memory_space<semaphore_mem>>, %arg13: memref<!tpu.dma_semaphore, #tpu.memory_space<semaphore_mem>>, %arg14: memref<!tpu.dma_semaphore, #tpu.memory_space<semaphore_mem>>, %arg15: memref<!tpu.dma_semaphore, #tpu.memory_space<semaphore_mem>>, %arg16: memref<!tpu.dma_semaphore, #tpu.memory_space<semaphore_mem>>, %arg17: memref<!tpu.dma_semaphore, #tpu.memory_space<semaphore_mem>>, %arg18: memref<!tpu.dma_semaphore, #tpu.memory_space<semaphore_mem>>, %arg19: memref<!tpu.dma_semaphore, #tpu.memory_space<semaphore_mem>>) attributes {dimension_semantics = [#tpu.dimension_semantics<core_parallel>, #tpu.dimension_semantics<subcore_parallel>], iteration_bounds = array<i64: 2, 16>, scalar_prefetch = 0 : i64, scratch_operands = 13 : i64, tpu.core_type = #tpu.core_type<sc_vector_subcore>, window_params = [{transform_indices = #map}, {transform_indices = #map}, {transform_indices = #map}, {transform_indices = #map}, {transform_indices = #map}]} {
    %mul3A = arith.constant 16 : i32
    %mul3A_0 = arith.muli %arg0, %mul3A : i32
    %add3A = arith.addi %mul3A_0, %arg1 : i32
    %mul3A_1 = arith.constant 80 : i32
    %mul3A_2 = arith.muli %add3A, %mul3A_1 : i32
    "tpu.region"() ({
      %run_scoped3A = tpu.sem_alloc : memref<!tpu.dma_semaphore, #tpu.memory_space<semaphore_mem>>
      %dma_start3A = arith.constant 0 : i32
      %dma_start3A_59 = tpu.memref_slice %arg3[%mul3A_2, %dma_start3A] : memref<2560x128xi32, #tpu.memory_space<hbm>> -> memref<80x128xi32, #tpu.memory_space<hbm>>
      %dma_start3A_60 = arith.constant 0 : i32
      %dma_start3A_61 = tpu.memref_slice %arg3[%mul3A_2, %dma_start3A_60] : memref<2560x128xi32, #tpu.memory_space<hbm>> -> memref<80x128xi32, #tpu.memory_space<hbm>>
      tpu.enqueue_dma source(%dma_start3A_61 : memref<80x128xi32, #tpu.memory_space<hbm>>) target(%arg7 : memref<80x128xi32, #tpu.memory_space<vmem>>) target_semaphore(%run_scoped3A : memref<!tpu.dma_semaphore, #tpu.memory_space<semaphore_mem>>)
      %dma_wait3A_62 = arith.constant 0 : i32
      %dma_wait3A_63 = tpu.memref_slice %arg3[%mul3A_2, %dma_wait3A_62] : memref<2560x128xi32, #tpu.memory_space<hbm>> -> memref<80x128xi32, #tpu.memory_space<hbm>>
      %dma_wait3A_64 = arith.constant 0 : i32
      %dma_wait3A_65 = tpu.memref_slice %arg3[%mul3A_2, %dma_wait3A_64] : memref<2560x128xi32, #tpu.memory_space<hbm>> -> memref<80x128xi32, #tpu.memory_space<hbm>>
      tpu.wait_dma2 semaphore(%run_scoped3A : memref<!tpu.dma_semaphore, #tpu.memory_space<semaphore_mem>>) src(%dma_wait3A_65 : memref<80x128xi32, #tpu.memory_space<hbm>>) dst(%arg7 : memref<80x128xi32, #tpu.memory_space<vmem>>)
      tpu.yield
    }) : () -> ()
    %scan3A = arith.constant 0 : i32
    %scan3A_3 = arith.constant 20 : i32
    %scan3A_4 = arith.addi %scan3A, %scan3A_3 : i32
    %scan3A_5 = arith.constant 1 : i32
    scf.for %scan3A_59 = %scan3A to %scan3A_4 step %scan3A_5  : i32 {
      %mul3A_60 = arith.constant 4 : i32
      %mul3A_61 = arith.muli %scan3A_59, %mul3A_60 : i32
      %gt3A = arith.constant 0 : i32
      %gt3A_62 = arith.cmpi sgt, %mul3A_61, %gt3A : i32
      %convert_element_type3A = arith.extui %gt3A_62 : i1 to i32
      %cond3A = arith.constant 0 : i32
      %cond3A_63 = arith.cmpi ne, %convert_element_type3A, %cond3A : i32
      scf.if %cond3A_63 {
        %add3A_170 = arith.addi %mul3A_2, %mul3A_61 : i32
        %add3A_171 = arith.constant 0 : i32
        %add3A_172 = arith.addi %add3A_170, %add3A_171 : i32
        %mul3A_173 = arith.constant 128 : i32
        %mul3A_174 = arith.muli %add3A_172, %mul3A_173 : i32
        %dma_wait3A_175 = arith.constant 0 : i32
        %dma_wait3A_176 = tpu.memref_slice %arg5[%mul3A_174, %dma_wait3A_175] : memref<327680x128xf32, #tpu.memory_space<hbm>> -> memref<128x128xf32, #tpu.memory_space<hbm>>
        %dma_wait3A_177 = arith.constant 0 : i32
        %dma_wait3A_178 = tpu.memref_slice %arg5[%mul3A_174, %dma_wait3A_177] : memref<327680x128xf32, #tpu.memory_space<hbm>> -> memref<128x128xf32, #tpu.memory_space<hbm>>
        tpu.wait_dma2 semaphore(%arg16 : memref<!tpu.dma_semaphore, #tpu.memory_space<semaphore_mem>>) src(%arg8 : memref<128x128xf32, #tpu.memory_space<vmem>>) dst(%dma_wait3A_178 : memref<128x128xf32, #tpu.memory_space<hbm>>)
      } else {
      }
      %gt3A_64 = arith.constant 0 : i32
      %gt3A_65 = arith.cmpi sgt, %mul3A_61, %gt3A_64 : i32
      %convert_element_type3A_66 = arith.extui %gt3A_65 : i1 to i32
      %cond3A_67 = arith.constant 0 : i32
      %cond3A_68 = arith.cmpi ne, %convert_element_type3A_66, %cond3A_67 : i32
      scf.if %cond3A_68 {
        %add3A_170 = arith.addi %mul3A_2, %mul3A_61 : i32
        %add3A_171 = arith.constant 1 : i32
        %add3A_172 = arith.addi %add3A_170, %add3A_171 : i32
        %mul3A_173 = arith.constant 128 : i32
        %mul3A_174 = arith.muli %add3A_172, %mul3A_173 : i32
        %dma_wait3A_175 = arith.constant 0 : i32
        %dma_wait3A_176 = tpu.memref_slice %arg5[%mul3A_174, %dma_wait3A_175] : memref<327680x128xf32, #tpu.memory_space<hbm>> -> memref<128x128xf32, #tpu.memory_space<hbm>>
        %dma_wait3A_177 = arith.constant 0 : i32
        %dma_wait3A_178 = tpu.memref_slice %arg5[%mul3A_174, %dma_wait3A_177] : memref<327680x128xf32, #tpu.memory_space<hbm>> -> memref<128x128xf32, #tpu.memory_space<hbm>>
        tpu.wait_dma2 semaphore(%arg17 : memref<!tpu.dma_semaphore, #tpu.memory_space<semaphore_mem>>) src(%arg9 : memref<128x128xf32, #tpu.memory_space<vmem>>) dst(%dma_wait3A_178 : memref<128x128xf32, #tpu.memory_space<hbm>>)
      } else {
      }
      %gt3A_69 = arith.constant 0 : i32
      %gt3A_70 = arith.cmpi sgt, %mul3A_61, %gt3A_69 : i32
      %convert_element_type3A_71 = arith.extui %gt3A_70 : i1 to i32
      %cond3A_72 = arith.constant 0 : i32
      %cond3A_73 = arith.cmpi ne, %convert_element_type3A_71, %cond3A_72 : i32
      scf.if %cond3A_73 {
        %add3A_170 = arith.addi %mul3A_2, %mul3A_61 : i32
        %add3A_171 = arith.constant 2 : i32
        %add3A_172 = arith.addi %add3A_170, %add3A_171 : i32
        %mul3A_173 = arith.constant 128 : i32
        %mul3A_174 = arith.muli %add3A_172, %mul3A_173 : i32
        %dma_wait3A_175 = arith.constant 0 : i32
        %dma_wait3A_176 = tpu.memref_slice %arg5[%mul3A_174, %dma_wait3A_175] : memref<327680x128xf32, #tpu.memory_space<hbm>> -> memref<128x128xf32, #tpu.memory_space<hbm>>
        %dma_wait3A_177 = arith.constant 0 : i32
        %dma_wait3A_178 = tpu.memref_slice %arg5[%mul3A_174, %dma_wait3A_177] : memref<327680x128xf32, #tpu.memory_space<hbm>> -> memref<128x128xf32, #tpu.memory_space<hbm>>
        tpu.wait_dma2 semaphore(%arg18 : memref<!tpu.dma_semaphore, #tpu.memory_space<semaphore_mem>>) src(%arg10 : memref<128x128xf32, #tpu.memory_space<vmem>>) dst(%dma_wait3A_178 : memref<128x128xf32, #tpu.memory_space<hbm>>)
      } else {
      }
      %gt3A_74 = arith.constant 0 : i32
      %gt3A_75 = arith.cmpi sgt, %mul3A_61, %gt3A_74 : i32
      %convert_element_type3A_76 = arith.extui %gt3A_75 : i1 to i32
      %cond3A_77 = arith.constant 0 : i32
      %cond3A_78 = arith.cmpi ne, %convert_element_type3A_76, %cond3A_77 : i32
      scf.if %cond3A_78 {
        %add3A_170 = arith.addi %mul3A_2, %mul3A_61 : i32
        %add3A_171 = arith.constant 3 : i32
        %add3A_172 = arith.addi %add3A_170, %add3A_171 : i32
        %mul3A_173 = arith.constant 128 : i32
        %mul3A_174 = arith.muli %add3A_172, %mul3A_173 : i32
        %dma_wait3A_175 = arith.constant 0 : i32
        %dma_wait3A_176 = tpu.memref_slice %arg5[%mul3A_174, %dma_wait3A_175] : memref<327680x128xf32, #tpu.memory_space<hbm>> -> memref<128x128xf32, #tpu.memory_space<hbm>>
        %dma_wait3A_177 = arith.constant 0 : i32
        %dma_wait3A_178 = tpu.memref_slice %arg5[%mul3A_174, %dma_wait3A_177] : memref<327680x128xf32, #tpu.memory_space<hbm>> -> memref<128x128xf32, #tpu.memory_space<hbm>>
        tpu.wait_dma2 semaphore(%arg19 : memref<!tpu.dma_semaphore, #tpu.memory_space<semaphore_mem>>) src(%arg11 : memref<128x128xf32, #tpu.memory_space<vmem>>) dst(%dma_wait3A_178 : memref<128x128xf32, #tpu.memory_space<hbm>>)
      } else {
      }
      %add3A_79 = arith.constant 0 : i32
      %add3A_80 = arith.addi %mul3A_61, %add3A_79 : i32
      %dma_start3A = arith.constant 0 : i32
      %dma_start3A_81 = tpu.memref_slice %arg7[%add3A_80, %dma_start3A] : memref<80x128xi32, #tpu.memory_space<vmem>> -> memref<1x128xi32, #tpu.memory_space<vmem>>
      %dma_start3A_82 = tpu.memref_squeeze %dma_start3A_81 : memref<1x128xi32, #tpu.memory_space<vmem>> -> memref<128xi32, #tpu.memory_space<vmem>>
      %dma_start3A_83 = arith.constant 0 : i32
      %dma_start3A_84 = arith.constant 0 : i32
      %dma_start3A_85 = tpu.memref_slice %arg2[%dma_start3A_83, %dma_start3A_84] : memref<10240x128xf32, #tpu.memory_space<hbm>> -> memref<10240x128xf32, #tpu.memory_space<hbm>>
      tpu.enqueue_indirect_dma source(%dma_start3A_85 : memref<10240x128xf32, #tpu.memory_space<hbm>>) target(%arg8 : memref<128x128xf32, #tpu.memory_space<vmem>>) offsets(%dma_start3A_82 : memref<128xi32, #tpu.memory_space<vmem>>) semaphore(%arg12 : memref<!tpu.dma_semaphore, #tpu.memory_space<semaphore_mem>>)
      %add3A_86 = arith.constant 1 : i32
      %add3A_87 = arith.addi %mul3A_61, %add3A_86 : i32
      %dma_start3A_88 = arith.constant 0 : i32
      %dma_start3A_89 = tpu.memref_slice %arg7[%add3A_87, %dma_start3A_88] : memref<80x128xi32, #tpu.memory_space<vmem>> -> memref<1x128xi32, #tpu.memory_space<vmem>>
      %dma_start3A_90 = tpu.memref_squeeze %dma_start3A_89 : memref<1x128xi32, #tpu.memory_space<vmem>> -> memref<128xi32, #tpu.memory_space<vmem>>
      %dma_start3A_91 = arith.constant 0 : i32
      %dma_start3A_92 = arith.constant 0 : i32
      %dma_start3A_93 = tpu.memref_slice %arg2[%dma_start3A_91, %dma_start3A_92] : memref<10240x128xf32, #tpu.memory_space<hbm>> -> memref<10240x128xf32, #tpu.memory_space<hbm>>
      tpu.enqueue_indirect_dma source(%dma_start3A_93 : memref<10240x128xf32, #tpu.memory_space<hbm>>) target(%arg9 : memref<128x128xf32, #tpu.memory_space<vmem>>) offsets(%dma_start3A_90 : memref<128xi32, #tpu.memory_space<vmem>>) semaphore(%arg13 : memref<!tpu.dma_semaphore, #tpu.memory_space<semaphore_mem>>)
      %add3A_94 = arith.constant 2 : i32
      %add3A_95 = arith.addi %mul3A_61, %add3A_94 : i32
      %dma_start3A_96 = arith.constant 0 : i32
      %dma_start3A_97 = tpu.memref_slice %arg7[%add3A_95, %dma_start3A_96] : memref<80x128xi32, #tpu.memory_space<vmem>> -> memref<1x128xi32, #tpu.memory_space<vmem>>
      %dma_start3A_98 = tpu.memref_squeeze %dma_start3A_97 : memref<1x128xi32, #tpu.memory_space<vmem>> -> memref<128xi32, #tpu.memory_space<vmem>>
      %dma_start3A_99 = arith.constant 0 : i32
      %dma_start3A_100 = arith.constant 0 : i32
      %dma_start3A_101 = tpu.memref_slice %arg2[%dma_start3A_99, %dma_start3A_100] : memref<10240x128xf32, #tpu.memory_space<hbm>> -> memref<10240x128xf32, #tpu.memory_space<hbm>>
      tpu.enqueue_indirect_dma source(%dma_start3A_101 : memref<10240x128xf32, #tpu.memory_space<hbm>>) target(%arg10 : memref<128x128xf32, #tpu.memory_space<vmem>>) offsets(%dma_start3A_98 : memref<128xi32, #tpu.memory_space<vmem>>) semaphore(%arg14 : memref<!tpu.dma_semaphore, #tpu.memory_space<semaphore_mem>>)
      %add3A_102 = arith.constant 3 : i32
      %add3A_103 = arith.addi %mul3A_61, %add3A_102 : i32
      %dma_start3A_104 = arith.constant 0 : i32
      %dma_start3A_105 = tpu.memref_slice %arg7[%add3A_103, %dma_start3A_104] : memref<80x128xi32, #tpu.memory_space<vmem>> -> memref<1x128xi32, #tpu.memory_space<vmem>>
      %dma_start3A_106 = tpu.memref_squeeze %dma_start3A_105 : memref<1x128xi32, #tpu.memory_space<vmem>> -> memref<128xi32, #tpu.memory_space<vmem>>
      %dma_start3A_107 = arith.constant 0 : i32
      %dma_start3A_108 = arith.constant 0 : i32
      %dma_start3A_109 = tpu.memref_slice %arg2[%dma_start3A_107, %dma_start3A_108] : memref<10240x128xf32, #tpu.memory_space<hbm>> -> memref<10240x128xf32, #tpu.memory_space<hbm>>
      tpu.enqueue_indirect_dma source(%dma_start3A_109 : memref<10240x128xf32, #tpu.memory_space<hbm>>) target(%arg11 : memref<128x128xf32, #tpu.memory_space<vmem>>) offsets(%dma_start3A_106 : memref<128xi32, #tpu.memory_space<vmem>>) semaphore(%arg15 : memref<!tpu.dma_semaphore, #tpu.memory_space<semaphore_mem>>)
      %dma_wait3A_110 = arith.constant 0 : i32
      %dma_wait3A_111 = tpu.memref_slice %arg7[%add3A_80, %dma_wait3A_110] : memref<80x128xi32, #tpu.memory_space<vmem>> -> memref<1x128xi32, #tpu.memory_space<vmem>>
      %dma_wait3A_112 = tpu.memref_squeeze %dma_wait3A_111 : memref<1x128xi32, #tpu.memory_space<vmem>> -> memref<128xi32, #tpu.memory_space<vmem>>
      %dma_wait3A_113 = arith.constant 0 : i32
      %dma_wait3A_114 = arith.constant 0 : i32
      %dma_wait3A_115 = tpu.memref_slice %arg2[%dma_wait3A_113, %dma_wait3A_114] : memref<10240x128xf32, #tpu.memory_space<hbm>> -> memref<10240x128xf32, #tpu.memory_space<hbm>>
      tpu.wait_indirect_dma semaphore(%arg12 : memref<!tpu.dma_semaphore, #tpu.memory_space<semaphore_mem>>) src(%dma_wait3A_115 : memref<10240x128xf32, #tpu.memory_space<hbm>>) dst(%arg8 : memref<128x128xf32, #tpu.memory_space<vmem>>)
      %add3A_116 = arith.addi %mul3A_2, %mul3A_61 : i32
      %add3A_117 = arith.constant 0 : i32
      %add3A_118 = arith.addi %add3A_116, %add3A_117 : i32
      %mul3A_119 = arith.constant 128 : i32
      %mul3A_120 = arith.muli %add3A_118, %mul3A_119 : i32
      %dma_start3A_121 = arith.constant 0 : i32
      %dma_start3A_122 = tpu.memref_slice %arg5[%mul3A_120, %dma_start3A_121] : memref<327680x128xf32, #tpu.memory_space<hbm>> -> memref<128x128xf32, #tpu.memory_space<hbm>>
      %dma_start3A_123 = arith.constant 0 : i32
      %dma_start3A_124 = tpu.memref_slice %arg5[%mul3A_120, %dma_start3A_123] : memref<327680x128xf32, #tpu.memory_space<hbm>> -> memref<128x128xf32, #tpu.memory_space<hbm>>
      tpu.enqueue_dma source(%arg8 : memref<128x128xf32, #tpu.memory_space<vmem>>) target(%dma_start3A_124 : memref<128x128xf32, #tpu.memory_space<hbm>>) target_semaphore(%arg16 : memref<!tpu.dma_semaphore, #tpu.memory_space<semaphore_mem>>)
      %dma_wait3A_125 = arith.constant 0 : i32
      %dma_wait3A_126 = tpu.memref_slice %arg7[%add3A_87, %dma_wait3A_125] : memref<80x128xi32, #tpu.memory_space<vmem>> -> memref<1x128xi32, #tpu.memory_space<vmem>>
      %dma_wait3A_127 = tpu.memref_squeeze %dma_wait3A_126 : memref<1x128xi32, #tpu.memory_space<vmem>> -> memref<128xi32, #tpu.memory_space<vmem>>
      %dma_wait3A_128 = arith.constant 0 : i32
      %dma_wait3A_129 = arith.constant 0 : i32
      %dma_wait3A_130 = tpu.memref_slice %arg2[%dma_wait3A_128, %dma_wait3A_129] : memref<10240x128xf32, #tpu.memory_space<hbm>> -> memref<10240x128xf32, #tpu.memory_space<hbm>>
      tpu.wait_indirect_dma semaphore(%arg13 : memref<!tpu.dma_semaphore, #tpu.memory_space<semaphore_mem>>) src(%dma_wait3A_130 : memref<10240x128xf32, #tpu.memory_space<hbm>>) dst(%arg9 : memref<128x128xf32, #tpu.memory_space<vmem>>)
      %add3A_131 = arith.addi %mul3A_2, %mul3A_61 : i32
      %add3A_132 = arith.constant 1 : i32
      %add3A_133 = arith.addi %add3A_131, %add3A_132 : i32
      %mul3A_134 = arith.constant 128 : i32
      %mul3A_135 = arith.muli %add3A_133, %mul3A_134 : i32
      %dma_start3A_136 = arith.constant 0 : i32
      %dma_start3A_137 = tpu.memref_slice %arg5[%mul3A_135, %dma_start3A_136] : memref<327680x128xf32, #tpu.memory_space<hbm>> -> memref<128x128xf32, #tpu.memory_space<hbm>>
      %dma_start3A_138 = arith.constant 0 : i32
      %dma_start3A_139 = tpu.memref_slice %arg5[%mul3A_135, %dma_start3A_138] : memref<327680x128xf32, #tpu.memory_space<hbm>> -> memref<128x128xf32, #tpu.memory_space<hbm>>
      tpu.enqueue_dma source(%arg9 : memref<128x128xf32, #tpu.memory_space<vmem>>) target(%dma_start3A_139 : memref<128x128xf32, #tpu.memory_space<hbm>>) target_semaphore(%arg17 : memref<!tpu.dma_semaphore, #tpu.memory_space<semaphore_mem>>)
      %dma_wait3A_140 = arith.constant 0 : i32
      %dma_wait3A_141 = tpu.memref_slice %arg7[%add3A_95, %dma_wait3A_140] : memref<80x128xi32, #tpu.memory_space<vmem>> -> memref<1x128xi32, #tpu.memory_space<vmem>>
      %dma_wait3A_142 = tpu.memref_squeeze %dma_wait3A_141 : memref<1x128xi32, #tpu.memory_space<vmem>> -> memref<128xi32, #tpu.memory_space<vmem>>
      %dma_wait3A_143 = arith.constant 0 : i32
      %dma_wait3A_144 = arith.constant 0 : i32
      %dma_wait3A_145 = tpu.memref_slice %arg2[%dma_wait3A_143, %dma_wait3A_144] : memref<10240x128xf32, #tpu.memory_space<hbm>> -> memref<10240x128xf32, #tpu.memory_space<hbm>>
      tpu.wait_indirect_dma semaphore(%arg14 : memref<!tpu.dma_semaphore, #tpu.memory_space<semaphore_mem>>) src(%dma_wait3A_145 : memref<10240x128xf32, #tpu.memory_space<hbm>>) dst(%arg10 : memref<128x128xf32, #tpu.memory_space<vmem>>)
      %add3A_146 = arith.addi %mul3A_2, %mul3A_61 : i32
      %add3A_147 = arith.constant 2 : i32
      %add3A_148 = arith.addi %add3A_146, %add3A_147 : i32
      %mul3A_149 = arith.constant 128 : i32
      %mul3A_150 = arith.muli %add3A_148, %mul3A_149 : i32
      %dma_start3A_151 = arith.constant 0 : i32
      %dma_start3A_152 = tpu.memref_slice %arg5[%mul3A_150, %dma_start3A_151] : memref<327680x128xf32, #tpu.memory_space<hbm>> -> memref<128x128xf32, #tpu.memory_space<hbm>>
      %dma_start3A_153 = arith.constant 0 : i32
      %dma_start3A_154 = tpu.memref_slice %arg5[%mul3A_150, %dma_start3A_153] : memref<327680x128xf32, #tpu.memory_space<hbm>> -> memref<128x128xf32, #tpu.memory_space<hbm>>
      tpu.enqueue_dma source(%arg10 : memref<128x128xf32, #tpu.memory_space<vmem>>) target(%dma_start3A_154 : memref<128x128xf32, #tpu.memory_space<hbm>>) target_semaphore(%arg18 : memref<!tpu.dma_semaphore, #tpu.memory_space<semaphore_mem>>)
      %dma_wait3A_155 = arith.constant 0 : i32
      %dma_wait3A_156 = tpu.memref_slice %arg7[%add3A_103, %dma_wait3A_155] : memref<80x128xi32, #tpu.memory_space<vmem>> -> memref<1x128xi32, #tpu.memory_space<vmem>>
      %dma_wait3A_157 = tpu.memref_squeeze %dma_wait3A_156 : memref<1x128xi32, #tpu.memory_space<vmem>> -> memref<128xi32, #tpu.memory_space<vmem>>
      %dma_wait3A_158 = arith.constant 0 : i32
      %dma_wait3A_159 = arith.constant 0 : i32
      %dma_wait3A_160 = tpu.memref_slice %arg2[%dma_wait3A_158, %dma_wait3A_159] : memref<10240x128xf32, #tpu.memory_space<hbm>> -> memref<10240x128xf32, #tpu.memory_space<hbm>>
      tpu.wait_indirect_dma semaphore(%arg15 : memref<!tpu.dma_semaphore, #tpu.memory_space<semaphore_mem>>) src(%dma_wait3A_160 : memref<10240x128xf32, #tpu.memory_space<hbm>>) dst(%arg11 : memref<128x128xf32, #tpu.memory_space<vmem>>)
      %add3A_161 = arith.addi %mul3A_2, %mul3A_61 : i32
      %add3A_162 = arith.constant 3 : i32
      %add3A_163 = arith.addi %add3A_161, %add3A_162 : i32
      %mul3A_164 = arith.constant 128 : i32
      %mul3A_165 = arith.muli %add3A_163, %mul3A_164 : i32
      %dma_start3A_166 = arith.constant 0 : i32
      %dma_start3A_167 = tpu.memref_slice %arg5[%mul3A_165, %dma_start3A_166] : memref<327680x128xf32, #tpu.memory_space<hbm>> -> memref<128x128xf32, #tpu.memory_space<hbm>>
      %dma_start3A_168 = arith.constant 0 : i32
      %dma_start3A_169 = tpu.memref_slice %arg5[%mul3A_165, %dma_start3A_168] : memref<327680x128xf32, #tpu.memory_space<hbm>> -> memref<128x128xf32, #tpu.memory_space<hbm>>
      tpu.enqueue_dma source(%arg11 : memref<128x128xf32, #tpu.memory_space<vmem>>) target(%dma_start3A_169 : memref<128x128xf32, #tpu.memory_space<hbm>>) target_semaphore(%arg19 : memref<!tpu.dma_semaphore, #tpu.memory_space<semaphore_mem>>)
    }
    %scan3A_6 = arith.constant 20 : i32
    %mul3A_7 = arith.constant 128 : i32
    %mul3A_8 = arith.muli %mul3A_2, %mul3A_7 : i32
    %dma_wait3A = arith.constant 0 : i32
    %dma_wait3A_9 = tpu.memref_slice %arg5[%mul3A_8, %dma_wait3A] : memref<327680x128xf32, #tpu.memory_space<hbm>> -> memref<128x128xf32, #tpu.memory_space<hbm>>
    %dma_wait3A_10 = arith.constant 0 : i32
    %dma_wait3A_11 = tpu.memref_slice %arg5[%mul3A_8, %dma_wait3A_10] : memref<327680x128xf32, #tpu.memory_space<hbm>> -> memref<128x128xf32, #tpu.memory_space<hbm>>
    tpu.wait_dma2 semaphore(%arg16 : memref<!tpu.dma_semaphore, #tpu.memory_space<semaphore_mem>>) src(%arg8 : memref<128x128xf32, #tpu.memory_space<vmem>>) dst(%dma_wait3A_11 : memref<128x128xf32, #tpu.memory_space<hbm>>)
    %mul3A_12 = arith.constant 128 : i32
    %mul3A_13 = arith.muli %mul3A_2, %mul3A_12 : i32
    %dma_wait3A_14 = arith.constant 0 : i32
    %dma_wait3A_15 = tpu.memref_slice %arg5[%mul3A_13, %dma_wait3A_14] : memref<327680x128xf32, #tpu.memory_space<hbm>> -> memref<128x128xf32, #tpu.memory_space<hbm>>
    %dma_wait3A_16 = arith.constant 0 : i32
    %dma_wait3A_17 = tpu.memref_slice %arg5[%mul3A_13, %dma_wait3A_16] : memref<327680x128xf32, #tpu.memory_space<hbm>> -> memref<128x128xf32, #tpu.memory_space<hbm>>
    tpu.wait_dma2 semaphore(%arg17 : memref<!tpu.dma_semaphore, #tpu.memory_space<semaphore_mem>>) src(%arg9 : memref<128x128xf32, #tpu.memory_space<vmem>>) dst(%dma_wait3A_17 : memref<128x128xf32, #tpu.memory_space<hbm>>)
    %mul3A_18 = arith.constant 128 : i32
    %mul3A_19 = arith.muli %mul3A_2, %mul3A_18 : i32
    %dma_wait3A_20 = arith.constant 0 : i32
    %dma_wait3A_21 = tpu.memref_slice %arg5[%mul3A_19, %dma_wait3A_20] : memref<327680x128xf32, #tpu.memory_space<hbm>> -> memref<128x128xf32, #tpu.memory_space<hbm>>
    %dma_wait3A_22 = arith.constant 0 : i32
    %dma_wait3A_23 = tpu.memref_slice %arg5[%mul3A_19, %dma_wait3A_22] : memref<327680x128xf32, #tpu.memory_space<hbm>> -> memref<128x128xf32, #tpu.memory_space<hbm>>
    tpu.wait_dma2 semaphore(%arg18 : memref<!tpu.dma_semaphore, #tpu.memory_space<semaphore_mem>>) src(%arg10 : memref<128x128xf32, #tpu.memory_space<vmem>>) dst(%dma_wait3A_23 : memref<128x128xf32, #tpu.memory_space<hbm>>)
    %mul3A_24 = arith.constant 128 : i32
    %mul3A_25 = arith.muli %mul3A_2, %mul3A_24 : i32
    %dma_wait3A_26 = arith.constant 0 : i32
    %dma_wait3A_27 = tpu.memref_slice %arg5[%mul3A_25, %dma_wait3A_26] : memref<327680x128xf32, #tpu.memory_space<hbm>> -> memref<128x128xf32, #tpu.memory_space<hbm>>
    %dma_wait3A_28 = arith.constant 0 : i32
    %dma_wait3A_29 = tpu.memref_slice %arg5[%mul3A_25, %dma_wait3A_28] : memref<327680x128xf32, #tpu.memory_space<hbm>> -> memref<128x128xf32, #tpu.memory_space<hbm>>
    tpu.wait_dma2 semaphore(%arg19 : memref<!tpu.dma_semaphore, #tpu.memory_space<semaphore_mem>>) src(%arg11 : memref<128x128xf32, #tpu.memory_space<vmem>>) dst(%dma_wait3A_29 : memref<128x128xf32, #tpu.memory_space<hbm>>)
    "tpu.region"() ({
      %run_scoped3A = tpu.sem_alloc : memref<!tpu.dma_semaphore, #tpu.memory_space<semaphore_mem>>
      %dma_start3A = arith.constant 0 : i32
      %dma_start3A_59 = tpu.memref_slice %arg4[%mul3A_2, %dma_start3A] : memref<2560x128xi32, #tpu.memory_space<hbm>> -> memref<80x128xi32, #tpu.memory_space<hbm>>
      %dma_start3A_60 = arith.constant 0 : i32
      %dma_start3A_61 = tpu.memref_slice %arg4[%mul3A_2, %dma_start3A_60] : memref<2560x128xi32, #tpu.memory_space<hbm>> -> memref<80x128xi32, #tpu.memory_space<hbm>>
      tpu.enqueue_dma source(%dma_start3A_61 : memref<80x128xi32, #tpu.memory_space<hbm>>) target(%arg7 : memref<80x128xi32, #tpu.memory_space<vmem>>) target_semaphore(%run_scoped3A : memref<!tpu.dma_semaphore, #tpu.memory_space<semaphore_mem>>)
      %dma_wait3A_62 = arith.constant 0 : i32
      %dma_wait3A_63 = tpu.memref_slice %arg4[%mul3A_2, %dma_wait3A_62] : memref<2560x128xi32, #tpu.memory_space<hbm>> -> memref<80x128xi32, #tpu.memory_space<hbm>>
      %dma_wait3A_64 = arith.constant 0 : i32
      %dma_wait3A_65 = tpu.memref_slice %arg4[%mul3A_2, %dma_wait3A_64] : memref<2560x128xi32, #tpu.memory_space<hbm>> -> memref<80x128xi32, #tpu.memory_space<hbm>>
      tpu.wait_dma2 semaphore(%run_scoped3A : memref<!tpu.dma_semaphore, #tpu.memory_space<semaphore_mem>>) src(%dma_wait3A_65 : memref<80x128xi32, #tpu.memory_space<hbm>>) dst(%arg7 : memref<80x128xi32, #tpu.memory_space<vmem>>)
      tpu.yield
    }) : () -> ()
    %scan3A_30 = arith.constant 0 : i32
    %scan3A_31 = arith.constant 20 : i32
    %scan3A_32 = arith.addi %scan3A_30, %scan3A_31 : i32
    %scan3A_33 = arith.constant 1 : i32
    scf.for %scan3A_59 = %scan3A_30 to %scan3A_32 step %scan3A_33  : i32 {
      %mul3A_60 = arith.constant 4 : i32
      %mul3A_61 = arith.muli %scan3A_59, %mul3A_60 : i32
      %gt3A = arith.constant 0 : i32
      %gt3A_62 = arith.cmpi sgt, %mul3A_61, %gt3A : i32
      %convert_element_type3A = arith.extui %gt3A_62 : i1 to i32
      %cond3A = arith.constant 0 : i32
      %cond3A_63 = arith.cmpi ne, %convert_element_type3A, %cond3A : i32
      scf.if %cond3A_63 {
        %add3A_170 = arith.addi %mul3A_2, %mul3A_61 : i32
        %add3A_171 = arith.constant 0 : i32
        %add3A_172 = arith.addi %add3A_170, %add3A_171 : i32
        %mul3A_173 = arith.constant 128 : i32
        %mul3A_174 = arith.muli %add3A_172, %mul3A_173 : i32
        %dma_wait3A_175 = arith.constant 0 : i32
        %dma_wait3A_176 = tpu.memref_slice %arg6[%mul3A_174, %dma_wait3A_175] : memref<327680x128xf32, #tpu.memory_space<hbm>> -> memref<128x128xf32, #tpu.memory_space<hbm>>
        %dma_wait3A_177 = arith.constant 0 : i32
        %dma_wait3A_178 = tpu.memref_slice %arg6[%mul3A_174, %dma_wait3A_177] : memref<327680x128xf32, #tpu.memory_space<hbm>> -> memref<128x128xf32, #tpu.memory_space<hbm>>
        tpu.wait_dma2 semaphore(%arg16 : memref<!tpu.dma_semaphore, #tpu.memory_space<semaphore_mem>>) src(%arg8 : memref<128x128xf32, #tpu.memory_space<vmem>>) dst(%dma_wait3A_178 : memref<128x128xf32, #tpu.memory_space<hbm>>)
      } else {
      }
      %gt3A_64 = arith.constant 0 : i32
      %gt3A_65 = arith.cmpi sgt, %mul3A_61, %gt3A_64 : i32
      %convert_element_type3A_66 = arith.extui %gt3A_65 : i1 to i32
      %cond3A_67 = arith.constant 0 : i32
      %cond3A_68 = arith.cmpi ne, %convert_element_type3A_66, %cond3A_67 : i32
      scf.if %cond3A_68 {
        %add3A_170 = arith.addi %mul3A_2, %mul3A_61 : i32
        %add3A_171 = arith.constant 1 : i32
        %add3A_172 = arith.addi %add3A_170, %add3A_171 : i32
        %mul3A_173 = arith.constant 128 : i32
        %mul3A_174 = arith.muli %add3A_172, %mul3A_173 : i32
        %dma_wait3A_175 = arith.constant 0 : i32
        %dma_wait3A_176 = tpu.memref_slice %arg6[%mul3A_174, %dma_wait3A_175] : memref<327680x128xf32, #tpu.memory_space<hbm>> -> memref<128x128xf32, #tpu.memory_space<hbm>>
        %dma_wait3A_177 = arith.constant 0 : i32
        %dma_wait3A_178 = tpu.memref_slice %arg6[%mul3A_174, %dma_wait3A_177] : memref<327680x128xf32, #tpu.memory_space<hbm>> -> memref<128x128xf32, #tpu.memory_space<hbm>>
        tpu.wait_dma2 semaphore(%arg17 : memref<!tpu.dma_semaphore, #tpu.memory_space<semaphore_mem>>) src(%arg9 : memref<128x128xf32, #tpu.memory_space<vmem>>) dst(%dma_wait3A_178 : memref<128x128xf32, #tpu.memory_space<hbm>>)
      } else {
      }
      %gt3A_69 = arith.constant 0 : i32
      %gt3A_70 = arith.cmpi sgt, %mul3A_61, %gt3A_69 : i32
      %convert_element_type3A_71 = arith.extui %gt3A_70 : i1 to i32
      %cond3A_72 = arith.constant 0 : i32
      %cond3A_73 = arith.cmpi ne, %convert_element_type3A_71, %cond3A_72 : i32
      scf.if %cond3A_73 {
        %add3A_170 = arith.addi %mul3A_2, %mul3A_61 : i32
        %add3A_171 = arith.constant 2 : i32
        %add3A_172 = arith.addi %add3A_170, %add3A_171 : i32
        %mul3A_173 = arith.constant 128 : i32
        %mul3A_174 = arith.muli %add3A_172, %mul3A_173 : i32
        %dma_wait3A_175 = arith.constant 0 : i32
        %dma_wait3A_176 = tpu.memref_slice %arg6[%mul3A_174, %dma_wait3A_175] : memref<327680x128xf32, #tpu.memory_space<hbm>> -> memref<128x128xf32, #tpu.memory_space<hbm>>
        %dma_wait3A_177 = arith.constant 0 : i32
        %dma_wait3A_178 = tpu.memref_slice %arg6[%mul3A_174, %dma_wait3A_177] : memref<327680x128xf32, #tpu.memory_space<hbm>> -> memref<128x128xf32, #tpu.memory_space<hbm>>
        tpu.wait_dma2 semaphore(%arg18 : memref<!tpu.dma_semaphore, #tpu.memory_space<semaphore_mem>>) src(%arg10 : memref<128x128xf32, #tpu.memory_space<vmem>>) dst(%dma_wait3A_178 : memref<128x128xf32, #tpu.memory_space<hbm>>)
      } else {
      }
      %gt3A_74 = arith.constant 0 : i32
      %gt3A_75 = arith.cmpi sgt, %mul3A_61, %gt3A_74 : i32
      %convert_element_type3A_76 = arith.extui %gt3A_75 : i1 to i32
      %cond3A_77 = arith.constant 0 : i32
      %cond3A_78 = arith.cmpi ne, %convert_element_type3A_76, %cond3A_77 : i32
      scf.if %cond3A_78 {
        %add3A_170 = arith.addi %mul3A_2, %mul3A_61 : i32
        %add3A_171 = arith.constant 3 : i32
        %add3A_172 = arith.addi %add3A_170, %add3A_171 : i32
        %mul3A_173 = arith.constant 128 : i32
        %mul3A_174 = arith.muli %add3A_172, %mul3A_173 : i32
        %dma_wait3A_175 = arith.constant 0 : i32
        %dma_wait3A_176 = tpu.memref_slice %arg6[%mul3A_174, %dma_wait3A_175] : memref<327680x128xf32, #tpu.memory_space<hbm>> -> memref<128x128xf32, #tpu.memory_space<hbm>>
        %dma_wait3A_177 = arith.constant 0 : i32
        %dma_wait3A_178 = tpu.memref_slice %arg6[%mul3A_174, %dma_wait3A_177] : memref<327680x128xf32, #tpu.memory_space<hbm>> -> memref<128x128xf32, #tpu.memory_space<hbm>>
        tpu.wait_dma2 semaphore(%arg19 : memref<!tpu.dma_semaphore, #tpu.memory_space<semaphore_mem>>) src(%arg11 : memref<128x128xf32, #tpu.memory_space<vmem>>) dst(%dma_wait3A_178 : memref<128x128xf32, #tpu.memory_space<hbm>>)
      } else {
      }
      %add3A_79 = arith.constant 0 : i32
      %add3A_80 = arith.addi %mul3A_61, %add3A_79 : i32
      %dma_start3A = arith.constant 0 : i32
      %dma_start3A_81 = tpu.memref_slice %arg7[%add3A_80, %dma_start3A] : memref<80x128xi32, #tpu.memory_space<vmem>> -> memref<1x128xi32, #tpu.memory_space<vmem>>
      %dma_start3A_82 = tpu.memref_squeeze %dma_start3A_81 : memref<1x128xi32, #tpu.memory_space<vmem>> -> memref<128xi32, #tpu.memory_space<vmem>>
      %dma_start3A_83 = arith.constant 0 : i32
      %dma_start3A_84 = arith.constant 0 : i32
      %dma_start3A_85 = tpu.memref_slice %arg2[%dma_start3A_83, %dma_start3A_84] : memref<10240x128xf32, #tpu.memory_space<hbm>> -> memref<10240x128xf32, #tpu.memory_space<hbm>>
      tpu.enqueue_indirect_dma source(%dma_start3A_85 : memref<10240x128xf32, #tpu.memory_space<hbm>>) target(%arg8 : memref<128x128xf32, #tpu.memory_space<vmem>>) offsets(%dma_start3A_82 : memref<128xi32, #tpu.memory_space<vmem>>) semaphore(%arg12 : memref<!tpu.dma_semaphore, #tpu.memory_space<semaphore_mem>>)
      %add3A_86 = arith.constant 1 : i32
      %add3A_87 = arith.addi %mul3A_61, %add3A_86 : i32
      %dma_start3A_88 = arith.constant 0 : i32
      %dma_start3A_89 = tpu.memref_slice %arg7[%add3A_87, %dma_start3A_88] : memref<80x128xi32, #tpu.memory_space<vmem>> -> memref<1x128xi32, #tpu.memory_space<vmem>>
      %dma_start3A_90 = tpu.memref_squeeze %dma_start3A_89 : memref<1x128xi32, #tpu.memory_space<vmem>> -> memref<128xi32, #tpu.memory_space<vmem>>
      %dma_start3A_91 = arith.constant 0 : i32
      %dma_start3A_92 = arith.constant 0 : i32
      %dma_start3A_93 = tpu.memref_slice %arg2[%dma_start3A_91, %dma_start3A_92] : memref<10240x128xf32, #tpu.memory_space<hbm>> -> memref<10240x128xf32, #tpu.memory_space<hbm>>
      tpu.enqueue_indirect_dma source(%dma_start3A_93 : memref<10240x128xf32, #tpu.memory_space<hbm>>) target(%arg9 : memref<128x128xf32, #tpu.memory_space<vmem>>) offsets(%dma_start3A_90 : memref<128xi32, #tpu.memory_space<vmem>>) semaphore(%arg13 : memref<!tpu.dma_semaphore, #tpu.memory_space<semaphore_mem>>)
      %add3A_94 = arith.constant 2 : i32
      %add3A_95 = arith.addi %mul3A_61, %add3A_94 : i32
      %dma_start3A_96 = arith.constant 0 : i32
      %dma_start3A_97 = tpu.memref_slice %arg7[%add3A_95, %dma_start3A_96] : memref<80x128xi32, #tpu.memory_space<vmem>> -> memref<1x128xi32, #tpu.memory_space<vmem>>
      %dma_start3A_98 = tpu.memref_squeeze %dma_start3A_97 : memref<1x128xi32, #tpu.memory_space<vmem>> -> memref<128xi32, #tpu.memory_space<vmem>>
      %dma_start3A_99 = arith.constant 0 : i32
      %dma_start3A_100 = arith.constant 0 : i32
      %dma_start3A_101 = tpu.memref_slice %arg2[%dma_start3A_99, %dma_start3A_100] : memref<10240x128xf32, #tpu.memory_space<hbm>> -> memref<10240x128xf32, #tpu.memory_space<hbm>>
      tpu.enqueue_indirect_dma source(%dma_start3A_101 : memref<10240x128xf32, #tpu.memory_space<hbm>>) target(%arg10 : memref<128x128xf32, #tpu.memory_space<vmem>>) offsets(%dma_start3A_98 : memref<128xi32, #tpu.memory_space<vmem>>) semaphore(%arg14 : memref<!tpu.dma_semaphore, #tpu.memory_space<semaphore_mem>>)
      %add3A_102 = arith.constant 3 : i32
      %add3A_103 = arith.addi %mul3A_61, %add3A_102 : i32
      %dma_start3A_104 = arith.constant 0 : i32
      %dma_start3A_105 = tpu.memref_slice %arg7[%add3A_103, %dma_start3A_104] : memref<80x128xi32, #tpu.memory_space<vmem>> -> memref<1x128xi32, #tpu.memory_space<vmem>>
      %dma_start3A_106 = tpu.memref_squeeze %dma_start3A_105 : memref<1x128xi32, #tpu.memory_space<vmem>> -> memref<128xi32, #tpu.memory_space<vmem>>
      %dma_start3A_107 = arith.constant 0 : i32
      %dma_start3A_108 = arith.constant 0 : i32
      %dma_start3A_109 = tpu.memref_slice %arg2[%dma_start3A_107, %dma_start3A_108] : memref<10240x128xf32, #tpu.memory_space<hbm>> -> memref<10240x128xf32, #tpu.memory_space<hbm>>
      tpu.enqueue_indirect_dma source(%dma_start3A_109 : memref<10240x128xf32, #tpu.memory_space<hbm>>) target(%arg11 : memref<128x128xf32, #tpu.memory_space<vmem>>) offsets(%dma_start3A_106 : memref<128xi32, #tpu.memory_space<vmem>>) semaphore(%arg15 : memref<!tpu.dma_semaphore, #tpu.memory_space<semaphore_mem>>)
      %dma_wait3A_110 = arith.constant 0 : i32
      %dma_wait3A_111 = tpu.memref_slice %arg7[%add3A_80, %dma_wait3A_110] : memref<80x128xi32, #tpu.memory_space<vmem>> -> memref<1x128xi32, #tpu.memory_space<vmem>>
      %dma_wait3A_112 = tpu.memref_squeeze %dma_wait3A_111 : memref<1x128xi32, #tpu.memory_space<vmem>> -> memref<128xi32, #tpu.memory_space<vmem>>
      %dma_wait3A_113 = arith.constant 0 : i32
      %dma_wait3A_114 = arith.constant 0 : i32
      %dma_wait3A_115 = tpu.memref_slice %arg2[%dma_wait3A_113, %dma_wait3A_114] : memref<10240x128xf32, #tpu.memory_space<hbm>> -> memref<10240x128xf32, #tpu.memory_space<hbm>>
      tpu.wait_indirect_dma semaphore(%arg12 : memref<!tpu.dma_semaphore, #tpu.memory_space<semaphore_mem>>) src(%dma_wait3A_115 : memref<10240x128xf32, #tpu.memory_space<hbm>>) dst(%arg8 : memref<128x128xf32, #tpu.memory_space<vmem>>)
      %add3A_116 = arith.addi %mul3A_2, %mul3A_61 : i32
      %add3A_117 = arith.constant 0 : i32
      %add3A_118 = arith.addi %add3A_116, %add3A_117 : i32
      %mul3A_119 = arith.constant 128 : i32
      %mul3A_120 = arith.muli %add3A_118, %mul3A_119 : i32
      %dma_start3A_121 = arith.constant 0 : i32
      %dma_start3A_122 = tpu.memref_slice %arg6[%mul3A_120, %dma_start3A_121] : memref<327680x128xf32, #tpu.memory_space<hbm>> -> memref<128x128xf32, #tpu.memory_space<hbm>>
      %dma_start3A_123 = arith.constant 0 : i32
      %dma_start3A_124 = tpu.memref_slice %arg6[%mul3A_120, %dma_start3A_123] : memref<327680x128xf32, #tpu.memory_space<hbm>> -> memref<128x128xf32, #tpu.memory_space<hbm>>
      tpu.enqueue_dma source(%arg8 : memref<128x128xf32, #tpu.memory_space<vmem>>) target(%dma_start3A_124 : memref<128x128xf32, #tpu.memory_space<hbm>>) target_semaphore(%arg16 : memref<!tpu.dma_semaphore, #tpu.memory_space<semaphore_mem>>)
      %dma_wait3A_125 = arith.constant 0 : i32
      %dma_wait3A_126 = tpu.memref_slice %arg7[%add3A_87, %dma_wait3A_125] : memref<80x128xi32, #tpu.memory_space<vmem>> -> memref<1x128xi32, #tpu.memory_space<vmem>>
      %dma_wait3A_127 = tpu.memref_squeeze %dma_wait3A_126 : memref<1x128xi32, #tpu.memory_space<vmem>> -> memref<128xi32, #tpu.memory_space<vmem>>
      %dma_wait3A_128 = arith.constant 0 : i32
      %dma_wait3A_129 = arith.constant 0 : i32
      %dma_wait3A_130 = tpu.memref_slice %arg2[%dma_wait3A_128, %dma_wait3A_129] : memref<10240x128xf32, #tpu.memory_space<hbm>> -> memref<10240x128xf32, #tpu.memory_space<hbm>>
      tpu.wait_indirect_dma semaphore(%arg13 : memref<!tpu.dma_semaphore, #tpu.memory_space<semaphore_mem>>) src(%dma_wait3A_130 : memref<10240x128xf32, #tpu.memory_space<hbm>>) dst(%arg9 : memref<128x128xf32, #tpu.memory_space<vmem>>)
      %add3A_131 = arith.addi %mul3A_2, %mul3A_61 : i32
      %add3A_132 = arith.constant 1 : i32
      %add3A_133 = arith.addi %add3A_131, %add3A_132 : i32
      %mul3A_134 = arith.constant 128 : i32
      %mul3A_135 = arith.muli %add3A_133, %mul3A_134 : i32
      %dma_start3A_136 = arith.constant 0 : i32
      %dma_start3A_137 = tpu.memref_slice %arg6[%mul3A_135, %dma_start3A_136] : memref<327680x128xf32, #tpu.memory_space<hbm>> -> memref<128x128xf32, #tpu.memory_space<hbm>>
      %dma_start3A_138 = arith.constant 0 : i32
      %dma_start3A_139 = tpu.memref_slice %arg6[%mul3A_135, %dma_start3A_138] : memref<327680x128xf32, #tpu.memory_space<hbm>> -> memref<128x128xf32, #tpu.memory_space<hbm>>
      tpu.enqueue_dma source(%arg9 : memref<128x128xf32, #tpu.memory_space<vmem>>) target(%dma_start3A_139 : memref<128x128xf32, #tpu.memory_space<hbm>>) target_semaphore(%arg17 : memref<!tpu.dma_semaphore, #tpu.memory_space<semaphore_mem>>)
      %dma_wait3A_140 = arith.constant 0 : i32
      %dma_wait3A_141 = tpu.memref_slice %arg7[%add3A_95, %dma_wait3A_140] : memref<80x128xi32, #tpu.memory_space<vmem>> -> memref<1x128xi32, #tpu.memory_space<vmem>>
      %dma_wait3A_142 = tpu.memref_squeeze %dma_wait3A_141 : memref<1x128xi32, #tpu.memory_space<vmem>> -> memref<128xi32, #tpu.memory_space<vmem>>
      %dma_wait3A_143 = arith.constant 0 : i32
      %dma_wait3A_144 = arith.constant 0 : i32
      %dma_wait3A_145 = tpu.memref_slice %arg2[%dma_wait3A_143, %dma_wait3A_144] : memref<10240x128xf32, #tpu.memory_space<hbm>> -> memref<10240x128xf32, #tpu.memory_space<hbm>>
      tpu.wait_indirect_dma semaphore(%arg14 : memref<!tpu.dma_semaphore, #tpu.memory_space<semaphore_mem>>) src(%dma_wait3A_145 : memref<10240x128xf32, #tpu.memory_space<hbm>>) dst(%arg10 : memref<128x128xf32, #tpu.memory_space<vmem>>)
      %add3A_146 = arith.addi %mul3A_2, %mul3A_61 : i32
      %add3A_147 = arith.constant 2 : i32
      %add3A_148 = arith.addi %add3A_146, %add3A_147 : i32
      %mul3A_149 = arith.constant 128 : i32
      %mul3A_150 = arith.muli %add3A_148, %mul3A_149 : i32
      %dma_start3A_151 = arith.constant 0 : i32
      %dma_start3A_152 = tpu.memref_slice %arg6[%mul3A_150, %dma_start3A_151] : memref<327680x128xf32, #tpu.memory_space<hbm>> -> memref<128x128xf32, #tpu.memory_space<hbm>>
      %dma_start3A_153 = arith.constant 0 : i32
      %dma_start3A_154 = tpu.memref_slice %arg6[%mul3A_150, %dma_start3A_153] : memref<327680x128xf32, #tpu.memory_space<hbm>> -> memref<128x128xf32, #tpu.memory_space<hbm>>
      tpu.enqueue_dma source(%arg10 : memref<128x128xf32, #tpu.memory_space<vmem>>) target(%dma_start3A_154 : memref<128x128xf32, #tpu.memory_space<hbm>>) target_semaphore(%arg18 : memref<!tpu.dma_semaphore, #tpu.memory_space<semaphore_mem>>)
      %dma_wait3A_155 = arith.constant 0 : i32
      %dma_wait3A_156 = tpu.memref_slice %arg7[%add3A_103, %dma_wait3A_155] : memref<80x128xi32, #tpu.memory_space<vmem>> -> memref<1x128xi32, #tpu.memory_space<vmem>>
      %dma_wait3A_157 = tpu.memref_squeeze %dma_wait3A_156 : memref<1x128xi32, #tpu.memory_space<vmem>> -> memref<128xi32, #tpu.memory_space<vmem>>
      %dma_wait3A_158 = arith.constant 0 : i32
      %dma_wait3A_159 = arith.constant 0 : i32
      %dma_wait3A_160 = tpu.memref_slice %arg2[%dma_wait3A_158, %dma_wait3A_159] : memref<10240x128xf32, #tpu.memory_space<hbm>> -> memref<10240x128xf32, #tpu.memory_space<hbm>>
      tpu.wait_indirect_dma semaphore(%arg15 : memref<!tpu.dma_semaphore, #tpu.memory_space<semaphore_mem>>) src(%dma_wait3A_160 : memref<10240x128xf32, #tpu.memory_space<hbm>>) dst(%arg11 : memref<128x128xf32, #tpu.memory_space<vmem>>)
      %add3A_161 = arith.addi %mul3A_2, %mul3A_61 : i32
      %add3A_162 = arith.constant 3 : i32
      %add3A_163 = arith.addi %add3A_161, %add3A_162 : i32
      %mul3A_164 = arith.constant 128 : i32
      %mul3A_165 = arith.muli %add3A_163, %mul3A_164 : i32
      %dma_start3A_166 = arith.constant 0 : i32
      %dma_start3A_167 = tpu.memref_slice %arg6[%mul3A_165, %dma_start3A_166] : memref<327680x128xf32, #tpu.memory_space<hbm>> -> memref<128x128xf32, #tpu.memory_space<hbm>>
      %dma_start3A_168 = arith.constant 0 : i32
      %dma_start3A_169 = tpu.memref_slice %arg6[%mul3A_165, %dma_start3A_168] : memref<327680x128xf32, #tpu.memory_space<hbm>> -> memref<128x128xf32, #tpu.memory_space<hbm>>
      tpu.enqueue_dma source(%arg11 : memref<128x128xf32, #tpu.memory_space<vmem>>) target(%dma_start3A_169 : memref<128x128xf32, #tpu.memory_space<hbm>>) target_semaphore(%arg19 : memref<!tpu.dma_semaphore, #tpu.memory_space<semaphore_mem>>)
    }
    %scan3A_34 = arith.constant 20 : i32
    %mul3A_35 = arith.constant 128 : i32
    %mul3A_36 = arith.muli %mul3A_2, %mul3A_35 : i32
    %dma_wait3A_37 = arith.constant 0 : i32
    %dma_wait3A_38 = tpu.memref_slice %arg6[%mul3A_36, %dma_wait3A_37] : memref<327680x128xf32, #tpu.memory_space<hbm>> -> memref<128x128xf32, #tpu.memory_space<hbm>>
    %dma_wait3A_39 = arith.constant 0 : i32
    %dma_wait3A_40 = tpu.memref_slice %arg6[%mul3A_36, %dma_wait3A_39] : memref<327680x128xf32, #tpu.memory_space<hbm>> -> memref<128x128xf32, #tpu.memory_space<hbm>>
    tpu.wait_dma2 semaphore(%arg16 : memref<!tpu.dma_semaphore, #tpu.memory_space<semaphore_mem>>) src(%arg8 : memref<128x128xf32, #tpu.memory_space<vmem>>) dst(%dma_wait3A_40 : memref<128x128xf32, #tpu.memory_space<hbm>>)
    %mul3A_41 = arith.constant 128 : i32
    %mul3A_42 = arith.muli %mul3A_2, %mul3A_41 : i32
    %dma_wait3A_43 = arith.constant 0 : i32
    %dma_wait3A_44 = tpu.memref_slice %arg6[%mul3A_42, %dma_wait3A_43] : memref<327680x128xf32, #tpu.memory_space<hbm>> -> memref<128x128xf32, #tpu.memory_space<hbm>>
    %dma_wait3A_45 = arith.constant 0 : i32
    %dma_wait3A_46 = tpu.memref_slice %arg6[%mul3A_42, %dma_wait3A_45] : memref<327680x128xf32, #tpu.memory_space<hbm>> -> memref<128x128xf32, #tpu.memory_space<hbm>>
    tpu.wait_dma2 semaphore(%arg17 : memref<!tpu.dma_semaphore, #tpu.memory_space<semaphore_mem>>) src(%arg9 : memref<128x128xf32, #tpu.memory_space<vmem>>) dst(%dma_wait3A_46 : memref<128x128xf32, #tpu.memory_space<hbm>>)
    %mul3A_47 = arith.constant 128 : i32
    %mul3A_48 = arith.muli %mul3A_2, %mul3A_47 : i32
    %dma_wait3A_49 = arith.constant 0 : i32
    %dma_wait3A_50 = tpu.memref_slice %arg6[%mul3A_48, %dma_wait3A_49] : memref<327680x128xf32, #tpu.memory_space<hbm>> -> memref<128x128xf32, #tpu.memory_space<hbm>>
    %dma_wait3A_51 = arith.constant 0 : i32
    %dma_wait3A_52 = tpu.memref_slice %arg6[%mul3A_48, %dma_wait3A_51] : memref<327680x128xf32, #tpu.memory_space<hbm>> -> memref<128x128xf32, #tpu.memory_space<hbm>>
    tpu.wait_dma2 semaphore(%arg18 : memref<!tpu.dma_semaphore, #tpu.memory_space<semaphore_mem>>) src(%arg10 : memref<128x128xf32, #tpu.memory_space<vmem>>) dst(%dma_wait3A_52 : memref<128x128xf32, #tpu.memory_space<hbm>>)
    %mul3A_53 = arith.constant 128 : i32
    %mul3A_54 = arith.muli %mul3A_2, %mul3A_53 : i32
    %dma_wait3A_55 = arith.constant 0 : i32
    %dma_wait3A_56 = tpu.memref_slice %arg6[%mul3A_54, %dma_wait3A_55] : memref<327680x128xf32, #tpu.memory_space<hbm>> -> memref<128x128xf32, #tpu.memory_space<hbm>>
    %dma_wait3A_57 = arith.constant 0 : i32
    %dma_wait3A_58 = tpu.memref_slice %arg6[%mul3A_54, %dma_wait3A_57] : memref<327680x128xf32, #tpu.memory_space<hbm>> -> memref<128x128xf32, #tpu.memory_space<hbm>>
    tpu.wait_dma2 semaphore(%arg19 : memref<!tpu.dma_semaphore, #tpu.memory_space<semaphore_mem>>) src(%arg11 : memref<128x128xf32, #tpu.memory_space<vmem>>) dst(%dma_wait3A_58 : memref<128x128xf32, #tpu.memory_space<hbm>>)
    return
  }
}

#map = affine_map<(d0, d1) -> (0, 0)>
module attributes {stable_mosaic.version = 14 : i64} {
  func.func @k(%arg0: i32, %arg1: i32, %arg2: memref<10240x256xi32, #tpu.memory_space<hbm>>, %arg3: memref<5120x64xi32, #tpu.memory_space<hbm>>, %arg4: memref<327680x256xi32, #tpu.memory_space<hbm>>, %arg5: memref<160x64xi32, #tpu.memory_space<vmem>>, %arg6: memref<64x256xi32, #tpu.memory_space<vmem>>, %arg7: memref<64x256xi32, #tpu.memory_space<vmem>>, %arg8: memref<64x256xi32, #tpu.memory_space<vmem>>, %arg9: memref<64x256xi32, #tpu.memory_space<vmem>>, %arg10: memref<!tpu.dma_semaphore, #tpu.memory_space<semaphore_mem>>, %arg11: memref<!tpu.dma_semaphore, #tpu.memory_space<semaphore_mem>>, %arg12: memref<!tpu.dma_semaphore, #tpu.memory_space<semaphore_mem>>, %arg13: memref<!tpu.dma_semaphore, #tpu.memory_space<semaphore_mem>>, %arg14: memref<!tpu.dma_semaphore, #tpu.memory_space<semaphore_mem>>, %arg15: memref<!tpu.dma_semaphore, #tpu.memory_space<semaphore_mem>>, %arg16: memref<!tpu.dma_semaphore, #tpu.memory_space<semaphore_mem>>, %arg17: memref<!tpu.dma_semaphore, #tpu.memory_space<semaphore_mem>>) attributes {dimension_semantics = [#tpu.dimension_semantics<core_parallel>, #tpu.dimension_semantics<subcore_parallel>], iteration_bounds = array<i64: 2, 16>, scalar_prefetch = 0 : i64, scratch_operands = 13 : i64, tpu.core_type = #tpu.core_type<sc_vector_subcore>, window_params = [{transform_indices = #map}, {transform_indices = #map}, {transform_indices = #map}]} {
    %mul3A = arith.constant 16 : i32
    %mul3A_0 = arith.muli %arg0, %mul3A : i32
    %add3A = arith.addi %mul3A_0, %arg1 : i32
    %mul3A_1 = arith.constant 160 : i32
    %mul3A_2 = arith.muli %add3A, %mul3A_1 : i32
    "tpu.region"() ({
      %run_scoped3A = tpu.sem_alloc : memref<!tpu.dma_semaphore, #tpu.memory_space<semaphore_mem>>
      %dma_start3A = arith.constant 0 : i32
      %dma_start3A_30 = tpu.memref_slice %arg3[%mul3A_2, %dma_start3A] : memref<5120x64xi32, #tpu.memory_space<hbm>> -> memref<160x64xi32, #tpu.memory_space<hbm>>
      %dma_start3A_31 = arith.constant 0 : i32
      %dma_start3A_32 = tpu.memref_slice %arg3[%mul3A_2, %dma_start3A_31] : memref<5120x64xi32, #tpu.memory_space<hbm>> -> memref<160x64xi32, #tpu.memory_space<hbm>>
      tpu.enqueue_dma source(%dma_start3A_32 : memref<160x64xi32, #tpu.memory_space<hbm>>) target(%arg5 : memref<160x64xi32, #tpu.memory_space<vmem>>) target_semaphore(%run_scoped3A : memref<!tpu.dma_semaphore, #tpu.memory_space<semaphore_mem>>)
      %dma_wait3A_33 = arith.constant 0 : i32
      %dma_wait3A_34 = tpu.memref_slice %arg3[%mul3A_2, %dma_wait3A_33] : memref<5120x64xi32, #tpu.memory_space<hbm>> -> memref<160x64xi32, #tpu.memory_space<hbm>>
      %dma_wait3A_35 = arith.constant 0 : i32
      %dma_wait3A_36 = tpu.memref_slice %arg3[%mul3A_2, %dma_wait3A_35] : memref<5120x64xi32, #tpu.memory_space<hbm>> -> memref<160x64xi32, #tpu.memory_space<hbm>>
      tpu.wait_dma2 semaphore(%run_scoped3A : memref<!tpu.dma_semaphore, #tpu.memory_space<semaphore_mem>>) src(%dma_wait3A_36 : memref<160x64xi32, #tpu.memory_space<hbm>>) dst(%arg5 : memref<160x64xi32, #tpu.memory_space<vmem>>)
      tpu.yield
    }) : () -> ()
    %scan3A = arith.constant 0 : i32
    %scan3A_3 = arith.constant 40 : i32
    %scan3A_4 = arith.addi %scan3A, %scan3A_3 : i32
    %scan3A_5 = arith.constant 1 : i32
    scf.for %scan3A_30 = %scan3A to %scan3A_4 step %scan3A_5  : i32 {
      %mul3A_31 = arith.constant 4 : i32
      %mul3A_32 = arith.muli %scan3A_30, %mul3A_31 : i32
      %gt3A = arith.constant 0 : i32
      %gt3A_33 = arith.cmpi sgt, %mul3A_32, %gt3A : i32
      %convert_element_type3A = arith.extui %gt3A_33 : i1 to i32
      %cond3A = arith.constant 0 : i32
      %cond3A_34 = arith.cmpi ne, %convert_element_type3A, %cond3A : i32
      scf.if %cond3A_34 {
        %add3A_141 = arith.addi %mul3A_2, %mul3A_32 : i32
        %add3A_142 = arith.constant 0 : i32
        %add3A_143 = arith.addi %add3A_141, %add3A_142 : i32
        %mul3A_144 = arith.constant 64 : i32
        %mul3A_145 = arith.muli %add3A_143, %mul3A_144 : i32
        %dma_wait3A_146 = arith.constant 0 : i32
        %dma_wait3A_147 = tpu.memref_slice %arg4[%mul3A_145, %dma_wait3A_146] : memref<327680x256xi32, #tpu.memory_space<hbm>> -> memref<64x256xi32, #tpu.memory_space<hbm>>
        %dma_wait3A_148 = arith.constant 0 : i32
        %dma_wait3A_149 = tpu.memref_slice %arg4[%mul3A_145, %dma_wait3A_148] : memref<327680x256xi32, #tpu.memory_space<hbm>> -> memref<64x256xi32, #tpu.memory_space<hbm>>
        tpu.wait_dma2 semaphore(%arg14 : memref<!tpu.dma_semaphore, #tpu.memory_space<semaphore_mem>>) src(%arg6 : memref<64x256xi32, #tpu.memory_space<vmem>>) dst(%dma_wait3A_149 : memref<64x256xi32, #tpu.memory_space<hbm>>)
      } else {
      }
      %gt3A_35 = arith.constant 0 : i32
      %gt3A_36 = arith.cmpi sgt, %mul3A_32, %gt3A_35 : i32
      %convert_element_type3A_37 = arith.extui %gt3A_36 : i1 to i32
      %cond3A_38 = arith.constant 0 : i32
      %cond3A_39 = arith.cmpi ne, %convert_element_type3A_37, %cond3A_38 : i32
      scf.if %cond3A_39 {
        %add3A_141 = arith.addi %mul3A_2, %mul3A_32 : i32
        %add3A_142 = arith.constant 1 : i32
        %add3A_143 = arith.addi %add3A_141, %add3A_142 : i32
        %mul3A_144 = arith.constant 64 : i32
        %mul3A_145 = arith.muli %add3A_143, %mul3A_144 : i32
        %dma_wait3A_146 = arith.constant 0 : i32
        %dma_wait3A_147 = tpu.memref_slice %arg4[%mul3A_145, %dma_wait3A_146] : memref<327680x256xi32, #tpu.memory_space<hbm>> -> memref<64x256xi32, #tpu.memory_space<hbm>>
        %dma_wait3A_148 = arith.constant 0 : i32
        %dma_wait3A_149 = tpu.memref_slice %arg4[%mul3A_145, %dma_wait3A_148] : memref<327680x256xi32, #tpu.memory_space<hbm>> -> memref<64x256xi32, #tpu.memory_space<hbm>>
        tpu.wait_dma2 semaphore(%arg15 : memref<!tpu.dma_semaphore, #tpu.memory_space<semaphore_mem>>) src(%arg7 : memref<64x256xi32, #tpu.memory_space<vmem>>) dst(%dma_wait3A_149 : memref<64x256xi32, #tpu.memory_space<hbm>>)
      } else {
      }
      %gt3A_40 = arith.constant 0 : i32
      %gt3A_41 = arith.cmpi sgt, %mul3A_32, %gt3A_40 : i32
      %convert_element_type3A_42 = arith.extui %gt3A_41 : i1 to i32
      %cond3A_43 = arith.constant 0 : i32
      %cond3A_44 = arith.cmpi ne, %convert_element_type3A_42, %cond3A_43 : i32
      scf.if %cond3A_44 {
        %add3A_141 = arith.addi %mul3A_2, %mul3A_32 : i32
        %add3A_142 = arith.constant 2 : i32
        %add3A_143 = arith.addi %add3A_141, %add3A_142 : i32
        %mul3A_144 = arith.constant 64 : i32
        %mul3A_145 = arith.muli %add3A_143, %mul3A_144 : i32
        %dma_wait3A_146 = arith.constant 0 : i32
        %dma_wait3A_147 = tpu.memref_slice %arg4[%mul3A_145, %dma_wait3A_146] : memref<327680x256xi32, #tpu.memory_space<hbm>> -> memref<64x256xi32, #tpu.memory_space<hbm>>
        %dma_wait3A_148 = arith.constant 0 : i32
        %dma_wait3A_149 = tpu.memref_slice %arg4[%mul3A_145, %dma_wait3A_148] : memref<327680x256xi32, #tpu.memory_space<hbm>> -> memref<64x256xi32, #tpu.memory_space<hbm>>
        tpu.wait_dma2 semaphore(%arg16 : memref<!tpu.dma_semaphore, #tpu.memory_space<semaphore_mem>>) src(%arg8 : memref<64x256xi32, #tpu.memory_space<vmem>>) dst(%dma_wait3A_149 : memref<64x256xi32, #tpu.memory_space<hbm>>)
      } else {
      }
      %gt3A_45 = arith.constant 0 : i32
      %gt3A_46 = arith.cmpi sgt, %mul3A_32, %gt3A_45 : i32
      %convert_element_type3A_47 = arith.extui %gt3A_46 : i1 to i32
      %cond3A_48 = arith.constant 0 : i32
      %cond3A_49 = arith.cmpi ne, %convert_element_type3A_47, %cond3A_48 : i32
      scf.if %cond3A_49 {
        %add3A_141 = arith.addi %mul3A_2, %mul3A_32 : i32
        %add3A_142 = arith.constant 3 : i32
        %add3A_143 = arith.addi %add3A_141, %add3A_142 : i32
        %mul3A_144 = arith.constant 64 : i32
        %mul3A_145 = arith.muli %add3A_143, %mul3A_144 : i32
        %dma_wait3A_146 = arith.constant 0 : i32
        %dma_wait3A_147 = tpu.memref_slice %arg4[%mul3A_145, %dma_wait3A_146] : memref<327680x256xi32, #tpu.memory_space<hbm>> -> memref<64x256xi32, #tpu.memory_space<hbm>>
        %dma_wait3A_148 = arith.constant 0 : i32
        %dma_wait3A_149 = tpu.memref_slice %arg4[%mul3A_145, %dma_wait3A_148] : memref<327680x256xi32, #tpu.memory_space<hbm>> -> memref<64x256xi32, #tpu.memory_space<hbm>>
        tpu.wait_dma2 semaphore(%arg17 : memref<!tpu.dma_semaphore, #tpu.memory_space<semaphore_mem>>) src(%arg9 : memref<64x256xi32, #tpu.memory_space<vmem>>) dst(%dma_wait3A_149 : memref<64x256xi32, #tpu.memory_space<hbm>>)
      } else {
      }
      %add3A_50 = arith.constant 0 : i32
      %add3A_51 = arith.addi %mul3A_32, %add3A_50 : i32
      %dma_start3A = arith.constant 0 : i32
      %dma_start3A_52 = tpu.memref_slice %arg5[%add3A_51, %dma_start3A] : memref<160x64xi32, #tpu.memory_space<vmem>> -> memref<1x64xi32, #tpu.memory_space<vmem>>
      %dma_start3A_53 = tpu.memref_squeeze %dma_start3A_52 : memref<1x64xi32, #tpu.memory_space<vmem>> -> memref<64xi32, #tpu.memory_space<vmem>>
      %dma_start3A_54 = arith.constant 0 : i32
      %dma_start3A_55 = arith.constant 0 : i32
      %dma_start3A_56 = tpu.memref_slice %arg2[%dma_start3A_54, %dma_start3A_55] : memref<10240x256xi32, #tpu.memory_space<hbm>> -> memref<10240x256xi32, #tpu.memory_space<hbm>>
      tpu.enqueue_indirect_dma source(%dma_start3A_56 : memref<10240x256xi32, #tpu.memory_space<hbm>>) target(%arg6 : memref<64x256xi32, #tpu.memory_space<vmem>>) offsets(%dma_start3A_53 : memref<64xi32, #tpu.memory_space<vmem>>) semaphore(%arg10 : memref<!tpu.dma_semaphore, #tpu.memory_space<semaphore_mem>>)
      %add3A_57 = arith.constant 1 : i32
      %add3A_58 = arith.addi %mul3A_32, %add3A_57 : i32
      %dma_start3A_59 = arith.constant 0 : i32
      %dma_start3A_60 = tpu.memref_slice %arg5[%add3A_58, %dma_start3A_59] : memref<160x64xi32, #tpu.memory_space<vmem>> -> memref<1x64xi32, #tpu.memory_space<vmem>>
      %dma_start3A_61 = tpu.memref_squeeze %dma_start3A_60 : memref<1x64xi32, #tpu.memory_space<vmem>> -> memref<64xi32, #tpu.memory_space<vmem>>
      %dma_start3A_62 = arith.constant 0 : i32
      %dma_start3A_63 = arith.constant 0 : i32
      %dma_start3A_64 = tpu.memref_slice %arg2[%dma_start3A_62, %dma_start3A_63] : memref<10240x256xi32, #tpu.memory_space<hbm>> -> memref<10240x256xi32, #tpu.memory_space<hbm>>
      tpu.enqueue_indirect_dma source(%dma_start3A_64 : memref<10240x256xi32, #tpu.memory_space<hbm>>) target(%arg7 : memref<64x256xi32, #tpu.memory_space<vmem>>) offsets(%dma_start3A_61 : memref<64xi32, #tpu.memory_space<vmem>>) semaphore(%arg11 : memref<!tpu.dma_semaphore, #tpu.memory_space<semaphore_mem>>)
      %add3A_65 = arith.constant 2 : i32
      %add3A_66 = arith.addi %mul3A_32, %add3A_65 : i32
      %dma_start3A_67 = arith.constant 0 : i32
      %dma_start3A_68 = tpu.memref_slice %arg5[%add3A_66, %dma_start3A_67] : memref<160x64xi32, #tpu.memory_space<vmem>> -> memref<1x64xi32, #tpu.memory_space<vmem>>
      %dma_start3A_69 = tpu.memref_squeeze %dma_start3A_68 : memref<1x64xi32, #tpu.memory_space<vmem>> -> memref<64xi32, #tpu.memory_space<vmem>>
      %dma_start3A_70 = arith.constant 0 : i32
      %dma_start3A_71 = arith.constant 0 : i32
      %dma_start3A_72 = tpu.memref_slice %arg2[%dma_start3A_70, %dma_start3A_71] : memref<10240x256xi32, #tpu.memory_space<hbm>> -> memref<10240x256xi32, #tpu.memory_space<hbm>>
      tpu.enqueue_indirect_dma source(%dma_start3A_72 : memref<10240x256xi32, #tpu.memory_space<hbm>>) target(%arg8 : memref<64x256xi32, #tpu.memory_space<vmem>>) offsets(%dma_start3A_69 : memref<64xi32, #tpu.memory_space<vmem>>) semaphore(%arg12 : memref<!tpu.dma_semaphore, #tpu.memory_space<semaphore_mem>>)
      %add3A_73 = arith.constant 3 : i32
      %add3A_74 = arith.addi %mul3A_32, %add3A_73 : i32
      %dma_start3A_75 = arith.constant 0 : i32
      %dma_start3A_76 = tpu.memref_slice %arg5[%add3A_74, %dma_start3A_75] : memref<160x64xi32, #tpu.memory_space<vmem>> -> memref<1x64xi32, #tpu.memory_space<vmem>>
      %dma_start3A_77 = tpu.memref_squeeze %dma_start3A_76 : memref<1x64xi32, #tpu.memory_space<vmem>> -> memref<64xi32, #tpu.memory_space<vmem>>
      %dma_start3A_78 = arith.constant 0 : i32
      %dma_start3A_79 = arith.constant 0 : i32
      %dma_start3A_80 = tpu.memref_slice %arg2[%dma_start3A_78, %dma_start3A_79] : memref<10240x256xi32, #tpu.memory_space<hbm>> -> memref<10240x256xi32, #tpu.memory_space<hbm>>
      tpu.enqueue_indirect_dma source(%dma_start3A_80 : memref<10240x256xi32, #tpu.memory_space<hbm>>) target(%arg9 : memref<64x256xi32, #tpu.memory_space<vmem>>) offsets(%dma_start3A_77 : memref<64xi32, #tpu.memory_space<vmem>>) semaphore(%arg13 : memref<!tpu.dma_semaphore, #tpu.memory_space<semaphore_mem>>)
      %dma_wait3A_81 = arith.constant 0 : i32
      %dma_wait3A_82 = tpu.memref_slice %arg5[%add3A_51, %dma_wait3A_81] : memref<160x64xi32, #tpu.memory_space<vmem>> -> memref<1x64xi32, #tpu.memory_space<vmem>>
      %dma_wait3A_83 = tpu.memref_squeeze %dma_wait3A_82 : memref<1x64xi32, #tpu.memory_space<vmem>> -> memref<64xi32, #tpu.memory_space<vmem>>
      %dma_wait3A_84 = arith.constant 0 : i32
      %dma_wait3A_85 = arith.constant 0 : i32
      %dma_wait3A_86 = tpu.memref_slice %arg2[%dma_wait3A_84, %dma_wait3A_85] : memref<10240x256xi32, #tpu.memory_space<hbm>> -> memref<10240x256xi32, #tpu.memory_space<hbm>>
      tpu.wait_indirect_dma semaphore(%arg10 : memref<!tpu.dma_semaphore, #tpu.memory_space<semaphore_mem>>) src(%dma_wait3A_86 : memref<10240x256xi32, #tpu.memory_space<hbm>>) dst(%arg6 : memref<64x256xi32, #tpu.memory_space<vmem>>)
      %add3A_87 = arith.addi %mul3A_2, %mul3A_32 : i32
      %add3A_88 = arith.constant 0 : i32
      %add3A_89 = arith.addi %add3A_87, %add3A_88 : i32
      %mul3A_90 = arith.constant 64 : i32
      %mul3A_91 = arith.muli %add3A_89, %mul3A_90 : i32
      %dma_start3A_92 = arith.constant 0 : i32
      %dma_start3A_93 = tpu.memref_slice %arg4[%mul3A_91, %dma_start3A_92] : memref<327680x256xi32, #tpu.memory_space<hbm>> -> memref<64x256xi32, #tpu.memory_space<hbm>>
      %dma_start3A_94 = arith.constant 0 : i32
      %dma_start3A_95 = tpu.memref_slice %arg4[%mul3A_91, %dma_start3A_94] : memref<327680x256xi32, #tpu.memory_space<hbm>> -> memref<64x256xi32, #tpu.memory_space<hbm>>
      tpu.enqueue_dma source(%arg6 : memref<64x256xi32, #tpu.memory_space<vmem>>) target(%dma_start3A_95 : memref<64x256xi32, #tpu.memory_space<hbm>>) target_semaphore(%arg14 : memref<!tpu.dma_semaphore, #tpu.memory_space<semaphore_mem>>)
      %dma_wait3A_96 = arith.constant 0 : i32
      %dma_wait3A_97 = tpu.memref_slice %arg5[%add3A_58, %dma_wait3A_96] : memref<160x64xi32, #tpu.memory_space<vmem>> -> memref<1x64xi32, #tpu.memory_space<vmem>>
      %dma_wait3A_98 = tpu.memref_squeeze %dma_wait3A_97 : memref<1x64xi32, #tpu.memory_space<vmem>> -> memref<64xi32, #tpu.memory_space<vmem>>
      %dma_wait3A_99 = arith.constant 0 : i32
      %dma_wait3A_100 = arith.constant 0 : i32
      %dma_wait3A_101 = tpu.memref_slice %arg2[%dma_wait3A_99, %dma_wait3A_100] : memref<10240x256xi32, #tpu.memory_space<hbm>> -> memref<10240x256xi32, #tpu.memory_space<hbm>>
      tpu.wait_indirect_dma semaphore(%arg11 : memref<!tpu.dma_semaphore, #tpu.memory_space<semaphore_mem>>) src(%dma_wait3A_101 : memref<10240x256xi32, #tpu.memory_space<hbm>>) dst(%arg7 : memref<64x256xi32, #tpu.memory_space<vmem>>)
      %add3A_102 = arith.addi %mul3A_2, %mul3A_32 : i32
      %add3A_103 = arith.constant 1 : i32
      %add3A_104 = arith.addi %add3A_102, %add3A_103 : i32
      %mul3A_105 = arith.constant 64 : i32
      %mul3A_106 = arith.muli %add3A_104, %mul3A_105 : i32
      %dma_start3A_107 = arith.constant 0 : i32
      %dma_start3A_108 = tpu.memref_slice %arg4[%mul3A_106, %dma_start3A_107] : memref<327680x256xi32, #tpu.memory_space<hbm>> -> memref<64x256xi32, #tpu.memory_space<hbm>>
      %dma_start3A_109 = arith.constant 0 : i32
      %dma_start3A_110 = tpu.memref_slice %arg4[%mul3A_106, %dma_start3A_109] : memref<327680x256xi32, #tpu.memory_space<hbm>> -> memref<64x256xi32, #tpu.memory_space<hbm>>
      tpu.enqueue_dma source(%arg7 : memref<64x256xi32, #tpu.memory_space<vmem>>) target(%dma_start3A_110 : memref<64x256xi32, #tpu.memory_space<hbm>>) target_semaphore(%arg15 : memref<!tpu.dma_semaphore, #tpu.memory_space<semaphore_mem>>)
      %dma_wait3A_111 = arith.constant 0 : i32
      %dma_wait3A_112 = tpu.memref_slice %arg5[%add3A_66, %dma_wait3A_111] : memref<160x64xi32, #tpu.memory_space<vmem>> -> memref<1x64xi32, #tpu.memory_space<vmem>>
      %dma_wait3A_113 = tpu.memref_squeeze %dma_wait3A_112 : memref<1x64xi32, #tpu.memory_space<vmem>> -> memref<64xi32, #tpu.memory_space<vmem>>
      %dma_wait3A_114 = arith.constant 0 : i32
      %dma_wait3A_115 = arith.constant 0 : i32
      %dma_wait3A_116 = tpu.memref_slice %arg2[%dma_wait3A_114, %dma_wait3A_115] : memref<10240x256xi32, #tpu.memory_space<hbm>> -> memref<10240x256xi32, #tpu.memory_space<hbm>>
      tpu.wait_indirect_dma semaphore(%arg12 : memref<!tpu.dma_semaphore, #tpu.memory_space<semaphore_mem>>) src(%dma_wait3A_116 : memref<10240x256xi32, #tpu.memory_space<hbm>>) dst(%arg8 : memref<64x256xi32, #tpu.memory_space<vmem>>)
      %add3A_117 = arith.addi %mul3A_2, %mul3A_32 : i32
      %add3A_118 = arith.constant 2 : i32
      %add3A_119 = arith.addi %add3A_117, %add3A_118 : i32
      %mul3A_120 = arith.constant 64 : i32
      %mul3A_121 = arith.muli %add3A_119, %mul3A_120 : i32
      %dma_start3A_122 = arith.constant 0 : i32
      %dma_start3A_123 = tpu.memref_slice %arg4[%mul3A_121, %dma_start3A_122] : memref<327680x256xi32, #tpu.memory_space<hbm>> -> memref<64x256xi32, #tpu.memory_space<hbm>>
      %dma_start3A_124 = arith.constant 0 : i32
      %dma_start3A_125 = tpu.memref_slice %arg4[%mul3A_121, %dma_start3A_124] : memref<327680x256xi32, #tpu.memory_space<hbm>> -> memref<64x256xi32, #tpu.memory_space<hbm>>
      tpu.enqueue_dma source(%arg8 : memref<64x256xi32, #tpu.memory_space<vmem>>) target(%dma_start3A_125 : memref<64x256xi32, #tpu.memory_space<hbm>>) target_semaphore(%arg16 : memref<!tpu.dma_semaphore, #tpu.memory_space<semaphore_mem>>)
      %dma_wait3A_126 = arith.constant 0 : i32
      %dma_wait3A_127 = tpu.memref_slice %arg5[%add3A_74, %dma_wait3A_126] : memref<160x64xi32, #tpu.memory_space<vmem>> -> memref<1x64xi32, #tpu.memory_space<vmem>>
      %dma_wait3A_128 = tpu.memref_squeeze %dma_wait3A_127 : memref<1x64xi32, #tpu.memory_space<vmem>> -> memref<64xi32, #tpu.memory_space<vmem>>
      %dma_wait3A_129 = arith.constant 0 : i32
      %dma_wait3A_130 = arith.constant 0 : i32
      %dma_wait3A_131 = tpu.memref_slice %arg2[%dma_wait3A_129, %dma_wait3A_130] : memref<10240x256xi32, #tpu.memory_space<hbm>> -> memref<10240x256xi32, #tpu.memory_space<hbm>>
      tpu.wait_indirect_dma semaphore(%arg13 : memref<!tpu.dma_semaphore, #tpu.memory_space<semaphore_mem>>) src(%dma_wait3A_131 : memref<10240x256xi32, #tpu.memory_space<hbm>>) dst(%arg9 : memref<64x256xi32, #tpu.memory_space<vmem>>)
      %add3A_132 = arith.addi %mul3A_2, %mul3A_32 : i32
      %add3A_133 = arith.constant 3 : i32
      %add3A_134 = arith.addi %add3A_132, %add3A_133 : i32
      %mul3A_135 = arith.constant 64 : i32
      %mul3A_136 = arith.muli %add3A_134, %mul3A_135 : i32
      %dma_start3A_137 = arith.constant 0 : i32
      %dma_start3A_138 = tpu.memref_slice %arg4[%mul3A_136, %dma_start3A_137] : memref<327680x256xi32, #tpu.memory_space<hbm>> -> memref<64x256xi32, #tpu.memory_space<hbm>>
      %dma_start3A_139 = arith.constant 0 : i32
      %dma_start3A_140 = tpu.memref_slice %arg4[%mul3A_136, %dma_start3A_139] : memref<327680x256xi32, #tpu.memory_space<hbm>> -> memref<64x256xi32, #tpu.memory_space<hbm>>
      tpu.enqueue_dma source(%arg9 : memref<64x256xi32, #tpu.memory_space<vmem>>) target(%dma_start3A_140 : memref<64x256xi32, #tpu.memory_space<hbm>>) target_semaphore(%arg17 : memref<!tpu.dma_semaphore, #tpu.memory_space<semaphore_mem>>)
    }
    %scan3A_6 = arith.constant 40 : i32
    %mul3A_7 = arith.constant 64 : i32
    %mul3A_8 = arith.muli %mul3A_2, %mul3A_7 : i32
    %dma_wait3A = arith.constant 0 : i32
    %dma_wait3A_9 = tpu.memref_slice %arg4[%mul3A_8, %dma_wait3A] : memref<327680x256xi32, #tpu.memory_space<hbm>> -> memref<64x256xi32, #tpu.memory_space<hbm>>
    %dma_wait3A_10 = arith.constant 0 : i32
    %dma_wait3A_11 = tpu.memref_slice %arg4[%mul3A_8, %dma_wait3A_10] : memref<327680x256xi32, #tpu.memory_space<hbm>> -> memref<64x256xi32, #tpu.memory_space<hbm>>
    tpu.wait_dma2 semaphore(%arg14 : memref<!tpu.dma_semaphore, #tpu.memory_space<semaphore_mem>>) src(%arg6 : memref<64x256xi32, #tpu.memory_space<vmem>>) dst(%dma_wait3A_11 : memref<64x256xi32, #tpu.memory_space<hbm>>)
    %mul3A_12 = arith.constant 64 : i32
    %mul3A_13 = arith.muli %mul3A_2, %mul3A_12 : i32
    %dma_wait3A_14 = arith.constant 0 : i32
    %dma_wait3A_15 = tpu.memref_slice %arg4[%mul3A_13, %dma_wait3A_14] : memref<327680x256xi32, #tpu.memory_space<hbm>> -> memref<64x256xi32, #tpu.memory_space<hbm>>
    %dma_wait3A_16 = arith.constant 0 : i32
    %dma_wait3A_17 = tpu.memref_slice %arg4[%mul3A_13, %dma_wait3A_16] : memref<327680x256xi32, #tpu.memory_space<hbm>> -> memref<64x256xi32, #tpu.memory_space<hbm>>
    tpu.wait_dma2 semaphore(%arg15 : memref<!tpu.dma_semaphore, #tpu.memory_space<semaphore_mem>>) src(%arg7 : memref<64x256xi32, #tpu.memory_space<vmem>>) dst(%dma_wait3A_17 : memref<64x256xi32, #tpu.memory_space<hbm>>)
    %mul3A_18 = arith.constant 64 : i32
    %mul3A_19 = arith.muli %mul3A_2, %mul3A_18 : i32
    %dma_wait3A_20 = arith.constant 0 : i32
    %dma_wait3A_21 = tpu.memref_slice %arg4[%mul3A_19, %dma_wait3A_20] : memref<327680x256xi32, #tpu.memory_space<hbm>> -> memref<64x256xi32, #tpu.memory_space<hbm>>
    %dma_wait3A_22 = arith.constant 0 : i32
    %dma_wait3A_23 = tpu.memref_slice %arg4[%mul3A_19, %dma_wait3A_22] : memref<327680x256xi32, #tpu.memory_space<hbm>> -> memref<64x256xi32, #tpu.memory_space<hbm>>
    tpu.wait_dma2 semaphore(%arg16 : memref<!tpu.dma_semaphore, #tpu.memory_space<semaphore_mem>>) src(%arg8 : memref<64x256xi32, #tpu.memory_space<vmem>>) dst(%dma_wait3A_23 : memref<64x256xi32, #tpu.memory_space<hbm>>)
    %mul3A_24 = arith.constant 64 : i32
    %mul3A_25 = arith.muli %mul3A_2, %mul3A_24 : i32
    %dma_wait3A_26 = arith.constant 0 : i32
    %dma_wait3A_27 = tpu.memref_slice %arg4[%mul3A_25, %dma_wait3A_26] : memref<327680x256xi32, #tpu.memory_space<hbm>> -> memref<64x256xi32, #tpu.memory_space<hbm>>
    %dma_wait3A_28 = arith.constant 0 : i32
    %dma_wait3A_29 = tpu.memref_slice %arg4[%mul3A_25, %dma_wait3A_28] : memref<327680x256xi32, #tpu.memory_space<hbm>> -> memref<64x256xi32, #tpu.memory_space<hbm>>
    tpu.wait_dma2 semaphore(%arg17 : memref<!tpu.dma_semaphore, #tpu.memory_space<semaphore_mem>>) src(%arg9 : memref<64x256xi32, #tpu.memory_space<vmem>>) dst(%dma_wait3A_29 : memref<64x256xi32, #tpu.memory_space<hbm>>)
    return
  }
}

#map = affine_map<(d0, d1) -> (0, 0)>
#map1 = affine_map<(d0, d1) -> (0, 0, 0)>
module attributes {stable_mosaic.version = 14 : i64} {
  func.func @k(%arg0: i32, %arg1: i32, %arg2: memref<327680x128xf32, #tpu.memory_space<hbm>>, %arg3: memref<327680x128xf32, #tpu.memory_space<hbm>>, %arg4: memref<327680x128xf32, #tpu.memory_space<hbm>>, %arg5: memref<327680x128xf32, #tpu.memory_space<hbm>>, %arg6: memref<2560x128xi32, #tpu.memory_space<hbm>>, %arg7: memref<2x10240x128xf32, #tpu.memory_space<hbm>>, %arg8: memref<2x10240x128xf32, #tpu.memory_space<hbm>>, %arg9: memref<2x10240x128xf32, #tpu.memory_space<hbm>>, %arg10: memref<2x10240x128xf32, #tpu.memory_space<hbm>>, %arg11: memref<80x128xi32, #tpu.memory_space<vmem>>, %arg12: memref<128x128xf32, #tpu.memory_space<vmem>>, %arg13: memref<128x128xf32, #tpu.memory_space<vmem>>, %arg14: memref<32x128xf32, #tpu.memory_space<vmem>>, %arg15: memref<10240x128xf32, #tpu.memory_space<vmem_shared>>, %arg16: memref<!tpu.dma_semaphore, #tpu.memory_space<semaphore_mem>>, %arg17: memref<!tpu.dma_semaphore, #tpu.memory_space<semaphore_mem>>) attributes {dimension_semantics = [#tpu.dimension_semantics<core_parallel>, #tpu.dimension_semantics<subcore_parallel>], iteration_bounds = array<i64: 2, 16>, scalar_prefetch = 0 : i64, scratch_operands = 7 : i64, tpu.core_type = #tpu.core_type<sc_vector_subcore>, window_params = [{transform_indices = #map}, {transform_indices = #map}, {transform_indices = #map}, {transform_indices = #map}, {transform_indices = #map}, {transform_indices = #map1}, {transform_indices = #map1}, {transform_indices = #map1}, {transform_indices = #map1}]} {
    %mul3A = arith.constant 1280 : i32
    %mul3A_0 = arith.muli %arg0, %mul3A : i32
    %mul3A_1 = arith.constant 80 : i32
    %mul3A_2 = arith.muli %arg1, %mul3A_1 : i32
    %add3A = arith.addi %mul3A_0, %mul3A_2 : i32
    "tpu.region"() ({
      %run_scoped3A = tpu.sem_alloc : memref<!tpu.dma_semaphore, #tpu.memory_space<semaphore_mem>>
      %dma_start3A = arith.constant 0 : i32
      %dma_start3A_56 = tpu.memref_slice %arg6[%add3A, %dma_start3A] : memref<2560x128xi32, #tpu.memory_space<hbm>> -> memref<80x128xi32, #tpu.memory_space<hbm>>
      %dma_start3A_57 = arith.constant 0 : i32
      %dma_start3A_58 = tpu.memref_slice %arg6[%add3A, %dma_start3A_57] : memref<2560x128xi32, #tpu.memory_space<hbm>> -> memref<80x128xi32, #tpu.memory_space<hbm>>
      tpu.enqueue_dma source(%dma_start3A_58 : memref<80x128xi32, #tpu.memory_space<hbm>>) target(%arg11 : memref<80x128xi32, #tpu.memory_space<vmem>>) target_semaphore(%run_scoped3A : memref<!tpu.dma_semaphore, #tpu.memory_space<semaphore_mem>>)
      %dma_wait3A = arith.constant 0 : i32
      %dma_wait3A_59 = tpu.memref_slice %arg6[%add3A, %dma_wait3A] : memref<2560x128xi32, #tpu.memory_space<hbm>> -> memref<80x128xi32, #tpu.memory_space<hbm>>
      %dma_wait3A_60 = arith.constant 0 : i32
      %dma_wait3A_61 = tpu.memref_slice %arg6[%add3A, %dma_wait3A_60] : memref<2560x128xi32, #tpu.memory_space<hbm>> -> memref<80x128xi32, #tpu.memory_space<hbm>>
      tpu.wait_dma2 semaphore(%run_scoped3A : memref<!tpu.dma_semaphore, #tpu.memory_space<semaphore_mem>>) src(%dma_wait3A_61 : memref<80x128xi32, #tpu.memory_space<hbm>>) dst(%arg11 : memref<80x128xi32, #tpu.memory_space<vmem>>)
      tpu.yield
    }) : () -> ()
    %scan3A = arith.constant 0 : i32
    %scan3A_3 = arith.constant 256 : i32
    %scan3A_4 = arith.addi %scan3A, %scan3A_3 : i32
    %scan3A_5 = arith.constant 1 : i32
    scf.for %scan3A_56 = %scan3A to %scan3A_4 step %scan3A_5  : i32 {
      %jit3A = arith.constant 8 : i32
      %div3A = arith.divsi %scan3A_56, %jit3A : i32
      %sign3A = arith.constant 0 : i32
      %sign3A_57 = arith.cmpi sgt, %scan3A_56, %sign3A : i32
      %sign3A_58 = arith.extui %sign3A_57 : i1 to i32
      %sign3A_59 = arith.constant 0 : i32
      %sign3A_60 = arith.cmpi slt, %scan3A_56, %sign3A_59 : i32
      %sign3A_61 = arith.extui %sign3A_60 : i1 to i32
      %sign3A_62 = arith.subi %sign3A_58, %sign3A_61 : i32
      %sign3A_63 = arith.constant 0 : i32
      %sign3A_64 = arith.cmpi sgt, %jit3A, %sign3A_63 : i32
      %sign3A_65 = arith.extui %sign3A_64 : i1 to i32
      %sign3A_66 = arith.constant 0 : i32
      %sign3A_67 = arith.cmpi slt, %jit3A, %sign3A_66 : i32
      %sign3A_68 = arith.extui %sign3A_67 : i1 to i32
      %sign3A_69 = arith.subi %sign3A_65, %sign3A_68 : i32
      %ne3A = arith.cmpi ne, %sign3A_62, %sign3A_69 : i32
      %rem3A = arith.remsi %scan3A_56, %jit3A : i32
      %ne3A_70 = arith.constant 0 : i32
      %ne3A_71 = arith.cmpi ne, %rem3A, %ne3A_70 : i32
      %and3A = arith.andi %ne3A, %ne3A_71 : i1
      %sub3A = arith.constant 1 : i32
      %sub3A_72 = arith.subi %div3A, %sub3A : i32
      %select_n3A = arith.select %and3A, %sub3A_72, %div3A : i32
      %jit3A_73 = arith.constant 8 : i32
      %eq3A = arith.constant 0 : i32
      %eq3A_74 = arith.cmpi eq, %jit3A_73, %eq3A : i32
      %jit3A_75 = arith.constant 1 : i32
      %select_n3A_76 = arith.select %eq3A_74, %jit3A_75, %jit3A_73 : i32
      %rem3A_77 = arith.remsi %scan3A_56, %select_n3A_76 : i32
      %ne3A_78 = arith.constant 0 : i32
      %ne3A_79 = arith.cmpi ne, %rem3A_77, %ne3A_78 : i32
      %lt3A = arith.constant 0 : i32
      %lt3A_80 = arith.cmpi slt, %rem3A_77, %lt3A : i32
      %lt3A_81 = arith.constant 0 : i32
      %lt3A_82 = arith.cmpi slt, %select_n3A_76, %lt3A_81 : i32
      %ne3A_83 = arith.xori %lt3A_80, %lt3A_82 : i1
      %and3A_84 = arith.andi %ne3A_83, %ne3A_79 : i1
      %add3A_85 = arith.addi %rem3A_77, %select_n3A_76 : i32
      %select_n3A_86 = arith.select %and3A_84, %add3A_85, %rem3A_77 : i32
      %mul3A_87 = arith.constant 16 : i32
      %mul3A_88 = arith.muli %select_n3A_86, %mul3A_87 : i32
      %broadcast_in_dim3A = arith.constant 0.000000e+00 : f32
      %broadcast_in_dim3A_89 = vector.broadcast %broadcast_in_dim3A : f32 to vector<16xf32>
      %swap3A = arith.index_cast %select_n3A : i32 to index
      %swap3A_90 = arith.index_cast %mul3A_88 : i32 to index
      %swap3A_91 = tpu.vector_load %arg14[%swap3A, %swap3A_90] {strides = array<i32>} : memref<32x128xf32, #tpu.memory_space<vmem>>, vector<1x16xf32>,
      %swap3A_92 = vector.shape_cast %swap3A_91 : vector<1x16xf32> to vector<16xf32>
      %swap3A_93 = vector.shape_cast %broadcast_in_dim3A_89 : vector<16xf32> to vector<1x16xf32>
      tpu.vector_store %arg14[%swap3A, %swap3A_90], %swap3A_93 {strides = array<i32>} : memref<32x128xf32, #tpu.memory_space<vmem>>, vector<1x16xf32>,
    }
    %scan3A_6 = arith.constant 256 : i32
    %mul3A_7 = arith.constant 640 : i32
    %mul3A_8 = arith.muli %arg1, %mul3A_7 : i32
    %scan3A_9 = arith.constant 0 : i32
    %scan3A_10 = arith.constant 20 : i32
    %scan3A_11 = arith.addi %scan3A_9, %scan3A_10 : i32
    %scan3A_12 = arith.constant 1 : i32
    scf.for %scan3A_56 = %scan3A_9 to %scan3A_11 step %scan3A_12  : i32 {
      %mul3A_57 = arith.constant 32 : i32
      %mul3A_58 = arith.muli %scan3A_56, %mul3A_57 : i32
      %add3A_59 = arith.addi %mul3A_8, %mul3A_58 : i32
      "tpu.region"() ({
        %run_scoped3A = tpu.sem_alloc : memref<!tpu.dma_semaphore, #tpu.memory_space<semaphore_mem>>
        %dma_start3A = arith.constant 0 : i32
        %dma_start3A_60 = tpu.memref_slice %arg15[%add3A_59, %dma_start3A] : memref<10240x128xf32, #tpu.memory_space<vmem_shared>> -> memref<32x128xf32, #tpu.memory_space<vmem_shared>>
        %dma_start3A_61 = arith.constant 0 : i32
        %dma_start3A_62 = tpu.memref_slice %arg15[%add3A_59, %dma_start3A_61] : memref<10240x128xf32, #tpu.memory_space<vmem_shared>> -> memref<32x128xf32, #tpu.memory_space<vmem_shared>>
        tpu.enqueue_dma source(%arg14 : memref<32x128xf32, #tpu.memory_space<vmem>>) target(%dma_start3A_62 : memref<32x128xf32, #tpu.memory_space<vmem_shared>>) target_semaphore(%run_scoped3A : memref<!tpu.dma_semaphore, #tpu.memory_space<semaphore_mem>>)
        %dma_wait3A = arith.constant 0 : i32
        %dma_wait3A_63 = tpu.memref_slice %arg15[%add3A_59, %dma_wait3A] : memref<10240x128xf32, #tpu.memory_space<vmem_shared>> -> memref<32x128xf32, #tpu.memory_space<vmem_shared>>
        %dma_wait3A_64 = arith.constant 0 : i32
        %dma_wait3A_65 = tpu.memref_slice %arg15[%add3A_59, %dma_wait3A_64] : memref<10240x128xf32, #tpu.memory_space<vmem_shared>> -> memref<32x128xf32, #tpu.memory_space<vmem_shared>>
        tpu.wait_dma2 semaphore(%run_scoped3A : memref<!tpu.dma_semaphore, #tpu.memory_space<semaphore_mem>>) src(%arg14 : memref<32x128xf32, #tpu.memory_space<vmem>>) dst(%dma_wait3A_65 : memref<32x128xf32, #tpu.memory_space<vmem_shared>>)
        tpu.yield
      }) : () -> ()
    }
    %scan3A_13 = arith.constant 20 : i32
    %barrier3A = arith.constant 0 : index
    tpu.barrier barrier_id(%barrier3A)
    %scan3A_14 = arith.constant 0 : i32
    %scan3A_15 = arith.constant 40 : i32
    %scan3A_16 = arith.addi %scan3A_14, %scan3A_15 : i32
    %scan3A_17 = arith.constant 1 : i32
    scf.for %scan3A_56 = %scan3A_14 to %scan3A_16 step %scan3A_17  : i32 {
      %mul3A_57 = arith.constant 2 : i32
      %mul3A_58 = arith.muli %scan3A_56, %mul3A_57 : i32
      %add3A_59 = arith.addi %add3A, %mul3A_58 : i32
      %add3A_60 = arith.constant 0 : i32
      %add3A_61 = arith.addi %add3A_59, %add3A_60 : i32
      %mul3A_62 = arith.constant 128 : i32
      %mul3A_63 = arith.muli %add3A_61, %mul3A_62 : i32
      %dma_start3A = arith.constant 0 : i32
      %dma_start3A_64 = tpu.memref_slice %arg2[%mul3A_63, %dma_start3A] : memref<327680x128xf32, #tpu.memory_space<hbm>> -> memref<128x128xf32, #tpu.memory_space<hbm>>
      %dma_start3A_65 = arith.constant 0 : i32
      %dma_start3A_66 = tpu.memref_slice %arg2[%mul3A_63, %dma_start3A_65] : memref<327680x128xf32, #tpu.memory_space<hbm>> -> memref<128x128xf32, #tpu.memory_space<hbm>>
      tpu.enqueue_dma source(%dma_start3A_66 : memref<128x128xf32, #tpu.memory_space<hbm>>) target(%arg12 : memref<128x128xf32, #tpu.memory_space<vmem>>) target_semaphore(%arg16 : memref<!tpu.dma_semaphore, #tpu.memory_space<semaphore_mem>>)
      %add3A_67 = arith.addi %add3A, %mul3A_58 : i32
      %add3A_68 = arith.constant 1 : i32
      %add3A_69 = arith.addi %add3A_67, %add3A_68 : i32
      %mul3A_70 = arith.constant 128 : i32
      %mul3A_71 = arith.muli %add3A_69, %mul3A_70 : i32
      %dma_start3A_72 = arith.constant 0 : i32
      %dma_start3A_73 = tpu.memref_slice %arg2[%mul3A_71, %dma_start3A_72] : memref<327680x128xf32, #tpu.memory_space<hbm>> -> memref<128x128xf32, #tpu.memory_space<hbm>>
      %dma_start3A_74 = arith.constant 0 : i32
      %dma_start3A_75 = tpu.memref_slice %arg2[%mul3A_71, %dma_start3A_74] : memref<327680x128xf32, #tpu.memory_space<hbm>> -> memref<128x128xf32, #tpu.memory_space<hbm>>
      tpu.enqueue_dma source(%dma_start3A_75 : memref<128x128xf32, #tpu.memory_space<hbm>>) target(%arg13 : memref<128x128xf32, #tpu.memory_space<vmem>>) target_semaphore(%arg17 : memref<!tpu.dma_semaphore, #tpu.memory_space<semaphore_mem>>)
      %dma_wait3A = arith.constant 0 : i32
      %dma_wait3A_76 = tpu.memref_slice %arg2[%mul3A_63, %dma_wait3A] : memref<327680x128xf32, #tpu.memory_space<hbm>> -> memref<128x128xf32, #tpu.memory_space<hbm>>
      %dma_wait3A_77 = arith.constant 0 : i32
      %dma_wait3A_78 = tpu.memref_slice %arg2[%mul3A_63, %dma_wait3A_77] : memref<327680x128xf32, #tpu.memory_space<hbm>> -> memref<128x128xf32, #tpu.memory_space<hbm>>
      tpu.wait_dma2 semaphore(%arg16 : memref<!tpu.dma_semaphore, #tpu.memory_space<semaphore_mem>>) src(%dma_wait3A_78 : memref<128x128xf32, #tpu.memory_space<hbm>>) dst(%arg12 : memref<128x128xf32, #tpu.memory_space<vmem>>)
      %add3A_79 = arith.constant 0 : i32
      %add3A_80 = arith.addi %mul3A_58, %add3A_79 : i32
      "tpu.region"() ({
        %run_scoped3A = tpu.sem_alloc : memref<!tpu.dma_semaphore, #tpu.memory_space<semaphore_mem>>
        %dma_start3A_87 = arith.constant 0 : i32
        %dma_start3A_88 = tpu.memref_slice %arg11[%add3A_80, %dma_start3A_87] : memref<80x128xi32, #tpu.memory_space<vmem>> -> memref<1x128xi32, #tpu.memory_space<vmem>>
        %dma_start3A_89 = tpu.memref_squeeze %dma_start3A_88 : memref<1x128xi32, #tpu.memory_space<vmem>> -> memref<128xi32, #tpu.memory_space<vmem>>
        %dma_start3A_90 = arith.constant 0 : i32
        %dma_start3A_91 = arith.constant 0 : i32
        %dma_start3A_92 = tpu.memref_slice %arg15[%dma_start3A_90, %dma_start3A_91] : memref<10240x128xf32, #tpu.memory_space<vmem_shared>> -> memref<10240x128xf32, #tpu.memory_space<vmem_shared>>
        tpu.enqueue_indirect_dma source(%arg12 : memref<128x128xf32, #tpu.memory_space<vmem>>) target(%dma_start3A_92 : memref<10240x128xf32, #tpu.memory_space<vmem_shared>>) offsets(%dma_start3A_89 : memref<128xi32, #tpu.memory_space<vmem>>) semaphore(%run_scoped3A : memref<!tpu.dma_semaphore, #tpu.memory_space<semaphore_mem>>) {add = true}
        %dma_wait3A_93 = arith.constant 0 : i32
        %dma_wait3A_94 = tpu.memref_slice %arg11[%add3A_80, %dma_wait3A_93] : memref<80x128xi32, #tpu.memory_space<vmem>> -> memref<1x128xi32, #tpu.memory_space<vmem>>
        %dma_wait3A_95 = tpu.memref_squeeze %dma_wait3A_94 : memref<1x128xi32, #tpu.memory_space<vmem>> -> memref<128xi32, #tpu.memory_space<vmem>>
        %dma_wait3A_96 = arith.constant 0 : i32
        %dma_wait3A_97 = arith.constant 0 : i32
        %dma_wait3A_98 = tpu.memref_slice %arg15[%dma_wait3A_96, %dma_wait3A_97] : memref<10240x128xf32, #tpu.memory_space<vmem_shared>> -> memref<10240x128xf32, #tpu.memory_space<vmem_shared>>
        tpu.wait_indirect_dma semaphore(%run_scoped3A : memref<!tpu.dma_semaphore, #tpu.memory_space<semaphore_mem>>) src(%arg12 : memref<128x128xf32, #tpu.memory_space<vmem>>) dst(%dma_wait3A_98 : memref<10240x128xf32, #tpu.memory_space<vmem_shared>>)
        tpu.yield
      }) : () -> ()
      %dma_wait3A_81 = arith.constant 0 : i32
      %dma_wait3A_82 = tpu.memref_slice %arg2[%mul3A_71, %dma_wait3A_81] : memref<327680x128xf32, #tpu.memory_space<hbm>> -> memref<128x128xf32, #tpu.memory_space<hbm>>
      %dma_wait3A_83 = arith.constant 0 : i32
      %dma_wait3A_84 = tpu.memref_slice %arg2[%mul3A_71, %dma_wait3A_83] : memref<327680x128xf32, #tpu.memory_space<hbm>> -> memref<128x128xf32, #tpu.memory_space<hbm>>
      tpu.wait_dma2 semaphore(%arg17 : memref<!tpu.dma_semaphore, #tpu.memory_space<semaphore_mem>>) src(%dma_wait3A_84 : memref<128x128xf32, #tpu.memory_space<hbm>>) dst(%arg13 : memref<128x128xf32, #tpu.memory_space<vmem>>)
      %add3A_85 = arith.constant 1 : i32
      %add3A_86 = arith.addi %mul3A_58, %add3A_85 : i32
      "tpu.region"() ({
        %run_scoped3A = tpu.sem_alloc : memref<!tpu.dma_semaphore, #tpu.memory_space<semaphore_mem>>
        %dma_start3A_87 = arith.constant 0 : i32
        %dma_start3A_88 = tpu.memref_slice %arg11[%add3A_86, %dma_start3A_87] : memref<80x128xi32, #tpu.memory_space<vmem>> -> memref<1x128xi32, #tpu.memory_space<vmem>>
        %dma_start3A_89 = tpu.memref_squeeze %dma_start3A_88 : memref<1x128xi32, #tpu.memory_space<vmem>> -> memref<128xi32, #tpu.memory_space<vmem>>
        %dma_start3A_90 = arith.constant 0 : i32
        %dma_start3A_91 = arith.constant 0 : i32
        %dma_start3A_92 = tpu.memref_slice %arg15[%dma_start3A_90, %dma_start3A_91] : memref<10240x128xf32, #tpu.memory_space<vmem_shared>> -> memref<10240x128xf32, #tpu.memory_space<vmem_shared>>
        tpu.enqueue_indirect_dma source(%arg13 : memref<128x128xf32, #tpu.memory_space<vmem>>) target(%dma_start3A_92 : memref<10240x128xf32, #tpu.memory_space<vmem_shared>>) offsets(%dma_start3A_89 : memref<128xi32, #tpu.memory_space<vmem>>) semaphore(%run_scoped3A : memref<!tpu.dma_semaphore, #tpu.memory_space<semaphore_mem>>) {add = true}
        %dma_wait3A_93 = arith.constant 0 : i32
        %dma_wait3A_94 = tpu.memref_slice %arg11[%add3A_86, %dma_wait3A_93] : memref<80x128xi32, #tpu.memory_space<vmem>> -> memref<1x128xi32, #tpu.memory_space<vmem>>
        %dma_wait3A_95 = tpu.memref_squeeze %dma_wait3A_94 : memref<1x128xi32, #tpu.memory_space<vmem>> -> memref<128xi32, #tpu.memory_space<vmem>>
        %dma_wait3A_96 = arith.constant 0 : i32
        %dma_wait3A_97 = arith.constant 0 : i32
        %dma_wait3A_98 = tpu.memref_slice %arg15[%dma_wait3A_96, %dma_wait3A_97] : memref<10240x128xf32, #tpu.memory_space<vmem_shared>> -> memref<10240x128xf32, #tpu.memory_space<vmem_shared>>
        tpu.wait_indirect_dma semaphore(%run_scoped3A : memref<!tpu.dma_semaphore, #tpu.memory_space<semaphore_mem>>) src(%arg13 : memref<128x128xf32, #tpu.memory_space<vmem>>) dst(%dma_wait3A_98 : memref<10240x128xf32, #tpu.memory_space<vmem_shared>>)
        tpu.yield
      }) : () -> ()
    }
    %scan3A_18 = arith.constant 40 : i32
    %barrier3A_19 = arith.constant 0 : index
    tpu.barrier barrier_id(%barrier3A_19)
    "tpu.region"() ({
      %run_scoped3A = tpu.sem_alloc : memref<!tpu.dma_semaphore, #tpu.memory_space<semaphore_mem>>
      %dma_start3A = arith.constant 0 : i32
      %dma_start3A_56 = arith.constant 0 : i32
      %dma_start3A_57 = tpu.memref_slice %arg7[%arg0, %dma_start3A, %dma_start3A_56] : memref<2x10240x128xf32, #tpu.memory_space<hbm>> -> memref<1x10240x128xf32, #tpu.memory_space<hbm>>
      %dma_start3A_58 = tpu.memref_squeeze %dma_start3A_57 : memref<1x10240x128xf32, #tpu.memory_space<hbm>> -> memref<10240x128xf32, #tpu.memory_space<hbm>>
      %dma_start3A_59 = arith.constant 0 : i32
      %dma_start3A_60 = tpu.memref_slice %dma_start3A_58[%mul3A_8, %dma_start3A_59] : memref<10240x128xf32, #tpu.memory_space<hbm>> -> memref<640x128xf32, #tpu.memory_space<hbm>>
      %dma_start3A_61 = arith.constant 0 : i32
      %dma_start3A_62 = tpu.memref_slice %arg15[%mul3A_8, %dma_start3A_61] : memref<10240x128xf32, #tpu.memory_space<vmem_shared>> -> memref<640x128xf32, #tpu.memory_space<vmem_shared>>
      tpu.enqueue_dma source(%dma_start3A_62 : memref<640x128xf32, #tpu.memory_space<vmem_shared>>) target(%dma_start3A_60 : memref<640x128xf32, #tpu.memory_space<hbm>>) target_semaphore(%run_scoped3A : memref<!tpu.dma_semaphore, #tpu.memory_space<semaphore_mem>>)
      %dma_wait3A = arith.constant 0 : i32
      %dma_wait3A_63 = arith.constant 0 : i32
      %dma_wait3A_64 = tpu.memref_slice %arg7[%arg0, %dma_wait3A, %dma_wait3A_63] : memref<2x10240x128xf32, #tpu.memory_space<hbm>> -> memref<1x10240x128xf32, #tpu.memory_space<hbm>>
      %dma_wait3A_65 = tpu.memref_squeeze %dma_wait3A_64 : memref<1x10240x128xf32, #tpu.memory_space<hbm>> -> memref<10240x128xf32, #tpu.memory_space<hbm>>
      %dma_wait3A_66 = arith.constant 0 : i32
      %dma_wait3A_67 = tpu.memref_slice %dma_wait3A_65[%mul3A_8, %dma_wait3A_66] : memref<10240x128xf32, #tpu.memory_space<hbm>> -> memref<640x128xf32, #tpu.memory_space<hbm>>
      %dma_wait3A_68 = arith.constant 0 : i32
      %dma_wait3A_69 = tpu.memref_slice %arg15[%mul3A_8, %dma_wait3A_68] : memref<10240x128xf32, #tpu.memory_space<vmem_shared>> -> memref<640x128xf32, #tpu.memory_space<vmem_shared>>
      tpu.wait_dma2 semaphore(%run_scoped3A : memref<!tpu.dma_semaphore, #tpu.memory_space<semaphore_mem>>) src(%dma_wait3A_69 : memref<640x128xf32, #tpu.memory_space<vmem_shared>>) dst(%dma_wait3A_67 : memref<640x128xf32, #tpu.memory_space<hbm>>)
      tpu.yield
    }) : () -> ()
    %scan3A_20 = arith.constant 0 : i32
    %scan3A_21 = arith.constant 20 : i32
    %scan3A_22 = arith.addi %scan3A_20, %scan3A_21 : i32
    %scan3A_23 = arith.constant 1 : i32
    scf.for %scan3A_56 = %scan3A_20 to %scan3A_22 step %scan3A_23  : i32 {
      %mul3A_57 = arith.constant 32 : i32
      %mul3A_58 = arith.muli %scan3A_56, %mul3A_57 : i32
      %add3A_59 = arith.addi %mul3A_8, %mul3A_58 : i32
      "tpu.region"() ({
        %run_scoped3A = tpu.sem_alloc : memref<!tpu.dma_semaphore, #tpu.memory_space<semaphore_mem>>
        %dma_start3A = arith.constant 0 : i32
        %dma_start3A_60 = tpu.memref_slice %arg15[%add3A_59, %dma_start3A] : memref<10240x128xf32, #tpu.memory_space<vmem_shared>> -> memref<32x128xf32, #tpu.memory_space<vmem_shared>>
        %dma_start3A_61 = arith.constant 0 : i32
        %dma_start3A_62 = tpu.memref_slice %arg15[%add3A_59, %dma_start3A_61] : memref<10240x128xf32, #tpu.memory_space<vmem_shared>> -> memref<32x128xf32, #tpu.memory_space<vmem_shared>>
        tpu.enqueue_dma source(%arg14 : memref<32x128xf32, #tpu.memory_space<vmem>>) target(%dma_start3A_62 : memref<32x128xf32, #tpu.memory_space<vmem_shared>>) target_semaphore(%run_scoped3A : memref<!tpu.dma_semaphore, #tpu.memory_space<semaphore_mem>>)
        %dma_wait3A = arith.constant 0 : i32
        %dma_wait3A_63 = tpu.memref_slice %arg15[%add3A_59, %dma_wait3A] : memref<10240x128xf32, #tpu.memory_space<vmem_shared>> -> memref<32x128xf32, #tpu.memory_space<vmem_shared>>
        %dma_wait3A_64 = arith.constant 0 : i32
        %dma_wait3A_65 = tpu.memref_slice %arg15[%add3A_59, %dma_wait3A_64] : memref<10240x128xf32, #tpu.memory_space<vmem_shared>> -> memref<32x128xf32, #tpu.memory_space<vmem_shared>>
        tpu.wait_dma2 semaphore(%run_scoped3A : memref<!tpu.dma_semaphore, #tpu.memory_space<semaphore_mem>>) src(%arg14 : memref<32x128xf32, #tpu.memory_space<vmem>>) dst(%dma_wait3A_65 : memref<32x128xf32, #tpu.memory_space<vmem_shared>>)
        tpu.yield
      }) : () -> ()
    }
    %scan3A_24 = arith.constant 20 : i32
    %barrier3A_25 = arith.constant 0 : index
    tpu.barrier barrier_id(%barrier3A_25)
    %scan3A_26 = arith.constant 0 : i32
    %scan3A_27 = arith.constant 40 : i32
    %scan3A_28 = arith.addi %scan3A_26, %scan3A_27 : i32
    %scan3A_29 = arith.constant 1 : i32
    scf.for %scan3A_56 = %scan3A_26 to %scan3A_28 step %scan3A_29  : i32 {
      %mul3A_57 = arith.constant 2 : i32
      %mul3A_58 = arith.muli %scan3A_56, %mul3A_57 : i32
      %add3A_59 = arith.addi %add3A, %mul3A_58 : i32
      %add3A_60 = arith.constant 0 : i32
      %add3A_61 = arith.addi %add3A_59, %add3A_60 : i32
      %mul3A_62 = arith.constant 128 : i32
      %mul3A_63 = arith.muli %add3A_61, %mul3A_62 : i32
      %dma_start3A = arith.constant 0 : i32
      %dma_start3A_64 = tpu.memref_slice %arg3[%mul3A_63, %dma_start3A] : memref<327680x128xf32, #tpu.memory_space<hbm>> -> memref<128x128xf32, #tpu.memory_space<hbm>>
      %dma_start3A_65 = arith.constant 0 : i32
      %dma_start3A_66 = tpu.memref_slice %arg3[%mul3A_63, %dma_start3A_65] : memref<327680x128xf32, #tpu.memory_space<hbm>> -> memref<128x128xf32, #tpu.memory_space<hbm>>
      tpu.enqueue_dma source(%dma_start3A_66 : memref<128x128xf32, #tpu.memory_space<hbm>>) target(%arg12 : memref<128x128xf32, #tpu.memory_space<vmem>>) target_semaphore(%arg16 : memref<!tpu.dma_semaphore, #tpu.memory_space<semaphore_mem>>)
      %add3A_67 = arith.addi %add3A, %mul3A_58 : i32
      %add3A_68 = arith.constant 1 : i32
      %add3A_69 = arith.addi %add3A_67, %add3A_68 : i32
      %mul3A_70 = arith.constant 128 : i32
      %mul3A_71 = arith.muli %add3A_69, %mul3A_70 : i32
      %dma_start3A_72 = arith.constant 0 : i32
      %dma_start3A_73 = tpu.memref_slice %arg3[%mul3A_71, %dma_start3A_72] : memref<327680x128xf32, #tpu.memory_space<hbm>> -> memref<128x128xf32, #tpu.memory_space<hbm>>
      %dma_start3A_74 = arith.constant 0 : i32
      %dma_start3A_75 = tpu.memref_slice %arg3[%mul3A_71, %dma_start3A_74] : memref<327680x128xf32, #tpu.memory_space<hbm>> -> memref<128x128xf32, #tpu.memory_space<hbm>>
      tpu.enqueue_dma source(%dma_start3A_75 : memref<128x128xf32, #tpu.memory_space<hbm>>) target(%arg13 : memref<128x128xf32, #tpu.memory_space<vmem>>) target_semaphore(%arg17 : memref<!tpu.dma_semaphore, #tpu.memory_space<semaphore_mem>>)
      %dma_wait3A = arith.constant 0 : i32
      %dma_wait3A_76 = tpu.memref_slice %arg3[%mul3A_63, %dma_wait3A] : memref<327680x128xf32, #tpu.memory_space<hbm>> -> memref<128x128xf32, #tpu.memory_space<hbm>>
      %dma_wait3A_77 = arith.constant 0 : i32
      %dma_wait3A_78 = tpu.memref_slice %arg3[%mul3A_63, %dma_wait3A_77] : memref<327680x128xf32, #tpu.memory_space<hbm>> -> memref<128x128xf32, #tpu.memory_space<hbm>>
      tpu.wait_dma2 semaphore(%arg16 : memref<!tpu.dma_semaphore, #tpu.memory_space<semaphore_mem>>) src(%dma_wait3A_78 : memref<128x128xf32, #tpu.memory_space<hbm>>) dst(%arg12 : memref<128x128xf32, #tpu.memory_space<vmem>>)
      %add3A_79 = arith.constant 0 : i32
      %add3A_80 = arith.addi %mul3A_58, %add3A_79 : i32
      "tpu.region"() ({
        %run_scoped3A = tpu.sem_alloc : memref<!tpu.dma_semaphore, #tpu.memory_space<semaphore_mem>>
        %dma_start3A_87 = arith.constant 0 : i32
        %dma_start3A_88 = tpu.memref_slice %arg11[%add3A_80, %dma_start3A_87] : memref<80x128xi32, #tpu.memory_space<vmem>> -> memref<1x128xi32, #tpu.memory_space<vmem>>
        %dma_start3A_89 = tpu.memref_squeeze %dma_start3A_88 : memref<1x128xi32, #tpu.memory_space<vmem>> -> memref<128xi32, #tpu.memory_space<vmem>>
        %dma_start3A_90 = arith.constant 0 : i32
        %dma_start3A_91 = arith.constant 0 : i32
        %dma_start3A_92 = tpu.memref_slice %arg15[%dma_start3A_90, %dma_start3A_91] : memref<10240x128xf32, #tpu.memory_space<vmem_shared>> -> memref<10240x128xf32, #tpu.memory_space<vmem_shared>>
        tpu.enqueue_indirect_dma source(%arg12 : memref<128x128xf32, #tpu.memory_space<vmem>>) target(%dma_start3A_92 : memref<10240x128xf32, #tpu.memory_space<vmem_shared>>) offsets(%dma_start3A_89 : memref<128xi32, #tpu.memory_space<vmem>>) semaphore(%run_scoped3A : memref<!tpu.dma_semaphore, #tpu.memory_space<semaphore_mem>>) {add = true}
        %dma_wait3A_93 = arith.constant 0 : i32
        %dma_wait3A_94 = tpu.memref_slice %arg11[%add3A_80, %dma_wait3A_93] : memref<80x128xi32, #tpu.memory_space<vmem>> -> memref<1x128xi32, #tpu.memory_space<vmem>>
        %dma_wait3A_95 = tpu.memref_squeeze %dma_wait3A_94 : memref<1x128xi32, #tpu.memory_space<vmem>> -> memref<128xi32, #tpu.memory_space<vmem>>
        %dma_wait3A_96 = arith.constant 0 : i32
        %dma_wait3A_97 = arith.constant 0 : i32
        %dma_wait3A_98 = tpu.memref_slice %arg15[%dma_wait3A_96, %dma_wait3A_97] : memref<10240x128xf32, #tpu.memory_space<vmem_shared>> -> memref<10240x128xf32, #tpu.memory_space<vmem_shared>>
        tpu.wait_indirect_dma semaphore(%run_scoped3A : memref<!tpu.dma_semaphore, #tpu.memory_space<semaphore_mem>>) src(%arg12 : memref<128x128xf32, #tpu.memory_space<vmem>>) dst(%dma_wait3A_98 : memref<10240x128xf32, #tpu.memory_space<vmem_shared>>)
        tpu.yield
      }) : () -> ()
      %dma_wait3A_81 = arith.constant 0 : i32
      %dma_wait3A_82 = tpu.memref_slice %arg3[%mul3A_71, %dma_wait3A_81] : memref<327680x128xf32, #tpu.memory_space<hbm>> -> memref<128x128xf32, #tpu.memory_space<hbm>>
      %dma_wait3A_83 = arith.constant 0 : i32
      %dma_wait3A_84 = tpu.memref_slice %arg3[%mul3A_71, %dma_wait3A_83] : memref<327680x128xf32, #tpu.memory_space<hbm>> -> memref<128x128xf32, #tpu.memory_space<hbm>>
      tpu.wait_dma2 semaphore(%arg17 : memref<!tpu.dma_semaphore, #tpu.memory_space<semaphore_mem>>) src(%dma_wait3A_84 : memref<128x128xf32, #tpu.memory_space<hbm>>) dst(%arg13 : memref<128x128xf32, #tpu.memory_space<vmem>>)
      %add3A_85 = arith.constant 1 : i32
      %add3A_86 = arith.addi %mul3A_58, %add3A_85 : i32
      "tpu.region"() ({
        %run_scoped3A = tpu.sem_alloc : memref<!tpu.dma_semaphore, #tpu.memory_space<semaphore_mem>>
        %dma_start3A_87 = arith.constant 0 : i32
        %dma_start3A_88 = tpu.memref_slice %arg11[%add3A_86, %dma_start3A_87] : memref<80x128xi32, #tpu.memory_space<vmem>> -> memref<1x128xi32, #tpu.memory_space<vmem>>
        %dma_start3A_89 = tpu.memref_squeeze %dma_start3A_88 : memref<1x128xi32, #tpu.memory_space<vmem>> -> memref<128xi32, #tpu.memory_space<vmem>>
        %dma_start3A_90 = arith.constant 0 : i32
        %dma_start3A_91 = arith.constant 0 : i32
        %dma_start3A_92 = tpu.memref_slice %arg15[%dma_start3A_90, %dma_start3A_91] : memref<10240x128xf32, #tpu.memory_space<vmem_shared>> -> memref<10240x128xf32, #tpu.memory_space<vmem_shared>>
        tpu.enqueue_indirect_dma source(%arg13 : memref<128x128xf32, #tpu.memory_space<vmem>>) target(%dma_start3A_92 : memref<10240x128xf32, #tpu.memory_space<vmem_shared>>) offsets(%dma_start3A_89 : memref<128xi32, #tpu.memory_space<vmem>>) semaphore(%run_scoped3A : memref<!tpu.dma_semaphore, #tpu.memory_space<semaphore_mem>>) {add = true}
        %dma_wait3A_93 = arith.constant 0 : i32
        %dma_wait3A_94 = tpu.memref_slice %arg11[%add3A_86, %dma_wait3A_93] : memref<80x128xi32, #tpu.memory_space<vmem>> -> memref<1x128xi32, #tpu.memory_space<vmem>>
        %dma_wait3A_95 = tpu.memref_squeeze %dma_wait3A_94 : memref<1x128xi32, #tpu.memory_space<vmem>> -> memref<128xi32, #tpu.memory_space<vmem>>
        %dma_wait3A_96 = arith.constant 0 : i32
        %dma_wait3A_97 = arith.constant 0 : i32
        %dma_wait3A_98 = tpu.memref_slice %arg15[%dma_wait3A_96, %dma_wait3A_97] : memref<10240x128xf32, #tpu.memory_space<vmem_shared>> -> memref<10240x128xf32, #tpu.memory_space<vmem_shared>>
        tpu.wait_indirect_dma semaphore(%run_scoped3A : memref<!tpu.dma_semaphore, #tpu.memory_space<semaphore_mem>>) src(%arg13 : memref<128x128xf32, #tpu.memory_space<vmem>>) dst(%dma_wait3A_98 : memref<10240x128xf32, #tpu.memory_space<vmem_shared>>)
        tpu.yield
      }) : () -> ()
    }
    %scan3A_30 = arith.constant 40 : i32
    %barrier3A_31 = arith.constant 0 : index
    tpu.barrier barrier_id(%barrier3A_31)
    "tpu.region"() ({
      %run_scoped3A = tpu.sem_alloc : memref<!tpu.dma_semaphore, #tpu.memory_space<semaphore_mem>>
      %dma_start3A = arith.constant 0 : i32
      %dma_start3A_56 = arith.constant 0 : i32
      %dma_start3A_57 = tpu.memref_slice %arg8[%arg0, %dma_start3A, %dma_start3A_56] : memref<2x10240x128xf32, #tpu.memory_space<hbm>> -> memref<1x10240x128xf32, #tpu.memory_space<hbm>>
      %dma_start3A_58 = tpu.memref_squeeze %dma_start3A_57 : memref<1x10240x128xf32, #tpu.memory_space<hbm>> -> memref<10240x128xf32, #tpu.memory_space<hbm>>
      %dma_start3A_59 = arith.constant 0 : i32
      %dma_start3A_60 = tpu.memref_slice %dma_start3A_58[%mul3A_8, %dma_start3A_59] : memref<10240x128xf32, #tpu.memory_space<hbm>> -> memref<640x128xf32, #tpu.memory_space<hbm>>
      %dma_start3A_61 = arith.constant 0 : i32
      %dma_start3A_62 = tpu.memref_slice %arg15[%mul3A_8, %dma_start3A_61] : memref<10240x128xf32, #tpu.memory_space<vmem_shared>> -> memref<640x128xf32, #tpu.memory_space<vmem_shared>>
      tpu.enqueue_dma source(%dma_start3A_62 : memref<640x128xf32, #tpu.memory_space<vmem_shared>>) target(%dma_start3A_60 : memref<640x128xf32, #tpu.memory_space<hbm>>) target_semaphore(%run_scoped3A : memref<!tpu.dma_semaphore, #tpu.memory_space<semaphore_mem>>)
      %dma_wait3A = arith.constant 0 : i32
      %dma_wait3A_63 = arith.constant 0 : i32
      %dma_wait3A_64 = tpu.memref_slice %arg8[%arg0, %dma_wait3A, %dma_wait3A_63] : memref<2x10240x128xf32, #tpu.memory_space<hbm>> -> memref<1x10240x128xf32, #tpu.memory_space<hbm>>
      %dma_wait3A_65 = tpu.memref_squeeze %dma_wait3A_64 : memref<1x10240x128xf32, #tpu.memory_space<hbm>> -> memref<10240x128xf32, #tpu.memory_space<hbm>>
      %dma_wait3A_66 = arith.constant 0 : i32
      %dma_wait3A_67 = tpu.memref_slice %dma_wait3A_65[%mul3A_8, %dma_wait3A_66] : memref<10240x128xf32, #tpu.memory_space<hbm>> -> memref<640x128xf32, #tpu.memory_space<hbm>>
      %dma_wait3A_68 = arith.constant 0 : i32
      %dma_wait3A_69 = tpu.memref_slice %arg15[%mul3A_8, %dma_wait3A_68] : memref<10240x128xf32, #tpu.memory_space<vmem_shared>> -> memref<640x128xf32, #tpu.memory_space<vmem_shared>>
      tpu.wait_dma2 semaphore(%run_scoped3A : memref<!tpu.dma_semaphore, #tpu.memory_space<semaphore_mem>>) src(%dma_wait3A_69 : memref<640x128xf32, #tpu.memory_space<vmem_shared>>) dst(%dma_wait3A_67 : memref<640x128xf32, #tpu.memory_space<hbm>>)
      tpu.yield
    }) : () -> ()
    %scan3A_32 = arith.constant 0 : i32
    %scan3A_33 = arith.constant 20 : i32
    %scan3A_34 = arith.addi %scan3A_32, %scan3A_33 : i32
    %scan3A_35 = arith.constant 1 : i32
    scf.for %scan3A_56 = %scan3A_32 to %scan3A_34 step %scan3A_35  : i32 {
      %mul3A_57 = arith.constant 32 : i32
      %mul3A_58 = arith.muli %scan3A_56, %mul3A_57 : i32
      %add3A_59 = arith.addi %mul3A_8, %mul3A_58 : i32
      "tpu.region"() ({
        %run_scoped3A = tpu.sem_alloc : memref<!tpu.dma_semaphore, #tpu.memory_space<semaphore_mem>>
        %dma_start3A = arith.constant 0 : i32
        %dma_start3A_60 = tpu.memref_slice %arg15[%add3A_59, %dma_start3A] : memref<10240x128xf32, #tpu.memory_space<vmem_shared>> -> memref<32x128xf32, #tpu.memory_space<vmem_shared>>
        %dma_start3A_61 = arith.constant 0 : i32
        %dma_start3A_62 = tpu.memref_slice %arg15[%add3A_59, %dma_start3A_61] : memref<10240x128xf32, #tpu.memory_space<vmem_shared>> -> memref<32x128xf32, #tpu.memory_space<vmem_shared>>
        tpu.enqueue_dma source(%arg14 : memref<32x128xf32, #tpu.memory_space<vmem>>) target(%dma_start3A_62 : memref<32x128xf32, #tpu.memory_space<vmem_shared>>) target_semaphore(%run_scoped3A : memref<!tpu.dma_semaphore, #tpu.memory_space<semaphore_mem>>)
        %dma_wait3A = arith.constant 0 : i32
        %dma_wait3A_63 = tpu.memref_slice %arg15[%add3A_59, %dma_wait3A] : memref<10240x128xf32, #tpu.memory_space<vmem_shared>> -> memref<32x128xf32, #tpu.memory_space<vmem_shared>>
        %dma_wait3A_64 = arith.constant 0 : i32
        %dma_wait3A_65 = tpu.memref_slice %arg15[%add3A_59, %dma_wait3A_64] : memref<10240x128xf32, #tpu.memory_space<vmem_shared>> -> memref<32x128xf32, #tpu.memory_space<vmem_shared>>
        tpu.wait_dma2 semaphore(%run_scoped3A : memref<!tpu.dma_semaphore, #tpu.memory_space<semaphore_mem>>) src(%arg14 : memref<32x128xf32, #tpu.memory_space<vmem>>) dst(%dma_wait3A_65 : memref<32x128xf32, #tpu.memory_space<vmem_shared>>)
        tpu.yield
      }) : () -> ()
    }
    %scan3A_36 = arith.constant 20 : i32
    %barrier3A_37 = arith.constant 0 : index
    tpu.barrier barrier_id(%barrier3A_37)
    %scan3A_38 = arith.constant 0 : i32
    %scan3A_39 = arith.constant 40 : i32
    %scan3A_40 = arith.addi %scan3A_38, %scan3A_39 : i32
    %scan3A_41 = arith.constant 1 : i32
    scf.for %scan3A_56 = %scan3A_38 to %scan3A_40 step %scan3A_41  : i32 {
      %mul3A_57 = arith.constant 2 : i32
      %mul3A_58 = arith.muli %scan3A_56, %mul3A_57 : i32
      %add3A_59 = arith.addi %add3A, %mul3A_58 : i32
      %add3A_60 = arith.constant 0 : i32
      %add3A_61 = arith.addi %add3A_59, %add3A_60 : i32
      %mul3A_62 = arith.constant 128 : i32
      %mul3A_63 = arith.muli %add3A_61, %mul3A_62 : i32
      %dma_start3A = arith.constant 0 : i32
      %dma_start3A_64 = tpu.memref_slice %arg4[%mul3A_63, %dma_start3A] : memref<327680x128xf32, #tpu.memory_space<hbm>> -> memref<128x128xf32, #tpu.memory_space<hbm>>
      %dma_start3A_65 = arith.constant 0 : i32
      %dma_start3A_66 = tpu.memref_slice %arg4[%mul3A_63, %dma_start3A_65] : memref<327680x128xf32, #tpu.memory_space<hbm>> -> memref<128x128xf32, #tpu.memory_space<hbm>>
      tpu.enqueue_dma source(%dma_start3A_66 : memref<128x128xf32, #tpu.memory_space<hbm>>) target(%arg12 : memref<128x128xf32, #tpu.memory_space<vmem>>) target_semaphore(%arg16 : memref<!tpu.dma_semaphore, #tpu.memory_space<semaphore_mem>>)
      %add3A_67 = arith.addi %add3A, %mul3A_58 : i32
      %add3A_68 = arith.constant 1 : i32
      %add3A_69 = arith.addi %add3A_67, %add3A_68 : i32
      %mul3A_70 = arith.constant 128 : i32
      %mul3A_71 = arith.muli %add3A_69, %mul3A_70 : i32
      %dma_start3A_72 = arith.constant 0 : i32
      %dma_start3A_73 = tpu.memref_slice %arg4[%mul3A_71, %dma_start3A_72] : memref<327680x128xf32, #tpu.memory_space<hbm>> -> memref<128x128xf32, #tpu.memory_space<hbm>>
      %dma_start3A_74 = arith.constant 0 : i32
      %dma_start3A_75 = tpu.memref_slice %arg4[%mul3A_71, %dma_start3A_74] : memref<327680x128xf32, #tpu.memory_space<hbm>> -> memref<128x128xf32, #tpu.memory_space<hbm>>
      tpu.enqueue_dma source(%dma_start3A_75 : memref<128x128xf32, #tpu.memory_space<hbm>>) target(%arg13 : memref<128x128xf32, #tpu.memory_space<vmem>>) target_semaphore(%arg17 : memref<!tpu.dma_semaphore, #tpu.memory_space<semaphore_mem>>)
      %dma_wait3A = arith.constant 0 : i32
      %dma_wait3A_76 = tpu.memref_slice %arg4[%mul3A_63, %dma_wait3A] : memref<327680x128xf32, #tpu.memory_space<hbm>> -> memref<128x128xf32, #tpu.memory_space<hbm>>
      %dma_wait3A_77 = arith.constant 0 : i32
      %dma_wait3A_78 = tpu.memref_slice %arg4[%mul3A_63, %dma_wait3A_77] : memref<327680x128xf32, #tpu.memory_space<hbm>> -> memref<128x128xf32, #tpu.memory_space<hbm>>
      tpu.wait_dma2 semaphore(%arg16 : memref<!tpu.dma_semaphore, #tpu.memory_space<semaphore_mem>>) src(%dma_wait3A_78 : memref<128x128xf32, #tpu.memory_space<hbm>>) dst(%arg12 : memref<128x128xf32, #tpu.memory_space<vmem>>)
      %add3A_79 = arith.constant 0 : i32
      %add3A_80 = arith.addi %mul3A_58, %add3A_79 : i32
      "tpu.region"() ({
        %run_scoped3A = tpu.sem_alloc : memref<!tpu.dma_semaphore, #tpu.memory_space<semaphore_mem>>
        %dma_start3A_87 = arith.constant 0 : i32
        %dma_start3A_88 = tpu.memref_slice %arg11[%add3A_80, %dma_start3A_87] : memref<80x128xi32, #tpu.memory_space<vmem>> -> memref<1x128xi32, #tpu.memory_space<vmem>>
        %dma_start3A_89 = tpu.memref_squeeze %dma_start3A_88 : memref<1x128xi32, #tpu.memory_space<vmem>> -> memref<128xi32, #tpu.memory_space<vmem>>
        %dma_start3A_90 = arith.constant 0 : i32
        %dma_start3A_91 = arith.constant 0 : i32
        %dma_start3A_92 = tpu.memref_slice %arg15[%dma_start3A_90, %dma_start3A_91] : memref<10240x128xf32, #tpu.memory_space<vmem_shared>> -> memref<10240x128xf32, #tpu.memory_space<vmem_shared>>
        tpu.enqueue_indirect_dma source(%arg12 : memref<128x128xf32, #tpu.memory_space<vmem>>) target(%dma_start3A_92 : memref<10240x128xf32, #tpu.memory_space<vmem_shared>>) offsets(%dma_start3A_89 : memref<128xi32, #tpu.memory_space<vmem>>) semaphore(%run_scoped3A : memref<!tpu.dma_semaphore, #tpu.memory_space<semaphore_mem>>) {add = true}
        %dma_wait3A_93 = arith.constant 0 : i32
        %dma_wait3A_94 = tpu.memref_slice %arg11[%add3A_80, %dma_wait3A_93] : memref<80x128xi32, #tpu.memory_space<vmem>> -> memref<1x128xi32, #tpu.memory_space<vmem>>
        %dma_wait3A_95 = tpu.memref_squeeze %dma_wait3A_94 : memref<1x128xi32, #tpu.memory_space<vmem>> -> memref<128xi32, #tpu.memory_space<vmem>>
        %dma_wait3A_96 = arith.constant 0 : i32
        %dma_wait3A_97 = arith.constant 0 : i32
        %dma_wait3A_98 = tpu.memref_slice %arg15[%dma_wait3A_96, %dma_wait3A_97] : memref<10240x128xf32, #tpu.memory_space<vmem_shared>> -> memref<10240x128xf32, #tpu.memory_space<vmem_shared>>
        tpu.wait_indirect_dma semaphore(%run_scoped3A : memref<!tpu.dma_semaphore, #tpu.memory_space<semaphore_mem>>) src(%arg12 : memref<128x128xf32, #tpu.memory_space<vmem>>) dst(%dma_wait3A_98 : memref<10240x128xf32, #tpu.memory_space<vmem_shared>>)
        tpu.yield
      }) : () -> ()
      %dma_wait3A_81 = arith.constant 0 : i32
      %dma_wait3A_82 = tpu.memref_slice %arg4[%mul3A_71, %dma_wait3A_81] : memref<327680x128xf32, #tpu.memory_space<hbm>> -> memref<128x128xf32, #tpu.memory_space<hbm>>
      %dma_wait3A_83 = arith.constant 0 : i32
      %dma_wait3A_84 = tpu.memref_slice %arg4[%mul3A_71, %dma_wait3A_83] : memref<327680x128xf32, #tpu.memory_space<hbm>> -> memref<128x128xf32, #tpu.memory_space<hbm>>
      tpu.wait_dma2 semaphore(%arg17 : memref<!tpu.dma_semaphore, #tpu.memory_space<semaphore_mem>>) src(%dma_wait3A_84 : memref<128x128xf32, #tpu.memory_space<hbm>>) dst(%arg13 : memref<128x128xf32, #tpu.memory_space<vmem>>)
      %add3A_85 = arith.constant 1 : i32
      %add3A_86 = arith.addi %mul3A_58, %add3A_85 : i32
      "tpu.region"() ({
        %run_scoped3A = tpu.sem_alloc : memref<!tpu.dma_semaphore, #tpu.memory_space<semaphore_mem>>
        %dma_start3A_87 = arith.constant 0 : i32
        %dma_start3A_88 = tpu.memref_slice %arg11[%add3A_86, %dma_start3A_87] : memref<80x128xi32, #tpu.memory_space<vmem>> -> memref<1x128xi32, #tpu.memory_space<vmem>>
        %dma_start3A_89 = tpu.memref_squeeze %dma_start3A_88 : memref<1x128xi32, #tpu.memory_space<vmem>> -> memref<128xi32, #tpu.memory_space<vmem>>
        %dma_start3A_90 = arith.constant 0 : i32
        %dma_start3A_91 = arith.constant 0 : i32
        %dma_start3A_92 = tpu.memref_slice %arg15[%dma_start3A_90, %dma_start3A_91] : memref<10240x128xf32, #tpu.memory_space<vmem_shared>> -> memref<10240x128xf32, #tpu.memory_space<vmem_shared>>
        tpu.enqueue_indirect_dma source(%arg13 : memref<128x128xf32, #tpu.memory_space<vmem>>) target(%dma_start3A_92 : memref<10240x128xf32, #tpu.memory_space<vmem_shared>>) offsets(%dma_start3A_89 : memref<128xi32, #tpu.memory_space<vmem>>) semaphore(%run_scoped3A : memref<!tpu.dma_semaphore, #tpu.memory_space<semaphore_mem>>) {add = true}
        %dma_wait3A_93 = arith.constant 0 : i32
        %dma_wait3A_94 = tpu.memref_slice %arg11[%add3A_86, %dma_wait3A_93] : memref<80x128xi32, #tpu.memory_space<vmem>> -> memref<1x128xi32, #tpu.memory_space<vmem>>
        %dma_wait3A_95 = tpu.memref_squeeze %dma_wait3A_94 : memref<1x128xi32, #tpu.memory_space<vmem>> -> memref<128xi32, #tpu.memory_space<vmem>>
        %dma_wait3A_96 = arith.constant 0 : i32
        %dma_wait3A_97 = arith.constant 0 : i32
        %dma_wait3A_98 = tpu.memref_slice %arg15[%dma_wait3A_96, %dma_wait3A_97] : memref<10240x128xf32, #tpu.memory_space<vmem_shared>> -> memref<10240x128xf32, #tpu.memory_space<vmem_shared>>
        tpu.wait_indirect_dma semaphore(%run_scoped3A : memref<!tpu.dma_semaphore, #tpu.memory_space<semaphore_mem>>) src(%arg13 : memref<128x128xf32, #tpu.memory_space<vmem>>) dst(%dma_wait3A_98 : memref<10240x128xf32, #tpu.memory_space<vmem_shared>>)
        tpu.yield
      }) : () -> ()
    }
    %scan3A_42 = arith.constant 40 : i32
    %barrier3A_43 = arith.constant 0 : index
    tpu.barrier barrier_id(%barrier3A_43)
    "tpu.region"() ({
      %run_scoped3A = tpu.sem_alloc : memref<!tpu.dma_semaphore, #tpu.memory_space<semaphore_mem>>
      %dma_start3A = arith.constant 0 : i32
      %dma_start3A_56 = arith.constant 0 : i32
      %dma_start3A_57 = tpu.memref_slice %arg9[%arg0, %dma_start3A, %dma_start3A_56] : memref<2x10240x128xf32, #tpu.memory_space<hbm>> -> memref<1x10240x128xf32, #tpu.memory_space<hbm>>
      %dma_start3A_58 = tpu.memref_squeeze %dma_start3A_57 : memref<1x10240x128xf32, #tpu.memory_space<hbm>> -> memref<10240x128xf32, #tpu.memory_space<hbm>>
      %dma_start3A_59 = arith.constant 0 : i32
      %dma_start3A_60 = tpu.memref_slice %dma_start3A_58[%mul3A_8, %dma_start3A_59] : memref<10240x128xf32, #tpu.memory_space<hbm>> -> memref<640x128xf32, #tpu.memory_space<hbm>>
      %dma_start3A_61 = arith.constant 0 : i32
      %dma_start3A_62 = tpu.memref_slice %arg15[%mul3A_8, %dma_start3A_61] : memref<10240x128xf32, #tpu.memory_space<vmem_shared>> -> memref<640x128xf32, #tpu.memory_space<vmem_shared>>
      tpu.enqueue_dma source(%dma_start3A_62 : memref<640x128xf32, #tpu.memory_space<vmem_shared>>) target(%dma_start3A_60 : memref<640x128xf32, #tpu.memory_space<hbm>>) target_semaphore(%run_scoped3A : memref<!tpu.dma_semaphore, #tpu.memory_space<semaphore_mem>>)
      %dma_wait3A = arith.constant 0 : i32
      %dma_wait3A_63 = arith.constant 0 : i32
      %dma_wait3A_64 = tpu.memref_slice %arg9[%arg0, %dma_wait3A, %dma_wait3A_63] : memref<2x10240x128xf32, #tpu.memory_space<hbm>> -> memref<1x10240x128xf32, #tpu.memory_space<hbm>>
      %dma_wait3A_65 = tpu.memref_squeeze %dma_wait3A_64 : memref<1x10240x128xf32, #tpu.memory_space<hbm>> -> memref<10240x128xf32, #tpu.memory_space<hbm>>
      %dma_wait3A_66 = arith.constant 0 : i32
      %dma_wait3A_67 = tpu.memref_slice %dma_wait3A_65[%mul3A_8, %dma_wait3A_66] : memref<10240x128xf32, #tpu.memory_space<hbm>> -> memref<640x128xf32, #tpu.memory_space<hbm>>
      %dma_wait3A_68 = arith.constant 0 : i32
      %dma_wait3A_69 = tpu.memref_slice %arg15[%mul3A_8, %dma_wait3A_68] : memref<10240x128xf32, #tpu.memory_space<vmem_shared>> -> memref<640x128xf32, #tpu.memory_space<vmem_shared>>
      tpu.wait_dma2 semaphore(%run_scoped3A : memref<!tpu.dma_semaphore, #tpu.memory_space<semaphore_mem>>) src(%dma_wait3A_69 : memref<640x128xf32, #tpu.memory_space<vmem_shared>>) dst(%dma_wait3A_67 : memref<640x128xf32, #tpu.memory_space<hbm>>)
      tpu.yield
    }) : () -> ()
    %scan3A_44 = arith.constant 0 : i32
    %scan3A_45 = arith.constant 20 : i32
    %scan3A_46 = arith.addi %scan3A_44, %scan3A_45 : i32
    %scan3A_47 = arith.constant 1 : i32
    scf.for %scan3A_56 = %scan3A_44 to %scan3A_46 step %scan3A_47  : i32 {
      %mul3A_57 = arith.constant 32 : i32
      %mul3A_58 = arith.muli %scan3A_56, %mul3A_57 : i32
      %add3A_59 = arith.addi %mul3A_8, %mul3A_58 : i32
      "tpu.region"() ({
        %run_scoped3A = tpu.sem_alloc : memref<!tpu.dma_semaphore, #tpu.memory_space<semaphore_mem>>
        %dma_start3A = arith.constant 0 : i32
        %dma_start3A_60 = tpu.memref_slice %arg15[%add3A_59, %dma_start3A] : memref<10240x128xf32, #tpu.memory_space<vmem_shared>> -> memref<32x128xf32, #tpu.memory_space<vmem_shared>>
        %dma_start3A_61 = arith.constant 0 : i32
        %dma_start3A_62 = tpu.memref_slice %arg15[%add3A_59, %dma_start3A_61] : memref<10240x128xf32, #tpu.memory_space<vmem_shared>> -> memref<32x128xf32, #tpu.memory_space<vmem_shared>>
        tpu.enqueue_dma source(%arg14 : memref<32x128xf32, #tpu.memory_space<vmem>>) target(%dma_start3A_62 : memref<32x128xf32, #tpu.memory_space<vmem_shared>>) target_semaphore(%run_scoped3A : memref<!tpu.dma_semaphore, #tpu.memory_space<semaphore_mem>>)
        %dma_wait3A = arith.constant 0 : i32
        %dma_wait3A_63 = tpu.memref_slice %arg15[%add3A_59, %dma_wait3A] : memref<10240x128xf32, #tpu.memory_space<vmem_shared>> -> memref<32x128xf32, #tpu.memory_space<vmem_shared>>
        %dma_wait3A_64 = arith.constant 0 : i32
        %dma_wait3A_65 = tpu.memref_slice %arg15[%add3A_59, %dma_wait3A_64] : memref<10240x128xf32, #tpu.memory_space<vmem_shared>> -> memref<32x128xf32, #tpu.memory_space<vmem_shared>>
        tpu.wait_dma2 semaphore(%run_scoped3A : memref<!tpu.dma_semaphore, #tpu.memory_space<semaphore_mem>>) src(%arg14 : memref<32x128xf32, #tpu.memory_space<vmem>>) dst(%dma_wait3A_65 : memref<32x128xf32, #tpu.memory_space<vmem_shared>>)
        tpu.yield
      }) : () -> ()
    }
    %scan3A_48 = arith.constant 20 : i32
    %barrier3A_49 = arith.constant 0 : index
    tpu.barrier barrier_id(%barrier3A_49)
    %scan3A_50 = arith.constant 0 : i32
    %scan3A_51 = arith.constant 40 : i32
    %scan3A_52 = arith.addi %scan3A_50, %scan3A_51 : i32
    %scan3A_53 = arith.constant 1 : i32
    scf.for %scan3A_56 = %scan3A_50 to %scan3A_52 step %scan3A_53  : i32 {
      %mul3A_57 = arith.constant 2 : i32
      %mul3A_58 = arith.muli %scan3A_56, %mul3A_57 : i32
      %add3A_59 = arith.addi %add3A, %mul3A_58 : i32
      %add3A_60 = arith.constant 0 : i32
      %add3A_61 = arith.addi %add3A_59, %add3A_60 : i32
      %mul3A_62 = arith.constant 128 : i32
      %mul3A_63 = arith.muli %add3A_61, %mul3A_62 : i32
      %dma_start3A = arith.constant 0 : i32
      %dma_start3A_64 = tpu.memref_slice %arg5[%mul3A_63, %dma_start3A] : memref<327680x128xf32, #tpu.memory_space<hbm>> -> memref<128x128xf32, #tpu.memory_space<hbm>>
      %dma_start3A_65 = arith.constant 0 : i32
      %dma_start3A_66 = tpu.memref_slice %arg5[%mul3A_63, %dma_start3A_65] : memref<327680x128xf32, #tpu.memory_space<hbm>> -> memref<128x128xf32, #tpu.memory_space<hbm>>
      tpu.enqueue_dma source(%dma_start3A_66 : memref<128x128xf32, #tpu.memory_space<hbm>>) target(%arg12 : memref<128x128xf32, #tpu.memory_space<vmem>>) target_semaphore(%arg16 : memref<!tpu.dma_semaphore, #tpu.memory_space<semaphore_mem>>)
      %add3A_67 = arith.addi %add3A, %mul3A_58 : i32
      %add3A_68 = arith.constant 1 : i32
      %add3A_69 = arith.addi %add3A_67, %add3A_68 : i32
      %mul3A_70 = arith.constant 128 : i32
      %mul3A_71 = arith.muli %add3A_69, %mul3A_70 : i32
      %dma_start3A_72 = arith.constant 0 : i32
      %dma_start3A_73 = tpu.memref_slice %arg5[%mul3A_71, %dma_start3A_72] : memref<327680x128xf32, #tpu.memory_space<hbm>> -> memref<128x128xf32, #tpu.memory_space<hbm>>
      %dma_start3A_74 = arith.constant 0 : i32
      %dma_start3A_75 = tpu.memref_slice %arg5[%mul3A_71, %dma_start3A_74] : memref<327680x128xf32, #tpu.memory_space<hbm>> -> memref<128x128xf32, #tpu.memory_space<hbm>>
      tpu.enqueue_dma source(%dma_start3A_75 : memref<128x128xf32, #tpu.memory_space<hbm>>) target(%arg13 : memref<128x128xf32, #tpu.memory_space<vmem>>) target_semaphore(%arg17 : memref<!tpu.dma_semaphore, #tpu.memory_space<semaphore_mem>>)
      %dma_wait3A = arith.constant 0 : i32
      %dma_wait3A_76 = tpu.memref_slice %arg5[%mul3A_63, %dma_wait3A] : memref<327680x128xf32, #tpu.memory_space<hbm>> -> memref<128x128xf32, #tpu.memory_space<hbm>>
      %dma_wait3A_77 = arith.constant 0 : i32
      %dma_wait3A_78 = tpu.memref_slice %arg5[%mul3A_63, %dma_wait3A_77] : memref<327680x128xf32, #tpu.memory_space<hbm>> -> memref<128x128xf32, #tpu.memory_space<hbm>>
      tpu.wait_dma2 semaphore(%arg16 : memref<!tpu.dma_semaphore, #tpu.memory_space<semaphore_mem>>) src(%dma_wait3A_78 : memref<128x128xf32, #tpu.memory_space<hbm>>) dst(%arg12 : memref<128x128xf32, #tpu.memory_space<vmem>>)
      %add3A_79 = arith.constant 0 : i32
      %add3A_80 = arith.addi %mul3A_58, %add3A_79 : i32
      "tpu.region"() ({
        %run_scoped3A = tpu.sem_alloc : memref<!tpu.dma_semaphore, #tpu.memory_space<semaphore_mem>>
        %dma_start3A_87 = arith.constant 0 : i32
        %dma_start3A_88 = tpu.memref_slice %arg11[%add3A_80, %dma_start3A_87] : memref<80x128xi32, #tpu.memory_space<vmem>> -> memref<1x128xi32, #tpu.memory_space<vmem>>
        %dma_start3A_89 = tpu.memref_squeeze %dma_start3A_88 : memref<1x128xi32, #tpu.memory_space<vmem>> -> memref<128xi32, #tpu.memory_space<vmem>>
        %dma_start3A_90 = arith.constant 0 : i32
        %dma_start3A_91 = arith.constant 0 : i32
        %dma_start3A_92 = tpu.memref_slice %arg15[%dma_start3A_90, %dma_start3A_91] : memref<10240x128xf32, #tpu.memory_space<vmem_shared>> -> memref<10240x128xf32, #tpu.memory_space<vmem_shared>>
        tpu.enqueue_indirect_dma source(%arg12 : memref<128x128xf32, #tpu.memory_space<vmem>>) target(%dma_start3A_92 : memref<10240x128xf32, #tpu.memory_space<vmem_shared>>) offsets(%dma_start3A_89 : memref<128xi32, #tpu.memory_space<vmem>>) semaphore(%run_scoped3A : memref<!tpu.dma_semaphore, #tpu.memory_space<semaphore_mem>>) {add = true}
        %dma_wait3A_93 = arith.constant 0 : i32
        %dma_wait3A_94 = tpu.memref_slice %arg11[%add3A_80, %dma_wait3A_93] : memref<80x128xi32, #tpu.memory_space<vmem>> -> memref<1x128xi32, #tpu.memory_space<vmem>>
        %dma_wait3A_95 = tpu.memref_squeeze %dma_wait3A_94 : memref<1x128xi32, #tpu.memory_space<vmem>> -> memref<128xi32, #tpu.memory_space<vmem>>
        %dma_wait3A_96 = arith.constant 0 : i32
        %dma_wait3A_97 = arith.constant 0 : i32
        %dma_wait3A_98 = tpu.memref_slice %arg15[%dma_wait3A_96, %dma_wait3A_97] : memref<10240x128xf32, #tpu.memory_space<vmem_shared>> -> memref<10240x128xf32, #tpu.memory_space<vmem_shared>>
        tpu.wait_indirect_dma semaphore(%run_scoped3A : memref<!tpu.dma_semaphore, #tpu.memory_space<semaphore_mem>>) src(%arg12 : memref<128x128xf32, #tpu.memory_space<vmem>>) dst(%dma_wait3A_98 : memref<10240x128xf32, #tpu.memory_space<vmem_shared>>)
        tpu.yield
      }) : () -> ()
      %dma_wait3A_81 = arith.constant 0 : i32
      %dma_wait3A_82 = tpu.memref_slice %arg5[%mul3A_71, %dma_wait3A_81] : memref<327680x128xf32, #tpu.memory_space<hbm>> -> memref<128x128xf32, #tpu.memory_space<hbm>>
      %dma_wait3A_83 = arith.constant 0 : i32
      %dma_wait3A_84 = tpu.memref_slice %arg5[%mul3A_71, %dma_wait3A_83] : memref<327680x128xf32, #tpu.memory_space<hbm>> -> memref<128x128xf32, #tpu.memory_space<hbm>>
      tpu.wait_dma2 semaphore(%arg17 : memref<!tpu.dma_semaphore, #tpu.memory_space<semaphore_mem>>) src(%dma_wait3A_84 : memref<128x128xf32, #tpu.memory_space<hbm>>) dst(%arg13 : memref<128x128xf32, #tpu.memory_space<vmem>>)
      %add3A_85 = arith.constant 1 : i32
      %add3A_86 = arith.addi %mul3A_58, %add3A_85 : i32
      "tpu.region"() ({
        %run_scoped3A = tpu.sem_alloc : memref<!tpu.dma_semaphore, #tpu.memory_space<semaphore_mem>>
        %dma_start3A_87 = arith.constant 0 : i32
        %dma_start3A_88 = tpu.memref_slice %arg11[%add3A_86, %dma_start3A_87] : memref<80x128xi32, #tpu.memory_space<vmem>> -> memref<1x128xi32, #tpu.memory_space<vmem>>
        %dma_start3A_89 = tpu.memref_squeeze %dma_start3A_88 : memref<1x128xi32, #tpu.memory_space<vmem>> -> memref<128xi32, #tpu.memory_space<vmem>>
        %dma_start3A_90 = arith.constant 0 : i32
        %dma_start3A_91 = arith.constant 0 : i32
        %dma_start3A_92 = tpu.memref_slice %arg15[%dma_start3A_90, %dma_start3A_91] : memref<10240x128xf32, #tpu.memory_space<vmem_shared>> -> memref<10240x128xf32, #tpu.memory_space<vmem_shared>>
        tpu.enqueue_indirect_dma source(%arg13 : memref<128x128xf32, #tpu.memory_space<vmem>>) target(%dma_start3A_92 : memref<10240x128xf32, #tpu.memory_space<vmem_shared>>) offsets(%dma_start3A_89 : memref<128xi32, #tpu.memory_space<vmem>>) semaphore(%run_scoped3A : memref<!tpu.dma_semaphore, #tpu.memory_space<semaphore_mem>>) {add = true}
        %dma_wait3A_93 = arith.constant 0 : i32
        %dma_wait3A_94 = tpu.memref_slice %arg11[%add3A_86, %dma_wait3A_93] : memref<80x128xi32, #tpu.memory_space<vmem>> -> memref<1x128xi32, #tpu.memory_space<vmem>>
        %dma_wait3A_95 = tpu.memref_squeeze %dma_wait3A_94 : memref<1x128xi32, #tpu.memory_space<vmem>> -> memref<128xi32, #tpu.memory_space<vmem>>
        %dma_wait3A_96 = arith.constant 0 : i32
        %dma_wait3A_97 = arith.constant 0 : i32
        %dma_wait3A_98 = tpu.memref_slice %arg15[%dma_wait3A_96, %dma_wait3A_97] : memref<10240x128xf32, #tpu.memory_space<vmem_shared>> -> memref<10240x128xf32, #tpu.memory_space<vmem_shared>>
        tpu.wait_indirect_dma semaphore(%run_scoped3A : memref<!tpu.dma_semaphore, #tpu.memory_space<semaphore_mem>>) src(%arg13 : memref<128x128xf32, #tpu.memory_space<vmem>>) dst(%dma_wait3A_98 : memref<10240x128xf32, #tpu.memory_space<vmem_shared>>)
        tpu.yield
      }) : () -> ()
    }
    %scan3A_54 = arith.constant 40 : i32
    %barrier3A_55 = arith.constant 0 : index
    tpu.barrier barrier_id(%barrier3A_55)
    "tpu.region"() ({
      %run_scoped3A = tpu.sem_alloc : memref<!tpu.dma_semaphore, #tpu.memory_space<semaphore_mem>>
      %dma_start3A = arith.constant 0 : i32
      %dma_start3A_56 = arith.constant 0 : i32
      %dma_start3A_57 = tpu.memref_slice %arg10[%arg0, %dma_start3A, %dma_start3A_56] : memref<2x10240x128xf32, #tpu.memory_space<hbm>> -> memref<1x10240x128xf32, #tpu.memory_space<hbm>>
      %dma_start3A_58 = tpu.memref_squeeze %dma_start3A_57 : memref<1x10240x128xf32, #tpu.memory_space<hbm>> -> memref<10240x128xf32, #tpu.memory_space<hbm>>
      %dma_start3A_59 = arith.constant 0 : i32
      %dma_start3A_60 = tpu.memref_slice %dma_start3A_58[%mul3A_8, %dma_start3A_59] : memref<10240x128xf32, #tpu.memory_space<hbm>> -> memref<640x128xf32, #tpu.memory_space<hbm>>
      %dma_start3A_61 = arith.constant 0 : i32
      %dma_start3A_62 = tpu.memref_slice %arg15[%mul3A_8, %dma_start3A_61] : memref<10240x128xf32, #tpu.memory_space<vmem_shared>> -> memref<640x128xf32, #tpu.memory_space<vmem_shared>>
      tpu.enqueue_dma source(%dma_start3A_62 : memref<640x128xf32, #tpu.memory_space<vmem_shared>>) target(%dma_start3A_60 : memref<640x128xf32, #tpu.memory_space<hbm>>) target_semaphore(%run_scoped3A : memref<!tpu.dma_semaphore, #tpu.memory_space<semaphore_mem>>)
      %dma_wait3A = arith.constant 0 : i32
      %dma_wait3A_63 = arith.constant 0 : i32
      %dma_wait3A_64 = tpu.memref_slice %arg10[%arg0, %dma_wait3A, %dma_wait3A_63] : memref<2x10240x128xf32, #tpu.memory_space<hbm>> -> memref<1x10240x128xf32, #tpu.memory_space<hbm>>
      %dma_wait3A_65 = tpu.memref_squeeze %dma_wait3A_64 : memref<1x10240x128xf32, #tpu.memory_space<hbm>> -> memref<10240x128xf32, #tpu.memory_space<hbm>>
      %dma_wait3A_66 = arith.constant 0 : i32
      %dma_wait3A_67 = tpu.memref_slice %dma_wait3A_65[%mul3A_8, %dma_wait3A_66] : memref<10240x128xf32, #tpu.memory_space<hbm>> -> memref<640x128xf32, #tpu.memory_space<hbm>>
      %dma_wait3A_68 = arith.constant 0 : i32
      %dma_wait3A_69 = tpu.memref_slice %arg15[%mul3A_8, %dma_wait3A_68] : memref<10240x128xf32, #tpu.memory_space<vmem_shared>> -> memref<640x128xf32, #tpu.memory_space<vmem_shared>>
      tpu.wait_dma2 semaphore(%run_scoped3A : memref<!tpu.dma_semaphore, #tpu.memory_space<semaphore_mem>>) src(%dma_wait3A_69 : memref<640x128xf32, #tpu.memory_space<vmem_shared>>) dst(%dma_wait3A_67 : memref<640x128xf32, #tpu.memory_space<hbm>>)
      tpu.yield
    }) : () -> ()
    return
  }
}

#map = affine_map<(d0, d1) -> (0, 0)>
#map1 = affine_map<(d0, d1) -> (0, 0, 0)>
module attributes {stable_mosaic.version = 14 : i64} {
  func.func @k(%arg0: i32, %arg1: i32, %arg2: memref<327680x128xf32, #tpu.memory_space<hbm>>, %arg3: memref<327680x128xf32, #tpu.memory_space<hbm>>, %arg4: memref<327680x128xf32, #tpu.memory_space<hbm>>, %arg5: memref<327680x128xf32, #tpu.memory_space<hbm>>, %arg6: memref<2560x128xi32, #tpu.memory_space<hbm>>, %arg7: memref<2x10240x128xf32, #tpu.memory_space<hbm>>, %arg8: memref<2x10240x128xf32, #tpu.memory_space<hbm>>, %arg9: memref<2x10240x128xf32, #tpu.memory_space<hbm>>, %arg10: memref<2x10240x128xf32, #tpu.memory_space<hbm>>, %arg11: memref<80x128xi32, #tpu.memory_space<vmem>>, %arg12: memref<128x128xf32, #tpu.memory_space<vmem>>, %arg13: memref<128x128xf32, #tpu.memory_space<vmem>>, %arg14: memref<32x128xf32, #tpu.memory_space<vmem>>, %arg15: memref<10240x128xf32, #tpu.memory_space<vmem_shared>>, %arg16: memref<!tpu.dma_semaphore, #tpu.memory_space<semaphore_mem>>, %arg17: memref<!tpu.dma_semaphore, #tpu.memory_space<semaphore_mem>>) attributes {dimension_semantics = [#tpu.dimension_semantics<core_parallel>, #tpu.dimension_semantics<subcore_parallel>], iteration_bounds = array<i64: 2, 16>, scalar_prefetch = 0 : i64, scratch_operands = 7 : i64, tpu.core_type = #tpu.core_type<sc_vector_subcore>, window_params = [{transform_indices = #map}, {transform_indices = #map}, {transform_indices = #map}, {transform_indices = #map}, {transform_indices = #map}, {transform_indices = #map1}, {transform_indices = #map1}, {transform_indices = #map1}, {transform_indices = #map1}]} {
    %mul3A = arith.constant 1280 : i32
    %mul3A_0 = arith.muli %arg0, %mul3A : i32
    %mul3A_1 = arith.constant 80 : i32
    %mul3A_2 = arith.muli %arg1, %mul3A_1 : i32
    %add3A = arith.addi %mul3A_0, %mul3A_2 : i32
    "tpu.region"() ({
      %run_scoped3A = tpu.sem_alloc : memref<!tpu.dma_semaphore, #tpu.memory_space<semaphore_mem>>
      %dma_start3A = arith.constant 0 : i32
      %dma_start3A_56 = tpu.memref_slice %arg6[%add3A, %dma_start3A] : memref<2560x128xi32, #tpu.memory_space<hbm>> -> memref<80x128xi32, #tpu.memory_space<hbm>>
      %dma_start3A_57 = arith.constant 0 : i32
      %dma_start3A_58 = tpu.memref_slice %arg6[%add3A, %dma_start3A_57] : memref<2560x128xi32, #tpu.memory_space<hbm>> -> memref<80x128xi32, #tpu.memory_space<hbm>>
      tpu.enqueue_dma source(%dma_start3A_58 : memref<80x128xi32, #tpu.memory_space<hbm>>) target(%arg11 : memref<80x128xi32, #tpu.memory_space<vmem>>) target_semaphore(%run_scoped3A : memref<!tpu.dma_semaphore, #tpu.memory_space<semaphore_mem>>)
      %dma_wait3A = arith.constant 0 : i32
      %dma_wait3A_59 = tpu.memref_slice %arg6[%add3A, %dma_wait3A] : memref<2560x128xi32, #tpu.memory_space<hbm>> -> memref<80x128xi32, #tpu.memory_space<hbm>>
      %dma_wait3A_60 = arith.constant 0 : i32
      %dma_wait3A_61 = tpu.memref_slice %arg6[%add3A, %dma_wait3A_60] : memref<2560x128xi32, #tpu.memory_space<hbm>> -> memref<80x128xi32, #tpu.memory_space<hbm>>
      tpu.wait_dma2 semaphore(%run_scoped3A : memref<!tpu.dma_semaphore, #tpu.memory_space<semaphore_mem>>) src(%dma_wait3A_61 : memref<80x128xi32, #tpu.memory_space<hbm>>) dst(%arg11 : memref<80x128xi32, #tpu.memory_space<vmem>>)
      tpu.yield
    }) : () -> ()
    %scan3A = arith.constant 0 : i32
    %scan3A_3 = arith.constant 256 : i32
    %scan3A_4 = arith.addi %scan3A, %scan3A_3 : i32
    %scan3A_5 = arith.constant 1 : i32
    scf.for %scan3A_56 = %scan3A to %scan3A_4 step %scan3A_5  : i32 {
      %jit3A = arith.constant 8 : i32
      %div3A = arith.divsi %scan3A_56, %jit3A : i32
      %sign3A = arith.constant 0 : i32
      %sign3A_57 = arith.cmpi sgt, %scan3A_56, %sign3A : i32
      %sign3A_58 = arith.extui %sign3A_57 : i1 to i32
      %sign3A_59 = arith.constant 0 : i32
      %sign3A_60 = arith.cmpi slt, %scan3A_56, %sign3A_59 : i32
      %sign3A_61 = arith.extui %sign3A_60 : i1 to i32
      %sign3A_62 = arith.subi %sign3A_58, %sign3A_61 : i32
      %sign3A_63 = arith.constant 0 : i32
      %sign3A_64 = arith.cmpi sgt, %jit3A, %sign3A_63 : i32
      %sign3A_65 = arith.extui %sign3A_64 : i1 to i32
      %sign3A_66 = arith.constant 0 : i32
      %sign3A_67 = arith.cmpi slt, %jit3A, %sign3A_66 : i32
      %sign3A_68 = arith.extui %sign3A_67 : i1 to i32
      %sign3A_69 = arith.subi %sign3A_65, %sign3A_68 : i32
      %ne3A = arith.cmpi ne, %sign3A_62, %sign3A_69 : i32
      %rem3A = arith.remsi %scan3A_56, %jit3A : i32
      %ne3A_70 = arith.constant 0 : i32
      %ne3A_71 = arith.cmpi ne, %rem3A, %ne3A_70 : i32
      %and3A = arith.andi %ne3A, %ne3A_71 : i1
      %sub3A = arith.constant 1 : i32
      %sub3A_72 = arith.subi %div3A, %sub3A : i32
      %select_n3A = arith.select %and3A, %sub3A_72, %div3A : i32
      %jit3A_73 = arith.constant 8 : i32
      %eq3A = arith.constant 0 : i32
      %eq3A_74 = arith.cmpi eq, %jit3A_73, %eq3A : i32
      %jit3A_75 = arith.constant 1 : i32
      %select_n3A_76 = arith.select %eq3A_74, %jit3A_75, %jit3A_73 : i32
      %rem3A_77 = arith.remsi %scan3A_56, %select_n3A_76 : i32
      %ne3A_78 = arith.constant 0 : i32
      %ne3A_79 = arith.cmpi ne, %rem3A_77, %ne3A_78 : i32
      %lt3A = arith.constant 0 : i32
      %lt3A_80 = arith.cmpi slt, %rem3A_77, %lt3A : i32
      %lt3A_81 = arith.constant 0 : i32
      %lt3A_82 = arith.cmpi slt, %select_n3A_76, %lt3A_81 : i32
      %ne3A_83 = arith.xori %lt3A_80, %lt3A_82 : i1
      %and3A_84 = arith.andi %ne3A_83, %ne3A_79 : i1
      %add3A_85 = arith.addi %rem3A_77, %select_n3A_76 : i32
      %select_n3A_86 = arith.select %and3A_84, %add3A_85, %rem3A_77 : i32
      %mul3A_87 = arith.constant 16 : i32
      %mul3A_88 = arith.muli %select_n3A_86, %mul3A_87 : i32
      %broadcast_in_dim3A = arith.constant 0.000000e+00 : f32
      %broadcast_in_dim3A_89 = vector.broadcast %broadcast_in_dim3A : f32 to vector<16xf32>
      %swap3A = arith.index_cast %select_n3A : i32 to index
      %swap3A_90 = arith.index_cast %mul3A_88 : i32 to index
      %swap3A_91 = tpu.vector_load %arg14[%swap3A, %swap3A_90] {strides = array<i32>} : memref<32x128xf32, #tpu.memory_space<vmem>>, vector<1x16xf32>,
      %swap3A_92 = vector.shape_cast %swap3A_91 : vector<1x16xf32> to vector<16xf32>
      %swap3A_93 = vector.shape_cast %broadcast_in_dim3A_89 : vector<16xf32> to vector<1x16xf32>
      tpu.vector_store %arg14[%swap3A, %swap3A_90], %swap3A_93 {strides = array<i32>} : memref<32x128xf32, #tpu.memory_space<vmem>>, vector<1x16xf32>,
    }
    %scan3A_6 = arith.constant 256 : i32
    %mul3A_7 = arith.constant 640 : i32
    %mul3A_8 = arith.muli %arg1, %mul3A_7 : i32
    %scan3A_9 = arith.constant 0 : i32
    %scan3A_10 = arith.constant 20 : i32
    %scan3A_11 = arith.addi %scan3A_9, %scan3A_10 : i32
    %scan3A_12 = arith.constant 1 : i32
    scf.for %scan3A_56 = %scan3A_9 to %scan3A_11 step %scan3A_12  : i32 {
      %mul3A_57 = arith.constant 32 : i32
      %mul3A_58 = arith.muli %scan3A_56, %mul3A_57 : i32
      %add3A_59 = arith.addi %mul3A_8, %mul3A_58 : i32
      "tpu.region"() ({
        %run_scoped3A = tpu.sem_alloc : memref<!tpu.dma_semaphore, #tpu.memory_space<semaphore_mem>>
        %dma_start3A = arith.constant 0 : i32
        %dma_start3A_60 = tpu.memref_slice %arg15[%add3A_59, %dma_start3A] : memref<10240x128xf32, #tpu.memory_space<vmem_shared>> -> memref<32x128xf32, #tpu.memory_space<vmem_shared>>
        %dma_start3A_61 = arith.constant 0 : i32
        %dma_start3A_62 = tpu.memref_slice %arg15[%add3A_59, %dma_start3A_61] : memref<10240x128xf32, #tpu.memory_space<vmem_shared>> -> memref<32x128xf32, #tpu.memory_space<vmem_shared>>
        tpu.enqueue_dma source(%arg14 : memref<32x128xf32, #tpu.memory_space<vmem>>) target(%dma_start3A_62 : memref<32x128xf32, #tpu.memory_space<vmem_shared>>) target_semaphore(%run_scoped3A : memref<!tpu.dma_semaphore, #tpu.memory_space<semaphore_mem>>)
        %dma_wait3A = arith.constant 0 : i32
        %dma_wait3A_63 = tpu.memref_slice %arg15[%add3A_59, %dma_wait3A] : memref<10240x128xf32, #tpu.memory_space<vmem_shared>> -> memref<32x128xf32, #tpu.memory_space<vmem_shared>>
        %dma_wait3A_64 = arith.constant 0 : i32
        %dma_wait3A_65 = tpu.memref_slice %arg15[%add3A_59, %dma_wait3A_64] : memref<10240x128xf32, #tpu.memory_space<vmem_shared>> -> memref<32x128xf32, #tpu.memory_space<vmem_shared>>
        tpu.wait_dma2 semaphore(%run_scoped3A : memref<!tpu.dma_semaphore, #tpu.memory_space<semaphore_mem>>) src(%arg14 : memref<32x128xf32, #tpu.memory_space<vmem>>) dst(%dma_wait3A_65 : memref<32x128xf32, #tpu.memory_space<vmem_shared>>)
        tpu.yield
      }) : () -> ()
    }
    %scan3A_13 = arith.constant 20 : i32
    %barrier3A = arith.constant 0 : index
    tpu.barrier barrier_id(%barrier3A)
    %scan3A_14 = arith.constant 0 : i32
    %scan3A_15 = arith.constant 40 : i32
    %scan3A_16 = arith.addi %scan3A_14, %scan3A_15 : i32
    %scan3A_17 = arith.constant 1 : i32
    scf.for %scan3A_56 = %scan3A_14 to %scan3A_16 step %scan3A_17  : i32 {
      %mul3A_57 = arith.constant 2 : i32
      %mul3A_58 = arith.muli %scan3A_56, %mul3A_57 : i32
      %add3A_59 = arith.addi %add3A, %mul3A_58 : i32
      %add3A_60 = arith.constant 0 : i32
      %add3A_61 = arith.addi %add3A_59, %add3A_60 : i32
      %mul3A_62 = arith.constant 128 : i32
      %mul3A_63 = arith.muli %add3A_61, %mul3A_62 : i32
      %dma_start3A = arith.constant 0 : i32
      %dma_start3A_64 = tpu.memref_slice %arg2[%mul3A_63, %dma_start3A] : memref<327680x128xf32, #tpu.memory_space<hbm>> -> memref<128x128xf32, #tpu.memory_space<hbm>>
      %dma_start3A_65 = arith.constant 0 : i32
      %dma_start3A_66 = tpu.memref_slice %arg2[%mul3A_63, %dma_start3A_65] : memref<327680x128xf32, #tpu.memory_space<hbm>> -> memref<128x128xf32, #tpu.memory_space<hbm>>
      tpu.enqueue_dma source(%dma_start3A_66 : memref<128x128xf32, #tpu.memory_space<hbm>>) target(%arg12 : memref<128x128xf32, #tpu.memory_space<vmem>>) target_semaphore(%arg16 : memref<!tpu.dma_semaphore, #tpu.memory_space<semaphore_mem>>)
      %add3A_67 = arith.addi %add3A, %mul3A_58 : i32
      %add3A_68 = arith.constant 1 : i32
      %add3A_69 = arith.addi %add3A_67, %add3A_68 : i32
      %mul3A_70 = arith.constant 128 : i32
      %mul3A_71 = arith.muli %add3A_69, %mul3A_70 : i32
      %dma_start3A_72 = arith.constant 0 : i32
      %dma_start3A_73 = tpu.memref_slice %arg2[%mul3A_71, %dma_start3A_72] : memref<327680x128xf32, #tpu.memory_space<hbm>> -> memref<128x128xf32, #tpu.memory_space<hbm>>
      %dma_start3A_74 = arith.constant 0 : i32
      %dma_start3A_75 = tpu.memref_slice %arg2[%mul3A_71, %dma_start3A_74] : memref<327680x128xf32, #tpu.memory_space<hbm>> -> memref<128x128xf32, #tpu.memory_space<hbm>>
      tpu.enqueue_dma source(%dma_start3A_75 : memref<128x128xf32, #tpu.memory_space<hbm>>) target(%arg13 : memref<128x128xf32, #tpu.memory_space<vmem>>) target_semaphore(%arg17 : memref<!tpu.dma_semaphore, #tpu.memory_space<semaphore_mem>>)
      %dma_wait3A = arith.constant 0 : i32
      %dma_wait3A_76 = tpu.memref_slice %arg2[%mul3A_63, %dma_wait3A] : memref<327680x128xf32, #tpu.memory_space<hbm>> -> memref<128x128xf32, #tpu.memory_space<hbm>>
      %dma_wait3A_77 = arith.constant 0 : i32
      %dma_wait3A_78 = tpu.memref_slice %arg2[%mul3A_63, %dma_wait3A_77] : memref<327680x128xf32, #tpu.memory_space<hbm>> -> memref<128x128xf32, #tpu.memory_space<hbm>>
      tpu.wait_dma2 semaphore(%arg16 : memref<!tpu.dma_semaphore, #tpu.memory_space<semaphore_mem>>) src(%dma_wait3A_78 : memref<128x128xf32, #tpu.memory_space<hbm>>) dst(%arg12 : memref<128x128xf32, #tpu.memory_space<vmem>>)
      %add3A_79 = arith.constant 0 : i32
      %add3A_80 = arith.addi %mul3A_58, %add3A_79 : i32
      "tpu.region"() ({
        %run_scoped3A = tpu.sem_alloc : memref<!tpu.dma_semaphore, #tpu.memory_space<semaphore_mem>>
        %dma_start3A_87 = arith.constant 0 : i32
        %dma_start3A_88 = tpu.memref_slice %arg11[%add3A_80, %dma_start3A_87] : memref<80x128xi32, #tpu.memory_space<vmem>> -> memref<1x128xi32, #tpu.memory_space<vmem>>
        %dma_start3A_89 = tpu.memref_squeeze %dma_start3A_88 : memref<1x128xi32, #tpu.memory_space<vmem>> -> memref<128xi32, #tpu.memory_space<vmem>>
        %dma_start3A_90 = arith.constant 0 : i32
        %dma_start3A_91 = arith.constant 0 : i32
        %dma_start3A_92 = tpu.memref_slice %arg15[%dma_start3A_90, %dma_start3A_91] : memref<10240x128xf32, #tpu.memory_space<vmem_shared>> -> memref<10240x128xf32, #tpu.memory_space<vmem_shared>>
        tpu.enqueue_indirect_dma source(%arg12 : memref<128x128xf32, #tpu.memory_space<vmem>>) target(%dma_start3A_92 : memref<10240x128xf32, #tpu.memory_space<vmem_shared>>) offsets(%dma_start3A_89 : memref<128xi32, #tpu.memory_space<vmem>>) semaphore(%run_scoped3A : memref<!tpu.dma_semaphore, #tpu.memory_space<semaphore_mem>>) {add = true}
        %dma_wait3A_93 = arith.constant 0 : i32
        %dma_wait3A_94 = tpu.memref_slice %arg11[%add3A_80, %dma_wait3A_93] : memref<80x128xi32, #tpu.memory_space<vmem>> -> memref<1x128xi32, #tpu.memory_space<vmem>>
        %dma_wait3A_95 = tpu.memref_squeeze %dma_wait3A_94 : memref<1x128xi32, #tpu.memory_space<vmem>> -> memref<128xi32, #tpu.memory_space<vmem>>
        %dma_wait3A_96 = arith.constant 0 : i32
        %dma_wait3A_97 = arith.constant 0 : i32
        %dma_wait3A_98 = tpu.memref_slice %arg15[%dma_wait3A_96, %dma_wait3A_97] : memref<10240x128xf32, #tpu.memory_space<vmem_shared>> -> memref<10240x128xf32, #tpu.memory_space<vmem_shared>>
        tpu.wait_indirect_dma semaphore(%run_scoped3A : memref<!tpu.dma_semaphore, #tpu.memory_space<semaphore_mem>>) src(%arg12 : memref<128x128xf32, #tpu.memory_space<vmem>>) dst(%dma_wait3A_98 : memref<10240x128xf32, #tpu.memory_space<vmem_shared>>)
        tpu.yield
      }) : () -> ()
      %dma_wait3A_81 = arith.constant 0 : i32
      %dma_wait3A_82 = tpu.memref_slice %arg2[%mul3A_71, %dma_wait3A_81] : memref<327680x128xf32, #tpu.memory_space<hbm>> -> memref<128x128xf32, #tpu.memory_space<hbm>>
      %dma_wait3A_83 = arith.constant 0 : i32
      %dma_wait3A_84 = tpu.memref_slice %arg2[%mul3A_71, %dma_wait3A_83] : memref<327680x128xf32, #tpu.memory_space<hbm>> -> memref<128x128xf32, #tpu.memory_space<hbm>>
      tpu.wait_dma2 semaphore(%arg17 : memref<!tpu.dma_semaphore, #tpu.memory_space<semaphore_mem>>) src(%dma_wait3A_84 : memref<128x128xf32, #tpu.memory_space<hbm>>) dst(%arg13 : memref<128x128xf32, #tpu.memory_space<vmem>>)
      %add3A_85 = arith.constant 1 : i32
      %add3A_86 = arith.addi %mul3A_58, %add3A_85 : i32
      "tpu.region"() ({
        %run_scoped3A = tpu.sem_alloc : memref<!tpu.dma_semaphore, #tpu.memory_space<semaphore_mem>>
        %dma_start3A_87 = arith.constant 0 : i32
        %dma_start3A_88 = tpu.memref_slice %arg11[%add3A_86, %dma_start3A_87] : memref<80x128xi32, #tpu.memory_space<vmem>> -> memref<1x128xi32, #tpu.memory_space<vmem>>
        %dma_start3A_89 = tpu.memref_squeeze %dma_start3A_88 : memref<1x128xi32, #tpu.memory_space<vmem>> -> memref<128xi32, #tpu.memory_space<vmem>>
        %dma_start3A_90 = arith.constant 0 : i32
        %dma_start3A_91 = arith.constant 0 : i32
        %dma_start3A_92 = tpu.memref_slice %arg15[%dma_start3A_90, %dma_start3A_91] : memref<10240x128xf32, #tpu.memory_space<vmem_shared>> -> memref<10240x128xf32, #tpu.memory_space<vmem_shared>>
        tpu.enqueue_indirect_dma source(%arg13 : memref<128x128xf32, #tpu.memory_space<vmem>>) target(%dma_start3A_92 : memref<10240x128xf32, #tpu.memory_space<vmem_shared>>) offsets(%dma_start3A_89 : memref<128xi32, #tpu.memory_space<vmem>>) semaphore(%run_scoped3A : memref<!tpu.dma_semaphore, #tpu.memory_space<semaphore_mem>>) {add = true}
        %dma_wait3A_93 = arith.constant 0 : i32
        %dma_wait3A_94 = tpu.memref_slice %arg11[%add3A_86, %dma_wait3A_93] : memref<80x128xi32, #tpu.memory_space<vmem>> -> memref<1x128xi32, #tpu.memory_space<vmem>>
        %dma_wait3A_95 = tpu.memref_squeeze %dma_wait3A_94 : memref<1x128xi32, #tpu.memory_space<vmem>> -> memref<128xi32, #tpu.memory_space<vmem>>
        %dma_wait3A_96 = arith.constant 0 : i32
        %dma_wait3A_97 = arith.constant 0 : i32
        %dma_wait3A_98 = tpu.memref_slice %arg15[%dma_wait3A_96, %dma_wait3A_97] : memref<10240x128xf32, #tpu.memory_space<vmem_shared>> -> memref<10240x128xf32, #tpu.memory_space<vmem_shared>>
        tpu.wait_indirect_dma semaphore(%run_scoped3A : memref<!tpu.dma_semaphore, #tpu.memory_space<semaphore_mem>>) src(%arg13 : memref<128x128xf32, #tpu.memory_space<vmem>>) dst(%dma_wait3A_98 : memref<10240x128xf32, #tpu.memory_space<vmem_shared>>)
        tpu.yield
      }) : () -> ()
    }
    %scan3A_18 = arith.constant 40 : i32
    %barrier3A_19 = arith.constant 0 : index
    tpu.barrier barrier_id(%barrier3A_19)
    "tpu.region"() ({
      %run_scoped3A = tpu.sem_alloc : memref<!tpu.dma_semaphore, #tpu.memory_space<semaphore_mem>>
      %dma_start3A = arith.constant 0 : i32
      %dma_start3A_56 = arith.constant 0 : i32
      %dma_start3A_57 = tpu.memref_slice %arg7[%arg0, %dma_start3A, %dma_start3A_56] : memref<2x10240x128xf32, #tpu.memory_space<hbm>> -> memref<1x10240x128xf32, #tpu.memory_space<hbm>>
      %dma_start3A_58 = tpu.memref_squeeze %dma_start3A_57 : memref<1x10240x128xf32, #tpu.memory_space<hbm>> -> memref<10240x128xf32, #tpu.memory_space<hbm>>
      %dma_start3A_59 = arith.constant 0 : i32
      %dma_start3A_60 = tpu.memref_slice %dma_start3A_58[%mul3A_8, %dma_start3A_59] : memref<10240x128xf32, #tpu.memory_space<hbm>> -> memref<640x128xf32, #tpu.memory_space<hbm>>
      %dma_start3A_61 = arith.constant 0 : i32
      %dma_start3A_62 = tpu.memref_slice %arg15[%mul3A_8, %dma_start3A_61] : memref<10240x128xf32, #tpu.memory_space<vmem_shared>> -> memref<640x128xf32, #tpu.memory_space<vmem_shared>>
      tpu.enqueue_dma source(%dma_start3A_62 : memref<640x128xf32, #tpu.memory_space<vmem_shared>>) target(%dma_start3A_60 : memref<640x128xf32, #tpu.memory_space<hbm>>) target_semaphore(%run_scoped3A : memref<!tpu.dma_semaphore, #tpu.memory_space<semaphore_mem>>)
      %dma_wait3A = arith.constant 0 : i32
      %dma_wait3A_63 = arith.constant 0 : i32
      %dma_wait3A_64 = tpu.memref_slice %arg7[%arg0, %dma_wait3A, %dma_wait3A_63] : memref<2x10240x128xf32, #tpu.memory_space<hbm>> -> memref<1x10240x128xf32, #tpu.memory_space<hbm>>
      %dma_wait3A_65 = tpu.memref_squeeze %dma_wait3A_64 : memref<1x10240x128xf32, #tpu.memory_space<hbm>> -> memref<10240x128xf32, #tpu.memory_space<hbm>>
      %dma_wait3A_66 = arith.constant 0 : i32
      %dma_wait3A_67 = tpu.memref_slice %dma_wait3A_65[%mul3A_8, %dma_wait3A_66] : memref<10240x128xf32, #tpu.memory_space<hbm>> -> memref<640x128xf32, #tpu.memory_space<hbm>>
      %dma_wait3A_68 = arith.constant 0 : i32
      %dma_wait3A_69 = tpu.memref_slice %arg15[%mul3A_8, %dma_wait3A_68] : memref<10240x128xf32, #tpu.memory_space<vmem_shared>> -> memref<640x128xf32, #tpu.memory_space<vmem_shared>>
      tpu.wait_dma2 semaphore(%run_scoped3A : memref<!tpu.dma_semaphore, #tpu.memory_space<semaphore_mem>>) src(%dma_wait3A_69 : memref<640x128xf32, #tpu.memory_space<vmem_shared>>) dst(%dma_wait3A_67 : memref<640x128xf32, #tpu.memory_space<hbm>>)
      tpu.yield
    }) : () -> ()
    %scan3A_20 = arith.constant 0 : i32
    %scan3A_21 = arith.constant 20 : i32
    %scan3A_22 = arith.addi %scan3A_20, %scan3A_21 : i32
    %scan3A_23 = arith.constant 1 : i32
    scf.for %scan3A_56 = %scan3A_20 to %scan3A_22 step %scan3A_23  : i32 {
      %mul3A_57 = arith.constant 32 : i32
      %mul3A_58 = arith.muli %scan3A_56, %mul3A_57 : i32
      %add3A_59 = arith.addi %mul3A_8, %mul3A_58 : i32
      "tpu.region"() ({
        %run_scoped3A = tpu.sem_alloc : memref<!tpu.dma_semaphore, #tpu.memory_space<semaphore_mem>>
        %dma_start3A = arith.constant 0 : i32
        %dma_start3A_60 = tpu.memref_slice %arg15[%add3A_59, %dma_start3A] : memref<10240x128xf32, #tpu.memory_space<vmem_shared>> -> memref<32x128xf32, #tpu.memory_space<vmem_shared>>
        %dma_start3A_61 = arith.constant 0 : i32
        %dma_start3A_62 = tpu.memref_slice %arg15[%add3A_59, %dma_start3A_61] : memref<10240x128xf32, #tpu.memory_space<vmem_shared>> -> memref<32x128xf32, #tpu.memory_space<vmem_shared>>
        tpu.enqueue_dma source(%arg14 : memref<32x128xf32, #tpu.memory_space<vmem>>) target(%dma_start3A_62 : memref<32x128xf32, #tpu.memory_space<vmem_shared>>) target_semaphore(%run_scoped3A : memref<!tpu.dma_semaphore, #tpu.memory_space<semaphore_mem>>)
        %dma_wait3A = arith.constant 0 : i32
        %dma_wait3A_63 = tpu.memref_slice %arg15[%add3A_59, %dma_wait3A] : memref<10240x128xf32, #tpu.memory_space<vmem_shared>> -> memref<32x128xf32, #tpu.memory_space<vmem_shared>>
        %dma_wait3A_64 = arith.constant 0 : i32
        %dma_wait3A_65 = tpu.memref_slice %arg15[%add3A_59, %dma_wait3A_64] : memref<10240x128xf32, #tpu.memory_space<vmem_shared>> -> memref<32x128xf32, #tpu.memory_space<vmem_shared>>
        tpu.wait_dma2 semaphore(%run_scoped3A : memref<!tpu.dma_semaphore, #tpu.memory_space<semaphore_mem>>) src(%arg14 : memref<32x128xf32, #tpu.memory_space<vmem>>) dst(%dma_wait3A_65 : memref<32x128xf32, #tpu.memory_space<vmem_shared>>)
        tpu.yield
      }) : () -> ()
    }
    %scan3A_24 = arith.constant 20 : i32
    %barrier3A_25 = arith.constant 0 : index
    tpu.barrier barrier_id(%barrier3A_25)
    %scan3A_26 = arith.constant 0 : i32
    %scan3A_27 = arith.constant 40 : i32
    %scan3A_28 = arith.addi %scan3A_26, %scan3A_27 : i32
    %scan3A_29 = arith.constant 1 : i32
    scf.for %scan3A_56 = %scan3A_26 to %scan3A_28 step %scan3A_29  : i32 {
      %mul3A_57 = arith.constant 2 : i32
      %mul3A_58 = arith.muli %scan3A_56, %mul3A_57 : i32
      %add3A_59 = arith.addi %add3A, %mul3A_58 : i32
      %add3A_60 = arith.constant 0 : i32
      %add3A_61 = arith.addi %add3A_59, %add3A_60 : i32
      %mul3A_62 = arith.constant 128 : i32
      %mul3A_63 = arith.muli %add3A_61, %mul3A_62 : i32
      %dma_start3A = arith.constant 0 : i32
      %dma_start3A_64 = tpu.memref_slice %arg3[%mul3A_63, %dma_start3A] : memref<327680x128xf32, #tpu.memory_space<hbm>> -> memref<128x128xf32, #tpu.memory_space<hbm>>
      %dma_start3A_65 = arith.constant 0 : i32
      %dma_start3A_66 = tpu.memref_slice %arg3[%mul3A_63, %dma_start3A_65] : memref<327680x128xf32, #tpu.memory_space<hbm>> -> memref<128x128xf32, #tpu.memory_space<hbm>>
      tpu.enqueue_dma source(%dma_start3A_66 : memref<128x128xf32, #tpu.memory_space<hbm>>) target(%arg12 : memref<128x128xf32, #tpu.memory_space<vmem>>) target_semaphore(%arg16 : memref<!tpu.dma_semaphore, #tpu.memory_space<semaphore_mem>>)
      %add3A_67 = arith.addi %add3A, %mul3A_58 : i32
      %add3A_68 = arith.constant 1 : i32
      %add3A_69 = arith.addi %add3A_67, %add3A_68 : i32
      %mul3A_70 = arith.constant 128 : i32
      %mul3A_71 = arith.muli %add3A_69, %mul3A_70 : i32
      %dma_start3A_72 = arith.constant 0 : i32
      %dma_start3A_73 = tpu.memref_slice %arg3[%mul3A_71, %dma_start3A_72] : memref<327680x128xf32, #tpu.memory_space<hbm>> -> memref<128x128xf32, #tpu.memory_space<hbm>>
      %dma_start3A_74 = arith.constant 0 : i32
      %dma_start3A_75 = tpu.memref_slice %arg3[%mul3A_71, %dma_start3A_74] : memref<327680x128xf32, #tpu.memory_space<hbm>> -> memref<128x128xf32, #tpu.memory_space<hbm>>
      tpu.enqueue_dma source(%dma_start3A_75 : memref<128x128xf32, #tpu.memory_space<hbm>>) target(%arg13 : memref<128x128xf32, #tpu.memory_space<vmem>>) target_semaphore(%arg17 : memref<!tpu.dma_semaphore, #tpu.memory_space<semaphore_mem>>)
      %dma_wait3A = arith.constant 0 : i32
      %dma_wait3A_76 = tpu.memref_slice %arg3[%mul3A_63, %dma_wait3A] : memref<327680x128xf32, #tpu.memory_space<hbm>> -> memref<128x128xf32, #tpu.memory_space<hbm>>
      %dma_wait3A_77 = arith.constant 0 : i32
      %dma_wait3A_78 = tpu.memref_slice %arg3[%mul3A_63, %dma_wait3A_77] : memref<327680x128xf32, #tpu.memory_space<hbm>> -> memref<128x128xf32, #tpu.memory_space<hbm>>
      tpu.wait_dma2 semaphore(%arg16 : memref<!tpu.dma_semaphore, #tpu.memory_space<semaphore_mem>>) src(%dma_wait3A_78 : memref<128x128xf32, #tpu.memory_space<hbm>>) dst(%arg12 : memref<128x128xf32, #tpu.memory_space<vmem>>)
      %add3A_79 = arith.constant 0 : i32
      %add3A_80 = arith.addi %mul3A_58, %add3A_79 : i32
      "tpu.region"() ({
        %run_scoped3A = tpu.sem_alloc : memref<!tpu.dma_semaphore, #tpu.memory_space<semaphore_mem>>
        %dma_start3A_87 = arith.constant 0 : i32
        %dma_start3A_88 = tpu.memref_slice %arg11[%add3A_80, %dma_start3A_87] : memref<80x128xi32, #tpu.memory_space<vmem>> -> memref<1x128xi32, #tpu.memory_space<vmem>>
        %dma_start3A_89 = tpu.memref_squeeze %dma_start3A_88 : memref<1x128xi32, #tpu.memory_space<vmem>> -> memref<128xi32, #tpu.memory_space<vmem>>
        %dma_start3A_90 = arith.constant 0 : i32
        %dma_start3A_91 = arith.constant 0 : i32
        %dma_start3A_92 = tpu.memref_slice %arg15[%dma_start3A_90, %dma_start3A_91] : memref<10240x128xf32, #tpu.memory_space<vmem_shared>> -> memref<10240x128xf32, #tpu.memory_space<vmem_shared>>
        tpu.enqueue_indirect_dma source(%arg12 : memref<128x128xf32, #tpu.memory_space<vmem>>) target(%dma_start3A_92 : memref<10240x128xf32, #tpu.memory_space<vmem_shared>>) offsets(%dma_start3A_89 : memref<128xi32, #tpu.memory_space<vmem>>) semaphore(%run_scoped3A : memref<!tpu.dma_semaphore, #tpu.memory_space<semaphore_mem>>) {add = true}
        %dma_wait3A_93 = arith.constant 0 : i32
        %dma_wait3A_94 = tpu.memref_slice %arg11[%add3A_80, %dma_wait3A_93] : memref<80x128xi32, #tpu.memory_space<vmem>> -> memref<1x128xi32, #tpu.memory_space<vmem>>
        %dma_wait3A_95 = tpu.memref_squeeze %dma_wait3A_94 : memref<1x128xi32, #tpu.memory_space<vmem>> -> memref<128xi32, #tpu.memory_space<vmem>>
        %dma_wait3A_96 = arith.constant 0 : i32
        %dma_wait3A_97 = arith.constant 0 : i32
        %dma_wait3A_98 = tpu.memref_slice %arg15[%dma_wait3A_96, %dma_wait3A_97] : memref<10240x128xf32, #tpu.memory_space<vmem_shared>> -> memref<10240x128xf32, #tpu.memory_space<vmem_shared>>
        tpu.wait_indirect_dma semaphore(%run_scoped3A : memref<!tpu.dma_semaphore, #tpu.memory_space<semaphore_mem>>) src(%arg12 : memref<128x128xf32, #tpu.memory_space<vmem>>) dst(%dma_wait3A_98 : memref<10240x128xf32, #tpu.memory_space<vmem_shared>>)
        tpu.yield
      }) : () -> ()
      %dma_wait3A_81 = arith.constant 0 : i32
      %dma_wait3A_82 = tpu.memref_slice %arg3[%mul3A_71, %dma_wait3A_81] : memref<327680x128xf32, #tpu.memory_space<hbm>> -> memref<128x128xf32, #tpu.memory_space<hbm>>
      %dma_wait3A_83 = arith.constant 0 : i32
      %dma_wait3A_84 = tpu.memref_slice %arg3[%mul3A_71, %dma_wait3A_83] : memref<327680x128xf32, #tpu.memory_space<hbm>> -> memref<128x128xf32, #tpu.memory_space<hbm>>
      tpu.wait_dma2 semaphore(%arg17 : memref<!tpu.dma_semaphore, #tpu.memory_space<semaphore_mem>>) src(%dma_wait3A_84 : memref<128x128xf32, #tpu.memory_space<hbm>>) dst(%arg13 : memref<128x128xf32, #tpu.memory_space<vmem>>)
      %add3A_85 = arith.constant 1 : i32
      %add3A_86 = arith.addi %mul3A_58, %add3A_85 : i32
      "tpu.region"() ({
        %run_scoped3A = tpu.sem_alloc : memref<!tpu.dma_semaphore, #tpu.memory_space<semaphore_mem>>
        %dma_start3A_87 = arith.constant 0 : i32
        %dma_start3A_88 = tpu.memref_slice %arg11[%add3A_86, %dma_start3A_87] : memref<80x128xi32, #tpu.memory_space<vmem>> -> memref<1x128xi32, #tpu.memory_space<vmem>>
        %dma_start3A_89 = tpu.memref_squeeze %dma_start3A_88 : memref<1x128xi32, #tpu.memory_space<vmem>> -> memref<128xi32, #tpu.memory_space<vmem>>
        %dma_start3A_90 = arith.constant 0 : i32
        %dma_start3A_91 = arith.constant 0 : i32
        %dma_start3A_92 = tpu.memref_slice %arg15[%dma_start3A_90, %dma_start3A_91] : memref<10240x128xf32, #tpu.memory_space<vmem_shared>> -> memref<10240x128xf32, #tpu.memory_space<vmem_shared>>
        tpu.enqueue_indirect_dma source(%arg13 : memref<128x128xf32, #tpu.memory_space<vmem>>) target(%dma_start3A_92 : memref<10240x128xf32, #tpu.memory_space<vmem_shared>>) offsets(%dma_start3A_89 : memref<128xi32, #tpu.memory_space<vmem>>) semaphore(%run_scoped3A : memref<!tpu.dma_semaphore, #tpu.memory_space<semaphore_mem>>) {add = true}
        %dma_wait3A_93 = arith.constant 0 : i32
        %dma_wait3A_94 = tpu.memref_slice %arg11[%add3A_86, %dma_wait3A_93] : memref<80x128xi32, #tpu.memory_space<vmem>> -> memref<1x128xi32, #tpu.memory_space<vmem>>
        %dma_wait3A_95 = tpu.memref_squeeze %dma_wait3A_94 : memref<1x128xi32, #tpu.memory_space<vmem>> -> memref<128xi32, #tpu.memory_space<vmem>>
        %dma_wait3A_96 = arith.constant 0 : i32
        %dma_wait3A_97 = arith.constant 0 : i32
        %dma_wait3A_98 = tpu.memref_slice %arg15[%dma_wait3A_96, %dma_wait3A_97] : memref<10240x128xf32, #tpu.memory_space<vmem_shared>> -> memref<10240x128xf32, #tpu.memory_space<vmem_shared>>
        tpu.wait_indirect_dma semaphore(%run_scoped3A : memref<!tpu.dma_semaphore, #tpu.memory_space<semaphore_mem>>) src(%arg13 : memref<128x128xf32, #tpu.memory_space<vmem>>) dst(%dma_wait3A_98 : memref<10240x128xf32, #tpu.memory_space<vmem_shared>>)
        tpu.yield
      }) : () -> ()
    }
    %scan3A_30 = arith.constant 40 : i32
    %barrier3A_31 = arith.constant 0 : index
    tpu.barrier barrier_id(%barrier3A_31)
    "tpu.region"() ({
      %run_scoped3A = tpu.sem_alloc : memref<!tpu.dma_semaphore, #tpu.memory_space<semaphore_mem>>
      %dma_start3A = arith.constant 0 : i32
      %dma_start3A_56 = arith.constant 0 : i32
      %dma_start3A_57 = tpu.memref_slice %arg8[%arg0, %dma_start3A, %dma_start3A_56] : memref<2x10240x128xf32, #tpu.memory_space<hbm>> -> memref<1x10240x128xf32, #tpu.memory_space<hbm>>
      %dma_start3A_58 = tpu.memref_squeeze %dma_start3A_57 : memref<1x10240x128xf32, #tpu.memory_space<hbm>> -> memref<10240x128xf32, #tpu.memory_space<hbm>>
      %dma_start3A_59 = arith.constant 0 : i32
      %dma_start3A_60 = tpu.memref_slice %dma_start3A_58[%mul3A_8, %dma_start3A_59] : memref<10240x128xf32, #tpu.memory_space<hbm>> -> memref<640x128xf32, #tpu.memory_space<hbm>>
      %dma_start3A_61 = arith.constant 0 : i32
      %dma_start3A_62 = tpu.memref_slice %arg15[%mul3A_8, %dma_start3A_61] : memref<10240x128xf32, #tpu.memory_space<vmem_shared>> -> memref<640x128xf32, #tpu.memory_space<vmem_shared>>
      tpu.enqueue_dma source(%dma_start3A_62 : memref<640x128xf32, #tpu.memory_space<vmem_shared>>) target(%dma_start3A_60 : memref<640x128xf32, #tpu.memory_space<hbm>>) target_semaphore(%run_scoped3A : memref<!tpu.dma_semaphore, #tpu.memory_space<semaphore_mem>>)
      %dma_wait3A = arith.constant 0 : i32
      %dma_wait3A_63 = arith.constant 0 : i32
      %dma_wait3A_64 = tpu.memref_slice %arg8[%arg0, %dma_wait3A, %dma_wait3A_63] : memref<2x10240x128xf32, #tpu.memory_space<hbm>> -> memref<1x10240x128xf32, #tpu.memory_space<hbm>>
      %dma_wait3A_65 = tpu.memref_squeeze %dma_wait3A_64 : memref<1x10240x128xf32, #tpu.memory_space<hbm>> -> memref<10240x128xf32, #tpu.memory_space<hbm>>
      %dma_wait3A_66 = arith.constant 0 : i32
      %dma_wait3A_67 = tpu.memref_slice %dma_wait3A_65[%mul3A_8, %dma_wait3A_66] : memref<10240x128xf32, #tpu.memory_space<hbm>> -> memref<640x128xf32, #tpu.memory_space<hbm>>
      %dma_wait3A_68 = arith.constant 0 : i32
      %dma_wait3A_69 = tpu.memref_slice %arg15[%mul3A_8, %dma_wait3A_68] : memref<10240x128xf32, #tpu.memory_space<vmem_shared>> -> memref<640x128xf32, #tpu.memory_space<vmem_shared>>
      tpu.wait_dma2 semaphore(%run_scoped3A : memref<!tpu.dma_semaphore, #tpu.memory_space<semaphore_mem>>) src(%dma_wait3A_69 : memref<640x128xf32, #tpu.memory_space<vmem_shared>>) dst(%dma_wait3A_67 : memref<640x128xf32, #tpu.memory_space<hbm>>)
      tpu.yield
    }) : () -> ()
    %scan3A_32 = arith.constant 0 : i32
    %scan3A_33 = arith.constant 20 : i32
    %scan3A_34 = arith.addi %scan3A_32, %scan3A_33 : i32
    %scan3A_35 = arith.constant 1 : i32
    scf.for %scan3A_56 = %scan3A_32 to %scan3A_34 step %scan3A_35  : i32 {
      %mul3A_57 = arith.constant 32 : i32
      %mul3A_58 = arith.muli %scan3A_56, %mul3A_57 : i32
      %add3A_59 = arith.addi %mul3A_8, %mul3A_58 : i32
      "tpu.region"() ({
        %run_scoped3A = tpu.sem_alloc : memref<!tpu.dma_semaphore, #tpu.memory_space<semaphore_mem>>
        %dma_start3A = arith.constant 0 : i32
        %dma_start3A_60 = tpu.memref_slice %arg15[%add3A_59, %dma_start3A] : memref<10240x128xf32, #tpu.memory_space<vmem_shared>> -> memref<32x128xf32, #tpu.memory_space<vmem_shared>>
        %dma_start3A_61 = arith.constant 0 : i32
        %dma_start3A_62 = tpu.memref_slice %arg15[%add3A_59, %dma_start3A_61] : memref<10240x128xf32, #tpu.memory_space<vmem_shared>> -> memref<32x128xf32, #tpu.memory_space<vmem_shared>>
        tpu.enqueue_dma source(%arg14 : memref<32x128xf32, #tpu.memory_space<vmem>>) target(%dma_start3A_62 : memref<32x128xf32, #tpu.memory_space<vmem_shared>>) target_semaphore(%run_scoped3A : memref<!tpu.dma_semaphore, #tpu.memory_space<semaphore_mem>>)
        %dma_wait3A = arith.constant 0 : i32
        %dma_wait3A_63 = tpu.memref_slice %arg15[%add3A_59, %dma_wait3A] : memref<10240x128xf32, #tpu.memory_space<vmem_shared>> -> memref<32x128xf32, #tpu.memory_space<vmem_shared>>
        %dma_wait3A_64 = arith.constant 0 : i32
        %dma_wait3A_65 = tpu.memref_slice %arg15[%add3A_59, %dma_wait3A_64] : memref<10240x128xf32, #tpu.memory_space<vmem_shared>> -> memref<32x128xf32, #tpu.memory_space<vmem_shared>>
        tpu.wait_dma2 semaphore(%run_scoped3A : memref<!tpu.dma_semaphore, #tpu.memory_space<semaphore_mem>>) src(%arg14 : memref<32x128xf32, #tpu.memory_space<vmem>>) dst(%dma_wait3A_65 : memref<32x128xf32, #tpu.memory_space<vmem_shared>>)
        tpu.yield
      }) : () -> ()
    }
    %scan3A_36 = arith.constant 20 : i32
    %barrier3A_37 = arith.constant 0 : index
    tpu.barrier barrier_id(%barrier3A_37)
    %scan3A_38 = arith.constant 0 : i32
    %scan3A_39 = arith.constant 40 : i32
    %scan3A_40 = arith.addi %scan3A_38, %scan3A_39 : i32
    %scan3A_41 = arith.constant 1 : i32
    scf.for %scan3A_56 = %scan3A_38 to %scan3A_40 step %scan3A_41  : i32 {
      %mul3A_57 = arith.constant 2 : i32
      %mul3A_58 = arith.muli %scan3A_56, %mul3A_57 : i32
      %add3A_59 = arith.addi %add3A, %mul3A_58 : i32
      %add3A_60 = arith.constant 0 : i32
      %add3A_61 = arith.addi %add3A_59, %add3A_60 : i32
      %mul3A_62 = arith.constant 128 : i32
      %mul3A_63 = arith.muli %add3A_61, %mul3A_62 : i32
      %dma_start3A = arith.constant 0 : i32
      %dma_start3A_64 = tpu.memref_slice %arg4[%mul3A_63, %dma_start3A] : memref<327680x128xf32, #tpu.memory_space<hbm>> -> memref<128x128xf32, #tpu.memory_space<hbm>>
      %dma_start3A_65 = arith.constant 0 : i32
      %dma_start3A_66 = tpu.memref_slice %arg4[%mul3A_63, %dma_start3A_65] : memref<327680x128xf32, #tpu.memory_space<hbm>> -> memref<128x128xf32, #tpu.memory_space<hbm>>
      tpu.enqueue_dma source(%dma_start3A_66 : memref<128x128xf32, #tpu.memory_space<hbm>>) target(%arg12 : memref<128x128xf32, #tpu.memory_space<vmem>>) target_semaphore(%arg16 : memref<!tpu.dma_semaphore, #tpu.memory_space<semaphore_mem>>)
      %add3A_67 = arith.addi %add3A, %mul3A_58 : i32
      %add3A_68 = arith.constant 1 : i32
      %add3A_69 = arith.addi %add3A_67, %add3A_68 : i32
      %mul3A_70 = arith.constant 128 : i32
      %mul3A_71 = arith.muli %add3A_69, %mul3A_70 : i32
      %dma_start3A_72 = arith.constant 0 : i32
      %dma_start3A_73 = tpu.memref_slice %arg4[%mul3A_71, %dma_start3A_72] : memref<327680x128xf32, #tpu.memory_space<hbm>> -> memref<128x128xf32, #tpu.memory_space<hbm>>
      %dma_start3A_74 = arith.constant 0 : i32
      %dma_start3A_75 = tpu.memref_slice %arg4[%mul3A_71, %dma_start3A_74] : memref<327680x128xf32, #tpu.memory_space<hbm>> -> memref<128x128xf32, #tpu.memory_space<hbm>>
      tpu.enqueue_dma source(%dma_start3A_75 : memref<128x128xf32, #tpu.memory_space<hbm>>) target(%arg13 : memref<128x128xf32, #tpu.memory_space<vmem>>) target_semaphore(%arg17 : memref<!tpu.dma_semaphore, #tpu.memory_space<semaphore_mem>>)
      %dma_wait3A = arith.constant 0 : i32
      %dma_wait3A_76 = tpu.memref_slice %arg4[%mul3A_63, %dma_wait3A] : memref<327680x128xf32, #tpu.memory_space<hbm>> -> memref<128x128xf32, #tpu.memory_space<hbm>>
      %dma_wait3A_77 = arith.constant 0 : i32
      %dma_wait3A_78 = tpu.memref_slice %arg4[%mul3A_63, %dma_wait3A_77] : memref<327680x128xf32, #tpu.memory_space<hbm>> -> memref<128x128xf32, #tpu.memory_space<hbm>>
      tpu.wait_dma2 semaphore(%arg16 : memref<!tpu.dma_semaphore, #tpu.memory_space<semaphore_mem>>) src(%dma_wait3A_78 : memref<128x128xf32, #tpu.memory_space<hbm>>) dst(%arg12 : memref<128x128xf32, #tpu.memory_space<vmem>>)
      %add3A_79 = arith.constant 0 : i32
      %add3A_80 = arith.addi %mul3A_58, %add3A_79 : i32
      "tpu.region"() ({
        %run_scoped3A = tpu.sem_alloc : memref<!tpu.dma_semaphore, #tpu.memory_space<semaphore_mem>>
        %dma_start3A_87 = arith.constant 0 : i32
        %dma_start3A_88 = tpu.memref_slice %arg11[%add3A_80, %dma_start3A_87] : memref<80x128xi32, #tpu.memory_space<vmem>> -> memref<1x128xi32, #tpu.memory_space<vmem>>
        %dma_start3A_89 = tpu.memref_squeeze %dma_start3A_88 : memref<1x128xi32, #tpu.memory_space<vmem>> -> memref<128xi32, #tpu.memory_space<vmem>>
        %dma_start3A_90 = arith.constant 0 : i32
        %dma_start3A_91 = arith.constant 0 : i32
        %dma_start3A_92 = tpu.memref_slice %arg15[%dma_start3A_90, %dma_start3A_91] : memref<10240x128xf32, #tpu.memory_space<vmem_shared>> -> memref<10240x128xf32, #tpu.memory_space<vmem_shared>>
        tpu.enqueue_indirect_dma source(%arg12 : memref<128x128xf32, #tpu.memory_space<vmem>>) target(%dma_start3A_92 : memref<10240x128xf32, #tpu.memory_space<vmem_shared>>) offsets(%dma_start3A_89 : memref<128xi32, #tpu.memory_space<vmem>>) semaphore(%run_scoped3A : memref<!tpu.dma_semaphore, #tpu.memory_space<semaphore_mem>>) {add = true}
        %dma_wait3A_93 = arith.constant 0 : i32
        %dma_wait3A_94 = tpu.memref_slice %arg11[%add3A_80, %dma_wait3A_93] : memref<80x128xi32, #tpu.memory_space<vmem>> -> memref<1x128xi32, #tpu.memory_space<vmem>>
        %dma_wait3A_95 = tpu.memref_squeeze %dma_wait3A_94 : memref<1x128xi32, #tpu.memory_space<vmem>> -> memref<128xi32, #tpu.memory_space<vmem>>
        %dma_wait3A_96 = arith.constant 0 : i32
        %dma_wait3A_97 = arith.constant 0 : i32
        %dma_wait3A_98 = tpu.memref_slice %arg15[%dma_wait3A_96, %dma_wait3A_97] : memref<10240x128xf32, #tpu.memory_space<vmem_shared>> -> memref<10240x128xf32, #tpu.memory_space<vmem_shared>>
        tpu.wait_indirect_dma semaphore(%run_scoped3A : memref<!tpu.dma_semaphore, #tpu.memory_space<semaphore_mem>>) src(%arg12 : memref<128x128xf32, #tpu.memory_space<vmem>>) dst(%dma_wait3A_98 : memref<10240x128xf32, #tpu.memory_space<vmem_shared>>)
        tpu.yield
      }) : () -> ()
      %dma_wait3A_81 = arith.constant 0 : i32
      %dma_wait3A_82 = tpu.memref_slice %arg4[%mul3A_71, %dma_wait3A_81] : memref<327680x128xf32, #tpu.memory_space<hbm>> -> memref<128x128xf32, #tpu.memory_space<hbm>>
      %dma_wait3A_83 = arith.constant 0 : i32
      %dma_wait3A_84 = tpu.memref_slice %arg4[%mul3A_71, %dma_wait3A_83] : memref<327680x128xf32, #tpu.memory_space<hbm>> -> memref<128x128xf32, #tpu.memory_space<hbm>>
      tpu.wait_dma2 semaphore(%arg17 : memref<!tpu.dma_semaphore, #tpu.memory_space<semaphore_mem>>) src(%dma_wait3A_84 : memref<128x128xf32, #tpu.memory_space<hbm>>) dst(%arg13 : memref<128x128xf32, #tpu.memory_space<vmem>>)
      %add3A_85 = arith.constant 1 : i32
      %add3A_86 = arith.addi %mul3A_58, %add3A_85 : i32
      "tpu.region"() ({
        %run_scoped3A = tpu.sem_alloc : memref<!tpu.dma_semaphore, #tpu.memory_space<semaphore_mem>>
        %dma_start3A_87 = arith.constant 0 : i32
        %dma_start3A_88 = tpu.memref_slice %arg11[%add3A_86, %dma_start3A_87] : memref<80x128xi32, #tpu.memory_space<vmem>> -> memref<1x128xi32, #tpu.memory_space<vmem>>
        %dma_start3A_89 = tpu.memref_squeeze %dma_start3A_88 : memref<1x128xi32, #tpu.memory_space<vmem>> -> memref<128xi32, #tpu.memory_space<vmem>>
        %dma_start3A_90 = arith.constant 0 : i32
        %dma_start3A_91 = arith.constant 0 : i32
        %dma_start3A_92 = tpu.memref_slice %arg15[%dma_start3A_90, %dma_start3A_91] : memref<10240x128xf32, #tpu.memory_space<vmem_shared>> -> memref<10240x128xf32, #tpu.memory_space<vmem_shared>>
        tpu.enqueue_indirect_dma source(%arg13 : memref<128x128xf32, #tpu.memory_space<vmem>>) target(%dma_start3A_92 : memref<10240x128xf32, #tpu.memory_space<vmem_shared>>) offsets(%dma_start3A_89 : memref<128xi32, #tpu.memory_space<vmem>>) semaphore(%run_scoped3A : memref<!tpu.dma_semaphore, #tpu.memory_space<semaphore_mem>>) {add = true}
        %dma_wait3A_93 = arith.constant 0 : i32
        %dma_wait3A_94 = tpu.memref_slice %arg11[%add3A_86, %dma_wait3A_93] : memref<80x128xi32, #tpu.memory_space<vmem>> -> memref<1x128xi32, #tpu.memory_space<vmem>>
        %dma_wait3A_95 = tpu.memref_squeeze %dma_wait3A_94 : memref<1x128xi32, #tpu.memory_space<vmem>> -> memref<128xi32, #tpu.memory_space<vmem>>
        %dma_wait3A_96 = arith.constant 0 : i32
        %dma_wait3A_97 = arith.constant 0 : i32
        %dma_wait3A_98 = tpu.memref_slice %arg15[%dma_wait3A_96, %dma_wait3A_97] : memref<10240x128xf32, #tpu.memory_space<vmem_shared>> -> memref<10240x128xf32, #tpu.memory_space<vmem_shared>>
        tpu.wait_indirect_dma semaphore(%run_scoped3A : memref<!tpu.dma_semaphore, #tpu.memory_space<semaphore_mem>>) src(%arg13 : memref<128x128xf32, #tpu.memory_space<vmem>>) dst(%dma_wait3A_98 : memref<10240x128xf32, #tpu.memory_space<vmem_shared>>)
        tpu.yield
      }) : () -> ()
    }
    %scan3A_42 = arith.constant 40 : i32
    %barrier3A_43 = arith.constant 0 : index
    tpu.barrier barrier_id(%barrier3A_43)
    "tpu.region"() ({
      %run_scoped3A = tpu.sem_alloc : memref<!tpu.dma_semaphore, #tpu.memory_space<semaphore_mem>>
      %dma_start3A = arith.constant 0 : i32
      %dma_start3A_56 = arith.constant 0 : i32
      %dma_start3A_57 = tpu.memref_slice %arg9[%arg0, %dma_start3A, %dma_start3A_56] : memref<2x10240x128xf32, #tpu.memory_space<hbm>> -> memref<1x10240x128xf32, #tpu.memory_space<hbm>>
      %dma_start3A_58 = tpu.memref_squeeze %dma_start3A_57 : memref<1x10240x128xf32, #tpu.memory_space<hbm>> -> memref<10240x128xf32, #tpu.memory_space<hbm>>
      %dma_start3A_59 = arith.constant 0 : i32
      %dma_start3A_60 = tpu.memref_slice %dma_start3A_58[%mul3A_8, %dma_start3A_59] : memref<10240x128xf32, #tpu.memory_space<hbm>> -> memref<640x128xf32, #tpu.memory_space<hbm>>
      %dma_start3A_61 = arith.constant 0 : i32
      %dma_start3A_62 = tpu.memref_slice %arg15[%mul3A_8, %dma_start3A_61] : memref<10240x128xf32, #tpu.memory_space<vmem_shared>> -> memref<640x128xf32, #tpu.memory_space<vmem_shared>>
      tpu.enqueue_dma source(%dma_start3A_62 : memref<640x128xf32, #tpu.memory_space<vmem_shared>>) target(%dma_start3A_60 : memref<640x128xf32, #tpu.memory_space<hbm>>) target_semaphore(%run_scoped3A : memref<!tpu.dma_semaphore, #tpu.memory_space<semaphore_mem>>)
      %dma_wait3A = arith.constant 0 : i32
      %dma_wait3A_63 = arith.constant 0 : i32
      %dma_wait3A_64 = tpu.memref_slice %arg9[%arg0, %dma_wait3A, %dma_wait3A_63] : memref<2x10240x128xf32, #tpu.memory_space<hbm>> -> memref<1x10240x128xf32, #tpu.memory_space<hbm>>
      %dma_wait3A_65 = tpu.memref_squeeze %dma_wait3A_64 : memref<1x10240x128xf32, #tpu.memory_space<hbm>> -> memref<10240x128xf32, #tpu.memory_space<hbm>>
      %dma_wait3A_66 = arith.constant 0 : i32
      %dma_wait3A_67 = tpu.memref_slice %dma_wait3A_65[%mul3A_8, %dma_wait3A_66] : memref<10240x128xf32, #tpu.memory_space<hbm>> -> memref<640x128xf32, #tpu.memory_space<hbm>>
      %dma_wait3A_68 = arith.constant 0 : i32
      %dma_wait3A_69 = tpu.memref_slice %arg15[%mul3A_8, %dma_wait3A_68] : memref<10240x128xf32, #tpu.memory_space<vmem_shared>> -> memref<640x128xf32, #tpu.memory_space<vmem_shared>>
      tpu.wait_dma2 semaphore(%run_scoped3A : memref<!tpu.dma_semaphore, #tpu.memory_space<semaphore_mem>>) src(%dma_wait3A_69 : memref<640x128xf32, #tpu.memory_space<vmem_shared>>) dst(%dma_wait3A_67 : memref<640x128xf32, #tpu.memory_space<hbm>>)
      tpu.yield
    }) : () -> ()
    %scan3A_44 = arith.constant 0 : i32
    %scan3A_45 = arith.constant 20 : i32
    %scan3A_46 = arith.addi %scan3A_44, %scan3A_45 : i32
    %scan3A_47 = arith.constant 1 : i32
    scf.for %scan3A_56 = %scan3A_44 to %scan3A_46 step %scan3A_47  : i32 {
      %mul3A_57 = arith.constant 32 : i32
      %mul3A_58 = arith.muli %scan3A_56, %mul3A_57 : i32
      %add3A_59 = arith.addi %mul3A_8, %mul3A_58 : i32
      "tpu.region"() ({
        %run_scoped3A = tpu.sem_alloc : memref<!tpu.dma_semaphore, #tpu.memory_space<semaphore_mem>>
        %dma_start3A = arith.constant 0 : i32
        %dma_start3A_60 = tpu.memref_slice %arg15[%add3A_59, %dma_start3A] : memref<10240x128xf32, #tpu.memory_space<vmem_shared>> -> memref<32x128xf32, #tpu.memory_space<vmem_shared>>
        %dma_start3A_61 = arith.constant 0 : i32
        %dma_start3A_62 = tpu.memref_slice %arg15[%add3A_59, %dma_start3A_61] : memref<10240x128xf32, #tpu.memory_space<vmem_shared>> -> memref<32x128xf32, #tpu.memory_space<vmem_shared>>
        tpu.enqueue_dma source(%arg14 : memref<32x128xf32, #tpu.memory_space<vmem>>) target(%dma_start3A_62 : memref<32x128xf32, #tpu.memory_space<vmem_shared>>) target_semaphore(%run_scoped3A : memref<!tpu.dma_semaphore, #tpu.memory_space<semaphore_mem>>)
        %dma_wait3A = arith.constant 0 : i32
        %dma_wait3A_63 = tpu.memref_slice %arg15[%add3A_59, %dma_wait3A] : memref<10240x128xf32, #tpu.memory_space<vmem_shared>> -> memref<32x128xf32, #tpu.memory_space<vmem_shared>>
        %dma_wait3A_64 = arith.constant 0 : i32
        %dma_wait3A_65 = tpu.memref_slice %arg15[%add3A_59, %dma_wait3A_64] : memref<10240x128xf32, #tpu.memory_space<vmem_shared>> -> memref<32x128xf32, #tpu.memory_space<vmem_shared>>
        tpu.wait_dma2 semaphore(%run_scoped3A : memref<!tpu.dma_semaphore, #tpu.memory_space<semaphore_mem>>) src(%arg14 : memref<32x128xf32, #tpu.memory_space<vmem>>) dst(%dma_wait3A_65 : memref<32x128xf32, #tpu.memory_space<vmem_shared>>)
        tpu.yield
      }) : () -> ()
    }
    %scan3A_48 = arith.constant 20 : i32
    %barrier3A_49 = arith.constant 0 : index
    tpu.barrier barrier_id(%barrier3A_49)
    %scan3A_50 = arith.constant 0 : i32
    %scan3A_51 = arith.constant 40 : i32
    %scan3A_52 = arith.addi %scan3A_50, %scan3A_51 : i32
    %scan3A_53 = arith.constant 1 : i32
    scf.for %scan3A_56 = %scan3A_50 to %scan3A_52 step %scan3A_53  : i32 {
      %mul3A_57 = arith.constant 2 : i32
      %mul3A_58 = arith.muli %scan3A_56, %mul3A_57 : i32
      %add3A_59 = arith.addi %add3A, %mul3A_58 : i32
      %add3A_60 = arith.constant 0 : i32
      %add3A_61 = arith.addi %add3A_59, %add3A_60 : i32
      %mul3A_62 = arith.constant 128 : i32
      %mul3A_63 = arith.muli %add3A_61, %mul3A_62 : i32
      %dma_start3A = arith.constant 0 : i32
      %dma_start3A_64 = tpu.memref_slice %arg5[%mul3A_63, %dma_start3A] : memref<327680x128xf32, #tpu.memory_space<hbm>> -> memref<128x128xf32, #tpu.memory_space<hbm>>
      %dma_start3A_65 = arith.constant 0 : i32
      %dma_start3A_66 = tpu.memref_slice %arg5[%mul3A_63, %dma_start3A_65] : memref<327680x128xf32, #tpu.memory_space<hbm>> -> memref<128x128xf32, #tpu.memory_space<hbm>>
      tpu.enqueue_dma source(%dma_start3A_66 : memref<128x128xf32, #tpu.memory_space<hbm>>) target(%arg12 : memref<128x128xf32, #tpu.memory_space<vmem>>) target_semaphore(%arg16 : memref<!tpu.dma_semaphore, #tpu.memory_space<semaphore_mem>>)
      %add3A_67 = arith.addi %add3A, %mul3A_58 : i32
      %add3A_68 = arith.constant 1 : i32
      %add3A_69 = arith.addi %add3A_67, %add3A_68 : i32
      %mul3A_70 = arith.constant 128 : i32
      %mul3A_71 = arith.muli %add3A_69, %mul3A_70 : i32
      %dma_start3A_72 = arith.constant 0 : i32
      %dma_start3A_73 = tpu.memref_slice %arg5[%mul3A_71, %dma_start3A_72] : memref<327680x128xf32, #tpu.memory_space<hbm>> -> memref<128x128xf32, #tpu.memory_space<hbm>>
      %dma_start3A_74 = arith.constant 0 : i32
      %dma_start3A_75 = tpu.memref_slice %arg5[%mul3A_71, %dma_start3A_74] : memref<327680x128xf32, #tpu.memory_space<hbm>> -> memref<128x128xf32, #tpu.memory_space<hbm>>
      tpu.enqueue_dma source(%dma_start3A_75 : memref<128x128xf32, #tpu.memory_space<hbm>>) target(%arg13 : memref<128x128xf32, #tpu.memory_space<vmem>>) target_semaphore(%arg17 : memref<!tpu.dma_semaphore, #tpu.memory_space<semaphore_mem>>)
      %dma_wait3A = arith.constant 0 : i32
      %dma_wait3A_76 = tpu.memref_slice %arg5[%mul3A_63, %dma_wait3A] : memref<327680x128xf32, #tpu.memory_space<hbm>> -> memref<128x128xf32, #tpu.memory_space<hbm>>
      %dma_wait3A_77 = arith.constant 0 : i32
      %dma_wait3A_78 = tpu.memref_slice %arg5[%mul3A_63, %dma_wait3A_77] : memref<327680x128xf32, #tpu.memory_space<hbm>> -> memref<128x128xf32, #tpu.memory_space<hbm>>
      tpu.wait_dma2 semaphore(%arg16 : memref<!tpu.dma_semaphore, #tpu.memory_space<semaphore_mem>>) src(%dma_wait3A_78 : memref<128x128xf32, #tpu.memory_space<hbm>>) dst(%arg12 : memref<128x128xf32, #tpu.memory_space<vmem>>)
      %add3A_79 = arith.constant 0 : i32
      %add3A_80 = arith.addi %mul3A_58, %add3A_79 : i32
      "tpu.region"() ({
        %run_scoped3A = tpu.sem_alloc : memref<!tpu.dma_semaphore, #tpu.memory_space<semaphore_mem>>
        %dma_start3A_87 = arith.constant 0 : i32
        %dma_start3A_88 = tpu.memref_slice %arg11[%add3A_80, %dma_start3A_87] : memref<80x128xi32, #tpu.memory_space<vmem>> -> memref<1x128xi32, #tpu.memory_space<vmem>>
        %dma_start3A_89 = tpu.memref_squeeze %dma_start3A_88 : memref<1x128xi32, #tpu.memory_space<vmem>> -> memref<128xi32, #tpu.memory_space<vmem>>
        %dma_start3A_90 = arith.constant 0 : i32
        %dma_start3A_91 = arith.constant 0 : i32
        %dma_start3A_92 = tpu.memref_slice %arg15[%dma_start3A_90, %dma_start3A_91] : memref<10240x128xf32, #tpu.memory_space<vmem_shared>> -> memref<10240x128xf32, #tpu.memory_space<vmem_shared>>
        tpu.enqueue_indirect_dma source(%arg12 : memref<128x128xf32, #tpu.memory_space<vmem>>) target(%dma_start3A_92 : memref<10240x128xf32, #tpu.memory_space<vmem_shared>>) offsets(%dma_start3A_89 : memref<128xi32, #tpu.memory_space<vmem>>) semaphore(%run_scoped3A : memref<!tpu.dma_semaphore, #tpu.memory_space<semaphore_mem>>) {add = true}
        %dma_wait3A_93 = arith.constant 0 : i32
        %dma_wait3A_94 = tpu.memref_slice %arg11[%add3A_80, %dma_wait3A_93] : memref<80x128xi32, #tpu.memory_space<vmem>> -> memref<1x128xi32, #tpu.memory_space<vmem>>
        %dma_wait3A_95 = tpu.memref_squeeze %dma_wait3A_94 : memref<1x128xi32, #tpu.memory_space<vmem>> -> memref<128xi32, #tpu.memory_space<vmem>>
        %dma_wait3A_96 = arith.constant 0 : i32
        %dma_wait3A_97 = arith.constant 0 : i32
        %dma_wait3A_98 = tpu.memref_slice %arg15[%dma_wait3A_96, %dma_wait3A_97] : memref<10240x128xf32, #tpu.memory_space<vmem_shared>> -> memref<10240x128xf32, #tpu.memory_space<vmem_shared>>
        tpu.wait_indirect_dma semaphore(%run_scoped3A : memref<!tpu.dma_semaphore, #tpu.memory_space<semaphore_mem>>) src(%arg12 : memref<128x128xf32, #tpu.memory_space<vmem>>) dst(%dma_wait3A_98 : memref<10240x128xf32, #tpu.memory_space<vmem_shared>>)
        tpu.yield
      }) : () -> ()
      %dma_wait3A_81 = arith.constant 0 : i32
      %dma_wait3A_82 = tpu.memref_slice %arg5[%mul3A_71, %dma_wait3A_81] : memref<327680x128xf32, #tpu.memory_space<hbm>> -> memref<128x128xf32, #tpu.memory_space<hbm>>
      %dma_wait3A_83 = arith.constant 0 : i32
      %dma_wait3A_84 = tpu.memref_slice %arg5[%mul3A_71, %dma_wait3A_83] : memref<327680x128xf32, #tpu.memory_space<hbm>> -> memref<128x128xf32, #tpu.memory_space<hbm>>
      tpu.wait_dma2 semaphore(%arg17 : memref<!tpu.dma_semaphore, #tpu.memory_space<semaphore_mem>>) src(%dma_wait3A_84 : memref<128x128xf32, #tpu.memory_space<hbm>>) dst(%arg13 : memref<128x128xf32, #tpu.memory_space<vmem>>)
      %add3A_85 = arith.constant 1 : i32
      %add3A_86 = arith.addi %mul3A_58, %add3A_85 : i32
      "tpu.region"() ({
        %run_scoped3A = tpu.sem_alloc : memref<!tpu.dma_semaphore, #tpu.memory_space<semaphore_mem>>
        %dma_start3A_87 = arith.constant 0 : i32
        %dma_start3A_88 = tpu.memref_slice %arg11[%add3A_86, %dma_start3A_87] : memref<80x128xi32, #tpu.memory_space<vmem>> -> memref<1x128xi32, #tpu.memory_space<vmem>>
        %dma_start3A_89 = tpu.memref_squeeze %dma_start3A_88 : memref<1x128xi32, #tpu.memory_space<vmem>> -> memref<128xi32, #tpu.memory_space<vmem>>
        %dma_start3A_90 = arith.constant 0 : i32
        %dma_start3A_91 = arith.constant 0 : i32
        %dma_start3A_92 = tpu.memref_slice %arg15[%dma_start3A_90, %dma_start3A_91] : memref<10240x128xf32, #tpu.memory_space<vmem_shared>> -> memref<10240x128xf32, #tpu.memory_space<vmem_shared>>
        tpu.enqueue_indirect_dma source(%arg13 : memref<128x128xf32, #tpu.memory_space<vmem>>) target(%dma_start3A_92 : memref<10240x128xf32, #tpu.memory_space<vmem_shared>>) offsets(%dma_start3A_89 : memref<128xi32, #tpu.memory_space<vmem>>) semaphore(%run_scoped3A : memref<!tpu.dma_semaphore, #tpu.memory_space<semaphore_mem>>) {add = true}
        %dma_wait3A_93 = arith.constant 0 : i32
        %dma_wait3A_94 = tpu.memref_slice %arg11[%add3A_86, %dma_wait3A_93] : memref<80x128xi32, #tpu.memory_space<vmem>> -> memref<1x128xi32, #tpu.memory_space<vmem>>
        %dma_wait3A_95 = tpu.memref_squeeze %dma_wait3A_94 : memref<1x128xi32, #tpu.memory_space<vmem>> -> memref<128xi32, #tpu.memory_space<vmem>>
        %dma_wait3A_96 = arith.constant 0 : i32
        %dma_wait3A_97 = arith.constant 0 : i32
        %dma_wait3A_98 = tpu.memref_slice %arg15[%dma_wait3A_96, %dma_wait3A_97] : memref<10240x128xf32, #tpu.memory_space<vmem_shared>> -> memref<10240x128xf32, #tpu.memory_space<vmem_shared>>
        tpu.wait_indirect_dma semaphore(%run_scoped3A : memref<!tpu.dma_semaphore, #tpu.memory_space<semaphore_mem>>) src(%arg13 : memref<128x128xf32, #tpu.memory_space<vmem>>) dst(%dma_wait3A_98 : memref<10240x128xf32, #tpu.memory_space<vmem_shared>>)
        tpu.yield
      }) : () -> ()
    }
    %scan3A_54 = arith.constant 40 : i32
    %barrier3A_55 = arith.constant 0 : index
    tpu.barrier barrier_id(%barrier3A_55)
    "tpu.region"() ({
      %run_scoped3A = tpu.sem_alloc : memref<!tpu.dma_semaphore, #tpu.memory_space<semaphore_mem>>
      %dma_start3A = arith.constant 0 : i32
      %dma_start3A_56 = arith.constant 0 : i32
      %dma_start3A_57 = tpu.memref_slice %arg10[%arg0, %dma_start3A, %dma_start3A_56] : memref<2x10240x128xf32, #tpu.memory_space<hbm>> -> memref<1x10240x128xf32, #tpu.memory_space<hbm>>
      %dma_start3A_58 = tpu.memref_squeeze %dma_start3A_57 : memref<1x10240x128xf32, #tpu.memory_space<hbm>> -> memref<10240x128xf32, #tpu.memory_space<hbm>>
      %dma_start3A_59 = arith.constant 0 : i32
      %dma_start3A_60 = tpu.memref_slice %dma_start3A_58[%mul3A_8, %dma_start3A_59] : memref<10240x128xf32, #tpu.memory_space<hbm>> -> memref<640x128xf32, #tpu.memory_space<hbm>>
      %dma_start3A_61 = arith.constant 0 : i32
      %dma_start3A_62 = tpu.memref_slice %arg15[%mul3A_8, %dma_start3A_61] : memref<10240x128xf32, #tpu.memory_space<vmem_shared>> -> memref<640x128xf32, #tpu.memory_space<vmem_shared>>
      tpu.enqueue_dma source(%dma_start3A_62 : memref<640x128xf32, #tpu.memory_space<vmem_shared>>) target(%dma_start3A_60 : memref<640x128xf32, #tpu.memory_space<hbm>>) target_semaphore(%run_scoped3A : memref<!tpu.dma_semaphore, #tpu.memory_space<semaphore_mem>>)
      %dma_wait3A = arith.constant 0 : i32
      %dma_wait3A_63 = arith.constant 0 : i32
      %dma_wait3A_64 = tpu.memref_slice %arg10[%arg0, %dma_wait3A, %dma_wait3A_63] : memref<2x10240x128xf32, #tpu.memory_space<hbm>> -> memref<1x10240x128xf32, #tpu.memory_space<hbm>>
      %dma_wait3A_65 = tpu.memref_squeeze %dma_wait3A_64 : memref<1x10240x128xf32, #tpu.memory_space<hbm>> -> memref<10240x128xf32, #tpu.memory_space<hbm>>
      %dma_wait3A_66 = arith.constant 0 : i32
      %dma_wait3A_67 = tpu.memref_slice %dma_wait3A_65[%mul3A_8, %dma_wait3A_66] : memref<10240x128xf32, #tpu.memory_space<hbm>> -> memref<640x128xf32, #tpu.memory_space<hbm>>
      %dma_wait3A_68 = arith.constant 0 : i32
      %dma_wait3A_69 = tpu.memref_slice %arg15[%mul3A_8, %dma_wait3A_68] : memref<10240x128xf32, #tpu.memory_space<vmem_shared>> -> memref<640x128xf32, #tpu.memory_space<vmem_shared>>
      tpu.wait_dma2 semaphore(%run_scoped3A : memref<!tpu.dma_semaphore, #tpu.memory_space<semaphore_mem>>) src(%dma_wait3A_69 : memref<640x128xf32, #tpu.memory_space<vmem_shared>>) dst(%dma_wait3A_67 : memref<640x128xf32, #tpu.memory_space<hbm>>)
      tpu.yield
    }) : () -> ()
    return
  }
}

module attributes {stable_mosaic.version = 14 : i64} {
  func.func @_geom_body(%arg0: i32, %arg1: memref<512x128xf32, #tpu.memory_space<vmem>>, %arg2: memref<512x128xf32, #tpu.memory_space<vmem>>, %arg3: memref<512x8xf32, #tpu.memory_space<vmem>>, %arg4: memref<1x512xf32, #tpu.memory_space<vmem>>) attributes {dimension_semantics = [#tpu.dimension_semantics<arbitrary>], iteration_bounds = array<i64: 640>, scalar_prefetch = 0 : i64, scratch_operands = 0 : i64, tpu.core_type = #tpu.core_type<tc>, window_params = [{transform_indices = @transform_0, window_bounds = array<i64: 512, 128>}, {transform_indices = @transform_1, window_bounds = array<i64: 512, 128>}, {transform_indices = @transform_2, window_bounds = array<i64: 512, 8>}, {transform_indices = @transform_3, window_bounds = array<i64: 1, 512>}]} {
    %get3A = arith.constant 0 : index
    %get3A_0 = arith.constant 0 : index
    %get3A_1 = vector.load %arg1[%get3A, %get3A_0] : memref<512x128xf32, #tpu.memory_space<vmem>>, vector<512x128xf32>
    %get3A_2 = arith.constant 0 : index
    %get3A_3 = arith.constant 0 : index
    %get3A_4 = vector.load %arg2[%get3A_2, %get3A_3] : memref<512x128xf32, #tpu.memory_space<vmem>>, vector<512x128xf32>
    %slice3A = vector.extract_strided_slice %get3A_4 {offsets = [0, 0], sizes = [512, 1], strides = [1, 1]} : vector<512x128xf32> to vector<512x1xf32>
    %slice3A_5 = vector.extract_strided_slice %get3A_1 {offsets = [0, 0], sizes = [512, 1], strides = [1, 1]} : vector<512x128xf32> to vector<512x1xf32>
    %sub3A = arith.subf %slice3A, %slice3A_5 : vector<512x1xf32>
    %slice3A_6 = vector.extract_strided_slice %get3A_4 {offsets = [0, 1], sizes = [512, 1], strides = [1, 1]} : vector<512x128xf32> to vector<512x1xf32>
    %slice3A_7 = vector.extract_strided_slice %get3A_1 {offsets = [0, 1], sizes = [512, 1], strides = [1, 1]} : vector<512x128xf32> to vector<512x1xf32>
    %sub3A_8 = arith.subf %slice3A_6, %slice3A_7 : vector<512x1xf32>
    %slice3A_9 = vector.extract_strided_slice %get3A_4 {offsets = [0, 2], sizes = [512, 1], strides = [1, 1]} : vector<512x128xf32> to vector<512x1xf32>
    %slice3A_10 = vector.extract_strided_slice %get3A_1 {offsets = [0, 2], sizes = [512, 1], strides = [1, 1]} : vector<512x128xf32> to vector<512x1xf32>
    %sub3A_11 = arith.subf %slice3A_9, %slice3A_10 : vector<512x1xf32>
    %mul3A = arith.mulf %sub3A, %sub3A : vector<512x1xf32>
    %mul3A_12 = arith.mulf %sub3A_8, %sub3A_8 : vector<512x1xf32>
    %add3A = arith.addf %mul3A, %mul3A_12 : vector<512x1xf32>
    %mul3A_13 = arith.mulf %sub3A_11, %sub3A_11 : vector<512x1xf32>
    %add3A_14 = arith.addf %add3A, %mul3A_13 : vector<512x1xf32>
    %sqrt3A = math.sqrt %add3A_14 : vector<512x1xf32>
    %max3A = arith.constant 9.99999993E-9 : f32
    %max3A_15 = vector.broadcast %max3A : f32 to vector<512x1xf32>
    %max3A_16 = arith.maximumf %sqrt3A, %max3A_15 : vector<512x1xf32>
    %div3A = arith.constant 1.000000e+00 : f32
    %div3A_17 = vector.broadcast %div3A : f32 to vector<512x1xf32>
    %div3A_18 = arith.divf %div3A_17, %max3A_16 : vector<512x1xf32>
    %mul3A_19 = arith.mulf %sub3A, %div3A_18 : vector<512x1xf32>
    %mul3A_20 = arith.mulf %sub3A_8, %div3A_18 : vector<512x1xf32>
    %mul3A_21 = arith.mulf %sub3A_11, %div3A_18 : vector<512x1xf32>
    %slice3A_22 = vector.extract_strided_slice %get3A_4 {offsets = [0, 3], sizes = [512, 1], strides = [1, 1]} : vector<512x128xf32> to vector<512x1xf32>
    %broadcast_in_dim3A = arith.constant 0.000000e+00 : f32
    %broadcast_in_dim3A_23 = vector.broadcast %broadcast_in_dim3A : f32 to vector<512x3xf32>
    %concatenate3A = tpu.concatenate %mul3A_19, %mul3A_20, %mul3A_21, %max3A_16, %slice3A_22, %broadcast_in_dim3A_23 in 1 : vector<512x1xf32>, vector<512x1xf32>, vector<512x1xf32>, vector<512x1xf32>, vector<512x1xf32>, vector<512x3xf32> -> vector<512x8xf32>
    %swap3A = arith.constant 0 : index
    %swap3A_24 = arith.constant 0 : index
    %swap3A_25 = vector.load %arg3[%swap3A, %swap3A_24] : memref<512x8xf32, #tpu.memory_space<vmem>>, vector<512x8xf32>
    tpu.vector_store %arg3[%swap3A, %swap3A_24], %concatenate3A {strides = array<i32>} : memref<512x8xf32, #tpu.memory_space<vmem>>, vector<512x8xf32>,
    %transpose3A = tpu.transpose %max3A_16, [1, 0] : vector<512x1xf32> -> vector<1x512xf32>
    %swap3A_26 = arith.constant 0 : index
    %swap3A_27 = arith.constant 0 : index
    %swap3A_28 = vector.load %arg4[%swap3A_26, %swap3A_27] : memref<1x512xf32, #tpu.memory_space<vmem>>, vector<1x512xf32>
    tpu.vector_store %arg4[%swap3A_26, %swap3A_27], %transpose3A {strides = array<i32>} : memref<1x512xf32, #tpu.memory_space<vmem>>, vector<1x512xf32>,
    return
  }
  func.func @transform_0(%arg0: i32) -> (i32, i32) {
    %c0_i32 = arith.constant 0 : i32
    %c0_i32_0 = arith.constant 0 : i32
    return %arg0, %c0_i32 : i32, i32
  }
  func.func @transform_1(%arg0: i32) -> (i32, i32) {
    %c0_i32 = arith.constant 0 : i32
    %c0_i32_0 = arith.constant 0 : i32
    return %arg0, %c0_i32 : i32, i32
  }
  func.func @transform_2(%arg0: i32) -> (i32, i32) {
    %c0_i32 = arith.constant 0 : i32
    %c0_i32_0 = arith.constant 0 : i32
    return %arg0, %c0_i32 : i32, i32
  }
  func.func @transform_3(%arg0: i32) -> (i32, i32) {
    %c0_i32 = arith.constant 0 : i32
    %c0_i32_0 = arith.constant 0 : i32
    return %c0_i32, %arg0 : i32, i32
  }
}

module attributes {stable_mosaic.version = 14 : i64} {
  func.func @_lambda_(%arg0: i32, %arg1: memref<512x8xf32, #tpu.memory_space<vmem>>, %arg2: memref<1x512xf32, #tpu.memory_space<vmem>>, %arg3: memref<128x128xf32, #tpu.memory_space<vmem>>, %arg4: memref<32x128xf32, #tpu.memory_space<vmem>>, %arg5: memref<1x128xf32, #tpu.memory_space<vmem>>, %arg6: memref<128x128xf32, #tpu.memory_space<vmem>>, %arg7: memref<1x128xf32, #tpu.memory_space<vmem>>, %arg8: memref<128x128xf32, #tpu.memory_space<vmem>>, %arg9: memref<1x128xf32, #tpu.memory_space<vmem>>, %arg10: memref<128x128xf32, #tpu.memory_space<vmem>>, %arg11: memref<1x128xf32, #tpu.memory_space<vmem>>, %arg12: memref<512x128xf32, #tpu.memory_space<vmem>>, %arg13: memref<512x128xf32, #tpu.memory_space<vmem>>, %arg14: memref<512x128xf32, #tpu.memory_space<vmem>>, %arg15: memref<512x128xf32, #tpu.memory_space<vmem>>) attributes {dimension_semantics = [#tpu.dimension_semantics<arbitrary>], iteration_bounds = array<i64: 640>, scalar_prefetch = 0 : i64, scratch_operands = 0 : i64, tpu.core_type = #tpu.core_type<tc>, window_params = [{transform_indices = @transform_0, window_bounds = array<i64: 512, 8>}, {transform_indices = @transform_1, window_bounds = array<i64: 1, 512>}, {pipeline_mode = #tpu.pipeline_mode<synchronous>, transform_indices = @transform_2, window_bounds = array<i64: 128, 128>}, {pipeline_mode = #tpu.pipeline_mode<synchronous>, transform_indices = @transform_3, window_bounds = array<i64: 32, 128>}, {pipeline_mode = #tpu.pipeline_mode<synchronous>, transform_indices = @transform_4, window_bounds = array<i64: 1, 128>}, {pipeline_mode = #tpu.pipeline_mode<synchronous>, transform_indices = @transform_5, window_bounds = array<i64: 128, 128>}, {pipeline_mode = #tpu.pipeline_mode<synchronous>, transform_indices = @transform_6, window_bounds = array<i64: 1, 128>}, {pipeline_mode = #tpu.pipeline_mode<synchronous>, transform_indices = @transform_7, window_bounds = array<i64: 128, 128>}, {pipeline_mode = #tpu.pipeline_mode<synchronous>, transform_indices = @transform_8, window_bounds = array<i64: 1, 128>}, {pipeline_mode = #tpu.pipeline_mode<synchronous>, transform_indices = @transform_9, window_bounds = array<i64: 128, 128>}, {pipeline_mode = #tpu.pipeline_mode<synchronous>, transform_indices = @transform_10, window_bounds = array<i64: 1, 128>}, {transform_indices = @transform_11, window_bounds = array<i64: 512, 128>}, {transform_indices = @transform_12, window_bounds = array<i64: 512, 128>}, {transform_indices = @transform_13, window_bounds = array<i64: 512, 128>}, {transform_indices = @transform_14, window_bounds = array<i64: 512, 128>}]} {
    %get3A = arith.constant 0 : index
    %get3A_0 = arith.constant 0 : index
    %get3A_1 = vector.load %arg1[%get3A, %get3A_0] : memref<512x8xf32, #tpu.memory_space<vmem>>, vector<512x8xf32>
    %slice3A = vector.extract_strided_slice %get3A_1 {offsets = [0, 0], sizes = [512, 1], strides = [1, 1]} : vector<512x8xf32> to vector<512x1xf32>
    %slice3A_2 = vector.extract_strided_slice %get3A_1 {offsets = [0, 1], sizes = [512, 1], strides = [1, 1]} : vector<512x8xf32> to vector<512x1xf32>
    %slice3A_3 = vector.extract_strided_slice %get3A_1 {offsets = [0, 2], sizes = [512, 1], strides = [1, 1]} : vector<512x8xf32> to vector<512x1xf32>
    %iota3A = tpu.iota {dimensions = array<i32: 1>} : vector<512x128xi32>
    %convert_element_type3A = arith.sitofp %iota3A : vector<512x128xi32> to vector<512x128xf32>
    %slice3A_4 = vector.extract_strided_slice %get3A_1 {offsets = [0, 4], sizes = [512, 1], strides = [1, 1]} : vector<512x8xf32> to vector<512x1xf32>
    %eq3A = vector.broadcast %slice3A_4 : vector<512x1xf32> to vector<512x128xf32>
    %eq3A_5 = arith.cmpf oeq, %eq3A, %convert_element_type3A : vector<512x128xf32>
    %convert_element_type3A_6 = arith.extui %eq3A_5 : vector<512x128xi1> to vector<512x128xi32>
    %convert_element_type3A_7 = arith.sitofp %convert_element_type3A_6 : vector<512x128xi32> to vector<512x128xf32>
    %get3A_8 = arith.constant 0 : index
    %get3A_9 = arith.constant 0 : index
    %get3A_10 = vector.load %arg3[%get3A_8, %get3A_9] : memref<128x128xf32, #tpu.memory_space<vmem>>, vector<128x128xf32>
    %dot_general3A = arith.constant dense<0.000000e+00> : vector<512x128xf32>
    %dot_general3A_11 = tpu.matmul %convert_element_type3A_7, %get3A_10, %dot_general3A {dimension_numbers = #tpu.dot_dimension_numbers<[1], [0], [0], [1], [0, 0, 1, 1], [], []>, transpose_lhs_hint = false} : vector<512x128xf32>, vector<128x128xf32>, vector<512x128xf32> -> vector<512x128xf32>
    %get3A_12 = arith.constant 0 : index
    %get3A_13 = arith.constant 0 : index
    %get3A_14 = vector.load %arg2[%get3A_12, %get3A_13] : memref<1x512xf32, #tpu.memory_space<vmem>>, vector<1x512xf32>
    %mul3A = arith.constant 0.628318548 : f32
    %mul3A_15 = vector.broadcast %mul3A : f32 to vector<1x512xf32>
    %mul3A_16 = arith.mulf %get3A_14, %mul3A_15 : vector<1x512xf32>
    %cos3A = math.cos %mul3A_16 : vector<1x512xf32>
    %sin3A = math.sin %mul3A_16 : vector<1x512xf32>
    %lt3A = arith.constant 5.000000e+00 : f32
    %lt3A_17 = vector.broadcast %lt3A : f32 to vector<1x512xf32>
    %lt3A_18 = arith.cmpf olt, %get3A_14, %lt3A_17 : vector<1x512xf32>
    %add3A = arith.constant 1.000000e+00 : f32
    %add3A_19 = vector.broadcast %add3A : f32 to vector<1x512xf32>
    %add3A_20 = arith.addf %cos3A, %add3A_19 : vector<1x512xf32>
    %mul3A_21 = arith.constant 5.000000e-01 : f32
    %mul3A_22 = vector.broadcast %mul3A_21 : f32 to vector<1x512xf32>
    %mul3A_23 = arith.mulf %mul3A_22, %add3A_20 : vector<1x512xf32>
    %jit3A = arith.constant 0.000000e+00 : f32
    %broadcast_in_dim3A = vector.broadcast %jit3A : f32 to vector<1x512xf32>
    %select_n3A = arith.select %lt3A_18, %mul3A_23, %broadcast_in_dim3A : vector<1x512xi1>, vector<1x512xf32>
    %div3A = arith.divf %select_n3A, %get3A_14 : vector<1x512xf32>
    %mul3A_24 = arith.constant 2.000000e+00 : f32
    %mul3A_25 = vector.broadcast %mul3A_24 : f32 to vector<1x512xf32>
    %mul3A_26 = arith.mulf %mul3A_25, %cos3A : vector<1x512xf32>
    %broadcast_in_dim3A_27 = arith.constant 0.000000e+00 : f32
    %broadcast_in_dim3A_28 = vector.broadcast %broadcast_in_dim3A_27 : f32 to vector<1x512xf32>
    %mul3A_29 = arith.mulf %sin3A, %div3A : vector<1x512xf32>
    %mul3A_30 = arith.mulf %mul3A_26, %mul3A_29 : vector<1x512xf32>
    %sub3A = arith.subf %mul3A_30, %broadcast_in_dim3A_28 : vector<1x512xf32>
    %mul3A_31 = arith.mulf %mul3A_26, %sub3A : vector<1x512xf32>
    %sub3A_32 = arith.subf %mul3A_31, %mul3A_29 : vector<1x512xf32>
    %mul3A_33 = arith.mulf %mul3A_26, %sub3A_32 : vector<1x512xf32>
    %sub3A_34 = arith.subf %mul3A_33, %sub3A : vector<1x512xf32>
    %mul3A_35 = arith.mulf %mul3A_26, %sub3A_34 : vector<1x512xf32>
    %sub3A_36 = arith.subf %mul3A_35, %sub3A_32 : vector<1x512xf32>
    %mul3A_37 = arith.mulf %mul3A_26, %sub3A_36 : vector<1x512xf32>
    %sub3A_38 = arith.subf %mul3A_37, %sub3A_34 : vector<1x512xf32>
    %mul3A_39 = arith.mulf %mul3A_26, %sub3A_38 : vector<1x512xf32>
    %sub3A_40 = arith.subf %mul3A_39, %sub3A_36 : vector<1x512xf32>
    %mul3A_41 = arith.mulf %mul3A_26, %sub3A_40 : vector<1x512xf32>
    %sub3A_42 = arith.subf %mul3A_41, %sub3A_38 : vector<1x512xf32>
    %mul3A_43 = arith.mulf %mul3A_26, %sub3A_42 : vector<1x512xf32>
    %sub3A_44 = arith.subf %mul3A_43, %sub3A_40 : vector<1x512xf32>
    %mul3A_45 = arith.mulf %mul3A_26, %sub3A_44 : vector<1x512xf32>
    %sub3A_46 = arith.subf %mul3A_45, %sub3A_42 : vector<1x512xf32>
    %mul3A_47 = arith.mulf %mul3A_26, %sub3A_46 : vector<1x512xf32>
    %sub3A_48 = arith.subf %mul3A_47, %sub3A_44 : vector<1x512xf32>
    %mul3A_49 = arith.mulf %mul3A_26, %sub3A_48 : vector<1x512xf32>
    %sub3A_50 = arith.subf %mul3A_49, %sub3A_46 : vector<1x512xf32>
    %mul3A_51 = arith.mulf %mul3A_26, %sub3A_50 : vector<1x512xf32>
    %sub3A_52 = arith.subf %mul3A_51, %sub3A_48 : vector<1x512xf32>
    %mul3A_53 = arith.mulf %mul3A_26, %sub3A_52 : vector<1x512xf32>
    %sub3A_54 = arith.subf %mul3A_53, %sub3A_50 : vector<1x512xf32>
    %mul3A_55 = arith.mulf %mul3A_26, %sub3A_54 : vector<1x512xf32>
    %sub3A_56 = arith.subf %mul3A_55, %sub3A_52 : vector<1x512xf32>
    %mul3A_57 = arith.mulf %mul3A_26, %sub3A_56 : vector<1x512xf32>
    %sub3A_58 = arith.subf %mul3A_57, %sub3A_54 : vector<1x512xf32>
    %mul3A_59 = arith.mulf %mul3A_26, %sub3A_58 : vector<1x512xf32>
    %sub3A_60 = arith.subf %mul3A_59, %sub3A_56 : vector<1x512xf32>
    %mul3A_61 = arith.mulf %mul3A_26, %sub3A_60 : vector<1x512xf32>
    %sub3A_62 = arith.subf %mul3A_61, %sub3A_58 : vector<1x512xf32>
    %mul3A_63 = arith.mulf %mul3A_26, %sub3A_62 : vector<1x512xf32>
    %sub3A_64 = arith.subf %mul3A_63, %sub3A_60 : vector<1x512xf32>
    %mul3A_65 = arith.mulf %mul3A_26, %sub3A_64 : vector<1x512xf32>
    %sub3A_66 = arith.subf %mul3A_65, %sub3A_62 : vector<1x512xf32>
    %broadcast_in_dim3A_67 = arith.constant 0.000000e+00 : f32
    %broadcast_in_dim3A_68 = vector.broadcast %broadcast_in_dim3A_67 : f32 to vector<12x512xf32>
    %concatenate3A = tpu.concatenate %mul3A_29, %sub3A, %sub3A_32, %sub3A_34, %sub3A_36, %sub3A_38, %sub3A_40, %sub3A_42, %sub3A_44, %sub3A_46, %sub3A_48, %sub3A_50, %sub3A_52, %sub3A_54, %sub3A_56, %sub3A_58, %sub3A_60, %sub3A_62, %sub3A_64, %sub3A_66, %broadcast_in_dim3A_68 in 0 : vector<1x512xf32>, vector<1x512xf32>, vector<1x512xf32>, vector<1x512xf32>, vector<1x512xf32>, vector<1x512xf32>, vector<1x512xf32>, vector<1x512xf32>, vector<1x512xf32>, vector<1x512xf32>, vector<1x512xf32>, vector<1x512xf32>, vector<1x512xf32>, vector<1x512xf32>, vector<1x512xf32>, vector<1x512xf32>, vector<1x512xf32>, vector<1x512xf32>, vector<1x512xf32>, vector<1x512xf32>, vector<12x512xf32> -> vector<32x512xf32>
    %get3A_69 = arith.constant 0 : index
    %get3A_70 = arith.constant 0 : index
    %get3A_71 = vector.load %arg4[%get3A_69, %get3A_70] : memref<32x128xf32, #tpu.memory_space<vmem>>, vector<32x128xf32>
    %dot_general3A_72 = arith.constant dense<0.000000e+00> : vector<512x128xf32>
    %dot_general3A_73 = tpu.matmul %concatenate3A, %get3A_71, %dot_general3A_72 {dimension_numbers = #tpu.dot_dimension_numbers<[0], [0], [1], [1], [0, 1, 1, 1], [], []>, transpose_lhs_hint = false} : vector<32x512xf32>, vector<32x128xf32>, vector<512x128xf32> -> vector<512x128xf32>
    %get3A_74 = arith.constant 0 : index
    %get3A_75 = arith.constant 0 : index
    %get3A_76 = vector.load %arg5[%get3A_74, %get3A_75] : memref<1x128xf32, #tpu.memory_space<vmem>>, vector<1x128xf32>
    %add3A_77 = vector.broadcast %get3A_76 : vector<1x128xf32> to vector<512x128xf32>
    %add3A_78 = arith.addf %dot_general3A_73, %add3A_77 : vector<512x128xf32>
    %neg3A = arith.constant 0.000000e+00 : f32
    %neg3A_79 = vector.broadcast %neg3A : f32 to vector<512x128xf32>
    %neg3A_80 = arith.subf %neg3A_79, %add3A_78 : vector<512x128xf32>
    %exp3A = math.exp %neg3A_80 : vector<512x128xf32>
    %add3A_81 = arith.constant 1.000000e+00 : f32
    %add3A_82 = vector.broadcast %add3A_81 : f32 to vector<512x128xf32>
    %add3A_83 = arith.addf %add3A_82, %exp3A : vector<512x128xf32>
    %div3A_84 = arith.constant 1.000000e+00 : f32
    %div3A_85 = vector.broadcast %div3A_84 : f32 to vector<512x128xf32>
    %div3A_86 = arith.divf %div3A_85, %add3A_83 : vector<512x128xf32>
    %mul3A_87 = arith.mulf %add3A_78, %div3A_86 : vector<512x128xf32>
    %get3A_88 = arith.constant 0 : index
    %get3A_89 = arith.constant 0 : index
    %get3A_90 = vector.load %arg6[%get3A_88, %get3A_89] : memref<128x128xf32, #tpu.memory_space<vmem>>, vector<128x128xf32>
    %dot_general3A_91 = arith.constant dense<0.000000e+00> : vector<512x128xf32>
    %dot_general3A_92 = tpu.matmul %mul3A_87, %get3A_90, %dot_general3A_91 {dimension_numbers = #tpu.dot_dimension_numbers<[1], [0], [0], [1], [0, 0, 1, 1], [], []>, transpose_lhs_hint = false} : vector<512x128xf32>, vector<128x128xf32>, vector<512x128xf32> -> vector<512x128xf32>
    %get3A_93 = arith.constant 0 : index
    %get3A_94 = arith.constant 0 : index
    %get3A_95 = vector.load %arg7[%get3A_93, %get3A_94] : memref<1x128xf32, #tpu.memory_space<vmem>>, vector<1x128xf32>
    %add3A_96 = vector.broadcast %get3A_95 : vector<1x128xf32> to vector<512x128xf32>
    %add3A_97 = arith.addf %dot_general3A_92, %add3A_96 : vector<512x128xf32>
    %get3A_98 = arith.constant 0 : index
    %get3A_99 = arith.constant 0 : index
    %get3A_100 = vector.load %arg8[%get3A_98, %get3A_99] : memref<128x128xf32, #tpu.memory_space<vmem>>, vector<128x128xf32>
    %dot_general3A_101 = arith.constant dense<0.000000e+00> : vector<512x128xf32>
    %dot_general3A_102 = tpu.matmul %dot_general3A_11, %get3A_100, %dot_general3A_101 {dimension_numbers = #tpu.dot_dimension_numbers<[1], [0], [0], [1], [0, 0, 1, 1], [], []>, transpose_lhs_hint = false} : vector<512x128xf32>, vector<128x128xf32>, vector<512x128xf32> -> vector<512x128xf32>
    %get3A_103 = arith.constant 0 : index
    %get3A_104 = arith.constant 0 : index
    %get3A_105 = vector.load %arg9[%get3A_103, %get3A_104] : memref<1x128xf32, #tpu.memory_space<vmem>>, vector<1x128xf32>
    %add3A_106 = vector.broadcast %get3A_105 : vector<1x128xf32> to vector<512x128xf32>
    %add3A_107 = arith.addf %dot_general3A_102, %add3A_106 : vector<512x128xf32>
    %mul3A_108 = arith.mulf %add3A_107, %add3A_97 : vector<512x128xf32>
    %get3A_109 = arith.constant 0 : index
    %get3A_110 = arith.constant 0 : index
    %get3A_111 = vector.load %arg11[%get3A_109, %get3A_110] : memref<1x128xf32, #tpu.memory_space<vmem>>, vector<1x128xf32>
    %mul3A_112 = vector.broadcast %get3A_111 : vector<1x128xf32> to vector<512x128xf32>
    %mul3A_113 = arith.mulf %mul3A_112, %add3A_97 : vector<512x128xf32>
    %swap3A = arith.constant 0 : index
    %swap3A_114 = arith.constant 0 : index
    %swap3A_115 = vector.load %arg12[%swap3A, %swap3A_114] : memref<512x128xf32, #tpu.memory_space<vmem>>, vector<512x128xf32>
    tpu.vector_store %arg12[%swap3A, %swap3A_114], %mul3A_108 {strides = array<i32>} : memref<512x128xf32, #tpu.memory_space<vmem>>, vector<512x128xf32>,
    %mul3A_116 = vector.broadcast %slice3A : vector<512x1xf32> to vector<512x128xf32>
    %mul3A_117 = arith.mulf %mul3A_116, %mul3A_113 : vector<512x128xf32>
    %swap3A_118 = arith.constant 0 : index
    %swap3A_119 = arith.constant 0 : index
    %swap3A_120 = vector.load %arg13[%swap3A_118, %swap3A_119] : memref<512x128xf32, #tpu.memory_space<vmem>>, vector<512x128xf32>
    tpu.vector_store %arg13[%swap3A_118, %swap3A_119], %mul3A_117 {strides = array<i32>} : memref<512x128xf32, #tpu.memory_space<vmem>>, vector<512x128xf32>,
    %mul3A_121 = vector.broadcast %slice3A_2 : vector<512x1xf32> to vector<512x128xf32>
    %mul3A_122 = arith.mulf %mul3A_121, %mul3A_113 : vector<512x128xf32>
    %swap3A_123 = arith.constant 0 : index
    %swap3A_124 = arith.constant 0 : index
    %swap3A_125 = vector.load %arg14[%swap3A_123, %swap3A_124] : memref<512x128xf32, #tpu.memory_space<vmem>>, vector<512x128xf32>
    tpu.vector_store %arg14[%swap3A_123, %swap3A_124], %mul3A_122 {strides = array<i32>} : memref<512x128xf32, #tpu.memory_space<vmem>>, vector<512x128xf32>,
    %mul3A_126 = vector.broadcast %slice3A_3 : vector<512x1xf32> to vector<512x128xf32>
    %mul3A_127 = arith.mulf %mul3A_126, %mul3A_113 : vector<512x128xf32>
    %swap3A_128 = arith.constant 0 : index
    %swap3A_129 = arith.constant 0 : index
    %swap3A_130 = vector.load %arg15[%swap3A_128, %swap3A_129] : memref<512x128xf32, #tpu.memory_space<vmem>>, vector<512x128xf32>
    tpu.vector_store %arg15[%swap3A_128, %swap3A_129], %mul3A_127 {strides = array<i32>} : memref<512x128xf32, #tpu.memory_space<vmem>>, vector<512x128xf32>,
    return
  }
  func.func @transform_0(%arg0: i32) -> (i32, i32) {
    %c0_i32 = arith.constant 0 : i32
    %c0_i32_0 = arith.constant 0 : i32
    return %arg0, %c0_i32 : i32, i32
  }
  func.func @transform_1(%arg0: i32) -> (i32, i32) {
    %c0_i32 = arith.constant 0 : i32
    %c0_i32_0 = arith.constant 0 : i32
    return %c0_i32, %arg0 : i32, i32
  }
  func.func @transform_2(%arg0: i32) -> (i32, i32) {
    %c0_i32 = arith.constant 0 : i32
    %c0_i32_0 = arith.constant 0 : i32
    %c0_i32_1 = arith.constant 0 : i32
    return %c0_i32, %c0_i32_0 : i32, i32
  }
  func.func @transform_3(%arg0: i32) -> (i32, i32) {
    %c0_i32 = arith.constant 0 : i32
    %c0_i32_0 = arith.constant 0 : i32
    %c0_i32_1 = arith.constant 0 : i32
    return %c0_i32, %c0_i32_0 : i32, i32
  }
  func.func @transform_4(%arg0: i32) -> (i32, i32) {
    %c0_i32 = arith.constant 0 : i32
    %c0_i32_0 = arith.constant 0 : i32
    %c0_i32_1 = arith.constant 0 : i32
    return %c0_i32, %c0_i32_0 : i32, i32
  }
  func.func @transform_5(%arg0: i32) -> (i32, i32) {
    %c0_i32 = arith.constant 0 : i32
    %c0_i32_0 = arith.constant 0 : i32
    %c0_i32_1 = arith.constant 0 : i32
    return %c0_i32, %c0_i32_0 : i32, i32
  }
  func.func @transform_6(%arg0: i32) -> (i32, i32) {
    %c0_i32 = arith.constant 0 : i32
    %c0_i32_0 = arith.constant 0 : i32
    %c0_i32_1 = arith.constant 0 : i32
    return %c0_i32, %c0_i32_0 : i32, i32
  }
  func.func @transform_7(%arg0: i32) -> (i32, i32) {
    %c0_i32 = arith.constant 0 : i32
    %c0_i32_0 = arith.constant 0 : i32
    %c0_i32_1 = arith.constant 0 : i32
    return %c0_i32, %c0_i32_0 : i32, i32
  }
  func.func @transform_8(%arg0: i32) -> (i32, i32) {
    %c0_i32 = arith.constant 0 : i32
    %c0_i32_0 = arith.constant 0 : i32
    %c0_i32_1 = arith.constant 0 : i32
    return %c0_i32, %c0_i32_0 : i32, i32
  }
  func.func @transform_9(%arg0: i32) -> (i32, i32) {
    %c0_i32 = arith.constant 0 : i32
    %c0_i32_0 = arith.constant 0 : i32
    %c0_i32_1 = arith.constant 0 : i32
    return %c0_i32, %c0_i32_0 : i32, i32
  }
  func.func @transform_10(%arg0: i32) -> (i32, i32) {
    %c0_i32 = arith.constant 0 : i32
    %c0_i32_0 = arith.constant 0 : i32
    %c0_i32_1 = arith.constant 0 : i32
    return %c0_i32, %c0_i32_0 : i32, i32
  }
  func.func @transform_11(%arg0: i32) -> (i32, i32) {
    %c0_i32 = arith.constant 0 : i32
    %c0_i32_0 = arith.constant 0 : i32
    return %arg0, %c0_i32 : i32, i32
  }
  func.func @transform_12(%arg0: i32) -> (i32, i32) {
    %c0_i32 = arith.constant 0 : i32
    %c0_i32_0 = arith.constant 0 : i32
    return %arg0, %c0_i32 : i32, i32
  }
  func.func @transform_13(%arg0: i32) -> (i32, i32) {
    %c0_i32 = arith.constant 0 : i32
    %c0_i32_0 = arith.constant 0 : i32
    return %arg0, %c0_i32 : i32, i32
  }
  func.func @transform_14(%arg0: i32) -> (i32, i32) {
    %c0_i32 = arith.constant 0 : i32
    %c0_i32_0 = arith.constant 0 : i32
    return %arg0, %c0_i32 : i32, i32
  }
}

module attributes {stable_mosaic.version = 14 : i64} {
  func.func @_node_body(%arg0: i32, %arg1: memref<1x1x1024xf32, #tpu.memory_space<vmem>>, %arg2: memref<128x128xf32, #tpu.memory_space<vmem>>, %arg3: memref<2x1024x128xf32, #tpu.memory_space<vmem>>, %arg4: memref<2x1024x128xf32, #tpu.memory_space<vmem>>, %arg5: memref<2x1024x128xf32, #tpu.memory_space<vmem>>, %arg6: memref<2x1024x128xf32, #tpu.memory_space<vmem>>, %arg7: memref<128x128xf32, #tpu.memory_space<vmem>>, %arg8: memref<1x128xf32, #tpu.memory_space<vmem>>, %arg9: memref<128x128xf32, #tpu.memory_space<vmem>>, %arg10: memref<1x128xf32, #tpu.memory_space<vmem>>, %arg11: memref<128x128xf32, #tpu.memory_space<vmem>>, %arg12: memref<1x128xf32, #tpu.memory_space<vmem>>, %arg13: memref<128x128xf32, #tpu.memory_space<vmem>>, %arg14: memref<1x128xf32, #tpu.memory_space<vmem>>, %arg15: memref<1024x512xf32, #tpu.memory_space<vmem>>, %arg16: memref<1024x256xi32, #tpu.memory_space<vmem>>) attributes {dimension_semantics = [#tpu.dimension_semantics<arbitrary>], iteration_bounds = array<i64: 10>, scalar_prefetch = 0 : i64, scratch_operands = 0 : i64, tpu.core_type = #tpu.core_type<tc>, window_params = [{transform_indices = @transform_0, window_bounds = array<i64: 1, 1, 1024>}, {pipeline_mode = #tpu.pipeline_mode<synchronous>, transform_indices = @transform_1, window_bounds = array<i64: 128, 128>}, {transform_indices = @transform_2, window_bounds = array<i64: 2, 1024, 128>}, {transform_indices = @transform_3, window_bounds = array<i64: 2, 1024, 128>}, {transform_indices = @transform_4, window_bounds = array<i64: 2, 1024, 128>}, {transform_indices = @transform_5, window_bounds = array<i64: 2, 1024, 128>}, {pipeline_mode = #tpu.pipeline_mode<synchronous>, transform_indices = @transform_6, window_bounds = array<i64: 128, 128>}, {pipeline_mode = #tpu.pipeline_mode<synchronous>, transform_indices = @transform_7, window_bounds = array<i64: 1, 128>}, {pipeline_mode = #tpu.pipeline_mode<synchronous>, transform_indices = @transform_8, window_bounds = array<i64: 128, 128>}, {pipeline_mode = #tpu.pipeline_mode<synchronous>, transform_indices = @transform_9, window_bounds = array<i64: 1, 128>}, {pipeline_mode = #tpu.pipeline_mode<synchronous>, transform_indices = @transform_10, window_bounds = array<i64: 128, 128>}, {pipeline_mode = #tpu.pipeline_mode<synchronous>, transform_indices = @transform_11, window_bounds = array<i64: 1, 128>}, {pipeline_mode = #tpu.pipeline_mode<synchronous>, transform_indices = @transform_12, window_bounds = array<i64: 128, 128>}, {pipeline_mode = #tpu.pipeline_mode<synchronous>, transform_indices = @transform_13, window_bounds = array<i64: 1, 128>}, {transform_indices = @transform_14, window_bounds = array<i64: 1024, 512>}, {transform_indices = @transform_15, window_bounds = array<i64: 1024, 256>}]} {
    %get3A = arith.constant 0 : index
    %get3A_0 = arith.constant 0 : index
    %get3A_1 = arith.constant 0 : index
    %get3A_2 = vector.load %arg1[%get3A, %get3A_0, %get3A_1] : memref<1x1x1024xf32, #tpu.memory_space<vmem>>, vector<1x1x1024xf32>
    %get3A_3 = vector.shape_cast %get3A_2 : vector<1x1x1024xf32> to vector<1x1024xf32>
    %iota3A = tpu.iota {dimensions = array<i32: 0>} : vector<128x1024xi32>
    %convert_element_type3A = arith.sitofp %iota3A : vector<128x1024xi32> to vector<128x1024xf32>
    %eq3A = vector.broadcast %get3A_3 : vector<1x1024xf32> to vector<128x1024xf32>
    %eq3A_4 = arith.cmpf oeq, %convert_element_type3A, %eq3A : vector<128x1024xf32>
    %convert_element_type3A_5 = arith.extui %eq3A_4 : vector<128x1024xi1> to vector<128x1024xi32>
    %convert_element_type3A_6 = arith.sitofp %convert_element_type3A_5 : vector<128x1024xi32> to vector<128x1024xf32>
    %get3A_7 = arith.constant 0 : index
    %get3A_8 = arith.constant 0 : index
    %get3A_9 = vector.load %arg2[%get3A_7, %get3A_8] : memref<128x128xf32, #tpu.memory_space<vmem>>, vector<128x128xf32>
    %dot_general3A = arith.constant dense<0.000000e+00> : vector<1024x128xf32>
    %dot_general3A_10 = tpu.matmul %convert_element_type3A_6, %get3A_9, %dot_general3A {dimension_numbers = #tpu.dot_dimension_numbers<[0], [0], [1], [1], [0, 1, 1, 1], [], []>, transpose_lhs_hint = false} : vector<128x1024xf32>, vector<128x128xf32>, vector<1024x128xf32> -> vector<1024x128xf32>
    %get3A_11 = arith.constant 0 : index
    %get3A_12 = arith.constant 0 : index
    %get3A_13 = arith.constant 0 : index
    %get3A_14 = vector.load %arg3[%get3A_11, %get3A_12, %get3A_13] : memref<2x1024x128xf32, #tpu.memory_space<vmem>>, vector<1x1024x128xf32>
    %get3A_15 = vector.shape_cast %get3A_14 : vector<1x1024x128xf32> to vector<1024x128xf32>
    %get3A_16 = arith.constant 1 : index
    %get3A_17 = arith.constant 0 : index
    %get3A_18 = arith.constant 0 : index
    %get3A_19 = vector.load %arg3[%get3A_16, %get3A_17, %get3A_18] : memref<2x1024x128xf32, #tpu.memory_space<vmem>>, vector<1x1024x128xf32>
    %get3A_20 = vector.shape_cast %get3A_19 : vector<1x1024x128xf32> to vector<1024x128xf32>
    %add3A = arith.addf %get3A_15, %get3A_20 : vector<1024x128xf32>
    %get3A_21 = arith.constant 0 : index
    %get3A_22 = arith.constant 0 : index
    %get3A_23 = vector.load %arg7[%get3A_21, %get3A_22] : memref<128x128xf32, #tpu.memory_space<vmem>>, vector<128x128xf32>
    %dot_general3A_24 = arith.constant dense<0.000000e+00> : vector<1024x128xf32>
    %dot_general3A_25 = tpu.matmul %add3A, %get3A_23, %dot_general3A_24 {dimension_numbers = #tpu.dot_dimension_numbers<[1], [0], [0], [1], [0, 0, 1, 1], [], []>, transpose_lhs_hint = false} : vector<1024x128xf32>, vector<128x128xf32>, vector<1024x128xf32> -> vector<1024x128xf32>
    %get3A_26 = arith.constant 0 : index
    %get3A_27 = arith.constant 0 : index
    %get3A_28 = vector.load %arg8[%get3A_26, %get3A_27] : memref<1x128xf32, #tpu.memory_space<vmem>>, vector<1x128xf32>
    %add3A_29 = vector.broadcast %get3A_28 : vector<1x128xf32> to vector<1024x128xf32>
    %add3A_30 = arith.addf %dot_general3A_25, %add3A_29 : vector<1024x128xf32>
    %neg3A = arith.constant 0.000000e+00 : f32
    %neg3A_31 = vector.broadcast %neg3A : f32 to vector<1024x128xf32>
    %neg3A_32 = arith.subf %neg3A_31, %add3A_30 : vector<1024x128xf32>
    %exp3A = math.exp %neg3A_32 : vector<1024x128xf32>
    %add3A_33 = arith.constant 1.000000e+00 : f32
    %add3A_34 = vector.broadcast %add3A_33 : f32 to vector<1024x128xf32>
    %add3A_35 = arith.addf %add3A_34, %exp3A : vector<1024x128xf32>
    %div3A = arith.constant 1.000000e+00 : f32
    %div3A_36 = vector.broadcast %div3A : f32 to vector<1024x128xf32>
    %div3A_37 = arith.divf %div3A_36, %add3A_35 : vector<1024x128xf32>
    %mul3A = arith.mulf %add3A_30, %div3A_37 : vector<1024x128xf32>
    %get3A_38 = arith.constant 0 : index
    %get3A_39 = arith.constant 0 : index
    %get3A_40 = vector.load %arg9[%get3A_38, %get3A_39] : memref<128x128xf32, #tpu.memory_space<vmem>>, vector<128x128xf32>
    %dot_general3A_41 = arith.constant dense<0.000000e+00> : vector<1024x128xf32>
    %dot_general3A_42 = tpu.matmul %mul3A, %get3A_40, %dot_general3A_41 {dimension_numbers = #tpu.dot_dimension_numbers<[1], [0], [0], [1], [0, 0, 1, 1], [], []>, transpose_lhs_hint = false} : vector<1024x128xf32>, vector<128x128xf32>, vector<1024x128xf32> -> vector<1024x128xf32>
    %get3A_43 = arith.constant 0 : index
    %get3A_44 = arith.constant 0 : index
    %get3A_45 = vector.load %arg10[%get3A_43, %get3A_44] : memref<1x128xf32, #tpu.memory_space<vmem>>, vector<1x128xf32>
    %add3A_46 = vector.broadcast %get3A_45 : vector<1x128xf32> to vector<1024x128xf32>
    %add3A_47 = arith.addf %dot_general3A_42, %add3A_46 : vector<1024x128xf32>
    %add3A_48 = arith.addf %dot_general3A_10, %add3A_47 : vector<1024x128xf32>
    %get3A_49 = arith.constant 0 : index
    %get3A_50 = arith.constant 0 : index
    %get3A_51 = arith.constant 0 : index
    %get3A_52 = vector.load %arg4[%get3A_49, %get3A_50, %get3A_51] : memref<2x1024x128xf32, #tpu.memory_space<vmem>>, vector<1x1024x128xf32>
    %get3A_53 = vector.shape_cast %get3A_52 : vector<1x1024x128xf32> to vector<1024x128xf32>
    %get3A_54 = arith.constant 1 : index
    %get3A_55 = arith.constant 0 : index
    %get3A_56 = arith.constant 0 : index
    %get3A_57 = vector.load %arg4[%get3A_54, %get3A_55, %get3A_56] : memref<2x1024x128xf32, #tpu.memory_space<vmem>>, vector<1x1024x128xf32>
    %get3A_58 = vector.shape_cast %get3A_57 : vector<1x1024x128xf32> to vector<1024x128xf32>
    %add3A_59 = arith.addf %get3A_53, %get3A_58 : vector<1024x128xf32>
    %get3A_60 = arith.constant 0 : index
    %get3A_61 = arith.constant 0 : index
    %get3A_62 = vector.load %arg11[%get3A_60, %get3A_61] : memref<128x128xf32, #tpu.memory_space<vmem>>, vector<128x128xf32>
    %dot_general3A_63 = arith.constant dense<0.000000e+00> : vector<1024x128xf32>
    %dot_general3A_64 = tpu.matmul %add3A_59, %get3A_62, %dot_general3A_63 {dimension_numbers = #tpu.dot_dimension_numbers<[1], [0], [0], [1], [0, 0, 1, 1], [], []>, transpose_lhs_hint = false} : vector<1024x128xf32>, vector<128x128xf32>, vector<1024x128xf32> -> vector<1024x128xf32>
    %get3A_65 = arith.constant 0 : index
    %get3A_66 = arith.constant 0 : index
    %get3A_67 = vector.load %arg12[%get3A_65, %get3A_66] : memref<1x128xf32, #tpu.memory_space<vmem>>, vector<1x128xf32>
    %add3A_68 = vector.broadcast %get3A_67 : vector<1x128xf32> to vector<1024x128xf32>
    %add3A_69 = arith.addf %dot_general3A_64, %add3A_68 : vector<1024x128xf32>
    %neg3A_70 = arith.constant 0.000000e+00 : f32
    %neg3A_71 = vector.broadcast %neg3A_70 : f32 to vector<1024x128xf32>
    %neg3A_72 = arith.subf %neg3A_71, %add3A_69 : vector<1024x128xf32>
    %exp3A_73 = math.exp %neg3A_72 : vector<1024x128xf32>
    %add3A_74 = arith.constant 1.000000e+00 : f32
    %add3A_75 = vector.broadcast %add3A_74 : f32 to vector<1024x128xf32>
    %add3A_76 = arith.addf %add3A_75, %exp3A_73 : vector<1024x128xf32>
    %div3A_77 = arith.constant 1.000000e+00 : f32
    %div3A_78 = vector.broadcast %div3A_77 : f32 to vector<1024x128xf32>
    %div3A_79 = arith.divf %div3A_78, %add3A_76 : vector<1024x128xf32>
    %mul3A_80 = arith.mulf %add3A_69, %div3A_79 : vector<1024x128xf32>
    %get3A_81 = arith.constant 0 : index
    %get3A_82 = arith.constant 0 : index
    %get3A_83 = vector.load %arg13[%get3A_81, %get3A_82] : memref<128x128xf32, #tpu.memory_space<vmem>>, vector<128x128xf32>
    %dot_general3A_84 = arith.constant dense<0.000000e+00> : vector<1024x128xf32>
    %dot_general3A_85 = tpu.matmul %mul3A_80, %get3A_83, %dot_general3A_84 {dimension_numbers = #tpu.dot_dimension_numbers<[1], [0], [0], [1], [0, 0, 1, 1], [], []>, transpose_lhs_hint = false} : vector<1024x128xf32>, vector<128x128xf32>, vector<1024x128xf32> -> vector<1024x128xf32>
    %get3A_86 = arith.constant 0 : index
    %get3A_87 = arith.constant 0 : index
    %get3A_88 = vector.load %arg14[%get3A_86, %get3A_87] : memref<1x128xf32, #tpu.memory_space<vmem>>, vector<1x128xf32>
    %add3A_89 = vector.broadcast %get3A_88 : vector<1x128xf32> to vector<1024x128xf32>
    %add3A_90 = arith.addf %dot_general3A_85, %add3A_89 : vector<1024x128xf32>
    %get3A_91 = arith.constant 0 : index
    %get3A_92 = arith.constant 0 : index
    %get3A_93 = arith.constant 0 : index
    %get3A_94 = vector.load %arg5[%get3A_91, %get3A_92, %get3A_93] : memref<2x1024x128xf32, #tpu.memory_space<vmem>>, vector<1x1024x128xf32>
    %get3A_95 = vector.shape_cast %get3A_94 : vector<1x1024x128xf32> to vector<1024x128xf32>
    %get3A_96 = arith.constant 1 : index
    %get3A_97 = arith.constant 0 : index
    %get3A_98 = arith.constant 0 : index
    %get3A_99 = vector.load %arg5[%get3A_96, %get3A_97, %get3A_98] : memref<2x1024x128xf32, #tpu.memory_space<vmem>>, vector<1x1024x128xf32>
    %get3A_100 = vector.shape_cast %get3A_99 : vector<1x1024x128xf32> to vector<1024x128xf32>
    %add3A_101 = arith.addf %get3A_95, %get3A_100 : vector<1024x128xf32>
    %get3A_102 = arith.constant 0 : index
    %get3A_103 = arith.constant 0 : index
    %get3A_104 = vector.load %arg11[%get3A_102, %get3A_103] : memref<128x128xf32, #tpu.memory_space<vmem>>, vector<128x128xf32>
    %dot_general3A_105 = arith.constant dense<0.000000e+00> : vector<1024x128xf32>
    %dot_general3A_106 = tpu.matmul %add3A_101, %get3A_104, %dot_general3A_105 {dimension_numbers = #tpu.dot_dimension_numbers<[1], [0], [0], [1], [0, 0, 1, 1], [], []>, transpose_lhs_hint = false} : vector<1024x128xf32>, vector<128x128xf32>, vector<1024x128xf32> -> vector<1024x128xf32>
    %get3A_107 = arith.constant 0 : index
    %get3A_108 = arith.constant 0 : index
    %get3A_109 = vector.load %arg12[%get3A_107, %get3A_108] : memref<1x128xf32, #tpu.memory_space<vmem>>, vector<1x128xf32>
    %add3A_110 = vector.broadcast %get3A_109 : vector<1x128xf32> to vector<1024x128xf32>
    %add3A_111 = arith.addf %dot_general3A_106, %add3A_110 : vector<1024x128xf32>
    %neg3A_112 = arith.constant 0.000000e+00 : f32
    %neg3A_113 = vector.broadcast %neg3A_112 : f32 to vector<1024x128xf32>
    %neg3A_114 = arith.subf %neg3A_113, %add3A_111 : vector<1024x128xf32>
    %exp3A_115 = math.exp %neg3A_114 : vector<1024x128xf32>
    %add3A_116 = arith.constant 1.000000e+00 : f32
    %add3A_117 = vector.broadcast %add3A_116 : f32 to vector<1024x128xf32>
    %add3A_118 = arith.addf %add3A_117, %exp3A_115 : vector<1024x128xf32>
    %div3A_119 = arith.constant 1.000000e+00 : f32
    %div3A_120 = vector.broadcast %div3A_119 : f32 to vector<1024x128xf32>
    %div3A_121 = arith.divf %div3A_120, %add3A_118 : vector<1024x128xf32>
    %mul3A_122 = arith.mulf %add3A_111, %div3A_121 : vector<1024x128xf32>
    %get3A_123 = arith.constant 0 : index
    %get3A_124 = arith.constant 0 : index
    %get3A_125 = vector.load %arg13[%get3A_123, %get3A_124] : memref<128x128xf32, #tpu.memory_space<vmem>>, vector<128x128xf32>
    %dot_general3A_126 = arith.constant dense<0.000000e+00> : vector<1024x128xf32>
    %dot_general3A_127 = tpu.matmul %mul3A_122, %get3A_125, %dot_general3A_126 {dimension_numbers = #tpu.dot_dimension_numbers<[1], [0], [0], [1], [0, 0, 1, 1], [], []>, transpose_lhs_hint = false} : vector<1024x128xf32>, vector<128x128xf32>, vector<1024x128xf32> -> vector<1024x128xf32>
    %get3A_128 = arith.constant 0 : index
    %get3A_129 = arith.constant 0 : index
    %get3A_130 = vector.load %arg14[%get3A_128, %get3A_129] : memref<1x128xf32, #tpu.memory_space<vmem>>, vector<1x128xf32>
    %add3A_131 = vector.broadcast %get3A_130 : vector<1x128xf32> to vector<1024x128xf32>
    %add3A_132 = arith.addf %dot_general3A_127, %add3A_131 : vector<1024x128xf32>
    %get3A_133 = arith.constant 0 : index
    %get3A_134 = arith.constant 0 : index
    %get3A_135 = arith.constant 0 : index
    %get3A_136 = vector.load %arg6[%get3A_133, %get3A_134, %get3A_135] : memref<2x1024x128xf32, #tpu.memory_space<vmem>>, vector<1x1024x128xf32>
    %get3A_137 = vector.shape_cast %get3A_136 : vector<1x1024x128xf32> to vector<1024x128xf32>
    %get3A_138 = arith.constant 1 : index
    %get3A_139 = arith.constant 0 : index
    %get3A_140 = arith.constant 0 : index
    %get3A_141 = vector.load %arg6[%get3A_138, %get3A_139, %get3A_140] : memref<2x1024x128xf32, #tpu.memory_space<vmem>>, vector<1x1024x128xf32>
    %get3A_142 = vector.shape_cast %get3A_141 : vector<1x1024x128xf32> to vector<1024x128xf32>
    %add3A_143 = arith.addf %get3A_137, %get3A_142 : vector<1024x128xf32>
    %get3A_144 = arith.constant 0 : index
    %get3A_145 = arith.constant 0 : index
    %get3A_146 = vector.load %arg11[%get3A_144, %get3A_145] : memref<128x128xf32, #tpu.memory_space<vmem>>, vector<128x128xf32>
    %dot_general3A_147 = arith.constant dense<0.000000e+00> : vector<1024x128xf32>
    %dot_general3A_148 = tpu.matmul %add3A_143, %get3A_146, %dot_general3A_147 {dimension_numbers = #tpu.dot_dimension_numbers<[1], [0], [0], [1], [0, 0, 1, 1], [], []>, transpose_lhs_hint = false} : vector<1024x128xf32>, vector<128x128xf32>, vector<1024x128xf32> -> vector<1024x128xf32>
    %get3A_149 = arith.constant 0 : index
    %get3A_150 = arith.constant 0 : index
    %get3A_151 = vector.load %arg12[%get3A_149, %get3A_150] : memref<1x128xf32, #tpu.memory_space<vmem>>, vector<1x128xf32>
    %add3A_152 = vector.broadcast %get3A_151 : vector<1x128xf32> to vector<1024x128xf32>
    %add3A_153 = arith.addf %dot_general3A_148, %add3A_152 : vector<1024x128xf32>
    %neg3A_154 = arith.constant 0.000000e+00 : f32
    %neg3A_155 = vector.broadcast %neg3A_154 : f32 to vector<1024x128xf32>
    %neg3A_156 = arith.subf %neg3A_155, %add3A_153 : vector<1024x128xf32>
    %exp3A_157 = math.exp %neg3A_156 : vector<1024x128xf32>
    %add3A_158 = arith.constant 1.000000e+00 : f32
    %add3A_159 = vector.broadcast %add3A_158 : f32 to vector<1024x128xf32>
    %add3A_160 = arith.addf %add3A_159, %exp3A_157 : vector<1024x128xf32>
    %div3A_161 = arith.constant 1.000000e+00 : f32
    %div3A_162 = vector.broadcast %div3A_161 : f32 to vector<1024x128xf32>
    %div3A_163 = arith.divf %div3A_162, %add3A_160 : vector<1024x128xf32>
    %mul3A_164 = arith.mulf %add3A_153, %div3A_163 : vector<1024x128xf32>
    %get3A_165 = arith.constant 0 : index
    %get3A_166 = arith.constant 0 : index
    %get3A_167 = vector.load %arg13[%get3A_165, %get3A_166] : memref<128x128xf32, #tpu.memory_space<vmem>>, vector<128x128xf32>
    %dot_general3A_168 = arith.constant dense<0.000000e+00> : vector<1024x128xf32>
    %dot_general3A_169 = tpu.matmul %mul3A_164, %get3A_167, %dot_general3A_168 {dimension_numbers = #tpu.dot_dimension_numbers<[1], [0], [0], [1], [0, 0, 1, 1], [], []>, transpose_lhs_hint = false} : vector<1024x128xf32>, vector<128x128xf32>, vector<1024x128xf32> -> vector<1024x128xf32>
    %get3A_170 = arith.constant 0 : index
    %get3A_171 = arith.constant 0 : index
    %get3A_172 = vector.load %arg14[%get3A_170, %get3A_171] : memref<1x128xf32, #tpu.memory_space<vmem>>, vector<1x128xf32>
    %add3A_173 = vector.broadcast %get3A_172 : vector<1x128xf32> to vector<1024x128xf32>
    %add3A_174 = arith.addf %dot_general3A_169, %add3A_173 : vector<1024x128xf32>
    %concatenate3A = tpu.concatenate %add3A_48, %add3A_90, %add3A_132, %add3A_174 in 1 : vector<1024x128xf32>, vector<1024x128xf32>, vector<1024x128xf32>, vector<1024x128xf32> -> vector<1024x512xf32>
    %swap3A = arith.constant 0 : index
    %swap3A_175 = arith.constant 0 : index
    %swap3A_176 = vector.load %arg15[%swap3A, %swap3A_175] : memref<1024x512xf32, #tpu.memory_space<vmem>>, vector<1024x512xf32>
    tpu.vector_store %arg15[%swap3A, %swap3A_175], %concatenate3A {strides = array<i32>} : memref<1024x512xf32, #tpu.memory_space<vmem>>, vector<1024x512xf32>,
    %convert_element_type3A_177 = arith.truncf %concatenate3A : vector<1024x512xf32> to vector<1024x512xbf16>
    %slice3A = vector.extract_strided_slice %convert_element_type3A_177 {offsets = [0, 0], sizes = [1024, 256], strides = [1, 1]} : vector<1024x512xbf16> to vector<1024x256xbf16>
    %bitcast_convert_type3A = tpu.bitcast %slice3A : vector<1024x256xbf16> -> vector<1024x256xi16>
    %convert_element_type3A_178 = arith.extui %bitcast_convert_type3A : vector<1024x256xi16> to vector<1024x256xi32>
    %slice3A_179 = vector.extract_strided_slice %convert_element_type3A_177 {offsets = [0, 256], sizes = [1024, 256], strides = [1, 1]} : vector<1024x512xbf16> to vector<1024x256xbf16>
    %bitcast_convert_type3A_180 = tpu.bitcast %slice3A_179 : vector<1024x256xbf16> -> vector<1024x256xi16>
    %convert_element_type3A_181 = arith.extui %bitcast_convert_type3A_180 : vector<1024x256xi16> to vector<1024x256xi32>
    %shift_left3A = arith.constant 16 : i32
    %shift_left3A_182 = vector.broadcast %shift_left3A : i32 to vector<1024x256xi32>
    %shift_left3A_183 = arith.shli %convert_element_type3A_178, %shift_left3A_182 : vector<1024x256xi32>
    %or3A = arith.ori %shift_left3A_183, %convert_element_type3A_181 : vector<1024x256xi32>
    %bitcast_convert_type3A_184 = tpu.bitcast %or3A : vector<1024x256xi32> -> vector<1024x256xi32>
    %swap3A_185 = arith.constant 0 : index
    %swap3A_186 = arith.constant 0 : index
    %swap3A_187 = vector.load %arg16[%swap3A_185, %swap3A_186] : memref<1024x256xi32, #tpu.memory_space<vmem>>, vector<1024x256xi32>
    tpu.vector_store %arg16[%swap3A_185, %swap3A_186], %bitcast_convert_type3A_184 {strides = array<i32>} : memref<1024x256xi32, #tpu.memory_space<vmem>>, vector<1024x256xi32>,
    return
  }
  func.func @transform_0(%arg0: i32) -> (i32, i32, i32) {
    %c0_i32 = arith.constant 0 : i32
    %c0_i32_0 = arith.constant 0 : i32
    %c0_i32_1 = arith.constant 0 : i32
    return %arg0, %c0_i32, %c0_i32_0 : i32, i32, i32
  }
  func.func @transform_1(%arg0: i32) -> (i32, i32) {
    %c0_i32 = arith.constant 0 : i32
    %c0_i32_0 = arith.constant 0 : i32
    %c0_i32_1 = arith.constant 0 : i32
    return %c0_i32, %c0_i32_0 : i32, i32
  }
  func.func @transform_2(%arg0: i32) -> (i32, i32, i32) {
    %c0_i32 = arith.constant 0 : i32
    %c0_i32_0 = arith.constant 0 : i32
    %c0_i32_1 = arith.constant 0 : i32
    return %c0_i32, %arg0, %c0_i32_0 : i32, i32, i32
  }
  func.func @transform_3(%arg0: i32) -> (i32, i32, i32) {
    %c0_i32 = arith.constant 0 : i32
    %c0_i32_0 = arith.constant 0 : i32
    %c0_i32_1 = arith.constant 0 : i32
    return %c0_i32, %arg0, %c0_i32_0 : i32, i32, i32
  }
  func.func @transform_4(%arg0: i32) -> (i32, i32, i32) {
    %c0_i32 = arith.constant 0 : i32
    %c0_i32_0 = arith.constant 0 : i32
    %c0_i32_1 = arith.constant 0 : i32
    return %c0_i32, %arg0, %c0_i32_0 : i32, i32, i32
  }
  func.func @transform_5(%arg0: i32) -> (i32, i32, i32) {
    %c0_i32 = arith.constant 0 : i32
    %c0_i32_0 = arith.constant 0 : i32
    %c0_i32_1 = arith.constant 0 : i32
    return %c0_i32, %arg0, %c0_i32_0 : i32, i32, i32
  }
  func.func @transform_6(%arg0: i32) -> (i32, i32) {
    %c0_i32 = arith.constant 0 : i32
    %c0_i32_0 = arith.constant 0 : i32
    %c0_i32_1 = arith.constant 0 : i32
    return %c0_i32, %c0_i32_0 : i32, i32
  }
  func.func @transform_7(%arg0: i32) -> (i32, i32) {
    %c0_i32 = arith.constant 0 : i32
    %c0_i32_0 = arith.constant 0 : i32
    %c0_i32_1 = arith.constant 0 : i32
    return %c0_i32, %c0_i32_0 : i32, i32
  }
  func.func @transform_8(%arg0: i32) -> (i32, i32) {
    %c0_i32 = arith.constant 0 : i32
    %c0_i32_0 = arith.constant 0 : i32
    %c0_i32_1 = arith.constant 0 : i32
    return %c0_i32, %c0_i32_0 : i32, i32
  }
  func.func @transform_9(%arg0: i32) -> (i32, i32) {
    %c0_i32 = arith.constant 0 : i32
    %c0_i32_0 = arith.constant 0 : i32
    %c0_i32_1 = arith.constant 0 : i32
    return %c0_i32, %c0_i32_0 : i32, i32
  }
  func.func @transform_10(%arg0: i32) -> (i32, i32) {
    %c0_i32 = arith.constant 0 : i32
    %c0_i32_0 = arith.constant 0 : i32
    %c0_i32_1 = arith.constant 0 : i32
    return %c0_i32, %c0_i32_0 : i32, i32
  }
  func.func @transform_11(%arg0: i32) -> (i32, i32) {
    %c0_i32 = arith.constant 0 : i32
    %c0_i32_0 = arith.constant 0 : i32
    %c0_i32_1 = arith.constant 0 : i32
    return %c0_i32, %c0_i32_0 : i32, i32
  }
  func.func @transform_12(%arg0: i32) -> (i32, i32) {
    %c0_i32 = arith.constant 0 : i32
    %c0_i32_0 = arith.constant 0 : i32
    %c0_i32_1 = arith.constant 0 : i32
    return %c0_i32, %c0_i32_0 : i32, i32
  }
  func.func @transform_13(%arg0: i32) -> (i32, i32) {
    %c0_i32 = arith.constant 0 : i32
    %c0_i32_0 = arith.constant 0 : i32
    %c0_i32_1 = arith.constant 0 : i32
    return %c0_i32, %c0_i32_0 : i32, i32
  }
  func.func @transform_14(%arg0: i32) -> (i32, i32) {
    %c0_i32 = arith.constant 0 : i32
    %c0_i32_0 = arith.constant 0 : i32
    return %arg0, %c0_i32 : i32, i32
  }
  func.func @transform_15(%arg0: i32) -> (i32, i32) {
    %c0_i32 = arith.constant 0 : i32
    %c0_i32_0 = arith.constant 0 : i32
    return %arg0, %c0_i32 : i32, i32
  }
}

module attributes {stable_mosaic.version = 14 : i64} {
  func.func @_lambda_(%arg0: i32, %arg1: memref<512x8xf32, #tpu.memory_space<vmem>>, %arg2: memref<1x512xf32, #tpu.memory_space<vmem>>, %arg3: memref<512x256xi32, #tpu.memory_space<vmem>>, %arg4: memref<32x128xf32, #tpu.memory_space<vmem>>, %arg5: memref<1x128xf32, #tpu.memory_space<vmem>>, %arg6: memref<128x128xf32, #tpu.memory_space<vmem>>, %arg7: memref<1x128xf32, #tpu.memory_space<vmem>>, %arg8: memref<128x128xf32, #tpu.memory_space<vmem>>, %arg9: memref<1x128xf32, #tpu.memory_space<vmem>>, %arg10: memref<128x128xf32, #tpu.memory_space<vmem>>, %arg11: memref<1x128xf32, #tpu.memory_space<vmem>>, %arg12: memref<512x128xf32, #tpu.memory_space<vmem>>, %arg13: memref<512x128xf32, #tpu.memory_space<vmem>>, %arg14: memref<512x128xf32, #tpu.memory_space<vmem>>, %arg15: memref<512x128xf32, #tpu.memory_space<vmem>>) attributes {dimension_semantics = [#tpu.dimension_semantics<arbitrary>], iteration_bounds = array<i64: 640>, scalar_prefetch = 0 : i64, scratch_operands = 0 : i64, tpu.core_type = #tpu.core_type<tc>, window_params = [{transform_indices = @transform_0, window_bounds = array<i64: 512, 8>}, {transform_indices = @transform_1, window_bounds = array<i64: 1, 512>}, {transform_indices = @transform_2, window_bounds = array<i64: 512, 256>}, {pipeline_mode = #tpu.pipeline_mode<synchronous>, transform_indices = @transform_3, window_bounds = array<i64: 32, 128>}, {pipeline_mode = #tpu.pipeline_mode<synchronous>, transform_indices = @transform_4, window_bounds = array<i64: 1, 128>}, {pipeline_mode = #tpu.pipeline_mode<synchronous>, transform_indices = @transform_5, window_bounds = array<i64: 128, 128>}, {pipeline_mode = #tpu.pipeline_mode<synchronous>, transform_indices = @transform_6, window_bounds = array<i64: 1, 128>}, {pipeline_mode = #tpu.pipeline_mode<synchronous>, transform_indices = @transform_7, window_bounds = array<i64: 128, 128>}, {pipeline_mode = #tpu.pipeline_mode<synchronous>, transform_indices = @transform_8, window_bounds = array<i64: 1, 128>}, {pipeline_mode = #tpu.pipeline_mode<synchronous>, transform_indices = @transform_9, window_bounds = array<i64: 128, 128>}, {pipeline_mode = #tpu.pipeline_mode<synchronous>, transform_indices = @transform_10, window_bounds = array<i64: 1, 128>}, {transform_indices = @transform_11, window_bounds = array<i64: 512, 128>}, {transform_indices = @transform_12, window_bounds = array<i64: 512, 128>}, {transform_indices = @transform_13, window_bounds = array<i64: 512, 128>}, {transform_indices = @transform_14, window_bounds = array<i64: 512, 128>}]} {
    %get3A = arith.constant 0 : index
    %get3A_0 = arith.constant 0 : index
    %get3A_1 = vector.load %arg1[%get3A, %get3A_0] : memref<512x8xf32, #tpu.memory_space<vmem>>, vector<512x8xf32>
    %slice3A = vector.extract_strided_slice %get3A_1 {offsets = [0, 0], sizes = [512, 1], strides = [1, 1]} : vector<512x8xf32> to vector<512x1xf32>
    %slice3A_2 = vector.extract_strided_slice %get3A_1 {offsets = [0, 1], sizes = [512, 1], strides = [1, 1]} : vector<512x8xf32> to vector<512x1xf32>
    %slice3A_3 = vector.extract_strided_slice %get3A_1 {offsets = [0, 2], sizes = [512, 1], strides = [1, 1]} : vector<512x8xf32> to vector<512x1xf32>
    %get3A_4 = arith.constant 0 : index
    %get3A_5 = arith.constant 0 : index
    %get3A_6 = vector.load %arg2[%get3A_4, %get3A_5] : memref<1x512xf32, #tpu.memory_space<vmem>>, vector<1x512xf32>
    %mul3A = arith.constant 0.628318548 : f32
    %mul3A_7 = vector.broadcast %mul3A : f32 to vector<1x512xf32>
    %mul3A_8 = arith.mulf %get3A_6, %mul3A_7 : vector<1x512xf32>
    %cos3A = math.cos %mul3A_8 : vector<1x512xf32>
    %sin3A = math.sin %mul3A_8 : vector<1x512xf32>
    %lt3A = arith.constant 5.000000e+00 : f32
    %lt3A_9 = vector.broadcast %lt3A : f32 to vector<1x512xf32>
    %lt3A_10 = arith.cmpf olt, %get3A_6, %lt3A_9 : vector<1x512xf32>
    %add3A = arith.constant 1.000000e+00 : f32
    %add3A_11 = vector.broadcast %add3A : f32 to vector<1x512xf32>
    %add3A_12 = arith.addf %cos3A, %add3A_11 : vector<1x512xf32>
    %mul3A_13 = arith.constant 5.000000e-01 : f32
    %mul3A_14 = vector.broadcast %mul3A_13 : f32 to vector<1x512xf32>
    %mul3A_15 = arith.mulf %mul3A_14, %add3A_12 : vector<1x512xf32>
    %jit3A = arith.constant 0.000000e+00 : f32
    %broadcast_in_dim3A = vector.broadcast %jit3A : f32 to vector<1x512xf32>
    %select_n3A = arith.select %lt3A_10, %mul3A_15, %broadcast_in_dim3A : vector<1x512xi1>, vector<1x512xf32>
    %div3A = arith.divf %select_n3A, %get3A_6 : vector<1x512xf32>
    %mul3A_16 = arith.constant 2.000000e+00 : f32
    %mul3A_17 = vector.broadcast %mul3A_16 : f32 to vector<1x512xf32>
    %mul3A_18 = arith.mulf %mul3A_17, %cos3A : vector<1x512xf32>
    %broadcast_in_dim3A_19 = arith.constant 0.000000e+00 : f32
    %broadcast_in_dim3A_20 = vector.broadcast %broadcast_in_dim3A_19 : f32 to vector<1x512xf32>
    %mul3A_21 = arith.mulf %sin3A, %div3A : vector<1x512xf32>
    %mul3A_22 = arith.mulf %mul3A_18, %mul3A_21 : vector<1x512xf32>
    %sub3A = arith.subf %mul3A_22, %broadcast_in_dim3A_20 : vector<1x512xf32>
    %mul3A_23 = arith.mulf %mul3A_18, %sub3A : vector<1x512xf32>
    %sub3A_24 = arith.subf %mul3A_23, %mul3A_21 : vector<1x512xf32>
    %mul3A_25 = arith.mulf %mul3A_18, %sub3A_24 : vector<1x512xf32>
    %sub3A_26 = arith.subf %mul3A_25, %sub3A : vector<1x512xf32>
    %mul3A_27 = arith.mulf %mul3A_18, %sub3A_26 : vector<1x512xf32>
    %sub3A_28 = arith.subf %mul3A_27, %sub3A_24 : vector<1x512xf32>
    %mul3A_29 = arith.mulf %mul3A_18, %sub3A_28 : vector<1x512xf32>
    %sub3A_30 = arith.subf %mul3A_29, %sub3A_26 : vector<1x512xf32>
    %mul3A_31 = arith.mulf %mul3A_18, %sub3A_30 : vector<1x512xf32>
    %sub3A_32 = arith.subf %mul3A_31, %sub3A_28 : vector<1x512xf32>
    %mul3A_33 = arith.mulf %mul3A_18, %sub3A_32 : vector<1x512xf32>
    %sub3A_34 = arith.subf %mul3A_33, %sub3A_30 : vector<1x512xf32>
    %mul3A_35 = arith.mulf %mul3A_18, %sub3A_34 : vector<1x512xf32>
    %sub3A_36 = arith.subf %mul3A_35, %sub3A_32 : vector<1x512xf32>
    %mul3A_37 = arith.mulf %mul3A_18, %sub3A_36 : vector<1x512xf32>
    %sub3A_38 = arith.subf %mul3A_37, %sub3A_34 : vector<1x512xf32>
    %mul3A_39 = arith.mulf %mul3A_18, %sub3A_38 : vector<1x512xf32>
    %sub3A_40 = arith.subf %mul3A_39, %sub3A_36 : vector<1x512xf32>
    %mul3A_41 = arith.mulf %mul3A_18, %sub3A_40 : vector<1x512xf32>
    %sub3A_42 = arith.subf %mul3A_41, %sub3A_38 : vector<1x512xf32>
    %mul3A_43 = arith.mulf %mul3A_18, %sub3A_42 : vector<1x512xf32>
    %sub3A_44 = arith.subf %mul3A_43, %sub3A_40 : vector<1x512xf32>
    %mul3A_45 = arith.mulf %mul3A_18, %sub3A_44 : vector<1x512xf32>
    %sub3A_46 = arith.subf %mul3A_45, %sub3A_42 : vector<1x512xf32>
    %mul3A_47 = arith.mulf %mul3A_18, %sub3A_46 : vector<1x512xf32>
    %sub3A_48 = arith.subf %mul3A_47, %sub3A_44 : vector<1x512xf32>
    %mul3A_49 = arith.mulf %mul3A_18, %sub3A_48 : vector<1x512xf32>
    %sub3A_50 = arith.subf %mul3A_49, %sub3A_46 : vector<1x512xf32>
    %mul3A_51 = arith.mulf %mul3A_18, %sub3A_50 : vector<1x512xf32>
    %sub3A_52 = arith.subf %mul3A_51, %sub3A_48 : vector<1x512xf32>
    %mul3A_53 = arith.mulf %mul3A_18, %sub3A_52 : vector<1x512xf32>
    %sub3A_54 = arith.subf %mul3A_53, %sub3A_50 : vector<1x512xf32>
    %mul3A_55 = arith.mulf %mul3A_18, %sub3A_54 : vector<1x512xf32>
    %sub3A_56 = arith.subf %mul3A_55, %sub3A_52 : vector<1x512xf32>
    %mul3A_57 = arith.mulf %mul3A_18, %sub3A_56 : vector<1x512xf32>
    %sub3A_58 = arith.subf %mul3A_57, %sub3A_54 : vector<1x512xf32>
    %broadcast_in_dim3A_59 = arith.constant 0.000000e+00 : f32
    %broadcast_in_dim3A_60 = vector.broadcast %broadcast_in_dim3A_59 : f32 to vector<12x512xf32>
    %concatenate3A = tpu.concatenate %mul3A_21, %sub3A, %sub3A_24, %sub3A_26, %sub3A_28, %sub3A_30, %sub3A_32, %sub3A_34, %sub3A_36, %sub3A_38, %sub3A_40, %sub3A_42, %sub3A_44, %sub3A_46, %sub3A_48, %sub3A_50, %sub3A_52, %sub3A_54, %sub3A_56, %sub3A_58, %broadcast_in_dim3A_60 in 0 : vector<1x512xf32>, vector<1x512xf32>, vector<1x512xf32>, vector<1x512xf32>, vector<1x512xf32>, vector<1x512xf32>, vector<1x512xf32>, vector<1x512xf32>, vector<1x512xf32>, vector<1x512xf32>, vector<1x512xf32>, vector<1x512xf32>, vector<1x512xf32>, vector<1x512xf32>, vector<1x512xf32>, vector<1x512xf32>, vector<1x512xf32>, vector<1x512xf32>, vector<1x512xf32>, vector<1x512xf32>, vector<12x512xf32> -> vector<32x512xf32>
    %get3A_61 = arith.constant 0 : index
    %get3A_62 = arith.constant 0 : index
    %get3A_63 = vector.load %arg4[%get3A_61, %get3A_62] : memref<32x128xf32, #tpu.memory_space<vmem>>, vector<32x128xf32>
    %dot_general3A = arith.constant dense<0.000000e+00> : vector<512x128xf32>
    %dot_general3A_64 = tpu.matmul %concatenate3A, %get3A_63, %dot_general3A {dimension_numbers = #tpu.dot_dimension_numbers<[0], [0], [1], [1], [0, 1, 1, 1], [], []>, transpose_lhs_hint = false} : vector<32x512xf32>, vector<32x128xf32>, vector<512x128xf32> -> vector<512x128xf32>
    %get3A_65 = arith.constant 0 : index
    %get3A_66 = arith.constant 0 : index
    %get3A_67 = vector.load %arg5[%get3A_65, %get3A_66] : memref<1x128xf32, #tpu.memory_space<vmem>>, vector<1x128xf32>
    %add3A_68 = vector.broadcast %get3A_67 : vector<1x128xf32> to vector<512x128xf32>
    %add3A_69 = arith.addf %dot_general3A_64, %add3A_68 : vector<512x128xf32>
    %neg3A = arith.constant 0.000000e+00 : f32
    %neg3A_70 = vector.broadcast %neg3A : f32 to vector<512x128xf32>
    %neg3A_71 = arith.subf %neg3A_70, %add3A_69 : vector<512x128xf32>
    %exp3A = math.exp %neg3A_71 : vector<512x128xf32>
    %add3A_72 = arith.constant 1.000000e+00 : f32
    %add3A_73 = vector.broadcast %add3A_72 : f32 to vector<512x128xf32>
    %add3A_74 = arith.addf %add3A_73, %exp3A : vector<512x128xf32>
    %div3A_75 = arith.constant 1.000000e+00 : f32
    %div3A_76 = vector.broadcast %div3A_75 : f32 to vector<512x128xf32>
    %div3A_77 = arith.divf %div3A_76, %add3A_74 : vector<512x128xf32>
    %mul3A_78 = arith.mulf %add3A_69, %div3A_77 : vector<512x128xf32>
    %get3A_79 = arith.constant 0 : index
    %get3A_80 = arith.constant 0 : index
    %get3A_81 = vector.load %arg6[%get3A_79, %get3A_80] : memref<128x128xf32, #tpu.memory_space<vmem>>, vector<128x128xf32>
    %dot_general3A_82 = arith.constant dense<0.000000e+00> : vector<512x128xf32>
    %dot_general3A_83 = tpu.matmul %mul3A_78, %get3A_81, %dot_general3A_82 {dimension_numbers = #tpu.dot_dimension_numbers<[1], [0], [0], [1], [0, 0, 1, 1], [], []>, transpose_lhs_hint = false} : vector<512x128xf32>, vector<128x128xf32>, vector<512x128xf32> -> vector<512x128xf32>
    %get3A_84 = arith.constant 0 : index
    %get3A_85 = arith.constant 0 : index
    %get3A_86 = vector.load %arg7[%get3A_84, %get3A_85] : memref<1x128xf32, #tpu.memory_space<vmem>>, vector<1x128xf32>
    %add3A_87 = vector.broadcast %get3A_86 : vector<1x128xf32> to vector<512x128xf32>
    %add3A_88 = arith.addf %dot_general3A_83, %add3A_87 : vector<512x128xf32>
    %get3A_89 = arith.constant 0 : index
    %get3A_90 = arith.constant 0 : index
    %get3A_91 = vector.load %arg3[%get3A_89, %get3A_90] : memref<512x256xi32, #tpu.memory_space<vmem>>, vector<512x256xi32>
    %bitcast_convert_type3A = tpu.bitcast %get3A_91 : vector<512x256xi32> -> vector<512x256xi32>
    %shift_right_logical3A = arith.constant 16 : i32
    %shift_right_logical3A_92 = vector.broadcast %shift_right_logical3A : i32 to vector<512x256xi32>
    %shift_right_logical3A_93 = arith.shrui %bitcast_convert_type3A, %shift_right_logical3A_92 : vector<512x256xi32>
    %convert_element_type3A = arith.trunci %shift_right_logical3A_93 : vector<512x256xi32> to vector<512x256xi16>
    %bitcast_convert_type3A_94 = tpu.bitcast %convert_element_type3A : vector<512x256xi16> -> vector<512x256xbf16>
    %convert_element_type3A_95 = arith.extf %bitcast_convert_type3A_94 : vector<512x256xbf16> to vector<512x256xf32>
    %and3A = arith.constant 65535 : i32
    %and3A_96 = vector.broadcast %and3A : i32 to vector<512x256xi32>
    %and3A_97 = arith.andi %bitcast_convert_type3A, %and3A_96 : vector<512x256xi32>
    %convert_element_type3A_98 = arith.trunci %and3A_97 : vector<512x256xi32> to vector<512x256xi16>
    %bitcast_convert_type3A_99 = tpu.bitcast %convert_element_type3A_98 : vector<512x256xi16> -> vector<512x256xbf16>
    %convert_element_type3A_100 = arith.extf %bitcast_convert_type3A_99 : vector<512x256xbf16> to vector<512x256xf32>
    %slice3A_101 = vector.extract_strided_slice %convert_element_type3A_95 {offsets = [0, 0], sizes = [512, 128], strides = [1, 1]} : vector<512x256xf32> to vector<512x128xf32>
    %get3A_102 = arith.constant 0 : index
    %get3A_103 = arith.constant 0 : index
    %get3A_104 = vector.load %arg8[%get3A_102, %get3A_103] : memref<128x128xf32, #tpu.memory_space<vmem>>, vector<128x128xf32>
    %dot_general3A_105 = arith.constant dense<0.000000e+00> : vector<512x128xf32>
    %dot_general3A_106 = tpu.matmul %slice3A_101, %get3A_104, %dot_general3A_105 {dimension_numbers = #tpu.dot_dimension_numbers<[1], [0], [0], [1], [0, 0, 1, 1], [], []>, transpose_lhs_hint = false} : vector<512x128xf32>, vector<128x128xf32>, vector<512x128xf32> -> vector<512x128xf32>
    %get3A_107 = arith.constant 0 : index
    %get3A_108 = arith.constant 0 : index
    %get3A_109 = vector.load %arg9[%get3A_107, %get3A_108] : memref<1x128xf32, #tpu.memory_space<vmem>>, vector<1x128xf32>
    %add3A_110 = vector.broadcast %get3A_109 : vector<1x128xf32> to vector<512x128xf32>
    %add3A_111 = arith.addf %dot_general3A_106, %add3A_110 : vector<512x128xf32>
    %mul3A_112 = arith.mulf %add3A_111, %add3A_88 : vector<512x128xf32>
    %slice3A_113 = vector.extract_strided_slice %convert_element_type3A_95 {offsets = [0, 128], sizes = [512, 128], strides = [1, 1]} : vector<512x256xf32> to vector<512x128xf32>
    %mul3A_114 = vector.broadcast %slice3A : vector<512x1xf32> to vector<512x128xf32>
    %mul3A_115 = arith.mulf %mul3A_114, %slice3A_113 : vector<512x128xf32>
    %slice3A_116 = vector.extract_strided_slice %convert_element_type3A_100 {offsets = [0, 0], sizes = [512, 128], strides = [1, 1]} : vector<512x256xf32> to vector<512x128xf32>
    %mul3A_117 = vector.broadcast %slice3A_2 : vector<512x1xf32> to vector<512x128xf32>
    %mul3A_118 = arith.mulf %mul3A_117, %slice3A_116 : vector<512x128xf32>
    %add3A_119 = arith.addf %mul3A_115, %mul3A_118 : vector<512x128xf32>
    %slice3A_120 = vector.extract_strided_slice %convert_element_type3A_100 {offsets = [0, 128], sizes = [512, 128], strides = [1, 1]} : vector<512x256xf32> to vector<512x128xf32>
    %mul3A_121 = vector.broadcast %slice3A_3 : vector<512x1xf32> to vector<512x128xf32>
    %mul3A_122 = arith.mulf %mul3A_121, %slice3A_120 : vector<512x128xf32>
    %add3A_123 = arith.addf %add3A_119, %mul3A_122 : vector<512x128xf32>
    %get3A_124 = arith.constant 0 : index
    %get3A_125 = arith.constant 0 : index
    %get3A_126 = vector.load %arg10[%get3A_124, %get3A_125] : memref<128x128xf32, #tpu.memory_space<vmem>>, vector<128x128xf32>
    %dot_general3A_127 = arith.constant dense<0.000000e+00> : vector<512x128xf32>
    %dot_general3A_128 = tpu.matmul %add3A_123, %get3A_126, %dot_general3A_127 {dimension_numbers = #tpu.dot_dimension_numbers<[1], [0], [0], [1], [0, 0, 1, 1], [], []>, transpose_lhs_hint = false} : vector<512x128xf32>, vector<128x128xf32>, vector<512x128xf32> -> vector<512x128xf32>
    %get3A_129 = arith.constant 0 : index
    %get3A_130 = arith.constant 0 : index
    %get3A_131 = vector.load %arg11[%get3A_129, %get3A_130] : memref<1x128xf32, #tpu.memory_space<vmem>>, vector<1x128xf32>
    %add3A_132 = vector.broadcast %get3A_131 : vector<1x128xf32> to vector<512x128xf32>
    %add3A_133 = arith.addf %dot_general3A_128, %add3A_132 : vector<512x128xf32>
    %mul3A_134 = arith.mulf %add3A_133, %add3A_88 : vector<512x128xf32>
    %swap3A = arith.constant 0 : index
    %swap3A_135 = arith.constant 0 : index
    %swap3A_136 = vector.load %arg12[%swap3A, %swap3A_135] : memref<512x128xf32, #tpu.memory_space<vmem>>, vector<512x128xf32>
    tpu.vector_store %arg12[%swap3A, %swap3A_135], %mul3A_112 {strides = array<i32>} : memref<512x128xf32, #tpu.memory_space<vmem>>, vector<512x128xf32>,
    %mul3A_137 = vector.broadcast %slice3A : vector<512x1xf32> to vector<512x128xf32>
    %mul3A_138 = arith.mulf %mul3A_137, %mul3A_134 : vector<512x128xf32>
    %swap3A_139 = arith.constant 0 : index
    %swap3A_140 = arith.constant 0 : index
    %swap3A_141 = vector.load %arg13[%swap3A_139, %swap3A_140] : memref<512x128xf32, #tpu.memory_space<vmem>>, vector<512x128xf32>
    tpu.vector_store %arg13[%swap3A_139, %swap3A_140], %mul3A_138 {strides = array<i32>} : memref<512x128xf32, #tpu.memory_space<vmem>>, vector<512x128xf32>,
    %mul3A_142 = vector.broadcast %slice3A_2 : vector<512x1xf32> to vector<512x128xf32>
    %mul3A_143 = arith.mulf %mul3A_142, %mul3A_134 : vector<512x128xf32>
    %swap3A_144 = arith.constant 0 : index
    %swap3A_145 = arith.constant 0 : index
    %swap3A_146 = vector.load %arg14[%swap3A_144, %swap3A_145] : memref<512x128xf32, #tpu.memory_space<vmem>>, vector<512x128xf32>
    tpu.vector_store %arg14[%swap3A_144, %swap3A_145], %mul3A_143 {strides = array<i32>} : memref<512x128xf32, #tpu.memory_space<vmem>>, vector<512x128xf32>,
    %mul3A_147 = vector.broadcast %slice3A_3 : vector<512x1xf32> to vector<512x128xf32>
    %mul3A_148 = arith.mulf %mul3A_147, %mul3A_134 : vector<512x128xf32>
    %swap3A_149 = arith.constant 0 : index
    %swap3A_150 = arith.constant 0 : index
    %swap3A_151 = vector.load %arg15[%swap3A_149, %swap3A_150] : memref<512x128xf32, #tpu.memory_space<vmem>>, vector<512x128xf32>
    tpu.vector_store %arg15[%swap3A_149, %swap3A_150], %mul3A_148 {strides = array<i32>} : memref<512x128xf32, #tpu.memory_space<vmem>>, vector<512x128xf32>,
    return
  }
  func.func @transform_0(%arg0: i32) -> (i32, i32) {
    %c0_i32 = arith.constant 0 : i32
    %c0_i32_0 = arith.constant 0 : i32
    return %arg0, %c0_i32 : i32, i32
  }
  func.func @transform_1(%arg0: i32) -> (i32, i32) {
    %c0_i32 = arith.constant 0 : i32
    %c0_i32_0 = arith.constant 0 : i32
    return %c0_i32, %arg0 : i32, i32
  }
  func.func @transform_2(%arg0: i32) -> (i32, i32) {
    %c0_i32 = arith.constant 0 : i32
    %c0_i32_0 = arith.constant 0 : i32
    return %arg0, %c0_i32 : i32, i32
  }
  func.func @transform_3(%arg0: i32) -> (i32, i32) {
    %c0_i32 = arith.constant 0 : i32
    %c0_i32_0 = arith.constant 0 : i32
    %c0_i32_1 = arith.constant 0 : i32
    return %c0_i32, %c0_i32_0 : i32, i32
  }
  func.func @transform_4(%arg0: i32) -> (i32, i32) {
    %c0_i32 = arith.constant 0 : i32
    %c0_i32_0 = arith.constant 0 : i32
    %c0_i32_1 = arith.constant 0 : i32
    return %c0_i32, %c0_i32_0 : i32, i32
  }
  func.func @transform_5(%arg0: i32) -> (i32, i32) {
    %c0_i32 = arith.constant 0 : i32
    %c0_i32_0 = arith.constant 0 : i32
    %c0_i32_1 = arith.constant 0 : i32
    return %c0_i32, %c0_i32_0 : i32, i32
  }
  func.func @transform_6(%arg0: i32) -> (i32, i32) {
    %c0_i32 = arith.constant 0 : i32
    %c0_i32_0 = arith.constant 0 : i32
    %c0_i32_1 = arith.constant 0 : i32
    return %c0_i32, %c0_i32_0 : i32, i32
  }
  func.func @transform_7(%arg0: i32) -> (i32, i32) {
    %c0_i32 = arith.constant 0 : i32
    %c0_i32_0 = arith.constant 0 : i32
    %c0_i32_1 = arith.constant 0 : i32
    return %c0_i32, %c0_i32_0 : i32, i32
  }
  func.func @transform_8(%arg0: i32) -> (i32, i32) {
    %c0_i32 = arith.constant 0 : i32
    %c0_i32_0 = arith.constant 0 : i32
    %c0_i32_1 = arith.constant 0 : i32
    return %c0_i32, %c0_i32_0 : i32, i32
  }
  func.func @transform_9(%arg0: i32) -> (i32, i32) {
    %c0_i32 = arith.constant 0 : i32
    %c0_i32_0 = arith.constant 0 : i32
    %c0_i32_1 = arith.constant 0 : i32
    return %c0_i32, %c0_i32_0 : i32, i32
  }
  func.func @transform_10(%arg0: i32) -> (i32, i32) {
    %c0_i32 = arith.constant 0 : i32
    %c0_i32_0 = arith.constant 0 : i32
    %c0_i32_1 = arith.constant 0 : i32
    return %c0_i32, %c0_i32_0 : i32, i32
  }
  func.func @transform_11(%arg0: i32) -> (i32, i32) {
    %c0_i32 = arith.constant 0 : i32
    %c0_i32_0 = arith.constant 0 : i32
    return %arg0, %c0_i32 : i32, i32
  }
  func.func @transform_12(%arg0: i32) -> (i32, i32) {
    %c0_i32 = arith.constant 0 : i32
    %c0_i32_0 = arith.constant 0 : i32
    return %arg0, %c0_i32 : i32, i32
  }
  func.func @transform_13(%arg0: i32) -> (i32, i32) {
    %c0_i32 = arith.constant 0 : i32
    %c0_i32_0 = arith.constant 0 : i32
    return %arg0, %c0_i32 : i32, i32
  }
  func.func @transform_14(%arg0: i32) -> (i32, i32) {
    %c0_i32 = arith.constant 0 : i32
    %c0_i32_0 = arith.constant 0 : i32
    return %arg0, %c0_i32 : i32, i32
  }
}

module attributes {stable_mosaic.version = 14 : i64} {
  func.func @_node_body(%arg0: i32, %arg1: memref<1024x512xf32, #tpu.memory_space<vmem>>, %arg2: memref<2x1024x128xf32, #tpu.memory_space<vmem>>, %arg3: memref<2x1024x128xf32, #tpu.memory_space<vmem>>, %arg4: memref<2x1024x128xf32, #tpu.memory_space<vmem>>, %arg5: memref<2x1024x128xf32, #tpu.memory_space<vmem>>, %arg6: memref<128x128xf32, #tpu.memory_space<vmem>>, %arg7: memref<1x128xf32, #tpu.memory_space<vmem>>, %arg8: memref<128x128xf32, #tpu.memory_space<vmem>>, %arg9: memref<1x128xf32, #tpu.memory_space<vmem>>, %arg10: memref<128x128xf32, #tpu.memory_space<vmem>>, %arg11: memref<1x128xf32, #tpu.memory_space<vmem>>, %arg12: memref<128x128xf32, #tpu.memory_space<vmem>>, %arg13: memref<1x128xf32, #tpu.memory_space<vmem>>, %arg14: memref<1024x512xf32, #tpu.memory_space<vmem>>, %arg15: memref<1024x256xi32, #tpu.memory_space<vmem>>) attributes {dimension_semantics = [#tpu.dimension_semantics<arbitrary>], iteration_bounds = array<i64: 10>, scalar_prefetch = 0 : i64, scratch_operands = 0 : i64, tpu.core_type = #tpu.core_type<tc>, window_params = [{transform_indices = @transform_0, window_bounds = array<i64: 1024, 512>}, {transform_indices = @transform_1, window_bounds = array<i64: 2, 1024, 128>}, {transform_indices = @transform_2, window_bounds = array<i64: 2, 1024, 128>}, {transform_indices = @transform_3, window_bounds = array<i64: 2, 1024, 128>}, {transform_indices = @transform_4, window_bounds = array<i64: 2, 1024, 128>}, {pipeline_mode = #tpu.pipeline_mode<synchronous>, transform_indices = @transform_5, window_bounds = array<i64: 128, 128>}, {pipeline_mode = #tpu.pipeline_mode<synchronous>, transform_indices = @transform_6, window_bounds = array<i64: 1, 128>}, {pipeline_mode = #tpu.pipeline_mode<synchronous>, transform_indices = @transform_7, window_bounds = array<i64: 128, 128>}, {pipeline_mode = #tpu.pipeline_mode<synchronous>, transform_indices = @transform_8, window_bounds = array<i64: 1, 128>}, {pipeline_mode = #tpu.pipeline_mode<synchronous>, transform_indices = @transform_9, window_bounds = array<i64: 128, 128>}, {pipeline_mode = #tpu.pipeline_mode<synchronous>, transform_indices = @transform_10, window_bounds = array<i64: 1, 128>}, {pipeline_mode = #tpu.pipeline_mode<synchronous>, transform_indices = @transform_11, window_bounds = array<i64: 128, 128>}, {pipeline_mode = #tpu.pipeline_mode<synchronous>, transform_indices = @transform_12, window_bounds = array<i64: 1, 128>}, {transform_indices = @transform_13, window_bounds = array<i64: 1024, 512>}, {transform_indices = @transform_14, window_bounds = array<i64: 1024, 256>}]} {
    %get3A = arith.constant 0 : index
    %get3A_0 = arith.constant 0 : index
    %get3A_1 = vector.load %arg1[%get3A, %get3A_0] : memref<1024x512xf32, #tpu.memory_space<vmem>>, vector<1024x512xf32>
    %slice3A = vector.extract_strided_slice %get3A_1 {offsets = [0, 0], sizes = [1024, 128], strides = [1, 1]} : vector<1024x512xf32> to vector<1024x128xf32>
    %get3A_2 = arith.constant 0 : index
    %get3A_3 = arith.constant 0 : index
    %get3A_4 = arith.constant 0 : index
    %get3A_5 = vector.load %arg2[%get3A_2, %get3A_3, %get3A_4] : memref<2x1024x128xf32, #tpu.memory_space<vmem>>, vector<1x1024x128xf32>
    %get3A_6 = vector.shape_cast %get3A_5 : vector<1x1024x128xf32> to vector<1024x128xf32>
    %get3A_7 = arith.constant 1 : index
    %get3A_8 = arith.constant 0 : index
    %get3A_9 = arith.constant 0 : index
    %get3A_10 = vector.load %arg2[%get3A_7, %get3A_8, %get3A_9] : memref<2x1024x128xf32, #tpu.memory_space<vmem>>, vector<1x1024x128xf32>
    %get3A_11 = vector.shape_cast %get3A_10 : vector<1x1024x128xf32> to vector<1024x128xf32>
    %add3A = arith.addf %get3A_6, %get3A_11 : vector<1024x128xf32>
    %get3A_12 = arith.constant 0 : index
    %get3A_13 = arith.constant 0 : index
    %get3A_14 = vector.load %arg6[%get3A_12, %get3A_13] : memref<128x128xf32, #tpu.memory_space<vmem>>, vector<128x128xf32>
    %dot_general3A = arith.constant dense<0.000000e+00> : vector<1024x128xf32>
    %dot_general3A_15 = tpu.matmul %add3A, %get3A_14, %dot_general3A {dimension_numbers = #tpu.dot_dimension_numbers<[1], [0], [0], [1], [0, 0, 1, 1], [], []>, transpose_lhs_hint = false} : vector<1024x128xf32>, vector<128x128xf32>, vector<1024x128xf32> -> vector<1024x128xf32>
    %get3A_16 = arith.constant 0 : index
    %get3A_17 = arith.constant 0 : index
    %get3A_18 = vector.load %arg7[%get3A_16, %get3A_17] : memref<1x128xf32, #tpu.memory_space<vmem>>, vector<1x128xf32>
    %add3A_19 = vector.broadcast %get3A_18 : vector<1x128xf32> to vector<1024x128xf32>
    %add3A_20 = arith.addf %dot_general3A_15, %add3A_19 : vector<1024x128xf32>
    %neg3A = arith.constant 0.000000e+00 : f32
    %neg3A_21 = vector.broadcast %neg3A : f32 to vector<1024x128xf32>
    %neg3A_22 = arith.subf %neg3A_21, %add3A_20 : vector<1024x128xf32>
    %exp3A = math.exp %neg3A_22 : vector<1024x128xf32>
    %add3A_23 = arith.constant 1.000000e+00 : f32
    %add3A_24 = vector.broadcast %add3A_23 : f32 to vector<1024x128xf32>
    %add3A_25 = arith.addf %add3A_24, %exp3A : vector<1024x128xf32>
    %div3A = arith.constant 1.000000e+00 : f32
    %div3A_26 = vector.broadcast %div3A : f32 to vector<1024x128xf32>
    %div3A_27 = arith.divf %div3A_26, %add3A_25 : vector<1024x128xf32>
    %mul3A = arith.mulf %add3A_20, %div3A_27 : vector<1024x128xf32>
    %get3A_28 = arith.constant 0 : index
    %get3A_29 = arith.constant 0 : index
    %get3A_30 = vector.load %arg8[%get3A_28, %get3A_29] : memref<128x128xf32, #tpu.memory_space<vmem>>, vector<128x128xf32>
    %dot_general3A_31 = arith.constant dense<0.000000e+00> : vector<1024x128xf32>
    %dot_general3A_32 = tpu.matmul %mul3A, %get3A_30, %dot_general3A_31 {dimension_numbers = #tpu.dot_dimension_numbers<[1], [0], [0], [1], [0, 0, 1, 1], [], []>, transpose_lhs_hint = false} : vector<1024x128xf32>, vector<128x128xf32>, vector<1024x128xf32> -> vector<1024x128xf32>
    %get3A_33 = arith.constant 0 : index
    %get3A_34 = arith.constant 0 : index
    %get3A_35 = vector.load %arg9[%get3A_33, %get3A_34] : memref<1x128xf32, #tpu.memory_space<vmem>>, vector<1x128xf32>
    %add3A_36 = vector.broadcast %get3A_35 : vector<1x128xf32> to vector<1024x128xf32>
    %add3A_37 = arith.addf %dot_general3A_32, %add3A_36 : vector<1024x128xf32>
    %add3A_38 = arith.addf %slice3A, %add3A_37 : vector<1024x128xf32>
    %get3A_39 = arith.constant 0 : index
    %get3A_40 = arith.constant 0 : index
    %get3A_41 = arith.constant 0 : index
    %get3A_42 = vector.load %arg3[%get3A_39, %get3A_40, %get3A_41] : memref<2x1024x128xf32, #tpu.memory_space<vmem>>, vector<1x1024x128xf32>
    %get3A_43 = vector.shape_cast %get3A_42 : vector<1x1024x128xf32> to vector<1024x128xf32>
    %get3A_44 = arith.constant 1 : index
    %get3A_45 = arith.constant 0 : index
    %get3A_46 = arith.constant 0 : index
    %get3A_47 = vector.load %arg3[%get3A_44, %get3A_45, %get3A_46] : memref<2x1024x128xf32, #tpu.memory_space<vmem>>, vector<1x1024x128xf32>
    %get3A_48 = vector.shape_cast %get3A_47 : vector<1x1024x128xf32> to vector<1024x128xf32>
    %add3A_49 = arith.addf %get3A_43, %get3A_48 : vector<1024x128xf32>
    %get3A_50 = arith.constant 0 : index
    %get3A_51 = arith.constant 0 : index
    %get3A_52 = vector.load %arg10[%get3A_50, %get3A_51] : memref<128x128xf32, #tpu.memory_space<vmem>>, vector<128x128xf32>
    %dot_general3A_53 = arith.constant dense<0.000000e+00> : vector<1024x128xf32>
    %dot_general3A_54 = tpu.matmul %add3A_49, %get3A_52, %dot_general3A_53 {dimension_numbers = #tpu.dot_dimension_numbers<[1], [0], [0], [1], [0, 0, 1, 1], [], []>, transpose_lhs_hint = false} : vector<1024x128xf32>, vector<128x128xf32>, vector<1024x128xf32> -> vector<1024x128xf32>
    %get3A_55 = arith.constant 0 : index
    %get3A_56 = arith.constant 0 : index
    %get3A_57 = vector.load %arg11[%get3A_55, %get3A_56] : memref<1x128xf32, #tpu.memory_space<vmem>>, vector<1x128xf32>
    %add3A_58 = vector.broadcast %get3A_57 : vector<1x128xf32> to vector<1024x128xf32>
    %add3A_59 = arith.addf %dot_general3A_54, %add3A_58 : vector<1024x128xf32>
    %neg3A_60 = arith.constant 0.000000e+00 : f32
    %neg3A_61 = vector.broadcast %neg3A_60 : f32 to vector<1024x128xf32>
    %neg3A_62 = arith.subf %neg3A_61, %add3A_59 : vector<1024x128xf32>
    %exp3A_63 = math.exp %neg3A_62 : vector<1024x128xf32>
    %add3A_64 = arith.constant 1.000000e+00 : f32
    %add3A_65 = vector.broadcast %add3A_64 : f32 to vector<1024x128xf32>
    %add3A_66 = arith.addf %add3A_65, %exp3A_63 : vector<1024x128xf32>
    %div3A_67 = arith.constant 1.000000e+00 : f32
    %div3A_68 = vector.broadcast %div3A_67 : f32 to vector<1024x128xf32>
    %div3A_69 = arith.divf %div3A_68, %add3A_66 : vector<1024x128xf32>
    %mul3A_70 = arith.mulf %add3A_59, %div3A_69 : vector<1024x128xf32>
    %get3A_71 = arith.constant 0 : index
    %get3A_72 = arith.constant 0 : index
    %get3A_73 = vector.load %arg12[%get3A_71, %get3A_72] : memref<128x128xf32, #tpu.memory_space<vmem>>, vector<128x128xf32>
    %dot_general3A_74 = arith.constant dense<0.000000e+00> : vector<1024x128xf32>
    %dot_general3A_75 = tpu.matmul %mul3A_70, %get3A_73, %dot_general3A_74 {dimension_numbers = #tpu.dot_dimension_numbers<[1], [0], [0], [1], [0, 0, 1, 1], [], []>, transpose_lhs_hint = false} : vector<1024x128xf32>, vector<128x128xf32>, vector<1024x128xf32> -> vector<1024x128xf32>
    %get3A_76 = arith.constant 0 : index
    %get3A_77 = arith.constant 0 : index
    %get3A_78 = vector.load %arg13[%get3A_76, %get3A_77] : memref<1x128xf32, #tpu.memory_space<vmem>>, vector<1x128xf32>
    %add3A_79 = vector.broadcast %get3A_78 : vector<1x128xf32> to vector<1024x128xf32>
    %add3A_80 = arith.addf %dot_general3A_75, %add3A_79 : vector<1024x128xf32>
    %slice3A_81 = vector.extract_strided_slice %get3A_1 {offsets = [0, 128], sizes = [1024, 128], strides = [1, 1]} : vector<1024x512xf32> to vector<1024x128xf32>
    %add3A_82 = arith.addf %slice3A_81, %add3A_80 : vector<1024x128xf32>
    %get3A_83 = arith.constant 0 : index
    %get3A_84 = arith.constant 0 : index
    %get3A_85 = arith.constant 0 : index
    %get3A_86 = vector.load %arg4[%get3A_83, %get3A_84, %get3A_85] : memref<2x1024x128xf32, #tpu.memory_space<vmem>>, vector<1x1024x128xf32>
    %get3A_87 = vector.shape_cast %get3A_86 : vector<1x1024x128xf32> to vector<1024x128xf32>
    %get3A_88 = arith.constant 1 : index
    %get3A_89 = arith.constant 0 : index
    %get3A_90 = arith.constant 0 : index
    %get3A_91 = vector.load %arg4[%get3A_88, %get3A_89, %get3A_90] : memref<2x1024x128xf32, #tpu.memory_space<vmem>>, vector<1x1024x128xf32>
    %get3A_92 = vector.shape_cast %get3A_91 : vector<1x1024x128xf32> to vector<1024x128xf32>
    %add3A_93 = arith.addf %get3A_87, %get3A_92 : vector<1024x128xf32>
    %get3A_94 = arith.constant 0 : index
    %get3A_95 = arith.constant 0 : index
    %get3A_96 = vector.load %arg10[%get3A_94, %get3A_95] : memref<128x128xf32, #tpu.memory_space<vmem>>, vector<128x128xf32>
    %dot_general3A_97 = arith.constant dense<0.000000e+00> : vector<1024x128xf32>
    %dot_general3A_98 = tpu.matmul %add3A_93, %get3A_96, %dot_general3A_97 {dimension_numbers = #tpu.dot_dimension_numbers<[1], [0], [0], [1], [0, 0, 1, 1], [], []>, transpose_lhs_hint = false} : vector<1024x128xf32>, vector<128x128xf32>, vector<1024x128xf32> -> vector<1024x128xf32>
    %get3A_99 = arith.constant 0 : index
    %get3A_100 = arith.constant 0 : index
    %get3A_101 = vector.load %arg11[%get3A_99, %get3A_100] : memref<1x128xf32, #tpu.memory_space<vmem>>, vector<1x128xf32>
    %add3A_102 = vector.broadcast %get3A_101 : vector<1x128xf32> to vector<1024x128xf32>
    %add3A_103 = arith.addf %dot_general3A_98, %add3A_102 : vector<1024x128xf32>
    %neg3A_104 = arith.constant 0.000000e+00 : f32
    %neg3A_105 = vector.broadcast %neg3A_104 : f32 to vector<1024x128xf32>
    %neg3A_106 = arith.subf %neg3A_105, %add3A_103 : vector<1024x128xf32>
    %exp3A_107 = math.exp %neg3A_106 : vector<1024x128xf32>
    %add3A_108 = arith.constant 1.000000e+00 : f32
    %add3A_109 = vector.broadcast %add3A_108 : f32 to vector<1024x128xf32>
    %add3A_110 = arith.addf %add3A_109, %exp3A_107 : vector<1024x128xf32>
    %div3A_111 = arith.constant 1.000000e+00 : f32
    %div3A_112 = vector.broadcast %div3A_111 : f32 to vector<1024x128xf32>
    %div3A_113 = arith.divf %div3A_112, %add3A_110 : vector<1024x128xf32>
    %mul3A_114 = arith.mulf %add3A_103, %div3A_113 : vector<1024x128xf32>
    %get3A_115 = arith.constant 0 : index
    %get3A_116 = arith.constant 0 : index
    %get3A_117 = vector.load %arg12[%get3A_115, %get3A_116] : memref<128x128xf32, #tpu.memory_space<vmem>>, vector<128x128xf32>
    %dot_general3A_118 = arith.constant dense<0.000000e+00> : vector<1024x128xf32>
    %dot_general3A_119 = tpu.matmul %mul3A_114, %get3A_117, %dot_general3A_118 {dimension_numbers = #tpu.dot_dimension_numbers<[1], [0], [0], [1], [0, 0, 1, 1], [], []>, transpose_lhs_hint = false} : vector<1024x128xf32>, vector<128x128xf32>, vector<1024x128xf32> -> vector<1024x128xf32>
    %get3A_120 = arith.constant 0 : index
    %get3A_121 = arith.constant 0 : index
    %get3A_122 = vector.load %arg13[%get3A_120, %get3A_121] : memref<1x128xf32, #tpu.memory_space<vmem>>, vector<1x128xf32>
    %add3A_123 = vector.broadcast %get3A_122 : vector<1x128xf32> to vector<1024x128xf32>
    %add3A_124 = arith.addf %dot_general3A_119, %add3A_123 : vector<1024x128xf32>
    %slice3A_125 = vector.extract_strided_slice %get3A_1 {offsets = [0, 256], sizes = [1024, 128], strides = [1, 1]} : vector<1024x512xf32> to vector<1024x128xf32>
    %add3A_126 = arith.addf %slice3A_125, %add3A_124 : vector<1024x128xf32>
    %get3A_127 = arith.constant 0 : index
    %get3A_128 = arith.constant 0 : index
    %get3A_129 = arith.constant 0 : index
    %get3A_130 = vector.load %arg5[%get3A_127, %get3A_128, %get3A_129] : memref<2x1024x128xf32, #tpu.memory_space<vmem>>, vector<1x1024x128xf32>
    %get3A_131 = vector.shape_cast %get3A_130 : vector<1x1024x128xf32> to vector<1024x128xf32>
    %get3A_132 = arith.constant 1 : index
    %get3A_133 = arith.constant 0 : index
    %get3A_134 = arith.constant 0 : index
    %get3A_135 = vector.load %arg5[%get3A_132, %get3A_133, %get3A_134] : memref<2x1024x128xf32, #tpu.memory_space<vmem>>, vector<1x1024x128xf32>
    %get3A_136 = vector.shape_cast %get3A_135 : vector<1x1024x128xf32> to vector<1024x128xf32>
    %add3A_137 = arith.addf %get3A_131, %get3A_136 : vector<1024x128xf32>
    %get3A_138 = arith.constant 0 : index
    %get3A_139 = arith.constant 0 : index
    %get3A_140 = vector.load %arg10[%get3A_138, %get3A_139] : memref<128x128xf32, #tpu.memory_space<vmem>>, vector<128x128xf32>
    %dot_general3A_141 = arith.constant dense<0.000000e+00> : vector<1024x128xf32>
    %dot_general3A_142 = tpu.matmul %add3A_137, %get3A_140, %dot_general3A_141 {dimension_numbers = #tpu.dot_dimension_numbers<[1], [0], [0], [1], [0, 0, 1, 1], [], []>, transpose_lhs_hint = false} : vector<1024x128xf32>, vector<128x128xf32>, vector<1024x128xf32> -> vector<1024x128xf32>
    %get3A_143 = arith.constant 0 : index
    %get3A_144 = arith.constant 0 : index
    %get3A_145 = vector.load %arg11[%get3A_143, %get3A_144] : memref<1x128xf32, #tpu.memory_space<vmem>>, vector<1x128xf32>
    %add3A_146 = vector.broadcast %get3A_145 : vector<1x128xf32> to vector<1024x128xf32>
    %add3A_147 = arith.addf %dot_general3A_142, %add3A_146 : vector<1024x128xf32>
    %neg3A_148 = arith.constant 0.000000e+00 : f32
    %neg3A_149 = vector.broadcast %neg3A_148 : f32 to vector<1024x128xf32>
    %neg3A_150 = arith.subf %neg3A_149, %add3A_147 : vector<1024x128xf32>
    %exp3A_151 = math.exp %neg3A_150 : vector<1024x128xf32>
    %add3A_152 = arith.constant 1.000000e+00 : f32
    %add3A_153 = vector.broadcast %add3A_152 : f32 to vector<1024x128xf32>
    %add3A_154 = arith.addf %add3A_153, %exp3A_151 : vector<1024x128xf32>
    %div3A_155 = arith.constant 1.000000e+00 : f32
    %div3A_156 = vector.broadcast %div3A_155 : f32 to vector<1024x128xf32>
    %div3A_157 = arith.divf %div3A_156, %add3A_154 : vector<1024x128xf32>
    %mul3A_158 = arith.mulf %add3A_147, %div3A_157 : vector<1024x128xf32>
    %get3A_159 = arith.constant 0 : index
    %get3A_160 = arith.constant 0 : index
    %get3A_161 = vector.load %arg12[%get3A_159, %get3A_160] : memref<128x128xf32, #tpu.memory_space<vmem>>, vector<128x128xf32>
    %dot_general3A_162 = arith.constant dense<0.000000e+00> : vector<1024x128xf32>
    %dot_general3A_163 = tpu.matmul %mul3A_158, %get3A_161, %dot_general3A_162 {dimension_numbers = #tpu.dot_dimension_numbers<[1], [0], [0], [1], [0, 0, 1, 1], [], []>, transpose_lhs_hint = false} : vector<1024x128xf32>, vector<128x128xf32>, vector<1024x128xf32> -> vector<1024x128xf32>
    %get3A_164 = arith.constant 0 : index
    %get3A_165 = arith.constant 0 : index
    %get3A_166 = vector.load %arg13[%get3A_164, %get3A_165] : memref<1x128xf32, #tpu.memory_space<vmem>>, vector<1x128xf32>
    %add3A_167 = vector.broadcast %get3A_166 : vector<1x128xf32> to vector<1024x128xf32>
    %add3A_168 = arith.addf %dot_general3A_163, %add3A_167 : vector<1024x128xf32>
    %slice3A_169 = vector.extract_strided_slice %get3A_1 {offsets = [0, 384], sizes = [1024, 128], strides = [1, 1]} : vector<1024x512xf32> to vector<1024x128xf32>
    %add3A_170 = arith.addf %slice3A_169, %add3A_168 : vector<1024x128xf32>
    %concatenate3A = tpu.concatenate %add3A_38, %add3A_82, %add3A_126, %add3A_170 in 1 : vector<1024x128xf32>, vector<1024x128xf32>, vector<1024x128xf32>, vector<1024x128xf32> -> vector<1024x512xf32>
    %swap3A = arith.constant 0 : index
    %swap3A_171 = arith.constant 0 : index
    %swap3A_172 = vector.load %arg14[%swap3A, %swap3A_171] : memref<1024x512xf32, #tpu.memory_space<vmem>>, vector<1024x512xf32>
    tpu.vector_store %arg14[%swap3A, %swap3A_171], %concatenate3A {strides = array<i32>} : memref<1024x512xf32, #tpu.memory_space<vmem>>, vector<1024x512xf32>,
    %convert_element_type3A = arith.truncf %concatenate3A : vector<1024x512xf32> to vector<1024x512xbf16>
    %slice3A_173 = vector.extract_strided_slice %convert_element_type3A {offsets = [0, 0], sizes = [1024, 256], strides = [1, 1]} : vector<1024x512xbf16> to vector<1024x256xbf16>
    %bitcast_convert_type3A = tpu.bitcast %slice3A_173 : vector<1024x256xbf16> -> vector<1024x256xi16>
    %convert_element_type3A_174 = arith.extui %bitcast_convert_type3A : vector<1024x256xi16> to vector<1024x256xi32>
    %slice3A_175 = vector.extract_strided_slice %convert_element_type3A {offsets = [0, 256], sizes = [1024, 256], strides = [1, 1]} : vector<1024x512xbf16> to vector<1024x256xbf16>
    %bitcast_convert_type3A_176 = tpu.bitcast %slice3A_175 : vector<1024x256xbf16> -> vector<1024x256xi16>
    %convert_element_type3A_177 = arith.extui %bitcast_convert_type3A_176 : vector<1024x256xi16> to vector<1024x256xi32>
    %shift_left3A = arith.constant 16 : i32
    %shift_left3A_178 = vector.broadcast %shift_left3A : i32 to vector<1024x256xi32>
    %shift_left3A_179 = arith.shli %convert_element_type3A_174, %shift_left3A_178 : vector<1024x256xi32>
    %or3A = arith.ori %shift_left3A_179, %convert_element_type3A_177 : vector<1024x256xi32>
    %bitcast_convert_type3A_180 = tpu.bitcast %or3A : vector<1024x256xi32> -> vector<1024x256xi32>
    %swap3A_181 = arith.constant 0 : index
    %swap3A_182 = arith.constant 0 : index
    %swap3A_183 = vector.load %arg15[%swap3A_181, %swap3A_182] : memref<1024x256xi32, #tpu.memory_space<vmem>>, vector<1024x256xi32>
    tpu.vector_store %arg15[%swap3A_181, %swap3A_182], %bitcast_convert_type3A_180 {strides = array<i32>} : memref<1024x256xi32, #tpu.memory_space<vmem>>, vector<1024x256xi32>,
    return
  }
  func.func @transform_0(%arg0: i32) -> (i32, i32) {
    %c0_i32 = arith.constant 0 : i32
    %c0_i32_0 = arith.constant 0 : i32
    return %arg0, %c0_i32 : i32, i32
  }
  func.func @transform_1(%arg0: i32) -> (i32, i32, i32) {
    %c0_i32 = arith.constant 0 : i32
    %c0_i32_0 = arith.constant 0 : i32
    %c0_i32_1 = arith.constant 0 : i32
    return %c0_i32, %arg0, %c0_i32_0 : i32, i32, i32
  }
  func.func @transform_2(%arg0: i32) -> (i32, i32, i32) {
    %c0_i32 = arith.constant 0 : i32
    %c0_i32_0 = arith.constant 0 : i32
    %c0_i32_1 = arith.constant 0 : i32
    return %c0_i32, %arg0, %c0_i32_0 : i32, i32, i32
  }
  func.func @transform_3(%arg0: i32) -> (i32, i32, i32) {
    %c0_i32 = arith.constant 0 : i32
    %c0_i32_0 = arith.constant 0 : i32
    %c0_i32_1 = arith.constant 0 : i32
    return %c0_i32, %arg0, %c0_i32_0 : i32, i32, i32
  }
  func.func @transform_4(%arg0: i32) -> (i32, i32, i32) {
    %c0_i32 = arith.constant 0 : i32
    %c0_i32_0 = arith.constant 0 : i32
    %c0_i32_1 = arith.constant 0 : i32
    return %c0_i32, %arg0, %c0_i32_0 : i32, i32, i32
  }
  func.func @transform_5(%arg0: i32) -> (i32, i32) {
    %c0_i32 = arith.constant 0 : i32
    %c0_i32_0 = arith.constant 0 : i32
    %c0_i32_1 = arith.constant 0 : i32
    return %c0_i32, %c0_i32_0 : i32, i32
  }
  func.func @transform_6(%arg0: i32) -> (i32, i32) {
    %c0_i32 = arith.constant 0 : i32
    %c0_i32_0 = arith.constant 0 : i32
    %c0_i32_1 = arith.constant 0 : i32
    return %c0_i32, %c0_i32_0 : i32, i32
  }
  func.func @transform_7(%arg0: i32) -> (i32, i32) {
    %c0_i32 = arith.constant 0 : i32
    %c0_i32_0 = arith.constant 0 : i32
    %c0_i32_1 = arith.constant 0 : i32
    return %c0_i32, %c0_i32_0 : i32, i32
  }
  func.func @transform_8(%arg0: i32) -> (i32, i32) {
    %c0_i32 = arith.constant 0 : i32
    %c0_i32_0 = arith.constant 0 : i32
    %c0_i32_1 = arith.constant 0 : i32
    return %c0_i32, %c0_i32_0 : i32, i32
  }
  func.func @transform_9(%arg0: i32) -> (i32, i32) {
    %c0_i32 = arith.constant 0 : i32
    %c0_i32_0 = arith.constant 0 : i32
    %c0_i32_1 = arith.constant 0 : i32
    return %c0_i32, %c0_i32_0 : i32, i32
  }
  func.func @transform_10(%arg0: i32) -> (i32, i32) {
    %c0_i32 = arith.constant 0 : i32
    %c0_i32_0 = arith.constant 0 : i32
    %c0_i32_1 = arith.constant 0 : i32
    return %c0_i32, %c0_i32_0 : i32, i32
  }
  func.func @transform_11(%arg0: i32) -> (i32, i32) {
    %c0_i32 = arith.constant 0 : i32
    %c0_i32_0 = arith.constant 0 : i32
    %c0_i32_1 = arith.constant 0 : i32
    return %c0_i32, %c0_i32_0 : i32, i32
  }
  func.func @transform_12(%arg0: i32) -> (i32, i32) {
    %c0_i32 = arith.constant 0 : i32
    %c0_i32_0 = arith.constant 0 : i32
    %c0_i32_1 = arith.constant 0 : i32
    return %c0_i32, %c0_i32_0 : i32, i32
  }
  func.func @transform_13(%arg0: i32) -> (i32, i32) {
    %c0_i32 = arith.constant 0 : i32
    %c0_i32_0 = arith.constant 0 : i32
    return %arg0, %c0_i32 : i32, i32
  }
  func.func @transform_14(%arg0: i32) -> (i32, i32) {
    %c0_i32 = arith.constant 0 : i32
    %c0_i32_0 = arith.constant 0 : i32
    return %arg0, %c0_i32 : i32, i32
  }
}

module attributes {stable_mosaic.version = 14 : i64} {
  func.func @_readout_body(%arg0: i32, %arg1: memref<1024x128xf32, #tpu.memory_space<vmem>>, %arg2: memref<1x1x1024xi32, #tpu.memory_space<vmem>>, %arg3: memref<128x128xf32, #tpu.memory_space<vmem>>, %arg4: memref<1x128xf32, #tpu.memory_space<vmem>>, %arg5: memref<64x128xf32, #tpu.memory_space<vmem>>) attributes {dimension_semantics = [#tpu.dimension_semantics<arbitrary>], iteration_bounds = array<i64: 10>, scalar_prefetch = 0 : i64, scratch_operands = 0 : i64, tpu.core_type = #tpu.core_type<tc>, window_params = [{transform_indices = @transform_0, window_bounds = array<i64: 1024, 128>}, {transform_indices = @transform_1, window_bounds = array<i64: 1, 1, 1024>}, {pipeline_mode = #tpu.pipeline_mode<synchronous>, transform_indices = @transform_2, window_bounds = array<i64: 128, 128>}, {pipeline_mode = #tpu.pipeline_mode<synchronous>, transform_indices = @transform_3, window_bounds = array<i64: 1, 128>}, {pipeline_mode = #tpu.pipeline_mode<synchronous>, transform_indices = @transform_4, window_bounds = array<i64: 64, 128>}]} {
    %eq3A = arith.constant 0 : i32
    %eq3A_0 = arith.cmpi eq, %arg0, %eq3A : i32
    %convert_element_type3A = arith.extui %eq3A_0 : i1 to i32
    %cond3A = arith.constant 0 : i32
    %cond3A_1 = arith.cmpi ne, %convert_element_type3A, %cond3A : i32
    scf.if %cond3A_1 {
      %broadcast_in_dim3A = arith.constant 0.000000e+00 : f32
      %broadcast_in_dim3A_29 = vector.broadcast %broadcast_in_dim3A : f32 to vector<64x128xf32>
      %swap3A_30 = arith.constant 0 : index
      %swap3A_31 = arith.constant 0 : index
      %swap3A_32 = vector.load %arg5[%swap3A_30, %swap3A_31] : memref<64x128xf32, #tpu.memory_space<vmem>>, vector<64x128xf32>
      tpu.vector_store %arg5[%swap3A_30, %swap3A_31], %broadcast_in_dim3A_29 {strides = array<i32>} : memref<64x128xf32, #tpu.memory_space<vmem>>, vector<64x128xf32>,
    } else {
    }
    %get3A = arith.constant 0 : index
    %get3A_2 = arith.constant 0 : index
    %get3A_3 = vector.load %arg1[%get3A, %get3A_2] : memref<1024x128xf32, #tpu.memory_space<vmem>>, vector<1024x128xf32>
    %get3A_4 = arith.constant 0 : index
    %get3A_5 = arith.constant 0 : index
    %get3A_6 = vector.load %arg3[%get3A_4, %get3A_5] : memref<128x128xf32, #tpu.memory_space<vmem>>, vector<128x128xf32>
    %dot_general3A = arith.constant dense<0.000000e+00> : vector<1024x128xf32>
    %dot_general3A_7 = tpu.matmul %get3A_3, %get3A_6, %dot_general3A {dimension_numbers = #tpu.dot_dimension_numbers<[1], [0], [0], [1], [0, 0, 1, 1], [], []>, transpose_lhs_hint = false} : vector<1024x128xf32>, vector<128x128xf32>, vector<1024x128xf32> -> vector<1024x128xf32>
    %get3A_8 = arith.constant 0 : index
    %get3A_9 = arith.constant 0 : index
    %get3A_10 = vector.load %arg4[%get3A_8, %get3A_9] : memref<1x128xf32, #tpu.memory_space<vmem>>, vector<1x128xf32>
    %add3A = vector.broadcast %get3A_10 : vector<1x128xf32> to vector<1024x128xf32>
    %add3A_11 = arith.addf %dot_general3A_7, %add3A : vector<1024x128xf32>
    %get3A_12 = arith.constant 0 : index
    %get3A_13 = arith.constant 0 : index
    %get3A_14 = arith.constant 0 : index
    %get3A_15 = vector.load %arg2[%get3A_12, %get3A_13, %get3A_14] : memref<1x1x1024xi32, #tpu.memory_space<vmem>>, vector<1x1x1024xi32>
    %get3A_16 = vector.shape_cast %get3A_15 : vector<1x1x1024xi32> to vector<1x1024xi32>
    %iota3A = tpu.iota {dimensions = array<i32: 0>} : vector<64x1024xi32>
    %eq3A_17 = vector.broadcast %get3A_16 : vector<1x1024xi32> to vector<64x1024xi32>
    %eq3A_18 = arith.cmpi eq, %iota3A, %eq3A_17 : vector<64x1024xi32>
    %convert_element_type3A_19 = arith.extui %eq3A_18 : vector<64x1024xi1> to vector<64x1024xi32>
    %convert_element_type3A_20 = arith.sitofp %convert_element_type3A_19 : vector<64x1024xi32> to vector<64x1024xf32>
    %get3A_21 = arith.constant 0 : index
    %get3A_22 = arith.constant 0 : index
    %get3A_23 = vector.load %arg5[%get3A_21, %get3A_22] : memref<64x128xf32, #tpu.memory_space<vmem>>, vector<64x128xf32>
    %dot_general3A_24 = arith.constant dense<0.000000e+00> : vector<64x128xf32>
    %dot_general3A_25 = tpu.matmul %convert_element_type3A_20, %add3A_11, %dot_general3A_24 {dimension_numbers = #tpu.dot_dimension_numbers<[1], [0], [0], [1], [0, 0, 1, 1], [], []>, transpose_lhs_hint = false} : vector<64x1024xf32>, vector<1024x128xf32>, vector<64x128xf32> -> vector<64x128xf32>
    %add3A_26 = arith.addf %get3A_23, %dot_general3A_25 : vector<64x128xf32>
    %swap3A = arith.constant 0 : index
    %swap3A_27 = arith.constant 0 : index
    %swap3A_28 = vector.load %arg5[%swap3A, %swap3A_27] : memref<64x128xf32, #tpu.memory_space<vmem>>, vector<64x128xf32>
    tpu.vector_store %arg5[%swap3A, %swap3A_27], %add3A_26 {strides = array<i32>} : memref<64x128xf32, #tpu.memory_space<vmem>>, vector<64x128xf32>,
    return
  }
  func.func @transform_0(%arg0: i32) -> (i32, i32) {
    %c0_i32 = arith.constant 0 : i32
    %c0_i32_0 = arith.constant 0 : i32
    return %arg0, %c0_i32 : i32, i32
  }
  func.func @transform_1(%arg0: i32) -> (i32, i32, i32) {
    %c0_i32 = arith.constant 0 : i32
    %c0_i32_0 = arith.constant 0 : i32
    %c0_i32_1 = arith.constant 0 : i32
    return %arg0, %c0_i32, %c0_i32_0 : i32, i32, i32
  }
  func.func @transform_2(%arg0: i32) -> (i32, i32) {
    %c0_i32 = arith.constant 0 : i32
    %c0_i32_0 = arith.constant 0 : i32
    %c0_i32_1 = arith.constant 0 : i32
    return %c0_i32, %c0_i32_0 : i32, i32
  }
  func.func @transform_3(%arg0: i32) -> (i32, i32) {
    %c0_i32 = arith.constant 0 : i32
    %c0_i32_0 = arith.constant 0 : i32
    %c0_i32_1 = arith.constant 0 : i32
    return %c0_i32, %c0_i32_0 : i32, i32
  }
  func.func @transform_4(%arg0: i32) -> (i32, i32) {
    %c0_i32 = arith.constant 0 : i32
    %c0_i32_0 = arith.constant 0 : i32
    %c0_i32_1 = arith.constant 0 : i32
    return %c0_i32, %c0_i32_0 : i32, i32
  }
}

</mosaic_0001>

<sc_bundles>
// kernel: kernel.12.cloned.1.call-start
scs
__scs_entry_jumppad:
0x0: {  	(pc) =	sbr.rel $0x88, $3  }
0x1: {  	(tag) =	ssettag $0x0;
	lr =	simm.s32 $0x1  }
0x2: {  	[smem:$0x3F7A] =	sst lr;
	_ =	strace $0xD0000000  }
0x3: {  	_ = 	snop  }
0x4: {  	_ = 	snop  }
0x5: {  	_ = 	snop  }
0x6: {  	_ = 	snop  }
0x7: {  	_ = 	snop  }
__scs_overlays_trampoline_lowered:
0x8: {  	[smem:$0x3F89] =	sst s0  }
0x9: {  	[smem:$0x3F8A] =	sst s1  }
0xa: {  	[smem:$0x3F8B] =	sst s2  }
0xb: {  	[smem:$0x3F8C] =	sst s3  }
0xc: {  	[smem:$0x3F8D] =	sst s4  }
0xd: {  	[smem:$0x3F8E] =	sst s5  }
0xe: {  	[smem:$0x3F8F] =	sst s6  }
0xf: {  	[smem:$0x3F90] =	sst s7  }
0x10: {  	[smem:$0x3F91] =	sst s8  }
0x11: {  	[smem:$0x3F92] =	sst s9;
	s0 =	simm.s32 @!p0 $0x0  }
0x12: {  	s1 =	sld [smem:$0x3F78];
	s0 =	simm.s32 @p0 $0x1  }
0x13: {  	[smem:$0x3F93] =	sst s0;
	s0 =	simm.s32 @!p1 $0x0  }
0x14: {  	s2 =	sld [smem:$0x3F77];
	s0 =	simm.s32 @p1 $0x1  }
0x15: {  	[smem:$0x3F94] =	sst s0;
	s0 =	simm.s32 @!p2 $0x0  }
0x16: {  	s3 =	sld [smem:$0x3FDB];
	s0 =	simm.s32 @p2 $0x1  }
0x17: {  	s4 =	simm.s32 $0x1BF5;
	[smem:$0x3F96] =	sst s0  }
0x18: {  	s0 =	sld [smem:$0x3F79];
	_ =	swait.ge [sflag:s4], $0x0  }
0x19: {  	s7 =	sld [smem:$0x3F7A]  }
0x1a: {  	s8 =	sadd.s32 $0xFFFFE003, lr  }
0x1b: {  	s9 =	sadd.s32 $0xFFFFFEF7, lr;
	s5 =	simm.s32 $0xFFFFFFFF;
	p2 =	slt.u32 s8, $0xFFFFF086  }
0x1c: {  	p1 =	slt.u32 s9, $0xF7A;
	s5 =	simm.s32 @!p2 $0x0  }
0x1d: {  	s5 =	simm.s32 @p1 $0x1;
	p0 =	seq.s32 s7, s2  }
0x1e: {  	s7 =	smul.u32 @!p0 $0xF7A, s2;
	p2 =	seq.s32 @!p0 s5, $0x0  }
0x1f: {  	s9 =	smul.u32 $0xF7A, s1;
	s8 =	simm.s32 @!p0 $0x1BF5;
	p2 =	por !p2, p0  }
0x20: {  	[sflag:s8] =	ssyncset.s32 @!p0 $0xFFFFF086;
	s6 =	sadd.s32 @!p0 s3, s7;
	s7 =	simm.s32 @!p0 $0x108  }
0x21: {  	s3 =	sadd.s32 s3, s9;
	s6 =	sadd.s32 @!p0 $0x88, s6;
	s7 =	simm.s32 @p2 $0x1082  }
0x22: {  	[simem:s7], [sflag:s8] =	dma.local @!p0 [hbm:s6], $0xF7A  }
0x23: {  	s9 =	sor.u32 $0xD0000000, s2;
	s6 =	simm.s32 $0x108;
	_ =	swait.ge @!p0 [sflag:s8], $0x0  }
0x24: {  	s3 =	sadd.s32 $0x88, s3;
	s6 =	simm.s32 @!p1 $0x1082;
	[sflag:s4] =	ssyncset.s32 $0xFFFFF086  }
0x25: {  	[simem:s6], [sflag:s4] =	dma.local [hbm:s3], $0xF7A  }
0x26: {  	[smem:$0x3F7A] =	sst s1;
	(tag) =	ssettag s2;
	_ =	strace s9  }
0x27: {  	s1 =	sld [smem:$0x3F8A]  }
0x28: {  	s2 =	sld [smem:$0x3F8B]  }
0x29: {  	s4 =	sld [smem:$0x3F8D]  }
0x2a: {  	p0 =	seq.s32 s5, $0x0;
	s5 =	sld [smem:$0x3F8E]  }
0x2b: {  	s6 =	sld [smem:$0x3F8F]  }
0x2c: {  	s7 =	sld [smem:$0x3F90]  }
0x2d: {  	s3 =	simm.s32 $0x108;
	s8 =	sld [smem:$0x3F91]  }
0x2e: {  	s3 =	simm.s32 @!p0 $0x1082;
	s9 =	sld [smem:$0x3F92]  }
0x2f: {  	lr =	sadd.s32 s0, s3;
	s0 =	sld [smem:$0x3F89]  }
0x30: {  	s3 =	sld [smem:$0x3F8C]  }
0x31: {  	[smem:$0x3F95] =	sst s10  }
0x32: {  	s10 =	sld [smem:$0x3F93];
	_ =	sdelay $0x3  }
0x33: {  	p0 =	seq.s32 s10, $0x1;
	s10 =	sld [smem:$0x3F95];
	_ =	sdelay $0x3  }
0x34: {  	[smem:$0x3F95] =	sst s10  }
0x35: {  	s10 =	sld [smem:$0x3F94];
	_ =	sdelay $0x3  }
0x36: {  	p1 =	seq.s32 s10, $0x1;
	s10 =	sld [smem:$0x3F95];
	_ =	sdelay $0x3  }
0x37: {  	[smem:$0x3F95] =	sst s10  }
0x38: {  	s10 =	sld [smem:$0x3F96]  }
0x39: {  	_ = 	snop;
	(pc) =	sbr.ind lr, $3  }
0x3a: {  	_ = 	snop  }
0x3b: {  	_ = 	snop  }
0x3c: {  	p2 =	seq.s32 s10, $0x1;
	s10 =	sld [smem:$0x3F95]  }
0x3d: {  	_ =	shalt  }
0x3e: {  	_ =	shalt  }
0x3f: {  	_ =	shalt  }
0x40: {  	_ =	shalt  }
0x41: {  	_ =	shalt  }
0x42: {  	_ =	shalt  }
0x43: {  	_ =	shalt  }
0x44: {  	_ =	shalt  }
0x45: {  	_ =	shalt  }
0x46: {  	_ =	shalt  }
0x47: {  	_ =	shalt  }
0x48: {  	_ =	shalt  }
0x49: {  	_ =	shalt  }
0x4a: {  	_ =	shalt  }
0x4b: {  	_ =	shalt  }
0x4c: {  	_ =	shalt  }
0x4d: {  	_ =	shalt  }
0x4e: {  	_ =	shalt  }
0x4f: {  	_ =	shalt  }
0x50: {  	_ =	shalt  }
0x51: {  	_ =	shalt  }
0x52: {  	_ =	shalt  }
0x53: {  	_ =	shalt  }
0x54: {  	_ =	shalt  }
0x55: {  	_ =	shalt  }
0x56: {  	_ =	shalt  }
0x57: {  	_ =	shalt  }
0x58: {  	_ =	shalt  }
0x59: {  	_ =	shalt  }
0x5a: {  	_ =	shalt  }
0x5b: {  	_ =	shalt  }
0x5c: {  	_ =	shalt  }
0x5d: {  	_ =	shalt  }
0x5e: {  	_ =	shalt  }
0x5f: {  	_ =	shalt  }
0x60: {  	_ =	shalt  }
0x61: {  	_ =	shalt  }
0x62: {  	_ =	shalt  }
0x63: {  	_ =	shalt  }
0x64: {  	_ =	shalt  }
0x65: {  	_ =	shalt  }
0x66: {  	_ =	shalt  }
0x67: {  	_ =	shalt  }
0x68: {  	_ =	shalt  }
0x69: {  	_ =	shalt  }
0x6a: {  	_ =	shalt  }
0x6b: {  	_ =	shalt  }
0x6c: {  	_ =	shalt  }
0x6d: {  	_ =	shalt  }
0x6e: {  	_ =	shalt  }
0x6f: {  	_ =	shalt  }
0x70: {  	_ =	shalt  }
0x71: {  	_ =	shalt  }
0x72: {  	_ =	shalt  }
0x73: {  	_ =	shalt  }
0x74: {  	_ =	shalt  }
0x75: {  	_ =	shalt  }
0x76: {  	_ =	shalt  }
0x77: {  	_ =	shalt  }
0x78: {  	_ =	shalt  }
0x79: {  	_ =	shalt  }
0x7a: {  	_ =	shalt  }
0x7b: {  	_ =	shalt  }
0x7c: {  	_ =	shalt  }
0x7d: {  	_ =	shalt  }
0x7e: {  	_ =	shalt  }
0x7f: {  	_ =	shalt  }
0x80: {  	_ =	shalt  }
0x81: {  	_ =	shalt  }
0x82: {  	_ =	shalt  }
0x83: {  	_ =	shalt  }
0x84: {  	_ =	shalt  }
0x85: {  	_ =	shalt  }
0x86: {  	_ =	shalt  }
0x87: {  	_ =	shalt  }
.Lfunc_end0:
.L_simem_size_0:
called_computation_lowered:
.L_overlay_start_0:
0x88: {  	s2 =	sld [smem:$0x3FD9]  }
0x89: {  	s3 =	sld [smem:$0x3FFE];
	_ =	sdelay $0x1  }
0x8a: {  	s1 =	srdreg.scid  }
0x8b: {  	s0 =	sand.u32 $0x1, s1  }
0x8c: {  	s16 =	sshll.u32 s0, $0xA;
	s2 =	sadd.s32 s3, s2  }
0x8d: {  	s2 =	sadd.s32 s2, s16  }
0x8e: {  	[smem:$0x3FA1] =	sst s2  }
0x8f: {  	_ = 	snop  }
0x90: {  	(tm) =	ssettm $0x1  }
0x91: {  	s17 =	sld [smem:$0x3FFB];
	_ =	sdelay $0x3  }
0x92: {  	_ =	strace s17  }
0x93: {  	s2 =	sld [smem:$0x3FFC];
	_ =	sdelay $0x3  }
0x94: {  	_ =	strace s2  }
0x95: {  	s2 =	sld [smem:$0x3FFD];
	_ =	sdelay $0x3  }
0x96: {  	_ =	strace s2  }
0x97: {  	_ =	strace $0x8FFFFFFF  }
0x98: {  	s18 =	sld [smem:$0x3FDB];
	_ =	sdelay $0x1  }
0x99: {  	s19 =	simm.s32 $_scs_section_size  }
0x9a: {  	s4 =	simm.s32 $_size__tile_overlayer_lowered;
	s5 =	simm.s32 $_tile_overlayer_lowered  }
0x9b: {  	s22 =	simm.s32 $0x1BFF;
	s21 =	sshll.u32 s5, $0x1;
	s2 =	sadd.s32 s19, s18  }
0x9c: {  	s6 =	simm.s32 $0x0;
	s20 =	sshll.u32 s4, $0x1;
	s4 =	sadd.s32 s21, s2  }
0x9d: {  	[timem:s6], [sflag:s22] =	dma.local [hbm:s4], s20  }
0x9e: {  	_ =	swait.ge [sflag:s22], s20  }
0x9f: {  	s3 =	ssub.s32 $0x0, s20;
	[sflag:s22] =	ssyncset.done $0x0  }
0xa0: {  	[sflag:s22] =	ssyncadd.s32 s3;
	_ =	sdelay $0x1  }
0xa1: {  	s23 =	simm.s32 $0x1B8B  }
0xa2: {  	_ =	swait.ge [sflag:s23], $0x1  }
0xa3: {  	[sflag:s23] =	ssyncset.done $0x0  }
0xa4: {  	s25 =	simm.s32 $0x1B8E;
	s24 =	sld [smem:$0x3FFE];
	[sflag:s23] =	ssyncadd.s32 $0xFFFFFFFF  }
0xa5: {  	s26 =	simm.s32 $execute0_lowered;
	[smem:$0x3FD2] =	sst s25  }
0xa6: {  	s4 =	sshll.u32 s26, $0x1;
	_ =	strace $0x80000046;
	[dreg:$0x1] =	wrdreg $0xFFFFFFFF  }
0xa7: {  	s28 =	simm.s32 $_size_execute0_lowered;
	s2 =	sadd.s32 s2, s4;
	[dreg:$0x0] =	wrdreg $0x0  }
0xa8: {  	s4 =	sshll.u32 s28, $0x1;
	[dreg:$0x2] =	wrdreg s2  }
0xa9: {  	[dreg:$0x3] =	wrdreg s4  }
0xaa: {  	[dreg:$0x4] =	wrdreg $0xC0  }
0xab: {  	_ =	task [dreg:s6], $0x5FFFF  }
0xac: {  	[dreg:$0x1] =	wrdreg $0xFFFFFFFF  }
0xad: {  	[dreg:$0x0] =	wrdreg $0x60  }
0xae: {  	[dreg:$0x2] =	wrdreg s24  }
0xaf: {  	[dreg:$0x3] =	wrdreg $0x9  }
0xb0: {  	_ =	task.clear_ibuf [dreg:s6], $0x4FFFF;
	_ =	strace $0x90000046  }
0xb1: {  	s29 =	simm.s32 $0x9;
	_ =	strace $0x80000048  }
0xb2: {  	_ =	swait.ge [sflag:s29], $0x1  }
0xb3: {  	[sflag:s29] =	ssyncadd.s32 $0xFFFFFFFF  }
0xb4: {  	_ =	strace $0x90000048  }
0xb5: {  	_ =	sfence  }
0xb6: {  	s30 =	sld [smem:$0x0];
	_ =	sdelay $0x2  }
0xb7: {  	s31 =	sshll.u32 s1, $0xD;
	s1 =	sshrl.u32 s1, $0x2  }
0xb8: {  	s3 =	sand.u32 $0x4000, s31;
	s1 =	sadd.s32 s1, s30  }
0xb9: {  	s0 =	sor.u32 s3, s0;
	s1 =	sshll.u32 s1, $0x11  }
0xba: {  	s0 =	sor.u32 s1, s0  }
0xbb: {  	s0 =	sadd.s32 $0x8F2B, s0  }
0xbc: {  	[sflag:s0] =	ssyncadd.remote.s32 $0x1  }
0xbd: {  	_ =	sfence.sel $0xFFFF  }
0xbe: {  	[dreg:$0x0] =	wrdreg $0xFFFFFFFF;
	(pc) =	sbr.abs _section_cstart, $3  }
0xbf: {  	[dreg:$0x1] =	wrdreg $0xFFFFFFFF  }
0xc0: {  	_ =	task.clear_ibuf [dreg:s6], $0x2FFFF;
	_ =	strace $0x9FFFFFFF  }
0xc1: {  	(tm) =	ssettm $0x7FFFFFFF  }
tec
execute0_lowered:
.L_overlay_start_1:
0x0: {  	(tag) =	ssettag $0x1  }
0x1: {  	s0 =	srdreg.scid  }
0x2: {  	s1 =	rddreg [dreg:$0x0];
	s9 =	stileid.u32  }
0x3: {  	s2 =	simm.s32 $0x0;
	s17 =	simm.s32 $0x9;
	s18 =	simm.s32 $0x80  }
0x4: {  	s19 =	simm.s32 $0x2800;
	s28 =	simm.s32 $0x3;
	s29 =	simm.s32 $0x4  }
0x5: {  	s30 =	simm.s32 $0x5;
	s31 =	simm.s32 $0x6;
	s0 =	sand.u32 $0x1, s0  }
0x6: {  	[smem:$0x7FF] =	sst s2;
	s24 =	smul.u32 $0x28000, s9;
	s3 =	sshll.u32 s0, $0x4  }
0x7: {  	s6 =	ssub.s32 $0x2, s0;
	s0 =	smul.u32 $0x280000, s0;
	s4 =	sor.u32 s9, s3  }
0x8: {  	s8 =	sadd.s32 $0x4E400, s1;
	s7 =	sshrl.u32 s6, $0x1;
	s5 =	smul.u32 $0x500, s4  }
0x9: {  	_ =	strace $0x80000047;
	s4 =	smul.u32 $0x28000, s4;
	s7 =	ssub.s32 s6, s7  }
0xa: {  	s3 =	sadd.s32 $0x26400, s1;
	s26 =	sadd.s32 s0, s8;
	s21 =	smax.u32 s7, $0x1  }
0xb: {  	s5 =	sadd.s32 s5, s1;
	s1 =	sadd.s32 $0x54E400, s1;
	s6 =	sadd.s32 s8, s4  }
0xc: {  	[dreg:$0x4] =	wrdreg s21;
	s21 =	simm.s32 $0x100;
	s20 =	sadd.s32 $0x8400, s5  }
0xd: {  	s5 =	sadd.s32 $0x12400, s5;
	s22 =	sadd.s32 $0x800, s6;
	[dreg:$0x2] =	wrdreg s20  }
0xe: {  	s23 =	sadd.s32 $0x1000, s6;
	s10 =	sadd.s32 s1, s4;
	[dreg:$0x3] =	wrdreg s5  }
0xf: {  	s25 =	sadd.s32 $0x1800, s6;
	s0 =	sadd.s32 s0, s1;
	[dreg:$0x5] =	wrdreg s22  }
0x10: {  	s1 =	simm.s32 $0x8;
	s4 =	simm.s32 $0x0;
	[dreg:$0x6] =	wrdreg s23  }
0x11: {  	[dreg:$0x7] =	wrdreg s25;
	s12 =	sadd.s32 $0x800, s10;
	s13 =	sadd.s32 $0x1000, s10  }
0x12: {  	s5 =	sadd.s32 s24, s26;
	s14 =	sadd.s32 $0x1800, s10;
	s0 =	sadd.s32 s24, s0  }
0x13: {  	s20 =	simm.s32 $0x6800;
	s22 =	simm.s32 $0xA800;
	s23 =	simm.s32 $0x180  }
0x14: {  	s24 =	simm.s32 $0xE800;
	s25 =	simm.s32 $0x1;
	s26 =	simm.s32 $0x2  }
0x15: {  	s8 =	sadd.s32 $0x3800, s5;
	s16 =	sadd.s32 $0x3800, s0;
	s0 =	simm.s32 $0x7  }
.LBB2_1:
0x16: {  	s5 =	rddreg [dreg:$0x2]  }
0x17: {  	[tilespmem:s2], [sflag:$0x9] =	stream.linear.gather [hbm4b:s5+s2], $0x2800, $0x38;
	[tilespmem:$0x12800] =	vst v63  }
0x18: {  	_ =	swait.ge [sflag:s17], $0x2800  }
0x19: {  	[sflag:s17] =	ssyncset.done $0x0  }
0x1a: {  	[sflag:s17] =	ssyncadd.s32 $0xFFFFD800  }
0x1b: {  	[tilespmem:s19], [sflag:$0x1] =	stream.indirect.gather [hbm4b:s3+s18], $0x80, s2, s18, $0xb8;
	[tilespmem:$0x12800] =	vst v63  }
0x1c: {  	_ = 	snop  }
0x1d: {  	[tilespmem:s20], [sflag:$0x2] =	stream.indirect.gather [hbm4b:s3+s18], $0x80, s18, s18, $0xb8;
	[tilespmem:$0x12800] =	vst v63  }
0x1e: {  	_ = 	snop  }
0x1f: {  	[tilespmem:s22], [sflag:$0x3] =	stream.indirect.gather [hbm4b:s3+s18], $0x80, s21, s18, $0xb8;
	[tilespmem:$0x12800] =	vst v63  }
0x20: {  	_ = 	snop  }
0x21: {  	[tilespmem:s24], [sflag:$0x4] =	stream.indirect.gather [hbm4b:s3+s18], $0x80, s23, s18, $0xb8;
	[tilespmem:$0x12800] =	vst v63  }
0x22: {  	_ =	swait.ge [sflag:s25], $0x4000  }
0x23: {  	[sflag:s25] =	ssyncset.done $0x0  }
0x24: {  	[sflag:s25] =	ssyncadd.s32 $0xFFFFC000  }
0x25: {  	[hbm4b:s6+s2] =	stream.linear.scatter [tilespmem:s19], [sflag:$0x5], $0x4000, $0x38;
	[tilespmem:$0x12800] =	vst v63  }
0x26: {  	_ =	swait.ge [sflag:s26], $0x4000  }
0x27: {  	[sflag:s26] =	ssyncset.done $0x0  }
0x28: {  	s11 =	rddreg [dreg:$0x5];
	[sflag:s26] =	ssyncadd.s32 $0xFFFFC000  }
0x29: {  	[hbm4b:s11+s2] =	stream.linear.scatter [tilespmem:s20], [sflag:$0x6], $0x4000, $0x38;
	[tilespmem:$0x12800] =	vst v63  }
0x2a: {  	_ =	swait.ge [sflag:s28], $0x4000  }
0x2b: {  	[sflag:s28] =	ssyncset.done $0x0  }
0x2c: {  	s15 =	rddreg [dreg:$0x6];
	[sflag:s28] =	ssyncadd.s32 $0xFFFFC000  }
0x2d: {  	[hbm4b:s15+s2] =	stream.linear.scatter [tilespmem:s22], [sflag:$0x7], $0x4000, $0x38;
	[tilespmem:$0x12800] =	vst v63  }
0x2e: {  	_ =	swait.ge [sflag:s29], $0x4000  }
0x2f: {  	[sflag:s29] =	ssyncset.done $0x0  }
0x30: {  	s7 =	rddreg [dreg:$0x7];
	[sflag:s29] =	ssyncadd.s32 $0xFFFFC000  }
0x31: {  	[hbm4b:s7+s2] =	stream.linear.scatter [tilespmem:s24], [sflag:$0x8], $0x4000, $0x38;
	[tilespmem:$0x12800] =	vst v63  }
0x32: {  	_ =	swait.ge [sflag:s30], $0x4000  }
0x33: {  	[sflag:s30] =	ssyncset.done $0x0  }
0x34: {  	[sflag:s30] =	ssyncadd.s32 $0xFFFFC000  }
0x35: {  	_ =	swait.ge [sflag:s31], $0x4000  }
0x36: {  	[sflag:s31] =	ssyncset.done $0x0  }
0x37: {  	[sflag:s31] =	ssyncadd.s32 $0xFFFFC000  }
0x38: {  	_ =	swait.ge [sflag:s0], $0x4000  }
0x39: {  	[sflag:s0] =	ssyncset.done $0x0  }
0x3a: {  	[sflag:s0] =	ssyncadd.s32 $0xFFFFC000  }
0x3b: {  	_ =	swait.ge [sflag:s1], $0x4000  }
0x3c: {  	[sflag:s1] =	ssyncset.done $0x0  }
0x3d: {  	s9 =	simm.s32 $0x200;
	[sflag:s1] =	ssyncadd.s32 $0xFFFFC000  }
0x3e: {  	[tilespmem:s19], [sflag:$0x1] =	stream.indirect.gather [hbm4b:s3+s18], $0x80, s9, s18, $0xb8;
	[tilespmem:$0x12800] =	vst v63  }
0x3f: {  	s11 =	simm.s32 $0x280  }
0x40: {  	[tilespmem:s20], [sflag:$0x2] =	stream.indirect.gather [hbm4b:s3+s18], $0x80, s11, s18, $0xb8;
	[tilespmem:$0x12800] =	vst v63  }
0x41: {  	s15 =	simm.s32 $0x300  }
0x42: {  	[tilespmem:s22], [sflag:$0x3] =	stream.indirect.gather [hbm4b:s3+s18], $0x80, s15, s18, $0xb8;
	[tilespmem:$0x12800] =	vst v63  }
0x43: {  	s7 =	simm.s32 $0x380  }
0x44: {  	[tilespmem:s24], [sflag:$0x4] =	stream.indirect.gather [hbm4b:s3+s18], $0x80, s7, s18, $0xb8;
	[tilespmem:$0x12800] =	vst v63  }
0x45: {  	_ =	swait.ge [sflag:s25], $0x4000  }
0x46: {  	[sflag:s25] =	ssyncset.done $0x0  }
0x47: {  	s9 =	sadd.s32 $0xFFFFE800, s8;
	[sflag:s25] =	ssyncadd.s32 $0xFFFFC000  }
0x48: {  	[hbm4b:s9+s2] =	stream.linear.scatter [tilespmem:s19], [sflag:$0x5], $0x4000, $0x38;
	[tilespmem:$0x12800] =	vst v63  }
0x49: {  	_ =	swait.ge [sflag:s26], $0x4000  }
0x4a: {  	[sflag:s26] =	ssyncset.done $0x0  }
0x4b: {  	s11 =	sadd.s32 $0xFFFFF000, s8;
	[sflag:s26] =	ssyncadd.s32 $0xFFFFC000  }
0x4c: {  	[hbm4b:s11+s2] =	stream.linear.scatter [tilespmem:s20], [sflag:$0x6], $0x4000, $0x38;
	[tilespmem:$0x12800] =	vst v63  }
0x4d: {  	_ =	swait.ge [sflag:s28], $0x4000  }
0x4e: {  	[sflag:s28] =	ssyncset.done $0x0  }
0x4f: {  	s15 =	sadd.s32 $0xFFFFF800, s8;
	[sflag:s28] =	ssyncadd.s32 $0xFFFFC000  }
0x50: {  	[hbm4b:s15+s2] =	stream.linear.scatter [tilespmem:s22], [sflag:$0x7], $0x4000, $0x38;
	[tilespmem:$0x12800] =	vst v63  }
0x51: {  	_ =	swait.ge [sflag:s29], $0x4000  }
0x52: {  	s5 =	simm.s32 $0x800;
	[sflag:s29] =	ssyncset.done $0x0  }
0x53: {  	s7 =	sadd.s32 $0x2000, s8;
	s15 =	smov.u32 s8;
	[sflag:s29] =	ssyncadd.s32 $0xFFFFC000  }
.LBB2_2:
0x54: {  	[hbm4b:s15+s2] =	stream.linear.scatter [tilespmem:s24], [sflag:$0x8], $0x4000, $0x38;
	[tilespmem:$0x12800] =	vst v63  }
0x55: {  	s9 =	smov.u32 s5;
	s15 =	smov.u32 s7  }
0x56: {  	p0 =	sne.s32 s5, $0x9000;
	s5 =	sadd.s32 $0x800, s5;
	_ =	swait.ge [sflag:s30], $0x4000  }
0x57: {  	[sflag:s30] =	ssyncset.done $0x0  }
0x58: {  	[sflag:s30] =	ssyncadd.s32 $0xFFFFC000  }
0x59: {  	_ =	swait.ge [sflag:s31], $0x4000  }
0x5a: {  	[sflag:s31] =	ssyncset.done $0x0  }
0x5b: {  	[sflag:s31] =	ssyncadd.s32 $0xFFFFC000  }
0x5c: {  	_ =	swait.ge [sflag:s0], $0x4000  }
0x5d: {  	[sflag:s0] =	ssyncset.done $0x0  }
0x5e: {  	[sflag:s0] =	ssyncadd.s32 $0xFFFFC000  }
0x5f: {  	_ =	swait.ge [sflag:s1], $0x4000  }
0x60: {  	s9 =	sshra.s32 s9, $0x2;
	[sflag:s1] =	ssyncset.done $0x0  }
0x61: {  	s11 =	sadd.s32 $0x200, s9;
	[sflag:s1] =	ssyncadd.s32 $0xFFFFC000  }
0x62: {  	[tilespmem:s19], [sflag:$0x1] =	stream.indirect.gather [hbm4b:s3+s18], $0x80, s11, s18, $0xb8;
	[tilespmem:$0x12800] =	vst v63  }
0x63: {  	s11 =	sadd.s32 $0x280, s9  }
0x64: {  	[tilespmem:s20], [sflag:$0x2] =	stream.indirect.gather [hbm4b:s3+s18], $0x80, s11, s18, $0xb8;
	[tilespmem:$0x12800] =	vst v63  }
0x65: {  	s11 =	sadd.s32 $0x300, s9  }
0x66: {  	[tilespmem:s22], [sflag:$0x3] =	stream.indirect.gather [hbm4b:s3+s18], $0x80, s11, s18, $0xb8;
	[tilespmem:$0x12800] =	vst v63  }
0x67: {  	s9 =	sadd.s32 $0x380, s9  }
0x68: {  	[tilespmem:s24], [sflag:$0x4] =	stream.indirect.gather [hbm4b:s3+s18], $0x80, s9, s18, $0xb8;
	[tilespmem:$0x12800] =	vst v63  }
0x69: {  	_ =	swait.ge [sflag:s25], $0x4000  }
0x6a: {  	[sflag:s25] =	ssyncset.done $0x0  }
0x6b: {  	s9 =	sadd.s32 $0xFFFFE800, s7;
	[sflag:s25] =	ssyncadd.s32 $0xFFFFC000  }
0x6c: {  	[hbm4b:s9+s2] =	stream.linear.scatter [tilespmem:s19], [sflag:$0x5], $0x4000, $0x38;
	[tilespmem:$0x12800] =	vst v63  }
0x6d: {  	_ =	swait.ge [sflag:s26], $0x4000  }
0x6e: {  	[sflag:s26] =	ssyncset.done $0x0  }
0x6f: {  	s9 =	sadd.s32 $0xFFFFF000, s7;
	[sflag:s26] =	ssyncadd.s32 $0xFFFFC000  }
0x70: {  	[hbm4b:s9+s2] =	stream.linear.scatter [tilespmem:s20], [sflag:$0x6], $0x4000, $0x38;
	[tilespmem:$0x12800] =	vst v63  }
0x71: {  	_ =	swait.ge [sflag:s28], $0x4000  }
0x72: {  	[sflag:s28] =	ssyncset.done $0x0  }
.Ltmp0:
0x73: {  	s9 =	sadd.s32 $0xFFFFF800, s7;
	[sflag:s28] =	ssyncadd.s32 $0xFFFFC000;
	(pc) =	sbr.rel @p0 .LBB2_2-.Ltmp0, $4  }
0x74: {  	[hbm4b:s9+s2] =	stream.linear.scatter [tilespmem:s22], [sflag:$0x7], $0x4000, $0x38;
	[tilespmem:$0x12800] =	vst v63  }
0x75: {  	_ =	swait.ge [sflag:s29], $0x4000  }
0x76: {  	[sflag:s29] =	ssyncset.done $0x0  }
0x77: {  	s7 =	sadd.s32 $0x2000, s7;
	[sflag:s29] =	ssyncadd.s32 $0xFFFFC000  }
0x78: {  	[hbm4b:s15+s2] =	stream.linear.scatter [tilespmem:s24], [sflag:$0x8], $0x4000, $0x38;
	[tilespmem:$0x12800] =	vst v63  }
0x79: {  	_ =	swait.ge [sflag:s30], $0x4000  }
0x7a: {  	[sflag:s30] =	ssyncset.done $0x0  }
0x7b: {  	[sflag:s30] =	ssyncadd.s32 $0xFFFFC000  }
0x7c: {  	_ =	swait.ge [sflag:s31], $0x4000  }
0x7d: {  	[sflag:s31] =	ssyncset.done $0x0  }
0x7e: {  	[sflag:s31] =	ssyncadd.s32 $0xFFFFC000  }
0x7f: {  	_ =	swait.ge [sflag:s0], $0x4000  }
0x80: {  	[sflag:s0] =	ssyncset.done $0x0  }
0x81: {  	[sflag:s0] =	ssyncadd.s32 $0xFFFFC000  }
0x82: {  	_ =	swait.ge [sflag:s1], $0x4000  }
0x83: {  	[sflag:s1] =	ssyncset.done $0x0  }
0x84: {  	s5 =	simm.s32 $0x0;
	s7 =	rddreg [dreg:$0x3];
	[sflag:s1] =	ssyncadd.s32 $0xFFFFC000  }
0x85: {  	[tilespmem:s5], [sflag:$0x9] =	stream.linear.gather [hbm4b:s7+s5], $0x2800, $0x38;
	[tilespmem:$0x12800] =	vst v63  }
0x86: {  	_ =	swait.ge [sflag:s17], $0x2800  }
0x87: {  	[sflag:s17] =	ssyncset.done $0x0  }
0x88: {  	[sflag:s17] =	ssyncadd.s32 $0xFFFFD800  }
0x89: {  	[tilespmem:s19], [sflag:$0x1] =	stream.indirect.gather [hbm4b:s3+s18], $0x80, s5, s18, $0xb8;
	[tilespmem:$0x12800] =	vst v63  }
0x8a: {  	_ = 	snop  }
0x8b: {  	[tilespmem:s20], [sflag:$0x2] =	stream.indirect.gather [hbm4b:s3+s18], $0x80, s18, s18, $0xb8;
	[tilespmem:$0x12800] =	vst v63  }
0x8c: {  	_ = 	snop  }
0x8d: {  	[tilespmem:s22], [sflag:$0x3] =	stream.indirect.gather [hbm4b:s3+s18], $0x80, s21, s18, $0xb8;
	[tilespmem:$0x12800] =	vst v63  }
0x8e: {  	_ = 	snop  }
0x8f: {  	[tilespmem:s24], [sflag:$0x4] =	stream.indirect.gather [hbm4b:s3+s18], $0x80, s23, s18, $0xb8;
	[tilespmem:$0x12800] =	vst v63  }
0x90: {  	_ =	swait.ge [sflag:s25], $0x4000  }
0x91: {  	[sflag:s25] =	ssyncset.done $0x0  }
0x92: {  	[sflag:s25] =	ssyncadd.s32 $0xFFFFC000  }
0x93: {  	[hbm4b:s10+s5] =	stream.linear.scatter [tilespmem:s19], [sflag:$0x5], $0x4000, $0x38;
	[tilespmem:$0x12800] =	vst v63  }
0x94: {  	_ =	swait.ge [sflag:s26], $0x4000  }
0x95: {  	[sflag:s26] =	ssyncset.done $0x0  }
0x96: {  	[sflag:s26] =	ssyncadd.s32 $0xFFFFC000  }
0x97: {  	[hbm4b:s12+s5] =	stream.linear.scatter [tilespmem:s20], [sflag:$0x6], $0x4000, $0x38;
	[tilespmem:$0x12800] =	vst v63  }
0x98: {  	_ =	swait.ge [sflag:s28], $0x4000  }
0x99: {  	[sflag:s28] =	ssyncset.done $0x0  }
0x9a: {  	[sflag:s28] =	ssyncadd.s32 $0xFFFFC000  }
0x9b: {  	[hbm4b:s13+s5] =	stream.linear.scatter [tilespmem:s22], [sflag:$0x7], $0x4000, $0x38;
	[tilespmem:$0x12800] =	vst v63  }
0x9c: {  	_ =	swait.ge [sflag:s29], $0x4000  }
0x9d: {  	[sflag:s29] =	ssyncset.done $0x0  }
0x9e: {  	[sflag:s29] =	ssyncadd.s32 $0xFFFFC000  }
0x9f: {  	[hbm4b:s14+s5] =	stream.linear.scatter [tilespmem:s24], [sflag:$0x8], $0x4000, $0x38;
	[tilespmem:$0x12800] =	vst v63  }
0xa0: {  	_ =	swait.ge [sflag:s30], $0x4000  }
0xa1: {  	[sflag:s30] =	ssyncset.done $0x0  }
0xa2: {  	[sflag:s30] =	ssyncadd.s32 $0xFFFFC000  }
0xa3: {  	_ =	swait.ge [sflag:s31], $0x4000  }
0xa4: {  	[sflag:s31] =	ssyncset.done $0x0  }
0xa5: {  	[sflag:s31] =	ssyncadd.s32 $0xFFFFC000  }
0xa6: {  	_ =	swait.ge [sflag:s0], $0x4000  }
0xa7: {  	[sflag:s0] =	ssyncset.done $0x0  }
0xa8: {  	[sflag:s0] =	ssyncadd.s32 $0xFFFFC000  }
0xa9: {  	_ =	swait.ge [sflag:s1], $0x4000  }
0xaa: {  	[sflag:s1] =	ssyncset.done $0x0  }
0xab: {  	s9 =	simm.s32 $0x200;
	[sflag:s1] =	ssyncadd.s32 $0xFFFFC000  }
0xac: {  	[tilespmem:s19], [sflag:$0x1] =	stream.indirect.gather [hbm4b:s3+s18], $0x80, s9, s18, $0xb8;
	[tilespmem:$0x12800] =	vst v63  }
0xad: {  	s11 =	simm.s32 $0x280  }
0xae: {  	[tilespmem:s20], [sflag:$0x2] =	stream.indirect.gather [hbm4b:s3+s18], $0x80, s11, s18, $0xb8;
	[tilespmem:$0x12800] =	vst v63  }
0xaf: {  	s15 =	simm.s32 $0x300  }
0xb0: {  	[tilespmem:s22], [sflag:$0x3] =	stream.indirect.gather [hbm4b:s3+s18], $0x80, s15, s18, $0xb8;
	[tilespmem:$0x12800] =	vst v63  }
0xb1: {  	s7 =	simm.s32 $0x380  }
0xb2: {  	[tilespmem:s24], [sflag:$0x4] =	stream.indirect.gather [hbm4b:s3+s18], $0x80, s7, s18, $0xb8;
	[tilespmem:$0x12800] =	vst v63  }
0xb3: {  	_ =	swait.ge [sflag:s25], $0x4000  }
0xb4: {  	[sflag:s25] =	ssyncset.done $0x0  }
0xb5: {  	s9 =	sadd.s32 $0xFFFFE800, s16;
	[sflag:s25] =	ssyncadd.s32 $0xFFFFC000  }
0xb6: {  	[hbm4b:s9+s2] =	stream.linear.scatter [tilespmem:s19], [sflag:$0x5], $0x4000, $0x38;
	[tilespmem:$0x12800] =	vst v63  }
0xb7: {  	_ =	swait.ge [sflag:s26], $0x4000  }
0xb8: {  	[sflag:s26] =	ssyncset.done $0x0  }
0xb9: {  	s11 =	sadd.s32 $0xFFFFF000, s16;
	[sflag:s26] =	ssyncadd.s32 $0xFFFFC000  }
0xba: {  	[hbm4b:s11+s2] =	stream.linear.scatter [tilespmem:s20], [sflag:$0x6], $0x4000, $0x38;
	[tilespmem:$0x12800] =	vst v63  }
0xbb: {  	_ =	swait.ge [sflag:s28], $0x4000  }
0xbc: {  	[sflag:s28] =	ssyncset.done $0x0  }
0xbd: {  	s15 =	sadd.s32 $0xFFFFF800, s16;
	[sflag:s28] =	ssyncadd.s32 $0xFFFFC000  }
0xbe: {  	[hbm4b:s15+s2] =	stream.linear.scatter [tilespmem:s22], [sflag:$0x7], $0x4000, $0x38;
	[tilespmem:$0x12800] =	vst v63  }
0xbf: {  	_ =	swait.ge [sflag:s29], $0x4000  }
0xc0: {  	s5 =	simm.s32 $0x800;
	[sflag:s29] =	ssyncset.done $0x0  }
0xc1: {  	s7 =	sadd.s32 $0x2000, s16;
	s15 =	smov.u32 s16;
	[sflag:s29] =	ssyncadd.s32 $0xFFFFC000  }
.LBB2_4:
0xc2: {  	[hbm4b:s15+s2] =	stream.linear.scatter [tilespmem:s24], [sflag:$0x8], $0x4000, $0x38;
	[tilespmem:$0x12800] =	vst v63  }
0xc3: {  	s9 =	smov.u32 s5;
	s15 =	smov.u32 s7  }
0xc4: {  	p0 =	sne.s32 s5, $0x9000;
	s5 =	sadd.s32 $0x800, s5;
	_ =	swait.ge [sflag:s30], $0x4000  }
0xc5: {  	[sflag:s30] =	ssyncset.done $0x0  }
0xc6: {  	[sflag:s30] =	ssyncadd.s32 $0xFFFFC000  }
0xc7: {  	_ =	swait.ge [sflag:s31], $0x4000  }
0xc8: {  	[sflag:s31] =	ssyncset.done $0x0  }
0xc9: {  	[sflag:s31] =	ssyncadd.s32 $0xFFFFC000  }
0xca: {  	_ =	swait.ge [sflag:s0], $0x4000  }
0xcb: {  	[sflag:s0] =	ssyncset.done $0x0  }
0xcc: {  	[sflag:s0] =	ssyncadd.s32 $0xFFFFC000  }
0xcd: {  	_ =	swait.ge [sflag:s1], $0x4000  }
0xce: {  	s9 =	sshra.s32 s9, $0x2;
	[sflag:s1] =	ssyncset.done $0x0  }
0xcf: {  	s11 =	sadd.s32 $0x200, s9;
	[sflag:s1] =	ssyncadd.s32 $0xFFFFC000  }
0xd0: {  	[tilespmem:s19], [sflag:$0x1] =	stream.indirect.gather [hbm4b:s3+s18], $0x80, s11, s18, $0xb8;
	[tilespmem:$0x12800] =	vst v63  }
0xd1: {  	s11 =	sadd.s32 $0x280, s9  }
0xd2: {  	[tilespmem:s20], [sflag:$0x2] =	stream.indirect.gather [hbm4b:s3+s18], $0x80, s11, s18, $0xb8;
	[tilespmem:$0x12800] =	vst v63  }
0xd3: {  	s11 =	sadd.s32 $0x300, s9  }
0xd4: {  	[tilespmem:s22], [sflag:$0x3] =	stream.indirect.gather [hbm4b:s3+s18], $0x80, s11, s18, $0xb8;
	[tilespmem:$0x12800] =	vst v63  }
0xd5: {  	s9 =	sadd.s32 $0x380, s9  }
0xd6: {  	[tilespmem:s24], [sflag:$0x4] =	stream.indirect.gather [hbm4b:s3+s18], $0x80, s9, s18, $0xb8;
	[tilespmem:$0x12800] =	vst v63  }
0xd7: {  	_ =	swait.ge [sflag:s25], $0x4000  }
0xd8: {  	[sflag:s25] =	ssyncset.done $0x0  }
0xd9: {  	s9 =	sadd.s32 $0xFFFFE800, s7;
	[sflag:s25] =	ssyncadd.s32 $0xFFFFC000  }
0xda: {  	[hbm4b:s9+s2] =	stream.linear.scatter [tilespmem:s19], [sflag:$0x5], $0x4000, $0x38;
	[tilespmem:$0x12800] =	vst v63  }
0xdb: {  	_ =	swait.ge [sflag:s26], $0x4000  }
0xdc: {  	[sflag:s26] =	ssyncset.done $0x0  }
0xdd: {  	s9 =	sadd.s32 $0xFFFFF000, s7;
	[sflag:s26] =	ssyncadd.s32 $0xFFFFC000  }
0xde: {  	[hbm4b:s9+s2] =	stream.linear.scatter [tilespmem:s20], [sflag:$0x6], $0x4000, $0x38;
	[tilespmem:$0x12800] =	vst v63  }
0xdf: {  	_ =	swait.ge [sflag:s28], $0x4000  }
0xe0: {  	[sflag:s28] =	ssyncset.done $0x0  }
.Ltmp1:
0xe1: {  	s9 =	sadd.s32 $0xFFFFF800, s7;
	[sflag:s28] =	ssyncadd.s32 $0xFFFFC000;
	(pc) =	sbr.rel @p0 .LBB2_4-.Ltmp1, $4  }
0xe2: {  	[hbm4b:s9+s2] =	stream.linear.scatter [tilespmem:s22], [sflag:$0x7], $0x4000, $0x38;
	[tilespmem:$0x12800] =	vst v63  }
0xe3: {  	_ =	swait.ge [sflag:s29], $0x4000  }
0xe4: {  	[sflag:s29] =	ssyncset.done $0x0  }
0xe5: {  	s7 =	sadd.s32 $0x2000, s7;
	[sflag:s29] =	ssyncadd.s32 $0xFFFFC000  }
0xe6: {  	[hbm4b:s15+s2] =	stream.linear.scatter [tilespmem:s24], [sflag:$0x8], $0x4000, $0x38;
	[tilespmem:$0x12800] =	vst v63  }
0xe7: {  	_ =	swait.ge [sflag:s30], $0x4000  }
0xe8: {  	[sflag:s30] =	ssyncset.done $0x0  }
0xe9: {  	[sflag:s30] =	ssyncadd.s32 $0xFFFFC000  }
0xea: {  	_ =	swait.ge [sflag:s31], $0x4000  }
0xeb: {  	[sflag:s31] =	ssyncset.done $0x0  }
0xec: {  	[sflag:s31] =	ssyncadd.s32 $0xFFFFC000  }
0xed: {  	_ =	swait.ge [sflag:s0], $0x4000  }
0xee: {  	[sflag:s0] =	ssyncset.done $0x0  }
0xef: {  	[sflag:s0] =	ssyncadd.s32 $0xFFFFC000  }
0xf0: {  	_ =	swait.ge [sflag:s1], $0x4000  }
0xf1: {  	s4 =	sadd.s32 $0x1, s4;
	s5 =	rddreg [dreg:$0x4]  }
0xf2: {  	p0 =	sne.s32 s4, s5  }
.Ltmp2:
0xf3: {  	_ = 	snop;
	(pc) =	sbr.rel @p0 .LBB2_1-.Ltmp2, $3  }
0xf4: {  	_ =	sdelay $0x1  }
0xf5: {  	[sflag:s1] =	ssyncset.done $0x0  }
0xf6: {  	[sflag:s1] =	ssyncadd.s32 $0xFFFFC000  }
0xf7: {  	_ =	sfence.sel $0x180000  }
0xf8: {  	[bflag:$0x0] =	sbarrier.arrive $0xFFFF  }
0xf9: {  	_ =	strace $0x90000047  }
0xfa: {  	s0 =	stileid.u32;
	[bflag:$0x2] =	sbarrier.arrive $0xFFFF  }
0xfb: {  	p0 =	sne.s32 s0, $0x0;
	s0 =	rddreg [dreg:$0x1]  }
0xfc: {  	s0 =	sadd.s32 @!p0 $0x100000, s0  }
0xfd: {  	[sflag:s0] =	ssyncadd.tile.s32 @!p0 $0x1;
	_ =	shalt  }
.Lfunc_end2:
_tile_overlayer_lowered:
.L_overlay_start_2:
0xfe: {  	(tag) =	ssettag $0x2  }
0xff: {  	s0 =	rddreg [dreg:$0x0];
	s2 =	stileid.u32  }
0x100: {  	s1 =	rddreg [dreg:$0x1];
	p0 =	sne.s32 s2, $0x0  }
0x101: {  	s3 =	rddreg [dreg:$0x2];
	[bflag:$0x3] =	sbarrier.arrive $0xFFFF;
	s2 =	simm.s32 @!p0 $0x1C09  }
0x102: {  	[timem:s3], [sflag:s2] =	dma.local @!p0 [hbm:s0], s1  }
0x103: {  	s0 =	simm.s32 @!p0 $0x9  }
0x104: {  	_ =	swait.ge @!p0 [sflag:s0], s1  }
0x105: {  	s1 =	ssub.s32 @!p0 $0x0, s1;
	[sflag:s0] =	ssyncset.done @!p0 $0x0  }
0x106: {  	[sflag:s0] =	ssyncadd.s32 @!p0 s1  }
0x107: {  	[bflag:$0x3] =	sbarrier.arrive $0xFFFF  }
0x108: {  	_ =	shalt  }

// kernel: kernel.15.cloned.1.call-start
scs
__scs_entry_jumppad:
0x0: {  	(pc) =	sbr.rel $0x88, $3  }
0x1: {  	(tag) =	ssettag $0x0;
	lr =	simm.s32 $0x1  }
0x2: {  	[smem:$0x3F7A] =	sst lr;
	_ =	strace $0xD0000000  }
0x3: {  	_ = 	snop  }
0x4: {  	_ = 	snop  }
0x5: {  	_ = 	snop  }
0x6: {  	_ = 	snop  }
0x7: {  	_ = 	snop  }
__scs_overlays_trampoline_lowered:
0x8: {  	[smem:$0x3F89] =	sst s0  }
0x9: {  	[smem:$0x3F8A] =	sst s1  }
0xa: {  	[smem:$0x3F8B] =	sst s2  }
0xb: {  	[smem:$0x3F8C] =	sst s3  }
0xc: {  	[smem:$0x3F8D] =	sst s4  }
0xd: {  	[smem:$0x3F8E] =	sst s5  }
0xe: {  	[smem:$0x3F8F] =	sst s6  }
0xf: {  	[smem:$0x3F90] =	sst s7  }
0x10: {  	[smem:$0x3F91] =	sst s8  }
0x11: {  	[smem:$0x3F92] =	sst s9;
	s0 =	simm.s32 @!p0 $0x0  }
0x12: {  	s1 =	sld [smem:$0x3F78];
	s0 =	simm.s32 @p0 $0x1  }
0x13: {  	[smem:$0x3F93] =	sst s0;
	s0 =	simm.s32 @!p1 $0x0  }
0x14: {  	s2 =	sld [smem:$0x3F77];
	s0 =	simm.s32 @p1 $0x1  }
0x15: {  	[smem:$0x3F94] =	sst s0;
	s0 =	simm.s32 @!p2 $0x0  }
0x16: {  	s3 =	sld [smem:$0x3FDB];
	s0 =	simm.s32 @p2 $0x1  }
0x17: {  	s4 =	simm.s32 $0x1BF5;
	[smem:$0x3F96] =	sst s0  }
0x18: {  	s0 =	sld [smem:$0x3F79];
	_ =	swait.ge [sflag:s4], $0x0  }
0x19: {  	s7 =	sld [smem:$0x3F7A]  }
0x1a: {  	s8 =	sadd.s32 $0xFFFFE003, lr  }
0x1b: {  	s9 =	sadd.s32 $0xFFFFFEF7, lr;
	s5 =	simm.s32 $0xFFFFFFFF;
	p2 =	slt.u32 s8, $0xFFFFF086  }
0x1c: {  	p1 =	slt.u32 s9, $0xF7A;
	s5 =	simm.s32 @!p2 $0x0  }
0x1d: {  	s5 =	simm.s32 @p1 $0x1;
	p0 =	seq.s32 s7, s2  }
0x1e: {  	s7 =	smul.u32 @!p0 $0xF7A, s2;
	p2 =	seq.s32 @!p0 s5, $0x0  }
0x1f: {  	s9 =	smul.u32 $0xF7A, s1;
	s8 =	simm.s32 @!p0 $0x1BF5;
	p2 =	por !p2, p0  }
0x20: {  	[sflag:s8] =	ssyncset.s32 @!p0 $0xFFFFF086;
	s6 =	sadd.s32 @!p0 s3, s7;
	s7 =	simm.s32 @!p0 $0x108  }
0x21: {  	s3 =	sadd.s32 s3, s9;
	s6 =	sadd.s32 @!p0 $0x88, s6;
	s7 =	simm.s32 @p2 $0x1082  }
0x22: {  	[simem:s7], [sflag:s8] =	dma.local @!p0 [hbm:s6], $0xF7A  }
0x23: {  	s9 =	sor.u32 $0xD0000000, s2;
	s6 =	simm.s32 $0x108;
	_ =	swait.ge @!p0 [sflag:s8], $0x0  }
0x24: {  	s3 =	sadd.s32 $0x88, s3;
	s6 =	simm.s32 @!p1 $0x1082;
	[sflag:s4] =	ssyncset.s32 $0xFFFFF086  }
0x25: {  	[simem:s6], [sflag:s4] =	dma.local [hbm:s3], $0xF7A  }
0x26: {  	[smem:$0x3F7A] =	sst s1;
	(tag) =	ssettag s2;
	_ =	strace s9  }
0x27: {  	s1 =	sld [smem:$0x3F8A]  }
0x28: {  	s2 =	sld [smem:$0x3F8B]  }
0x29: {  	s4 =	sld [smem:$0x3F8D]  }
0x2a: {  	p0 =	seq.s32 s5, $0x0;
	s5 =	sld [smem:$0x3F8E]  }
0x2b: {  	s6 =	sld [smem:$0x3F8F]  }
0x2c: {  	s7 =	sld [smem:$0x3F90]  }
0x2d: {  	s3 =	simm.s32 $0x108;
	s8 =	sld [smem:$0x3F91]  }
0x2e: {  	s3 =	simm.s32 @!p0 $0x1082;
	s9 =	sld [smem:$0x3F92]  }
0x2f: {  	lr =	sadd.s32 s0, s3;
	s0 =	sld [smem:$0x3F89]  }
0x30: {  	s3 =	sld [smem:$0x3F8C]  }
0x31: {  	[smem:$0x3F95] =	sst s10  }
0x32: {  	s10 =	sld [smem:$0x3F93];
	_ =	sdelay $0x3  }
0x33: {  	p0 =	seq.s32 s10, $0x1;
	s10 =	sld [smem:$0x3F95];
	_ =	sdelay $0x3  }
0x34: {  	[smem:$0x3F95] =	sst s10  }
0x35: {  	s10 =	sld [smem:$0x3F94];
	_ =	sdelay $0x3  }
0x36: {  	p1 =	seq.s32 s10, $0x1;
	s10 =	sld [smem:$0x3F95];
	_ =	sdelay $0x3  }
0x37: {  	[smem:$0x3F95] =	sst s10  }
0x38: {  	s10 =	sld [smem:$0x3F96]  }
0x39: {  	_ = 	snop;
	(pc) =	sbr.ind lr, $3  }
0x3a: {  	_ = 	snop  }
0x3b: {  	_ = 	snop  }
0x3c: {  	p2 =	seq.s32 s10, $0x1;
	s10 =	sld [smem:$0x3F95]  }
0x3d: {  	_ =	shalt  }
0x3e: {  	_ =	shalt  }
0x3f: {  	_ =	shalt  }
0x40: {  	_ =	shalt  }
0x41: {  	_ =	shalt  }
0x42: {  	_ =	shalt  }
0x43: {  	_ =	shalt  }
0x44: {  	_ =	shalt  }
0x45: {  	_ =	shalt  }
0x46: {  	_ =	shalt  }
0x47: {  	_ =	shalt  }
0x48: {  	_ =	shalt  }
0x49: {  	_ =	shalt  }
0x4a: {  	_ =	shalt  }
0x4b: {  	_ =	shalt  }
0x4c: {  	_ =	shalt  }
0x4d: {  	_ =	shalt  }
0x4e: {  	_ =	shalt  }
0x4f: {  	_ =	shalt  }
0x50: {  	_ =	shalt  }
0x51: {  	_ =	shalt  }
0x52: {  	_ =	shalt  }
0x53: {  	_ =	shalt  }
0x54: {  	_ =	shalt  }
0x55: {  	_ =	shalt  }
0x56: {  	_ =	shalt  }
0x57: {  	_ =	shalt  }
0x58: {  	_ =	shalt  }
0x59: {  	_ =	shalt  }
0x5a: {  	_ =	shalt  }
0x5b: {  	_ =	shalt  }
0x5c: {  	_ =	shalt  }
0x5d: {  	_ =	shalt  }
0x5e: {  	_ =	shalt  }
0x5f: {  	_ =	shalt  }
0x60: {  	_ =	shalt  }
0x61: {  	_ =	shalt  }
0x62: {  	_ =	shalt  }
0x63: {  	_ =	shalt  }
0x64: {  	_ =	shalt  }
0x65: {  	_ =	shalt  }
0x66: {  	_ =	shalt  }
0x67: {  	_ =	shalt  }
0x68: {  	_ =	shalt  }
0x69: {  	_ =	shalt  }
0x6a: {  	_ =	shalt  }
0x6b: {  	_ =	shalt  }
0x6c: {  	_ =	shalt  }
0x6d: {  	_ =	shalt  }
0x6e: {  	_ =	shalt  }
0x6f: {  	_ =	shalt  }
0x70: {  	_ =	shalt  }
0x71: {  	_ =	shalt  }
0x72: {  	_ =	shalt  }
0x73: {  	_ =	shalt  }
0x74: {  	_ =	shalt  }
0x75: {  	_ =	shalt  }
0x76: {  	_ =	shalt  }
0x77: {  	_ =	shalt  }
0x78: {  	_ =	shalt  }
0x79: {  	_ =	shalt  }
0x7a: {  	_ =	shalt  }
0x7b: {  	_ =	shalt  }
0x7c: {  	_ =	shalt  }
0x7d: {  	_ =	shalt  }
0x7e: {  	_ =	shalt  }
0x7f: {  	_ =	shalt  }
0x80: {  	_ =	shalt  }
0x81: {  	_ =	shalt  }
0x82: {  	_ =	shalt  }
0x83: {  	_ =	shalt  }
0x84: {  	_ =	shalt  }
0x85: {  	_ =	shalt  }
0x86: {  	_ =	shalt  }
0x87: {  	_ =	shalt  }
.Lfunc_end0:
.L_simem_size_0:
called_computation.1_lowered:
.L_overlay_start_0:
0x88: {  	s2 =	sld [smem:$0x3FD9]  }
0x89: {  	s3 =	sld [smem:$0x3FFE];
	_ =	sdelay $0x1  }
0x8a: {  	s1 =	srdreg.scid  }
0x8b: {  	s0 =	sand.u32 $0x1, s1  }
0x8c: {  	s16 =	sshll.u32 s0, $0xA;
	s2 =	sadd.s32 s3, s2  }
0x8d: {  	s2 =	sadd.s32 s2, s16  }
0x8e: {  	[smem:$0x3FA1] =	sst s2  }
0x8f: {  	_ = 	snop  }
0x90: {  	(tm) =	ssettm $0x1  }
0x91: {  	s17 =	sld [smem:$0x3FFB];
	_ =	sdelay $0x3  }
0x92: {  	_ =	strace s17  }
0x93: {  	s2 =	sld [smem:$0x3FFC];
	_ =	sdelay $0x3  }
0x94: {  	_ =	strace s2  }
0x95: {  	s2 =	sld [smem:$0x3FFD];
	_ =	sdelay $0x3  }
0x96: {  	_ =	strace s2  }
0x97: {  	_ =	strace $0x8FFFFFFF  }
0x98: {  	s18 =	sld [smem:$0x3FDB];
	_ =	sdelay $0x1  }
0x99: {  	s19 =	simm.s32 $_scs_section_size  }
0x9a: {  	s4 =	simm.s32 $_size__tile_overlayer_lowered;
	s5 =	simm.s32 $_tile_overlayer_lowered  }
0x9b: {  	s22 =	simm.s32 $0x1BFF;
	s21 =	sshll.u32 s5, $0x1;
	s2 =	sadd.s32 s19, s18  }
0x9c: {  	s6 =	simm.s32 $0x0;
	s20 =	sshll.u32 s4, $0x1;
	s4 =	sadd.s32 s21, s2  }
0x9d: {  	[timem:s6], [sflag:s22] =	dma.local [hbm:s4], s20  }
0x9e: {  	_ =	swait.ge [sflag:s22], s20  }
0x9f: {  	s3 =	ssub.s32 $0x0, s20;
	[sflag:s22] =	ssyncset.done $0x0  }
0xa0: {  	[sflag:s22] =	ssyncadd.s32 s3;
	_ =	sdelay $0x1  }
0xa1: {  	s23 =	simm.s32 $0x1B8B  }
0xa2: {  	_ =	swait.ge [sflag:s23], $0x1  }
0xa3: {  	[sflag:s23] =	ssyncset.done $0x0  }
0xa4: {  	s25 =	simm.s32 $0x1B8E;
	s24 =	sld [smem:$0x3FFE];
	[sflag:s23] =	ssyncadd.s32 $0xFFFFFFFF  }
0xa5: {  	s26 =	simm.s32 $execute0_lowered;
	[smem:$0x3FD2] =	sst s25  }
0xa6: {  	s4 =	sshll.u32 s26, $0x1;
	_ =	strace $0x80000049;
	[dreg:$0x1] =	wrdreg $0xFFFFFFFF  }
0xa7: {  	s28 =	simm.s32 $_size_execute0_lowered;
	s2 =	sadd.s32 s2, s4;
	[dreg:$0x0] =	wrdreg $0x0  }
0xa8: {  	s4 =	sshll.u32 s28, $0x1;
	[dreg:$0x2] =	wrdreg s2  }
0xa9: {  	[dreg:$0x3] =	wrdreg s4  }
0xaa: {  	[dreg:$0x4] =	wrdreg $0xC0  }
0xab: {  	_ =	task [dreg:s6], $0x5FFFF  }
0xac: {  	[dreg:$0x1] =	wrdreg $0xFFFFFFFF  }
0xad: {  	[dreg:$0x0] =	wrdreg $0x60  }
0xae: {  	[dreg:$0x2] =	wrdreg s24  }
0xaf: {  	[dreg:$0x3] =	wrdreg $0xB8000  }
0xb0: {  	[dreg:$0x4] =	wrdreg $0x9  }
0xb1: {  	_ =	task.clear_ibuf [dreg:s6], $0x5FFFF;
	_ =	strace $0x90000049  }
0xb2: {  	s29 =	simm.s32 $0x9;
	_ =	strace $0x8000004B  }
0xb3: {  	_ =	swait.ge [sflag:s29], $0x1  }
0xb4: {  	[sflag:s29] =	ssyncadd.s32 $0xFFFFFFFF  }
0xb5: {  	_ =	strace $0x9000004B  }
0xb6: {  	_ =	sfence  }
0xb7: {  	s30 =	sld [smem:$0x0];
	_ =	sdelay $0x2  }
0xb8: {  	s31 =	sshll.u32 s1, $0xD;
	s1 =	sshrl.u32 s1, $0x2  }
0xb9: {  	s3 =	sand.u32 $0x4000, s31;
	s1 =	sadd.s32 s1, s30  }
0xba: {  	s0 =	sor.u32 s3, s0;
	s1 =	sshll.u32 s1, $0x11  }
0xbb: {  	s0 =	sor.u32 s1, s0  }
0xbc: {  	s0 =	sadd.s32 $0x8F2B, s0  }
0xbd: {  	[sflag:s0] =	ssyncadd.remote.s32 $0x1  }
0xbe: {  	_ =	sfence.sel $0xFFFF  }
0xbf: {  	[dreg:$0x0] =	wrdreg $0xFFFFFFFF;
	(pc) =	sbr.abs _section_cstart, $3  }
0xc0: {  	[dreg:$0x1] =	wrdreg $0xFFFFFFFF  }
0xc1: {  	_ =	task.clear_ibuf [dreg:s6], $0x2FFFF;
	_ =	strace $0x9FFFFFFF  }
0xc2: {  	(tm) =	ssettm $0x7FFFFFFF  }
0xc3: {  	_ =	shalt  }
tec
execute0_lowered:
.L_overlay_start_1:
0x0: {  	(tag) =	ssettag $0x1  }
0x1: {  	s10 =	stileid.u32  }
0x2: {  	s6 =	smul.u32 $0x50, s10  }
0x3: {  	s0 =	srdreg.scid;
	s8 =	smul.u32 $0x50000, s10  }
0x4: {  	s0 =	sand.u32 $0x1, s0;
	s11 =	smul.u32 $0x2800, s10  }
0x5: {  	s1 =	rddreg [dreg:$0x0];
	s4 =	smul.u32 $0x280000, s0  }
0x6: {  	s2 =	rddreg [dreg:$0x1];
	s3 =	simm.s32 $0x0;
	s5 =	smul.u32 $0x500, s0  }
0x7: {  	[smem:$0x7FF] =	sst s3;
	s26 =	smul.u32 $0x28000, s0;
	s0 =	ssub.s32 $0x2, s0  }
0x8: {  	s21 =	smul.u32 $0x28000, s10;
	s7 =	sshrl.u32 s0, $0x1;
	s5 =	sadd.s32 s6, s5  }
0x9: {  	_ =	strace $0x8000004A;
	s0 =	ssub.s32 s0, s7;
	s5 =	sshll.u32 s5, $0x4  }
0xa: {  	s4 =	sadd.s32 s4, s1;
	s0 =	smax.u32 s0, $0x1;
	s5 =	sadd.s32 s5, s1  }
0xb: {  	s1 =	sadd.s32 s26, s1;
	[dreg:$0x4] =	wrdreg s0;
	s0 =	sadd.s32 s21, s4  }
0xc: {  	s21 =	simm.s32 $0x2800;
	s5 =	sadd.s32 $0x8400, s5;
	s6 =	sadd.s32 $0x194EC00, s1  }
0xd: {  	s9 =	sshrl.u32 s8, $0x2;
	s12 =	sadd.s32 $0x199EC00, s1;
	s4 =	sadd.s32 $0x526C00, s0  }
0xe: {  	s22 =	sadd.s32 $0xF4F400, s0;
	s26 =	sadd.s32 $0x26C00, s0;
	[dreg:$0x3] =	wrdreg s5  }
0xf: {  	s0 =	sadd.s32 $0x144F400, s0;
	s5 =	sadd.s32 s9, s2;
	[dreg:$0xb] =	wrdreg s4  }
0x10: {  	s9 =	sadd.s32 $0x19EEC00, s1;
	s1 =	sadd.s32 $0x1A3EC00, s1;
	[dreg:$0xc] =	wrdreg s22  }
0x11: {  	s23 =	sadd.s32 s11, s6;
	s24 =	sadd.s32 s11, s12;
	[dreg:$0x11] =	wrdreg s26  }
0x12: {  	[dreg:$0x12] =	wrdreg s0;
	s6 =	simm.s32 $0x3;
	s22 =	simm.s32 $0x6800  }
0x13: {  	s15 =	sadd.s32 $0x1000, s5;
	s16 =	sadd.s32 $0x2000, s5;
	s17 =	sadd.s32 $0x3000, s5  }
0x14: {  	s18 =	sadd.s32 $0x4000, s5;
	s19 =	sadd.s32 $0x5000, s5;
	[dreg:$0xd] =	wrdreg s23  }
0x15: {  	s20 =	sadd.s32 $0x6000, s5;
	s13 =	sadd.s32 $0x7000, s5;
	[dreg:$0xe] =	wrdreg s24  }
0x16: {  	s14 =	sadd.s32 $0x8000, s5;
	s25 =	sadd.s32 s11, s9;
	[dreg:$0x5] =	wrdreg s15  }
0x17: {  	s1 =	sadd.s32 s11, s1;
	s26 =	sadd.s32 $0xC000, s5;
	[dreg:$0x6] =	wrdreg s16  }
0x18: {  	s28 =	sadd.s32 $0xD000, s5;
	s29 =	sadd.s32 $0xE000, s5;
	[dreg:$0x7] =	wrdreg s17  }
0x19: {  	s30 =	sadd.s32 $0xF000, s5;
	s31 =	sadd.s32 $0x10000, s5;
	[dreg:$0x8] =	wrdreg s18  }
0x1a: {  	s0 =	sadd.s32 $0x11000, s5;
	s4 =	sadd.s32 $0x13000, s5;
	[dreg:$0x9] =	wrdreg s19  }
0x1b: {  	s23 =	simm.s32 $0x1;
	s24 =	simm.s32 $0x0;
	[dreg:$0xa] =	wrdreg s20  }
0x1c: {  	s15 =	sadd.s32 $0x9000, s5;
	s16 =	sadd.s32 $0xA000, s5;
	[dreg:$0xf] =	wrdreg s25  }
0x1d: {  	s17 =	sadd.s32 $0xB000, s5;
	[dreg:$0x10] =	wrdreg s1;
	s1 =	sadd.s32 $0x12000, s5  }
0x1e: {  	v0 =	vimm.f32 $0.0e+00;
	s20 =	simm.s32 $0xA800;
	s18 =	simm.s32 $0x80;
	s19 =	simm.s32 $0x2  }
.LBB2_1:
0x1f: {  	s7 =	rddreg [dreg:$0x3]  }
0x20: {  	[tilespmem:s3], [sflag:$0x3] =	stream.linear.gather [hbm4b:s7+s3], $0x2800, $0x38;
	[tilespmem:$0x1F800] =	vst v63  }
0x21: {  	s25 =	sand.u32 $0x3E00, s3;
	s8 =	sand.u32 $0x70, s3;
	_ =	swait.ge [sflag:s6], $0x2800  }
0x22: {  	s9 =	sshrl.u32 s25, $0x2;
	s7 =	simm.s32 $0x40;
	[sflag:s6] =	ssyncset.done $0x0  }
0x23: {  	s9 =	sor.u32 s8, s9;
	s8 =	simm.s32 $0x0;
	[sflag:s6] =	ssyncadd.s32 $0xFFFFD800  }
.LBB2_2:
0x24: {  	p0 =	sne.s32 s7, $0x3FC0  }
0x25: {  	[tilespmem:s9+$0xA800] =	vst v0;
	s8 =	sadd.s32 $0x10, s8;
	s9 =	smov.u32 s7;
	s7 =	sadd.s32 $0x40, s7  }
.Ltmp0:
0x26: {  	(pc) =	sbr.rel @p0 .LBB2_2-.Ltmp0, $4  }
0x27: {  	_ = 	snop  }
0x28: {  	s9 =	sand.u32 $0x3E00, s9  }
0x29: {  	s10 =	sand.u32 $0x70, s8;
	s9 =	sshrl.u32 s9, $0x2  }
0x2a: {  	s9 =	sor.u32 s10, s9  }
0x2b: {  	[tilespmem:s9+$0xA800] =	vst v0  }
0x2c: {  	[spmem:s5] =	stream.linear.scatter [tilespmem:s20], [sflag:$0x3], $0x1000, $0x38;
	[tilespmem:$0x1F800] =	vst v63  }
0x2d: {  	_ =	swait.ge [sflag:s6], $0x1000  }
0x2e: {  	[sflag:s6] =	ssyncset.done $0x0  }
0x2f: {  	s7 =	rddreg [dreg:$0x5];
	[sflag:s6] =	ssyncadd.s32 $0xFFFFF000  }
0x30: {  	[spmem:s7] =	stream.linear.scatter [tilespmem:s20], [sflag:$0x3], $0x1000, $0x38;
	[tilespmem:$0x1F800] =	vst v63  }
0x31: {  	_ =	swait.ge [sflag:s6], $0x1000  }
0x32: {  	[sflag:s6] =	ssyncset.done $0x0  }
0x33: {  	s12 =	rddreg [dreg:$0x6];
	[sflag:s6] =	ssyncadd.s32 $0xFFFFF000  }
0x34: {  	[spmem:s12] =	stream.linear.scatter [tilespmem:s20], [sflag:$0x3], $0x1000, $0x38;
	[tilespmem:$0x1F800] =	vst v63  }
0x35: {  	_ =	swait.ge [sflag:s6], $0x1000  }
0x36: {  	[sflag:s6] =	ssyncset.done $0x0  }
0x37: {  	s25 =	rddreg [dreg:$0x7];
	[sflag:s6] =	ssyncadd.s32 $0xFFFFF000  }
0x38: {  	[spmem:s25] =	stream.linear.scatter [tilespmem:s20], [sflag:$0x3], $0x1000, $0x38;
	[tilespmem:$0x1F800] =	vst v63  }
0x39: {  	_ =	swait.ge [sflag:s6], $0x1000  }
0x3a: {  	[sflag:s6] =	ssyncset.done $0x0  }
0x3b: {  	s8 =	rddreg [dreg:$0x8];
	[sflag:s6] =	ssyncadd.s32 $0xFFFFF000  }
0x3c: {  	[spmem:s8] =	stream.linear.scatter [tilespmem:s20], [sflag:$0x3], $0x1000, $0x38;
	[tilespmem:$0x1F800] =	vst v63  }
0x3d: {  	_ =	swait.ge [sflag:s6], $0x1000  }
0x3e: {  	[sflag:s6] =	ssyncset.done $0x0  }
0x3f: {  	s9 =	rddreg [dreg:$0x9];
	[sflag:s6] =	ssyncadd.s32 $0xFFFFF000  }
0x40: {  	[spmem:s9] =	stream.linear.scatter [tilespmem:s20], [sflag:$0x3], $0x1000, $0x38;
	[tilespmem:$0x1F800] =	vst v63  }
0x41: {  	_ =	swait.ge [sflag:s6], $0x1000  }
0x42: {  	[sflag:s6] =	ssyncset.done $0x0  }
0x43: {  	s10 =	rddreg [dreg:$0xa];
	[sflag:s6] =	ssyncadd.s32 $0xFFFFF000  }
0x44: {  	[spmem:s10] =	stream.linear.scatter [tilespmem:s20], [sflag:$0x3], $0x1000, $0x38;
	[tilespmem:$0x1F800] =	vst v63  }
0x45: {  	_ =	swait.ge [sflag:s6], $0x1000  }
0x46: {  	[sflag:s6] =	ssyncset.done $0x0  }
0x47: {  	[sflag:s6] =	ssyncadd.s32 $0xFFFFF000  }
0x48: {  	[spmem:s13] =	stream.linear.scatter [tilespmem:s20], [sflag:$0x3], $0x1000, $0x38;
	[tilespmem:$0x1F800] =	vst v63  }
0x49: {  	_ =	swait.ge [sflag:s6], $0x1000  }
0x4a: {  	[sflag:s6] =	ssyncset.done $0x0  }
0x4b: {  	[sflag:s6] =	ssyncadd.s32 $0xFFFFF000  }
0x4c: {  	[spmem:s14] =	stream.linear.scatter [tilespmem:s20], [sflag:$0x3], $0x1000, $0x38;
	[tilespmem:$0x1F800] =	vst v63  }
0x4d: {  	_ =	swait.ge [sflag:s6], $0x1000  }
0x4e: {  	[sflag:s6] =	ssyncset.done $0x0  }
0x4f: {  	[sflag:s6] =	ssyncadd.s32 $0xFFFFF000  }
0x50: {  	[spmem:s15] =	stream.linear.scatter [tilespmem:s20], [sflag:$0x3], $0x1000, $0x38;
	[tilespmem:$0x1F800] =	vst v63  }
0x51: {  	_ =	swait.ge [sflag:s6], $0x1000  }
0x52: {  	[sflag:s6] =	ssyncset.done $0x0  }
0x53: {  	[sflag:s6] =	ssyncadd.s32 $0xFFFFF000  }
0x54: {  	[spmem:s16] =	stream.linear.scatter [tilespmem:s20], [sflag:$0x3], $0x1000, $0x38;
	[tilespmem:$0x1F800] =	vst v63  }
0x55: {  	_ =	swait.ge [sflag:s6], $0x1000  }
0x56: {  	[sflag:s6] =	ssyncset.done $0x0  }
0x57: {  	[sflag:s6] =	ssyncadd.s32 $0xFFFFF000  }
0x58: {  	[spmem:s17] =	stream.linear.scatter [tilespmem:s20], [sflag:$0x3], $0x1000, $0x38;
	[tilespmem:$0x1F800] =	vst v63  }
0x59: {  	_ =	swait.ge [sflag:s6], $0x1000  }
0x5a: {  	[sflag:s6] =	ssyncset.done $0x0  }
0x5b: {  	[sflag:s6] =	ssyncadd.s32 $0xFFFFF000  }
0x5c: {  	[spmem:s26] =	stream.linear.scatter [tilespmem:s20], [sflag:$0x3], $0x1000, $0x38;
	[tilespmem:$0x1F800] =	vst v63  }
0x5d: {  	_ =	swait.ge [sflag:s6], $0x1000  }
0x5e: {  	[sflag:s6] =	ssyncset.done $0x0  }
0x5f: {  	[sflag:s6] =	ssyncadd.s32 $0xFFFFF000  }
0x60: {  	[spmem:s28] =	stream.linear.scatter [tilespmem:s20], [sflag:$0x3], $0x1000, $0x38;
	[tilespmem:$0x1F800] =	vst v63  }
0x61: {  	_ =	swait.ge [sflag:s6], $0x1000  }
0x62: {  	[sflag:s6] =	ssyncset.done $0x0  }
0x63: {  	[sflag:s6] =	ssyncadd.s32 $0xFFFFF000  }
0x64: {  	[spmem:s29] =	stream.linear.scatter [tilespmem:s20], [sflag:$0x3], $0x1000, $0x38;
	[tilespmem:$0x1F800] =	vst v63  }
0x65: {  	_ =	swait.ge [sflag:s6], $0x1000  }
0x66: {  	[sflag:s6] =	ssyncset.done $0x0  }
0x67: {  	[sflag:s6] =	ssyncadd.s32 $0xFFFFF000  }
0x68: {  	[spmem:s30] =	stream.linear.scatter [tilespmem:s20], [sflag:$0x3], $0x1000, $0x38;
	[tilespmem:$0x1F800] =	vst v63  }
0x69: {  	_ =	swait.ge [sflag:s6], $0x1000  }
0x6a: {  	[sflag:s6] =	ssyncset.done $0x0  }
0x6b: {  	[sflag:s6] =	ssyncadd.s32 $0xFFFFF000  }
0x6c: {  	[spmem:s31] =	stream.linear.scatter [tilespmem:s20], [sflag:$0x3], $0x1000, $0x38;
	[tilespmem:$0x1F800] =	vst v63  }
0x6d: {  	_ =	swait.ge [sflag:s6], $0x1000  }
0x6e: {  	[sflag:s6] =	ssyncset.done $0x0  }
0x6f: {  	[sflag:s6] =	ssyncadd.s32 $0xFFFFF000  }
0x70: {  	[spmem:s0] =	stream.linear.scatter [tilespmem:s20], [sflag:$0x3], $0x1000, $0x38;
	[tilespmem:$0x1F800] =	vst v63  }
0x71: {  	_ =	swait.ge [sflag:s6], $0x1000  }
0x72: {  	[sflag:s6] =	ssyncset.done $0x0  }
0x73: {  	[sflag:s6] =	ssyncadd.s32 $0xFFFFF000  }
0x74: {  	[spmem:s1] =	stream.linear.scatter [tilespmem:s20], [sflag:$0x3], $0x1000, $0x38;
	[tilespmem:$0x1F800] =	vst v63  }
0x75: {  	_ =	swait.ge [sflag:s6], $0x1000  }
0x76: {  	[sflag:s6] =	ssyncset.done $0x0  }
0x77: {  	[sflag:s6] =	ssyncadd.s32 $0xFFFFF000  }
0x78: {  	[spmem:s4] =	stream.linear.scatter [tilespmem:s20], [sflag:$0x3], $0x1000, $0x38;
	[tilespmem:$0x1F800] =	vst v63  }
0x79: {  	_ =	swait.ge [sflag:s6], $0x1000  }
0x7a: {  	[sflag:s6] =	ssyncset.done $0x0  }
0x7b: {  	[sflag:s6] =	ssyncadd.s32 $0xFFFFF000  }
0x7c: {  	[bflag:$0x0] =	sbarrier.arrive $0xFFFF  }
0x7d: {  	s8 =	rddreg [dreg:$0x11]  }
0x7e: {  	s11 =	sadd.s32 $0xFFFFF800, s8  }
0x7f: {  	[tilespmem:s21], [sflag:$0x1] =	stream.linear.gather [hbm4b:s11+s3], $0x4000, $0x38;
	[tilespmem:$0x1F800] =	vst v63  }
0x80: {  	_ = 	snop  }
0x81: {  	[tilespmem:s22], [sflag:$0x2] =	stream.linear.gather [hbm4b:s8+s3], $0x4000, $0x38;
	[tilespmem:$0x1F800] =	vst v63  }
0x82: {  	_ =	swait.ge [sflag:s23], $0x4000  }
0x83: {  	[sflag:s23] =	ssyncset.done $0x0  }
0x84: {  	s12 =	simm.s32 $0x0;
	[sflag:s23] =	ssyncadd.s32 $0xFFFFC000  }
0x85: {  	[spmem:s2] =	stream.indirect.scatter.add.f32 [tilespmem:s21], [sflag:$0x3], $0x80, s12, s18, $0xb8;
	[tilespmem:$0x1F800] =	vst v63  }
0x86: {  	_ =	swait.ge [sflag:s6], $0x4000  }
0x87: {  	[sflag:s6] =	ssyncset.done $0x0  }
0x88: {  	[sflag:s6] =	ssyncadd.s32 $0xFFFFC000  }
0x89: {  	_ =	swait.ge [sflag:s19], $0x4000  }
0x8a: {  	[sflag:s19] =	ssyncset.done $0x0  }
0x8b: {  	s25 =	simm.s32 $0x80;
	[sflag:s19] =	ssyncadd.s32 $0xFFFFC000  }
0x8c: {  	[spmem:s2] =	stream.indirect.scatter.add.f32 [tilespmem:s22], [sflag:$0x3], $0x80, s25, s18, $0xb8;
	[tilespmem:$0x1F800] =	vst v63  }
0x8d: {  	s7 =	simm.s32 $0x400;
	_ =	swait.ge [sflag:s6], $0x4000  }
0x8e: {  	s9 =	simm.s32 $0x800;
	s8 =	sadd.s32 $0x1000, s8;
	[sflag:s6] =	ssyncset.done $0x0  }
.LBB2_4:
0x8f: {  	p0 =	sne.s32 s9, $0x9C00;
	s10 =	sadd.s32 $0xFFFFF800, s8;
	[sflag:s6] =	ssyncadd.s32 $0xFFFFC000  }
0x90: {  	[tilespmem:s21], [sflag:$0x1] =	stream.linear.gather [hbm4b:s10+s3], $0x4000, $0x38;
	[tilespmem:$0x1F800] =	vst v63  }
0x91: {  	s10 =	smov.u32 s9;
	s9 =	sadd.s32 $0x400, s9  }
0x92: {  	[tilespmem:s22], [sflag:$0x2] =	stream.linear.gather [hbm4b:s8+s3], $0x4000, $0x38;
	[tilespmem:$0x1F800] =	vst v63  }
0x93: {  	_ =	swait.ge [sflag:s23], $0x4000  }
0x94: {  	[sflag:s23] =	ssyncset.done $0x0  }
0x95: {  	s25 =	sshra.s32 s7, $0x2;
	s7 =	smov.u32 s10;
	[sflag:s23] =	ssyncadd.s32 $0xFFFFC000  }
0x96: {  	[spmem:s2] =	stream.indirect.scatter.add.f32 [tilespmem:s21], [sflag:$0x3], $0x80, s25, s18, $0xb8;
	[tilespmem:$0x1F800] =	vst v63  }
0x97: {  	_ =	swait.ge [sflag:s6], $0x4000  }
0x98: {  	[sflag:s6] =	ssyncset.done $0x0  }
0x99: {  	[sflag:s6] =	ssyncadd.s32 $0xFFFFC000  }
0x9a: {  	_ =	swait.ge [sflag:s19], $0x4000  }
.Ltmp1:
0x9b: {  	[sflag:s19] =	ssyncset.done $0x0;
	(pc) =	sbr.rel @p0 .LBB2_4-.Ltmp1, $4  }
0x9c: {  	s10 =	sadd.s32 $0x80, s25;
	[sflag:s19] =	ssyncadd.s32 $0xFFFFC000  }
0x9d: {  	[spmem:s2] =	stream.indirect.scatter.add.f32 [tilespmem:s22], [sflag:$0x3], $0x80, s10, s18, $0xb8;
	[tilespmem:$0x1F800] =	vst v63  }
0x9e: {  	_ =	swait.ge [sflag:s6], $0x4000  }
0x9f: {  	s8 =	sadd.s32 $0x1000, s8;
	[sflag:s6] =	ssyncset.done $0x0  }
0xa0: {  	s9 =	sadd.s32 $0xFFFFF800, s8;
	[sflag:s6] =	ssyncadd.s32 $0xFFFFC000  }
0xa1: {  	[tilespmem:s21], [sflag:$0x1] =	stream.linear.gather [hbm4b:s9+s3], $0x4000, $0x38;
	[tilespmem:$0x1F800] =	vst v63  }
0xa2: {  	_ = 	snop  }
0xa3: {  	[tilespmem:s22], [sflag:$0x2] =	stream.linear.gather [hbm4b:s8+s3], $0x4000, $0x38;
	[tilespmem:$0x1F800] =	vst v63  }
0xa4: {  	_ =	swait.ge [sflag:s23], $0x4000  }
0xa5: {  	[sflag:s23] =	ssyncset.done $0x0  }
0xa6: {  	s7 =	sshra.s32 s7, $0x2;
	[sflag:s23] =	ssyncadd.s32 $0xFFFFC000  }
0xa7: {  	[spmem:s2] =	stream.indirect.scatter.add.f32 [tilespmem:s21], [sflag:$0x3], $0x80, s7, s18, $0xb8;
	[tilespmem:$0x1F800] =	vst v63  }
0xa8: {  	_ =	swait.ge [sflag:s6], $0x4000  }
0xa9: {  	[sflag:s6] =	ssyncset.done $0x0  }
0xaa: {  	[sflag:s6] =	ssyncadd.s32 $0xFFFFC000  }
0xab: {  	_ =	swait.ge [sflag:s19], $0x4000  }
0xac: {  	[sflag:s19] =	ssyncset.done $0x0  }
0xad: {  	s7 =	sadd.s32 $0x80, s7;
	[sflag:s19] =	ssyncadd.s32 $0xFFFFC000  }
0xae: {  	[spmem:s2] =	stream.indirect.scatter.add.f32 [tilespmem:s22], [sflag:$0x3], $0x80, s7, s18, $0xb8;
	[tilespmem:$0x1F800] =	vst v63  }
0xaf: {  	_ =	swait.ge [sflag:s6], $0x4000  }
0xb0: {  	[sflag:s6] =	ssyncset.done $0x0  }
0xb1: {  	s10 =	stileid.u32;
	[sflag:s6] =	ssyncadd.s32 $0xFFFFC000  }
0xb2: {  	s7 =	sshll.u32 s10, $0x6;
	[bflag:$0x0] =	sbarrier.arrive $0xFFFF  }
0xb3: {  	s25 =	sor.u32 $0x1C03, s7;
	s7 =	sshrl.u32 s5, $0x3;
	s11 =	rddreg [dreg:$0xd]  }
0xb4: {  	[hbm:s11], [sflag:s25] =	dma.local [spmem:s7], $0x2800  }
0xb5: {  	_ =	swait.ge [sflag:s6], $0x2800  }
0xb6: {  	[sflag:s6] =	ssyncset.done $0x0  }
0xb7: {  	[sflag:s6] =	ssyncadd.s32 $0xFFFFD800  }
0xb8: {  	[spmem:s5] =	stream.linear.scatter [tilespmem:s20], [sflag:$0x3], $0x1000, $0x38;
	[tilespmem:$0x1F800] =	vst v63  }
0xb9: {  	_ =	swait.ge [sflag:s6], $0x1000  }
0xba: {  	[sflag:s6] =	ssyncset.done $0x0  }
0xbb: {  	s12 =	rddreg [dreg:$0x5];
	[sflag:s6] =	ssyncadd.s32 $0xFFFFF000  }
0xbc: {  	[spmem:s12] =	stream.linear.scatter [tilespmem:s20], [sflag:$0x3], $0x1000, $0x38;
	[tilespmem:$0x1F800] =	vst v63  }
0xbd: {  	_ =	swait.ge [sflag:s6], $0x1000  }
0xbe: {  	[sflag:s6] =	ssyncset.done $0x0  }
0xbf: {  	s9 =	rddreg [dreg:$0x6];
	[sflag:s6] =	ssyncadd.s32 $0xFFFFF000  }
0xc0: {  	[spmem:s9] =	stream.linear.scatter [tilespmem:s20], [sflag:$0x3], $0x1000, $0x38;
	[tilespmem:$0x1F800] =	vst v63  }
0xc1: {  	_ =	swait.ge [sflag:s6], $0x1000  }
0xc2: {  	[sflag:s6] =	ssyncset.done $0x0  }
0xc3: {  	s10 =	rddreg [dreg:$0x7];
	[sflag:s6] =	ssyncadd.s32 $0xFFFFF000  }
0xc4: {  	[spmem:s10] =	stream.linear.scatter [tilespmem:s20], [sflag:$0x3], $0x1000, $0x38;
	[tilespmem:$0x1F800] =	vst v63  }
0xc5: {  	_ =	swait.ge [sflag:s6], $0x1000  }
0xc6: {  	[sflag:s6] =	ssyncset.done $0x0  }
0xc7: {  	s11 =	rddreg [dreg:$0x8];
	[sflag:s6] =	ssyncadd.s32 $0xFFFFF000  }
0xc8: {  	[spmem:s11] =	stream.linear.scatter [tilespmem:s20], [sflag:$0x3], $0x1000, $0x38;
	[tilespmem:$0x1F800] =	vst v63  }
0xc9: {  	_ =	swait.ge [sflag:s6], $0x1000  }
0xca: {  	[sflag:s6] =	ssyncset.done $0x0  }
0xcb: {  	s12 =	rddreg [dreg:$0x9];
	[sflag:s6] =	ssyncadd.s32 $0xFFFFF000  }
0xcc: {  	[spmem:s12] =	stream.linear.scatter [tilespmem:s20], [sflag:$0x3], $0x1000, $0x38;
	[tilespmem:$0x1F800] =	vst v63  }
0xcd: {  	_ =	swait.ge [sflag:s6], $0x1000  }
0xce: {  	[sflag:s6] =	ssyncset.done $0x0  }
0xcf: {  	s9 =	rddreg [dreg:$0xa];
	[sflag:s6] =	ssyncadd.s32 $0xFFFFF000  }
0xd0: {  	[spmem:s9] =	stream.linear.scatter [tilespmem:s20], [sflag:$0x3], $0x1000, $0x38;
	[tilespmem:$0x1F800] =	vst v63  }
0xd1: {  	_ =	swait.ge [sflag:s6], $0x1000  }
0xd2: {  	[sflag:s6] =	ssyncset.done $0x0  }
0xd3: {  	[sflag:s6] =	ssyncadd.s32 $0xFFFFF000  }
0xd4: {  	[spmem:s13] =	stream.linear.scatter [tilespmem:s20], [sflag:$0x3], $0x1000, $0x38;
	[tilespmem:$0x1F800] =	vst v63  }
0xd5: {  	_ =	swait.ge [sflag:s6], $0x1000  }
0xd6: {  	[sflag:s6] =	ssyncset.done $0x0  }
0xd7: {  	[sflag:s6] =	ssyncadd.s32 $0xFFFFF000  }
0xd8: {  	[spmem:s14] =	stream.linear.scatter [tilespmem:s20], [sflag:$0x3], $0x1000, $0x38;
	[tilespmem:$0x1F800] =	vst v63  }
0xd9: {  	_ =	swait.ge [sflag:s6], $0x1000  }
0xda: {  	[sflag:s6] =	ssyncset.done $0x0  }
0xdb: {  	[sflag:s6] =	ssyncadd.s32 $0xFFFFF000  }
0xdc: {  	[spmem:s15] =	stream.linear.scatter [tilespmem:s20], [sflag:$0x3], $0x1000, $0x38;
	[tilespmem:$0x1F800] =	vst v63  }
0xdd: {  	_ =	swait.ge [sflag:s6], $0x1000  }
0xde: {  	[sflag:s6] =	ssyncset.done $0x0  }
0xdf: {  	[sflag:s6] =	ssyncadd.s32 $0xFFFFF000  }
0xe0: {  	[spmem:s16] =	stream.linear.scatter [tilespmem:s20], [sflag:$0x3], $0x1000, $0x38;
	[tilespmem:$0x1F800] =	vst v63  }
0xe1: {  	_ =	swait.ge [sflag:s6], $0x1000  }
0xe2: {  	[sflag:s6] =	ssyncset.done $0x0  }
0xe3: {  	[sflag:s6] =	ssyncadd.s32 $0xFFFFF000  }
0xe4: {  	[spmem:s17] =	stream.linear.scatter [tilespmem:s20], [sflag:$0x3], $0x1000, $0x38;
	[tilespmem:$0x1F800] =	vst v63  }
0xe5: {  	_ =	swait.ge [sflag:s6], $0x1000  }
0xe6: {  	[sflag:s6] =	ssyncset.done $0x0  }
0xe7: {  	[sflag:s6] =	ssyncadd.s32 $0xFFFFF000  }
0xe8: {  	[spmem:s26] =	stream.linear.scatter [tilespmem:s20], [sflag:$0x3], $0x1000, $0x38;
	[tilespmem:$0x1F800] =	vst v63  }
0xe9: {  	_ =	swait.ge [sflag:s6], $0x1000  }
0xea: {  	[sflag:s6] =	ssyncset.done $0x0  }
0xeb: {  	[sflag:s6] =	ssyncadd.s32 $0xFFFFF000  }
0xec: {  	[spmem:s28] =	stream.linear.scatter [tilespmem:s20], [sflag:$0x3], $0x1000, $0x38;
	[tilespmem:$0x1F800] =	vst v63  }
0xed: {  	_ =	swait.ge [sflag:s6], $0x1000  }
0xee: {  	[sflag:s6] =	ssyncset.done $0x0  }
0xef: {  	[sflag:s6] =	ssyncadd.s32 $0xFFFFF000  }
0xf0: {  	[spmem:s29] =	stream.linear.scatter [tilespmem:s20], [sflag:$0x3], $0x1000, $0x38;
	[tilespmem:$0x1F800] =	vst v63  }
0xf1: {  	_ =	swait.ge [sflag:s6], $0x1000  }
0xf2: {  	[sflag:s6] =	ssyncset.done $0x0  }
0xf3: {  	[sflag:s6] =	ssyncadd.s32 $0xFFFFF000  }
0xf4: {  	[spmem:s30] =	stream.linear.scatter [tilespmem:s20], [sflag:$0x3], $0x1000, $0x38;
	[tilespmem:$0x1F800] =	vst v63  }
0xf5: {  	_ =	swait.ge [sflag:s6], $0x1000  }
0xf6: {  	[sflag:s6] =	ssyncset.done $0x0  }
0xf7: {  	[sflag:s6] =	ssyncadd.s32 $0xFFFFF000  }
0xf8: {  	[spmem:s31] =	stream.linear.scatter [tilespmem:s20], [sflag:$0x3], $0x1000, $0x38;
	[tilespmem:$0x1F800] =	vst v63  }
0xf9: {  	_ =	swait.ge [sflag:s6], $0x1000  }
0xfa: {  	[sflag:s6] =	ssyncset.done $0x0  }
0xfb: {  	[sflag:s6] =	ssyncadd.s32 $0xFFFFF000  }
0xfc: {  	[spmem:s0] =	stream.linear.scatter [tilespmem:s20], [sflag:$0x3], $0x1000, $0x38;
	[tilespmem:$0x1F800] =	vst v63  }
0xfd: {  	_ =	swait.ge [sflag:s6], $0x1000  }
0xfe: {  	[sflag:s6] =	ssyncset.done $0x0  }
0xff: {  	[sflag:s6] =	ssyncadd.s32 $0xFFFFF000  }
0x100: {  	[spmem:s1] =	stream.linear.scatter [tilespmem:s20], [sflag:$0x3], $0x1000, $0x38;
	[tilespmem:$0x1F800] =	vst v63  }
0x101: {  	_ =	swait.ge [sflag:s6], $0x1000  }
0x102: {  	[sflag:s6] =	ssyncset.done $0x0  }
0x103: {  	[sflag:s6] =	ssyncadd.s32 $0xFFFFF000  }
0x104: {  	[spmem:s4] =	stream.linear.scatter [tilespmem:s20], [sflag:$0x3], $0x1000, $0x38;
	[tilespmem:$0x1F800] =	vst v63  }
0x105: {  	_ =	swait.ge [sflag:s6], $0x1000  }
0x106: {  	[sflag:s6] =	ssyncset.done $0x0  }
0x107: {  	[sflag:s6] =	ssyncadd.s32 $0xFFFFF000  }
0x108: {  	[bflag:$0x0] =	sbarrier.arrive $0xFFFF  }
0x109: {  	s9 =	rddreg [dreg:$0xb]  }
0x10a: {  	s10 =	sadd.s32 $0xFFFFF800, s9  }
0x10b: {  	[tilespmem:s21], [sflag:$0x1] =	stream.linear.gather [hbm4b:s10+s3], $0x4000, $0x38;
	[tilespmem:$0x1F800] =	vst v63  }
0x10c: {  	_ = 	snop  }
0x10d: {  	[tilespmem:s22], [sflag:$0x2] =	stream.linear.gather [hbm4b:s9+s3], $0x4000, $0x38;
	[tilespmem:$0x1F800] =	vst v63  }
0x10e: {  	_ =	swait.ge [sflag:s23], $0x4000  }
0x10f: {  	[sflag:s23] =	ssyncset.done $0x0  }
0x110: {  	s11 =	simm.s32 $0x0;
	[sflag:s23] =	ssyncadd.s32 $0xFFFFC000  }
0x111: {  	[spmem:s2] =	stream.indirect.scatter.add.f32 [tilespmem:s21], [sflag:$0x3], $0x80, s11, s18, $0xb8;
	[tilespmem:$0x1F800] =	vst v63  }
0x112: {  	_ =	swait.ge [sflag:s6], $0x4000  }
0x113: {  	[sflag:s6] =	ssyncset.done $0x0  }
0x114: {  	[sflag:s6] =	ssyncadd.s32 $0xFFFFC000  }
0x115: {  	_ =	swait.ge [sflag:s19], $0x4000  }
0x116: {  	[sflag:s19] =	ssyncset.done $0x0  }
0x117: {  	s12 =	simm.s32 $0x80;
	[sflag:s19] =	ssyncadd.s32 $0xFFFFC000  }
0x118: {  	[spmem:s2] =	stream.indirect.scatter.add.f32 [tilespmem:s22], [sflag:$0x3], $0x80, s12, s18, $0xb8;
	[tilespmem:$0x1F800] =	vst v63  }
0x119: {  	s8 =	simm.s32 $0x400;
	_ =	swait.ge [sflag:s6], $0x4000  }
0x11a: {  	s10 =	simm.s32 $0x800;
	s9 =	sadd.s32 $0x1000, s9;
	[sflag:s6] =	ssyncset.done $0x0  }
.LBB2_6:
0x11b: {  	p0 =	sne.s32 s10, $0x9C00;
	s11 =	sadd.s32 $0xFFFFF800, s9;
	[sflag:s6] =	ssyncadd.s32 $0xFFFFC000  }
0x11c: {  	[tilespmem:s21], [sflag:$0x1] =	stream.linear.gather [hbm4b:s11+s3], $0x4000, $0x38;
	[tilespmem:$0x1F800] =	vst v63  }
0x11d: {  	s11 =	smov.u32 s10;
	s10 =	sadd.s32 $0x400, s10  }
0x11e: {  	[tilespmem:s22], [sflag:$0x2] =	stream.linear.gather [hbm4b:s9+s3], $0x4000, $0x38;
	[tilespmem:$0x1F800] =	vst v63  }
0x11f: {  	_ =	swait.ge [sflag:s23], $0x4000  }
0x120: {  	[sflag:s23] =	ssyncset.done $0x0  }
0x121: {  	s12 =	sshra.s32 s8, $0x2;
	s8 =	smov.u32 s11;
	[sflag:s23] =	ssyncadd.s32 $0xFFFFC000  }
0x122: {  	[spmem:s2] =	stream.indirect.scatter.add.f32 [tilespmem:s21], [sflag:$0x3], $0x80, s12, s18, $0xb8;
	[tilespmem:$0x1F800] =	vst v63  }
0x123: {  	_ =	swait.ge [sflag:s6], $0x4000  }
0x124: {  	[sflag:s6] =	ssyncset.done $0x0  }
0x125: {  	[sflag:s6] =	ssyncadd.s32 $0xFFFFC000  }
0x126: {  	_ =	swait.ge [sflag:s19], $0x4000  }
.Ltmp2:
0x127: {  	[sflag:s19] =	ssyncset.done $0x0;
	(pc) =	sbr.rel @p0 .LBB2_6-.Ltmp2, $4  }
0x128: {  	s11 =	sadd.s32 $0x80, s12;
	[sflag:s19] =	ssyncadd.s32 $0xFFFFC000  }
0x129: {  	[spmem:s2] =	stream.indirect.scatter.add.f32 [tilespmem:s22], [sflag:$0x3], $0x80, s11, s18, $0xb8;
	[tilespmem:$0x1F800] =	vst v63  }
0x12a: {  	_ =	swait.ge [sflag:s6], $0x4000  }
0x12b: {  	s9 =	sadd.s32 $0x1000, s9;
	[sflag:s6] =	ssyncset.done $0x0  }
0x12c: {  	s10 =	sadd.s32 $0xFFFFF800, s9;
	[sflag:s6] =	ssyncadd.s32 $0xFFFFC000  }
0x12d: {  	[tilespmem:s21], [sflag:$0x1] =	stream.linear.gather [hbm4b:s10+s3], $0x4000, $0x38;
	[tilespmem:$0x1F800] =	vst v63  }
0x12e: {  	_ = 	snop  }
0x12f: {  	[tilespmem:s22], [sflag:$0x2] =	stream.linear.gather [hbm4b:s9+s3], $0x4000, $0x38;
	[tilespmem:$0x1F800] =	vst v63  }
0x130: {  	_ =	swait.ge [sflag:s23], $0x4000  }
0x131: {  	[sflag:s23] =	ssyncset.done $0x0  }
0x132: {  	s8 =	sshra.s32 s8, $0x2;
	[sflag:s23] =	ssyncadd.s32 $0xFFFFC000  }
0x133: {  	[spmem:s2] =	stream.indirect.scatter.add.f32 [tilespmem:s21], [sflag:$0x3], $0x80, s8, s18, $0xb8;
	[tilespmem:$0x1F800] =	vst v63  }
0x134: {  	_ =	swait.ge [sflag:s6], $0x4000  }
0x135: {  	[sflag:s6] =	ssyncset.done $0x0  }
0x136: {  	[sflag:s6] =	ssyncadd.s32 $0xFFFFC000  }
0x137: {  	_ =	swait.ge [sflag:s19], $0x4000  }
0x138: {  	[sflag:s19] =	ssyncset.done $0x0  }
0x139: {  	s8 =	sadd.s32 $0x80, s8;
	[sflag:s19] =	ssyncadd.s32 $0xFFFFC000  }
0x13a: {  	[spmem:s2] =	stream.indirect.scatter.add.f32 [tilespmem:s22], [sflag:$0x3], $0x80, s8, s18, $0xb8;
	[tilespmem:$0x1F800] =	vst v63  }
0x13b: {  	_ =	swait.ge [sflag:s6], $0x4000  }
0x13c: {  	[sflag:s6] =	ssyncset.done $0x0  }
0x13d: {  	[sflag:s6] =	ssyncadd.s32 $0xFFFFC000  }
0x13e: {  	[bflag:$0x0] =	sbarrier.arrive $0xFFFF  }
0x13f: {  	s11 =	rddreg [dreg:$0xe]  }
0x140: {  	[hbm:s11], [sflag:s25] =	dma.local [spmem:s7], $0x2800  }
0x141: {  	_ =	swait.ge [sflag:s6], $0x2800  }
0x142: {  	[sflag:s6] =	ssyncset.done $0x0  }
0x143: {  	[sflag:s6] =	ssyncadd.s32 $0xFFFFD800  }
0x144: {  	[spmem:s5] =	stream.linear.scatter [tilespmem:s20], [sflag:$0x3], $0x1000, $0x38;
	[tilespmem:$0x1F800] =	vst v63  }
0x145: {  	_ =	swait.ge [sflag:s6], $0x1000  }
0x146: {  	[sflag:s6] =	ssyncset.done $0x0  }
0x147: {  	s12 =	rddreg [dreg:$0x5];
	[sflag:s6] =	ssyncadd.s32 $0xFFFFF000  }
0x148: {  	[spmem:s12] =	stream.linear.scatter [tilespmem:s20], [sflag:$0x3], $0x1000, $0x38;
	[tilespmem:$0x1F800] =	vst v63  }
0x149: {  	_ =	swait.ge [sflag:s6], $0x1000  }
0x14a: {  	[sflag:s6] =	ssyncset.done $0x0  }
0x14b: {  	s9 =	rddreg [dreg:$0x6];
	[sflag:s6] =	ssyncadd.s32 $0xFFFFF000  }
0x14c: {  	[spmem:s9] =	stream.linear.scatter [tilespmem:s20], [sflag:$0x3], $0x1000, $0x38;
	[tilespmem:$0x1F800] =	vst v63  }
0x14d: {  	_ =	swait.ge [sflag:s6], $0x1000  }
0x14e: {  	[sflag:s6] =	ssyncset.done $0x0  }
0x14f: {  	s10 =	rddreg [dreg:$0x7];
	[sflag:s6] =	ssyncadd.s32 $0xFFFFF000  }
0x150: {  	[spmem:s10] =	stream.linear.scatter [tilespmem:s20], [sflag:$0x3], $0x1000, $0x38;
	[tilespmem:$0x1F800] =	vst v63  }
0x151: {  	_ =	swait.ge [sflag:s6], $0x1000  }
0x152: {  	[sflag:s6] =	ssyncset.done $0x0  }
0x153: {  	s11 =	rddreg [dreg:$0x8];
	[sflag:s6] =	ssyncadd.s32 $0xFFFFF000  }
0x154: {  	[spmem:s11] =	stream.linear.scatter [tilespmem:s20], [sflag:$0x3], $0x1000, $0x38;
	[tilespmem:$0x1F800] =	vst v63  }
0x155: {  	_ =	swait.ge [sflag:s6], $0x1000  }
0x156: {  	[sflag:s6] =	ssyncset.done $0x0  }
0x157: {  	s12 =	rddreg [dreg:$0x9];
	[sflag:s6] =	ssyncadd.s32 $0xFFFFF000  }
0x158: {  	[spmem:s12] =	stream.linear.scatter [tilespmem:s20], [sflag:$0x3], $0x1000, $0x38;
	[tilespmem:$0x1F800] =	vst v63  }
0x159: {  	_ =	swait.ge [sflag:s6], $0x1000  }
0x15a: {  	[sflag:s6] =	ssyncset.done $0x0  }
0x15b: {  	s9 =	rddreg [dreg:$0xa];
	[sflag:s6] =	ssyncadd.s32 $0xFFFFF000  }
0x15c: {  	[spmem:s9] =	stream.linear.scatter [tilespmem:s20], [sflag:$0x3], $0x1000, $0x38;
	[tilespmem:$0x1F800] =	vst v63  }
0x15d: {  	_ =	swait.ge [sflag:s6], $0x1000  }
0x15e: {  	[sflag:s6] =	ssyncset.done $0x0  }
0x15f: {  	[sflag:s6] =	ssyncadd.s32 $0xFFFFF000  }
0x160: {  	[spmem:s13] =	stream.linear.scatter [tilespmem:s20], [sflag:$0x3], $0x1000, $0x38;
	[tilespmem:$0x1F800] =	vst v63  }
0x161: {  	_ =	swait.ge [sflag:s6], $0x1000  }
0x162: {  	[sflag:s6] =	ssyncset.done $0x0  }
0x163: {  	[sflag:s6] =	ssyncadd.s32 $0xFFFFF000  }
0x164: {  	[spmem:s14] =	stream.linear.scatter [tilespmem:s20], [sflag:$0x3], $0x1000, $0x38;
	[tilespmem:$0x1F800] =	vst v63  }
0x165: {  	_ =	swait.ge [sflag:s6], $0x1000  }
0x166: {  	[sflag:s6] =	ssyncset.done $0x0  }
0x167: {  	[sflag:s6] =	ssyncadd.s32 $0xFFFFF000  }
0x168: {  	[spmem:s15] =	stream.linear.scatter [tilespmem:s20], [sflag:$0x3], $0x1000, $0x38;
	[tilespmem:$0x1F800] =	vst v63  }
0x169: {  	_ =	swait.ge [sflag:s6], $0x1000  }
0x16a: {  	[sflag:s6] =	ssyncset.done $0x0  }
0x16b: {  	[sflag:s6] =	ssyncadd.s32 $0xFFFFF000  }
0x16c: {  	[spmem:s16] =	stream.linear.scatter [tilespmem:s20], [sflag:$0x3], $0x1000, $0x38;
	[tilespmem:$0x1F800] =	vst v63  }
0x16d: {  	_ =	swait.ge [sflag:s6], $0x1000  }
0x16e: {  	[sflag:s6] =	ssyncset.done $0x0  }
0x16f: {  	[sflag:s6] =	ssyncadd.s32 $0xFFFFF000  }
0x170: {  	[spmem:s17] =	stream.linear.scatter [tilespmem:s20], [sflag:$0x3], $0x1000, $0x38;
	[tilespmem:$0x1F800] =	vst v63  }
0x171: {  	_ =	swait.ge [sflag:s6], $0x1000  }
0x172: {  	[sflag:s6] =	ssyncset.done $0x0  }
0x173: {  	[sflag:s6] =	ssyncadd.s32 $0xFFFFF000  }
0x174: {  	[spmem:s26] =	stream.linear.scatter [tilespmem:s20], [sflag:$0x3], $0x1000, $0x38;
	[tilespmem:$0x1F800] =	vst v63  }
0x175: {  	_ =	swait.ge [sflag:s6], $0x1000  }
0x176: {  	[sflag:s6] =	ssyncset.done $0x0  }
0x177: {  	[sflag:s6] =	ssyncadd.s32 $0xFFFFF000  }
0x178: {  	[spmem:s28] =	stream.linear.scatter [tilespmem:s20], [sflag:$0x3], $0x1000, $0x38;
	[tilespmem:$0x1F800] =	vst v63  }
0x179: {  	_ =	swait.ge [sflag:s6], $0x1000  }
0x17a: {  	[sflag:s6] =	ssyncset.done $0x0  }
0x17b: {  	[sflag:s6] =	ssyncadd.s32 $0xFFFFF000  }
0x17c: {  	[spmem:s29] =	stream.linear.scatter [tilespmem:s20], [sflag:$0x3], $0x1000, $0x38;
	[tilespmem:$0x1F800] =	vst v63  }
0x17d: {  	_ =	swait.ge [sflag:s6], $0x1000  }
0x17e: {  	[sflag:s6] =	ssyncset.done $0x0  }
0x17f: {  	[sflag:s6] =	ssyncadd.s32 $0xFFFFF000  }
0x180: {  	[spmem:s30] =	stream.linear.scatter [tilespmem:s20], [sflag:$0x3], $0x1000, $0x38;
	[tilespmem:$0x1F800] =	vst v63  }
0x181: {  	_ =	swait.ge [sflag:s6], $0x1000  }
0x182: {  	[sflag:s6] =	ssyncset.done $0x0  }
0x183: {  	[sflag:s6] =	ssyncadd.s32 $0xFFFFF000  }
0x184: {  	[spmem:s31] =	stream.linear.scatter [tilespmem:s20], [sflag:$0x3], $0x1000, $0x38;
	[tilespmem:$0x1F800] =	vst v63  }
0x185: {  	_ =	swait.ge [sflag:s6], $0x1000  }
0x186: {  	[sflag:s6] =	ssyncset.done $0x0  }
0x187: {  	[sflag:s6] =	ssyncadd.s32 $0xFFFFF000  }
0x188: {  	[spmem:s0] =	stream.linear.scatter [tilespmem:s20], [sflag:$0x3], $0x1000, $0x38;
	[tilespmem:$0x1F800] =	vst v63  }
0x189: {  	_ =	swait.ge [sflag:s6], $0x1000  }
0x18a: {  	[sflag:s6] =	ssyncset.done $0x0  }
0x18b: {  	[sflag:s6] =	ssyncadd.s32 $0xFFFFF000  }
0x18c: {  	[spmem:s1] =	stream.linear.scatter [tilespmem:s20], [sflag:$0x3], $0x1000, $0x38;
	[tilespmem:$0x1F800] =	vst v63  }
0x18d: {  	_ =	swait.ge [sflag:s6], $0x1000  }
0x18e: {  	[sflag:s6] =	ssyncset.done $0x0  }
0x18f: {  	[sflag:s6] =	ssyncadd.s32 $0xFFFFF000  }
0x190: {  	[spmem:s4] =	stream.linear.scatter [tilespmem:s20], [sflag:$0x3], $0x1000, $0x38;
	[tilespmem:$0x1F800] =	vst v63  }
0x191: {  	_ =	swait.ge [sflag:s6], $0x1000  }
0x192: {  	[sflag:s6] =	ssyncset.done $0x0  }
0x193: {  	[sflag:s6] =	ssyncadd.s32 $0xFFFFF000  }
0x194: {  	[bflag:$0x0] =	sbarrier.arrive $0xFFFF  }
0x195: {  	s9 =	rddreg [dreg:$0xc]  }
0x196: {  	s10 =	sadd.s32 $0xFFFFF800, s9  }
0x197: {  	[tilespmem:s21], [sflag:$0x1] =	stream.linear.gather [hbm4b:s10+s3], $0x4000, $0x38;
	[tilespmem:$0x1F800] =	vst v63  }
0x198: {  	_ = 	snop  }
0x199: {  	[tilespmem:s22], [sflag:$0x2] =	stream.linear.gather [hbm4b:s9+s3], $0x4000, $0x38;
	[tilespmem:$0x1F800] =	vst v63  }
0x19a: {  	_ =	swait.ge [sflag:s23], $0x4000  }
0x19b: {  	[sflag:s23] =	ssyncset.done $0x0  }
0x19c: {  	s11 =	simm.s32 $0x0;
	[sflag:s23] =	ssyncadd.s32 $0xFFFFC000  }
0x19d: {  	[spmem:s2] =	stream.indirect.scatter.add.f32 [tilespmem:s21], [sflag:$0x3], $0x80, s11, s18, $0xb8;
	[tilespmem:$0x1F800] =	vst v63  }
0x19e: {  	_ =	swait.ge [sflag:s6], $0x4000  }
0x19f: {  	[sflag:s6] =	ssyncset.done $0x0  }
0x1a0: {  	[sflag:s6] =	ssyncadd.s32 $0xFFFFC000  }
0x1a1: {  	_ =	swait.ge [sflag:s19], $0x4000  }
0x1a2: {  	[sflag:s19] =	ssyncset.done $0x0  }
0x1a3: {  	s12 =	simm.s32 $0x80;
	[sflag:s19] =	ssyncadd.s32 $0xFFFFC000  }
0x1a4: {  	[spmem:s2] =	stream.indirect.scatter.add.f32 [tilespmem:s22], [sflag:$0x3], $0x80, s12, s18, $0xb8;
	[tilespmem:$0x1F800] =	vst v63  }
0x1a5: {  	s8 =	simm.s32 $0x400;
	_ =	swait.ge [sflag:s6], $0x4000  }
0x1a6: {  	s10 =	simm.s32 $0x800;
	s9 =	sadd.s32 $0x1000, s9;
	[sflag:s6] =	ssyncset.done $0x0  }
.LBB2_8:
0x1a7: {  	p0 =	sne.s32 s10, $0x9C00;
	s11 =	sadd.s32 $0xFFFFF800, s9;
	[sflag:s6] =	ssyncadd.s32 $0xFFFFC000  }
0x1a8: {  	[tilespmem:s21], [sflag:$0x1] =	stream.linear.gather [hbm4b:s11+s3], $0x4000, $0x38;
	[tilespmem:$0x1F800] =	vst v63  }
0x1a9: {  	s11 =	smov.u32 s10;
	s10 =	sadd.s32 $0x400, s10  }
0x1aa: {  	[tilespmem:s22], [sflag:$0x2] =	stream.linear.gather [hbm4b:s9+s3], $0x4000, $0x38;
	[tilespmem:$0x1F800] =	vst v63  }
0x1ab: {  	_ =	swait.ge [sflag:s23], $0x4000  }
0x1ac: {  	[sflag:s23] =	ssyncset.done $0x0  }
0x1ad: {  	s12 =	sshra.s32 s8, $0x2;
	s8 =	smov.u32 s11;
	[sflag:s23] =	ssyncadd.s32 $0xFFFFC000  }
0x1ae: {  	[spmem:s2] =	stream.indirect.scatter.add.f32 [tilespmem:s21], [sflag:$0x3], $0x80, s12, s18, $0xb8;
	[tilespmem:$0x1F800] =	vst v63  }
0x1af: {  	_ =	swait.ge [sflag:s6], $0x4000  }
0x1b0: {  	[sflag:s6] =	ssyncset.done $0x0  }
0x1b1: {  	[sflag:s6] =	ssyncadd.s32 $0xFFFFC000  }
0x1b2: {  	_ =	swait.ge [sflag:s19], $0x4000  }
.Ltmp3:
0x1b3: {  	[sflag:s19] =	ssyncset.done $0x0;
	(pc) =	sbr.rel @p0 .LBB2_8-.Ltmp3, $4  }
0x1b4: {  	s11 =	sadd.s32 $0x80, s12;
	[sflag:s19] =	ssyncadd.s32 $0xFFFFC000  }
0x1b5: {  	[spmem:s2] =	stream.indirect.scatter.add.f32 [tilespmem:s22], [sflag:$0x3], $0x80, s11, s18, $0xb8;
	[tilespmem:$0x1F800] =	vst v63  }
0x1b6: {  	_ =	swait.ge [sflag:s6], $0x4000  }
0x1b7: {  	s9 =	sadd.s32 $0x1000, s9;
	[sflag:s6] =	ssyncset.done $0x0  }
0x1b8: {  	s10 =	sadd.s32 $0xFFFFF800, s9;
	[sflag:s6] =	ssyncadd.s32 $0xFFFFC000  }
0x1b9: {  	[tilespmem:s21], [sflag:$0x1] =	stream.linear.gather [hbm4b:s10+s3], $0x4000, $0x38;
	[tilespmem:$0x1F800] =	vst v63  }
0x1ba: {  	_ = 	snop  }
0x1bb: {  	[tilespmem:s22], [sflag:$0x2] =	stream.linear.gather [hbm4b:s9+s3], $0x4000, $0x38;
	[tilespmem:$0x1F800] =	vst v63  }
0x1bc: {  	_ =	swait.ge [sflag:s23], $0x4000  }
0x1bd: {  	[sflag:s23] =	ssyncset.done $0x0  }
0x1be: {  	s8 =	sshra.s32 s8, $0x2;
	[sflag:s23] =	ssyncadd.s32 $0xFFFFC000  }
0x1bf: {  	[spmem:s2] =	stream.indirect.scatter.add.f32 [tilespmem:s21], [sflag:$0x3], $0x80, s8, s18, $0xb8;
	[tilespmem:$0x1F800] =	vst v63  }
0x1c0: {  	_ =	swait.ge [sflag:s6], $0x4000  }
0x1c1: {  	[sflag:s6] =	ssyncset.done $0x0  }
0x1c2: {  	[sflag:s6] =	ssyncadd.s32 $0xFFFFC000  }
0x1c3: {  	_ =	swait.ge [sflag:s19], $0x4000  }
0x1c4: {  	[sflag:s19] =	ssyncset.done $0x0  }
0x1c5: {  	s8 =	sadd.s32 $0x80, s8;
	[sflag:s19] =	ssyncadd.s32 $0xFFFFC000  }
0x1c6: {  	[spmem:s2] =	stream.indirect.scatter.add.f32 [tilespmem:s22], [sflag:$0x3], $0x80, s8, s18, $0xb8;
	[tilespmem:$0x1F800] =	vst v63  }
0x1c7: {  	_ =	swait.ge [sflag:s6], $0x4000  }
0x1c8: {  	[sflag:s6] =	ssyncset.done $0x0  }
0x1c9: {  	[sflag:s6] =	ssyncadd.s32 $0xFFFFC000  }
0x1ca: {  	[bflag:$0x0] =	sbarrier.arrive $0xFFFF  }
0x1cb: {  	s11 =	rddreg [dreg:$0xf]  }
0x1cc: {  	[hbm:s11], [sflag:s25] =	dma.local [spmem:s7], $0x2800  }
0x1cd: {  	_ =	swait.ge [sflag:s6], $0x2800  }
0x1ce: {  	[sflag:s6] =	ssyncset.done $0x0  }
0x1cf: {  	[sflag:s6] =	ssyncadd.s32 $0xFFFFD800  }
0x1d0: {  	[spmem:s5] =	stream.linear.scatter [tilespmem:s20], [sflag:$0x3], $0x1000, $0x38;
	[tilespmem:$0x1F800] =	vst v63  }
0x1d1: {  	_ =	swait.ge [sflag:s6], $0x1000  }
0x1d2: {  	[sflag:s6] =	ssyncset.done $0x0  }
0x1d3: {  	s12 =	rddreg [dreg:$0x5];
	[sflag:s6] =	ssyncadd.s32 $0xFFFFF000  }
0x1d4: {  	[spmem:s12] =	stream.linear.scatter [tilespmem:s20], [sflag:$0x3], $0x1000, $0x38;
	[tilespmem:$0x1F800] =	vst v63  }
0x1d5: {  	_ =	swait.ge [sflag:s6], $0x1000  }
0x1d6: {  	[sflag:s6] =	ssyncset.done $0x0  }
0x1d7: {  	s9 =	rddreg [dreg:$0x6];
	[sflag:s6] =	ssyncadd.s32 $0xFFFFF000  }
0x1d8: {  	[spmem:s9] =	stream.linear.scatter [tilespmem:s20], [sflag:$0x3], $0x1000, $0x38;
	[tilespmem:$0x1F800] =	vst v63  }
0x1d9: {  	_ =	swait.ge [sflag:s6], $0x1000  }
0x1da: {  	[sflag:s6] =	ssyncset.done $0x0  }
0x1db: {  	s10 =	rddreg [dreg:$0x7];
	[sflag:s6] =	ssyncadd.s32 $0xFFFFF000  }
0x1dc: {  	[spmem:s10] =	stream.linear.scatter [tilespmem:s20], [sflag:$0x3], $0x1000, $0x38;
	[tilespmem:$0x1F800] =	vst v63  }
0x1dd: {  	_ =	swait.ge [sflag:s6], $0x1000  }
0x1de: {  	[sflag:s6] =	ssyncset.done $0x0  }
0x1df: {  	s11 =	rddreg [dreg:$0x8];
	[sflag:s6] =	ssyncadd.s32 $0xFFFFF000  }
0x1e0: {  	[spmem:s11] =	stream.linear.scatter [tilespmem:s20], [sflag:$0x3], $0x1000, $0x38;
	[tilespmem:$0x1F800] =	vst v63  }
0x1e1: {  	_ =	swait.ge [sflag:s6], $0x1000  }
0x1e2: {  	[sflag:s6] =	ssyncset.done $0x0  }
0x1e3: {  	s12 =	rddreg [dreg:$0x9];
	[sflag:s6] =	ssyncadd.s32 $0xFFFFF000  }
0x1e4: {  	[spmem:s12] =	stream.linear.scatter [tilespmem:s20], [sflag:$0x3], $0x1000, $0x38;
	[tilespmem:$0x1F800] =	vst v63  }
0x1e5: {  	_ =	swait.ge [sflag:s6], $0x1000  }
0x1e6: {  	[sflag:s6] =	ssyncset.done $0x0  }
0x1e7: {  	s9 =	rddreg [dreg:$0xa];
	[sflag:s6] =	ssyncadd.s32 $0xFFFFF000  }
0x1e8: {  	[spmem:s9] =	stream.linear.scatter [tilespmem:s20], [sflag:$0x3], $0x1000, $0x38;
	[tilespmem:$0x1F800] =	vst v63  }
0x1e9: {  	_ =	swait.ge [sflag:s6], $0x1000  }
0x1ea: {  	[sflag:s6] =	ssyncset.done $0x0  }
0x1eb: {  	[sflag:s6] =	ssyncadd.s32 $0xFFFFF000  }
0x1ec: {  	[spmem:s13] =	stream.linear.scatter [tilespmem:s20], [sflag:$0x3], $0x1000, $0x38;
	[tilespmem:$0x1F800] =	vst v63  }
0x1ed: {  	_ =	swait.ge [sflag:s6], $0x1000  }
0x1ee: {  	[sflag:s6] =	ssyncset.done $0x0  }
0x1ef: {  	[sflag:s6] =	ssyncadd.s32 $0xFFFFF000  }
0x1f0: {  	[spmem:s14] =	stream.linear.scatter [tilespmem:s20], [sflag:$0x3], $0x1000, $0x38;
	[tilespmem:$0x1F800] =	vst v63  }
0x1f1: {  	_ =	swait.ge [sflag:s6], $0x1000  }
0x1f2: {  	[sflag:s6] =	ssyncset.done $0x0  }
0x1f3: {  	[sflag:s6] =	ssyncadd.s32 $0xFFFFF000  }
0x1f4: {  	[spmem:s15] =	stream.linear.scatter [tilespmem:s20], [sflag:$0x3], $0x1000, $0x38;
	[tilespmem:$0x1F800] =	vst v63  }
0x1f5: {  	_ =	swait.ge [sflag:s6], $0x1000  }
0x1f6: {  	[sflag:s6] =	ssyncset.done $0x0  }
0x1f7: {  	[sflag:s6] =	ssyncadd.s32 $0xFFFFF000  }
0x1f8: {  	[spmem:s16] =	stream.linear.scatter [tilespmem:s20], [sflag:$0x3], $0x1000, $0x38;
	[tilespmem:$0x1F800] =	vst v63  }
0x1f9: {  	_ =	swait.ge [sflag:s6], $0x1000  }
0x1fa: {  	[sflag:s6] =	ssyncset.done $0x0  }
0x1fb: {  	[sflag:s6] =	ssyncadd.s32 $0xFFFFF000  }
0x1fc: {  	[spmem:s17] =	stream.linear.scatter [tilespmem:s20], [sflag:$0x3], $0x1000, $0x38;
	[tilespmem:$0x1F800] =	vst v63  }
0x1fd: {  	_ =	swait.ge [sflag:s6], $0x1000  }
0x1fe: {  	[sflag:s6] =	ssyncset.done $0x0  }
0x1ff: {  	[sflag:s6] =	ssyncadd.s32 $0xFFFFF000  }
0x200: {  	[spmem:s26] =	stream.linear.scatter [tilespmem:s20], [sflag:$0x3], $0x1000, $0x38;
	[tilespmem:$0x1F800] =	vst v63  }
0x201: {  	_ =	swait.ge [sflag:s6], $0x1000  }
0x202: {  	[sflag:s6] =	ssyncset.done $0x0  }
0x203: {  	[sflag:s6] =	ssyncadd.s32 $0xFFFFF000  }
0x204: {  	[spmem:s28] =	stream.linear.scatter [tilespmem:s20], [sflag:$0x3], $0x1000, $0x38;
	[tilespmem:$0x1F800] =	vst v63  }
0x205: {  	_ =	swait.ge [sflag:s6], $0x1000  }
0x206: {  	[sflag:s6] =	ssyncset.done $0x0  }
0x207: {  	[sflag:s6] =	ssyncadd.s32 $0xFFFFF000  }
0x208: {  	[spmem:s29] =	stream.linear.scatter [tilespmem:s20], [sflag:$0x3], $0x1000, $0x38;
	[tilespmem:$0x1F800] =	vst v63  }
0x209: {  	_ =	swait.ge [sflag:s6], $0x1000  }
0x20a: {  	[sflag:s6] =	ssyncset.done $0x0  }
0x20b: {  	[sflag:s6] =	ssyncadd.s32 $0xFFFFF000  }
0x20c: {  	[spmem:s30] =	stream.linear.scatter [tilespmem:s20], [sflag:$0x3], $0x1000, $0x38;
	[tilespmem:$0x1F800] =	vst v63  }
0x20d: {  	_ =	swait.ge [sflag:s6], $0x1000  }
0x20e: {  	[sflag:s6] =	ssyncset.done $0x0  }
0x20f: {  	[sflag:s6] =	ssyncadd.s32 $0xFFFFF000  }
0x210: {  	[spmem:s31] =	stream.linear.scatter [tilespmem:s20], [sflag:$0x3], $0x1000, $0x38;
	[tilespmem:$0x1F800] =	vst v63  }
0x211: {  	_ =	swait.ge [sflag:s6], $0x1000  }
0x212: {  	[sflag:s6] =	ssyncset.done $0x0  }
0x213: {  	[sflag:s6] =	ssyncadd.s32 $0xFFFFF000  }
0x214: {  	[spmem:s0] =	stream.linear.scatter [tilespmem:s20], [sflag:$0x3], $0x1000, $0x38;
	[tilespmem:$0x1F800] =	vst v63  }
0x215: {  	_ =	swait.ge [sflag:s6], $0x1000  }
0x216: {  	[sflag:s6] =	ssyncset.done $0x0  }
0x217: {  	[sflag:s6] =	ssyncadd.s32 $0xFFFFF000  }
0x218: {  	[spmem:s1] =	stream.linear.scatter [tilespmem:s20], [sflag:$0x3], $0x1000, $0x38;
	[tilespmem:$0x1F800] =	vst v63  }
0x219: {  	_ =	swait.ge [sflag:s6], $0x1000  }
0x21a: {  	[sflag:s6] =	ssyncset.done $0x0  }
0x21b: {  	[sflag:s6] =	ssyncadd.s32 $0xFFFFF000  }
0x21c: {  	[spmem:s4] =	stream.linear.scatter [tilespmem:s20], [sflag:$0x3], $0x1000, $0x38;
	[tilespmem:$0x1F800] =	vst v63  }
0x21d: {  	_ =	swait.ge [sflag:s6], $0x1000  }
0x21e: {  	[sflag:s6] =	ssyncset.done $0x0  }
0x21f: {  	[sflag:s6] =	ssyncadd.s32 $0xFFFFF000  }
0x220: {  	[bflag:$0x0] =	sbarrier.arrive $0xFFFF  }
0x221: {  	s9 =	rddreg [dreg:$0x12]  }
0x222: {  	s10 =	sadd.s32 $0xFFFFF800, s9  }
0x223: {  	[tilespmem:s21], [sflag:$0x1] =	stream.linear.gather [hbm4b:s10+s3], $0x4000, $0x38;
	[tilespmem:$0x1F800] =	vst v63  }
0x224: {  	_ = 	snop  }
0x225: {  	[tilespmem:s22], [sflag:$0x2] =	stream.linear.gather [hbm4b:s9+s3], $0x4000, $0x38;
	[tilespmem:$0x1F800] =	vst v63  }
0x226: {  	_ =	swait.ge [sflag:s23], $0x4000  }
0x227: {  	[sflag:s23] =	ssyncset.done $0x0  }
0x228: {  	s11 =	simm.s32 $0x0;
	[sflag:s23] =	ssyncadd.s32 $0xFFFFC000  }
0x229: {  	[spmem:s2] =	stream.indirect.scatter.add.f32 [tilespmem:s21], [sflag:$0x3], $0x80, s11, s18, $0xb8;
	[tilespmem:$0x1F800] =	vst v63  }
0x22a: {  	_ =	swait.ge [sflag:s6], $0x4000  }
0x22b: {  	[sflag:s6] =	ssyncset.done $0x0  }
0x22c: {  	[sflag:s6] =	ssyncadd.s32 $0xFFFFC000  }
0x22d: {  	_ =	swait.ge [sflag:s19], $0x4000  }
0x22e: {  	[sflag:s19] =	ssyncset.done $0x0  }
0x22f: {  	s12 =	simm.s32 $0x80;
	[sflag:s19] =	ssyncadd.s32 $0xFFFFC000  }
0x230: {  	[spmem:s2] =	stream.indirect.scatter.add.f32 [tilespmem:s22], [sflag:$0x3], $0x80, s12, s18, $0xb8;
	[tilespmem:$0x1F800] =	vst v63  }
0x231: {  	s8 =	simm.s32 $0x400;
	_ =	swait.ge [sflag:s6], $0x4000  }
0x232: {  	s10 =	simm.s32 $0x800;
	s9 =	sadd.s32 $0x1000, s9;
	[sflag:s6] =	ssyncset.done $0x0  }
.LBB2_10:
0x233: {  	p0 =	sne.s32 s10, $0x9C00;
	s11 =	sadd.s32 $0xFFFFF800, s9;
	[sflag:s6] =	ssyncadd.s32 $0xFFFFC000  }
0x234: {  	[tilespmem:s21], [sflag:$0x1] =	stream.linear.gather [hbm4b:s11+s3], $0x4000, $0x38;
	[tilespmem:$0x1F800] =	vst v63  }
0x235: {  	s11 =	smov.u32 s10;
	s10 =	sadd.s32 $0x400, s10  }
0x236: {  	[tilespmem:s22], [sflag:$0x2] =	stream.linear.gather [hbm4b:s9+s3], $0x4000, $0x38;
	[tilespmem:$0x1F800] =	vst v63  }
0x237: {  	_ =	swait.ge [sflag:s23], $0x4000  }
0x238: {  	[sflag:s23] =	ssyncset.done $0x0  }
0x239: {  	s12 =	sshra.s32 s8, $0x2;
	s8 =	smov.u32 s11;
	[sflag:s23] =	ssyncadd.s32 $0xFFFFC000  }
0x23a: {  	[spmem:s2] =	stream.indirect.scatter.add.f32 [tilespmem:s21], [sflag:$0x3], $0x80, s12, s18, $0xb8;
	[tilespmem:$0x1F800] =	vst v63  }
0x23b: {  	_ =	swait.ge [sflag:s6], $0x4000  }
0x23c: {  	[sflag:s6] =	ssyncset.done $0x0  }
0x23d: {  	[sflag:s6] =	ssyncadd.s32 $0xFFFFC000  }
0x23e: {  	_ =	swait.ge [sflag:s19], $0x4000  }
.Ltmp4:
0x23f: {  	[sflag:s19] =	ssyncset.done $0x0;
	(pc) =	sbr.rel @p0 .LBB2_10-.Ltmp4, $4  }
0x240: {  	s11 =	sadd.s32 $0x80, s12;
	[sflag:s19] =	ssyncadd.s32 $0xFFFFC000  }
0x241: {  	[spmem:s2] =	stream.indirect.scatter.add.f32 [tilespmem:s22], [sflag:$0x3], $0x80, s11, s18, $0xb8;
	[tilespmem:$0x1F800] =	vst v63  }
0x242: {  	_ =	swait.ge [sflag:s6], $0x4000  }
0x243: {  	s9 =	sadd.s32 $0x1000, s9;
	[sflag:s6] =	ssyncset.done $0x0  }
0x244: {  	s10 =	sadd.s32 $0xFFFFF800, s9;
	[sflag:s6] =	ssyncadd.s32 $0xFFFFC000  }
0x245: {  	[tilespmem:s21], [sflag:$0x1] =	stream.linear.gather [hbm4b:s10+s3], $0x4000, $0x38;
	[tilespmem:$0x1F800] =	vst v63  }
0x246: {  	_ = 	snop  }
0x247: {  	[tilespmem:s22], [sflag:$0x2] =	stream.linear.gather [hbm4b:s9+s3], $0x4000, $0x38;
	[tilespmem:$0x1F800] =	vst v63  }
0x248: {  	_ =	swait.ge [sflag:s23], $0x4000  }
0x249: {  	[sflag:s23] =	ssyncset.done $0x0  }
0x24a: {  	s8 =	sshra.s32 s8, $0x2;
	[sflag:s23] =	ssyncadd.s32 $0xFFFFC000  }
0x24b: {  	[spmem:s2] =	stream.indirect.scatter.add.f32 [tilespmem:s21], [sflag:$0x3], $0x80, s8, s18, $0xb8;
	[tilespmem:$0x1F800] =	vst v63  }
0x24c: {  	_ =	swait.ge [sflag:s6], $0x4000  }
0x24d: {  	[sflag:s6] =	ssyncset.done $0x0  }
0x24e: {  	[sflag:s6] =	ssyncadd.s32 $0xFFFFC000  }
0x24f: {  	_ =	swait.ge [sflag:s19], $0x4000  }
0x250: {  	[sflag:s19] =	ssyncset.done $0x0  }
0x251: {  	s8 =	sadd.s32 $0x80, s8;
	[sflag:s19] =	ssyncadd.s32 $0xFFFFC000  }
0x252: {  	[spmem:s2] =	stream.indirect.scatter.add.f32 [tilespmem:s22], [sflag:$0x3], $0x80, s8, s18, $0xb8;
	[tilespmem:$0x1F800] =	vst v63  }
0x253: {  	_ =	swait.ge [sflag:s6], $0x4000  }
0x254: {  	[sflag:s6] =	ssyncset.done $0x0  }
0x255: {  	[sflag:s6] =	ssyncadd.s32 $0xFFFFC000  }
0x256: {  	[bflag:$0x0] =	sbarrier.arrive $0xFFFF  }
0x257: {  	s12 =	rddreg [dreg:$0x10]  }
0x258: {  	[hbm:s12], [sflag:s25] =	dma.local [spmem:s7], $0x2800  }
0x259: {  	_ =	swait.ge [sflag:s6], $0x2800  }
0x25a: {  	s24 =	sadd.s32 $0x1, s24;
	s25 =	rddreg [dreg:$0x4]  }
0x25b: {  	p0 =	sne.s32 s24, s25  }
.Ltmp5:
0x25c: {  	_ = 	snop;
	(pc) =	sbr.rel @p0 .LBB2_1-.Ltmp5, $3  }
0x25d: {  	_ =	sdelay $0x1  }
0x25e: {  	[sflag:s6] =	ssyncset.done $0x0  }
0x25f: {  	[sflag:s6] =	ssyncadd.s32 $0xFFFFD800  }
0x260: {  	_ =	sfence.sel $0x180000  }
0x261: {  	[bflag:$0x0] =	sbarrier.arrive $0xFFFF  }
0x262: {  	_ =	strace $0x9000004A  }
0x263: {  	s0 =	stileid.u32;
	[bflag:$0x2] =	sbarrier.arrive $0xFFFF  }
0x264: {  	p0 =	sne.s32 s0, $0x0;
	s0 =	rddreg [dreg:$0x2]  }
0x265: {  	s0 =	sadd.s32 @!p0 $0x100000, s0  }
0x266: {  	[sflag:s0] =	ssyncadd.tile.s32 @!p0 $0x1;
	_ =	shalt  }
.Lfunc_end2:
_tile_overlayer_lowered:
.L_overlay_start_2:
0x267: {  	(tag) =	ssettag $0x2  }
0x268: {  	s0 =	rddreg [dreg:$0x0];
	s2 =	stileid.u32  }
0x269: {  	s1 =	rddreg [dreg:$0x1];
	p0 =	sne.s32 s2, $0x0  }
0x26a: {  	s3 =	rddreg [dreg:$0x2];
	[bflag:$0x3] =	sbarrier.arrive $0xFFFF;
	s2 =	simm.s32 @!p0 $0x1C03  }
0x26b: {  	[timem:s3], [sflag:s2] =	dma.local @!p0 [hbm:s0], s1  }
0x26c: {  	s0 =	simm.s32 @!p0 $0x3  }
0x26d: {  	_ =	swait.ge @!p0 [sflag:s0], s1  }
0x26e: {  	s1 =	ssub.s32 @!p0 $0x0, s1;
	[sflag:s0] =	ssyncset.done @!p0 $0x0  }
0x26f: {  	[sflag:s0] =	ssyncadd.s32 @!p0 s1  }
0x270: {  	[bflag:$0x3] =	sbarrier.arrive $0xFFFF  }
0x271: {  	_ =	shalt  }

// kernel: kernel.18.cloned.1.call-start
scs
__scs_entry_jumppad:
0x0: {  	(pc) =	sbr.rel $0x88, $3  }
0x1: {  	(tag) =	ssettag $0x0;
	lr =	simm.s32 $0x1  }
0x2: {  	[smem:$0x3F7A] =	sst lr;
	_ =	strace $0xD0000000  }
0x3: {  	_ = 	snop  }
0x4: {  	_ = 	snop  }
0x5: {  	_ = 	snop  }
0x6: {  	_ = 	snop  }
0x7: {  	_ = 	snop  }
__scs_overlays_trampoline_lowered:
0x8: {  	[smem:$0x3F89] =	sst s0  }
0x9: {  	[smem:$0x3F8A] =	sst s1  }
0xa: {  	[smem:$0x3F8B] =	sst s2  }
0xb: {  	[smem:$0x3F8C] =	sst s3  }
0xc: {  	[smem:$0x3F8D] =	sst s4  }
0xd: {  	[smem:$0x3F8E] =	sst s5  }
0xe: {  	[smem:$0x3F8F] =	sst s6  }
0xf: {  	[smem:$0x3F90] =	sst s7  }
0x10: {  	[smem:$0x3F91] =	sst s8  }
0x11: {  	[smem:$0x3F92] =	sst s9;
	s0 =	simm.s32 @!p0 $0x0  }
0x12: {  	s1 =	sld [smem:$0x3F78];
	s0 =	simm.s32 @p0 $0x1  }
0x13: {  	[smem:$0x3F93] =	sst s0;
	s0 =	simm.s32 @!p1 $0x0  }
0x14: {  	s2 =	sld [smem:$0x3F77];
	s0 =	simm.s32 @p1 $0x1  }
0x15: {  	[smem:$0x3F94] =	sst s0;
	s0 =	simm.s32 @!p2 $0x0  }
0x16: {  	s3 =	sld [smem:$0x3FDB];
	s0 =	simm.s32 @p2 $0x1  }
0x17: {  	s4 =	simm.s32 $0x1BF5;
	[smem:$0x3F96] =	sst s0  }
0x18: {  	s0 =	sld [smem:$0x3F79];
	_ =	swait.ge [sflag:s4], $0x0  }
0x19: {  	s7 =	sld [smem:$0x3F7A]  }
0x1a: {  	s8 =	sadd.s32 $0xFFFFE003, lr  }
0x1b: {  	s9 =	sadd.s32 $0xFFFFFEF7, lr;
	s5 =	simm.s32 $0xFFFFFFFF;
	p2 =	slt.u32 s8, $0xFFFFF086  }
0x1c: {  	p1 =	slt.u32 s9, $0xF7A;
	s5 =	simm.s32 @!p2 $0x0  }
0x1d: {  	s5 =	simm.s32 @p1 $0x1;
	p0 =	seq.s32 s7, s2  }
0x1e: {  	s7 =	smul.u32 @!p0 $0xF7A, s2;
	p2 =	seq.s32 @!p0 s5, $0x0  }
0x1f: {  	s9 =	smul.u32 $0xF7A, s1;
	s8 =	simm.s32 @!p0 $0x1BF5;
	p2 =	por !p2, p0  }
0x20: {  	[sflag:s8] =	ssyncset.s32 @!p0 $0xFFFFF086;
	s6 =	sadd.s32 @!p0 s3, s7;
	s7 =	simm.s32 @!p0 $0x108  }
0x21: {  	s3 =	sadd.s32 s3, s9;
	s6 =	sadd.s32 @!p0 $0x88, s6;
	s7 =	simm.s32 @p2 $0x1082  }
0x22: {  	[simem:s7], [sflag:s8] =	dma.local @!p0 [hbm:s6], $0xF7A  }
0x23: {  	s9 =	sor.u32 $0xD0000000, s2;
	s6 =	simm.s32 $0x108;
	_ =	swait.ge @!p0 [sflag:s8], $0x0  }
0x24: {  	s3 =	sadd.s32 $0x88, s3;
	s6 =	simm.s32 @!p1 $0x1082;
	[sflag:s4] =	ssyncset.s32 $0xFFFFF086  }
0x25: {  	[simem:s6], [sflag:s4] =	dma.local [hbm:s3], $0xF7A  }
0x26: {  	[smem:$0x3F7A] =	sst s1;
	(tag) =	ssettag s2;
	_ =	strace s9  }
0x27: {  	s1 =	sld [smem:$0x3F8A]  }
0x28: {  	s2 =	sld [smem:$0x3F8B]  }
0x29: {  	s4 =	sld [smem:$0x3F8D]  }
0x2a: {  	p0 =	seq.s32 s5, $0x0;
	s5 =	sld [smem:$0x3F8E]  }
0x2b: {  	s6 =	sld [smem:$0x3F8F]  }
0x2c: {  	s7 =	sld [smem:$0x3F90]  }
0x2d: {  	s3 =	simm.s32 $0x108;
	s8 =	sld [smem:$0x3F91]  }
0x2e: {  	s3 =	simm.s32 @!p0 $0x1082;
	s9 =	sld [smem:$0x3F92]  }
0x2f: {  	lr =	sadd.s32 s0, s3;
	s0 =	sld [smem:$0x3F89]  }
0x30: {  	s3 =	sld [smem:$0x3F8C]  }
0x31: {  	[smem:$0x3F95] =	sst s10  }
0x32: {  	s10 =	sld [smem:$0x3F93];
	_ =	sdelay $0x3  }
0x33: {  	p0 =	seq.s32 s10, $0x1;
	s10 =	sld [smem:$0x3F95];
	_ =	sdelay $0x3  }
0x34: {  	[smem:$0x3F95] =	sst s10  }
0x35: {  	s10 =	sld [smem:$0x3F94];
	_ =	sdelay $0x3  }
0x36: {  	p1 =	seq.s32 s10, $0x1;
	s10 =	sld [smem:$0x3F95];
	_ =	sdelay $0x3  }
0x37: {  	[smem:$0x3F95] =	sst s10  }
0x38: {  	s10 =	sld [smem:$0x3F96]  }
0x39: {  	_ = 	snop;
	(pc) =	sbr.ind lr, $3  }
0x3a: {  	_ = 	snop  }
0x3b: {  	_ = 	snop  }
0x3c: {  	p2 =	seq.s32 s10, $0x1;
	s10 =	sld [smem:$0x3F95]  }
0x3d: {  	_ =	shalt  }
0x3e: {  	_ =	shalt  }
0x3f: {  	_ =	shalt  }
0x40: {  	_ =	shalt  }
0x41: {  	_ =	shalt  }
0x42: {  	_ =	shalt  }
0x43: {  	_ =	shalt  }
0x44: {  	_ =	shalt  }
0x45: {  	_ =	shalt  }
0x46: {  	_ =	shalt  }
0x47: {  	_ =	shalt  }
0x48: {  	_ =	shalt  }
0x49: {  	_ =	shalt  }
0x4a: {  	_ =	shalt  }
0x4b: {  	_ =	shalt  }
0x4c: {  	_ =	shalt  }
0x4d: {  	_ =	shalt  }
0x4e: {  	_ =	shalt  }
0x4f: {  	_ =	shalt  }
0x50: {  	_ =	shalt  }
0x51: {  	_ =	shalt  }
0x52: {  	_ =	shalt  }
0x53: {  	_ =	shalt  }
0x54: {  	_ =	shalt  }
0x55: {  	_ =	shalt  }
0x56: {  	_ =	shalt  }
0x57: {  	_ =	shalt  }
0x58: {  	_ =	shalt  }
0x59: {  	_ =	shalt  }
0x5a: {  	_ =	shalt  }
0x5b: {  	_ =	shalt  }
0x5c: {  	_ =	shalt  }
0x5d: {  	_ =	shalt  }
0x5e: {  	_ =	shalt  }
0x5f: {  	_ =	shalt  }
0x60: {  	_ =	shalt  }
0x61: {  	_ =	shalt  }
0x62: {  	_ =	shalt  }
0x63: {  	_ =	shalt  }
0x64: {  	_ =	shalt  }
0x65: {  	_ =	shalt  }
0x66: {  	_ =	shalt  }
0x67: {  	_ =	shalt  }
0x68: {  	_ =	shalt  }
0x69: {  	_ =	shalt  }
0x6a: {  	_ =	shalt  }
0x6b: {  	_ =	shalt  }
0x6c: {  	_ =	shalt  }
0x6d: {  	_ =	shalt  }
0x6e: {  	_ =	shalt  }
0x6f: {  	_ =	shalt  }
0x70: {  	_ =	shalt  }
0x71: {  	_ =	shalt  }
0x72: {  	_ =	shalt  }
0x73: {  	_ =	shalt  }
0x74: {  	_ =	shalt  }
0x75: {  	_ =	shalt  }
0x76: {  	_ =	shalt  }
0x77: {  	_ =	shalt  }
0x78: {  	_ =	shalt  }
0x79: {  	_ =	shalt  }
0x7a: {  	_ =	shalt  }
0x7b: {  	_ =	shalt  }
0x7c: {  	_ =	shalt  }
0x7d: {  	_ =	shalt  }
0x7e: {  	_ =	shalt  }
0x7f: {  	_ =	shalt  }
0x80: {  	_ =	shalt  }
0x81: {  	_ =	shalt  }
0x82: {  	_ =	shalt  }
0x83: {  	_ =	shalt  }
0x84: {  	_ =	shalt  }
0x85: {  	_ =	shalt  }
0x86: {  	_ =	shalt  }
0x87: {  	_ =	shalt  }
.Lfunc_end0:
.L_simem_size_0:
called_computation.2_lowered:
.L_overlay_start_0:
0x88: {  	s2 =	sld [smem:$0x3FD9]  }
0x89: {  	s3 =	sld [smem:$0x3FFE];
	_ =	sdelay $0x1  }
0x8a: {  	s1 =	srdreg.scid  }
0x8b: {  	s0 =	sand.u32 $0x1, s1  }
0x8c: {  	s16 =	sshll.u32 s0, $0xA;
	s2 =	sadd.s32 s3, s2  }
0x8d: {  	s2 =	sadd.s32 s2, s16  }
0x8e: {  	[smem:$0x3FA1] =	sst s2  }
0x8f: {  	_ = 	snop  }
0x90: {  	(tm) =	ssettm $0x1  }
0x91: {  	s17 =	sld [smem:$0x3FFB];
	_ =	sdelay $0x3  }
0x92: {  	_ =	strace s17  }
0x93: {  	s2 =	sld [smem:$0x3FFC];
	_ =	sdelay $0x3  }
0x94: {  	_ =	strace s2  }
0x95: {  	s2 =	sld [smem:$0x3FFD];
	_ =	sdelay $0x3  }
0x96: {  	_ =	strace s2  }
0x97: {  	_ =	strace $0x8FFFFFFF  }
0x98: {  	s18 =	sld [smem:$0x3FDB];
	_ =	sdelay $0x1  }
0x99: {  	s19 =	simm.s32 $_scs_section_size  }
0x9a: {  	s4 =	simm.s32 $_size__tile_overlayer_lowered;
	s5 =	simm.s32 $_tile_overlayer_lowered  }
0x9b: {  	s22 =	simm.s32 $0x1BFF;
	s21 =	sshll.u32 s5, $0x1;
	s2 =	sadd.s32 s19, s18  }
0x9c: {  	s6 =	simm.s32 $0x0;
	s20 =	sshll.u32 s4, $0x1;
	s4 =	sadd.s32 s21, s2  }
0x9d: {  	[timem:s6], [sflag:s22] =	dma.local [hbm:s4], s20  }
0x9e: {  	_ =	swait.ge [sflag:s22], s20  }
0x9f: {  	s3 =	ssub.s32 $0x0, s20;
	[sflag:s22] =	ssyncset.done $0x0  }
0xa0: {  	[sflag:s22] =	ssyncadd.s32 s3;
	_ =	sdelay $0x1  }
0xa1: {  	s23 =	simm.s32 $0x1B8B  }
0xa2: {  	_ =	swait.ge [sflag:s23], $0x1  }
0xa3: {  	[sflag:s23] =	ssyncset.done $0x0  }
0xa4: {  	s25 =	simm.s32 $0x1B8E;
	s24 =	sld [smem:$0x3FFE];
	[sflag:s23] =	ssyncadd.s32 $0xFFFFFFFF  }
0xa5: {  	s26 =	simm.s32 $execute0_lowered;
	[smem:$0x3FD2] =	sst s25  }
0xa6: {  	s4 =	sshll.u32 s26, $0x1;
	_ =	strace $0x8000004C;
	[dreg:$0x1] =	wrdreg $0xFFFFFFFF  }
0xa7: {  	s28 =	simm.s32 $_size_execute0_lowered;
	s2 =	sadd.s32 s2, s4;
	[dreg:$0x0] =	wrdreg $0x0  }
0xa8: {  	s4 =	sshll.u32 s28, $0x1;
	[dreg:$0x2] =	wrdreg s2  }
0xa9: {  	[dreg:$0x3] =	wrdreg s4  }
0xaa: {  	[dreg:$0x4] =	wrdreg $0xC0  }
0xab: {  	_ =	task [dreg:s6], $0x5FFFF  }
0xac: {  	[dreg:$0x1] =	wrdreg $0xFFFFFFFF  }
0xad: {  	[dreg:$0x0] =	wrdreg $0x60  }
0xae: {  	[dreg:$0x2] =	wrdreg s24  }
0xaf: {  	[dreg:$0x3] =	wrdreg $0x9  }
0xb0: {  	_ =	task.clear_ibuf [dreg:s6], $0x4FFFF;
	_ =	strace $0x9000004C  }
0xb1: {  	s29 =	simm.s32 $0x9;
	_ =	strace $0x8000004E  }
0xb2: {  	_ =	swait.ge [sflag:s29], $0x1  }
0xb3: {  	[sflag:s29] =	ssyncadd.s32 $0xFFFFFFFF  }
0xb4: {  	_ =	strace $0x9000004E  }
0xb5: {  	_ =	sfence  }
0xb6: {  	s30 =	sld [smem:$0x0];
	_ =	sdelay $0x2  }
0xb7: {  	s31 =	sshll.u32 s1, $0xD;
	s1 =	sshrl.u32 s1, $0x2  }
0xb8: {  	s3 =	sand.u32 $0x4000, s31;
	s1 =	sadd.s32 s1, s30  }
0xb9: {  	s0 =	sor.u32 s3, s0;
	s1 =	sshll.u32 s1, $0x11  }
0xba: {  	s0 =	sor.u32 s1, s0  }
0xbb: {  	s0 =	sadd.s32 $0x8F2B, s0  }
0xbc: {  	[sflag:s0] =	ssyncadd.remote.s32 $0x1  }
0xbd: {  	_ =	sfence.sel $0xFFFF  }
0xbe: {  	[dreg:$0x0] =	wrdreg $0xFFFFFFFF;
	(pc) =	sbr.abs _section_cstart, $3  }
0xbf: {  	[dreg:$0x1] =	wrdreg $0xFFFFFFFF  }
0xc0: {  	_ =	task.clear_ibuf [dreg:s6], $0x2FFFF;
	_ =	strace $0x9FFFFFFF  }
0xc1: {  	(tm) =	ssettm $0x7FFFFFFF  }
tec
execute0_lowered:
.L_overlay_start_1:
0x0: {  	(tag) =	ssettag $0x1  }
0x1: {  	s4 =	rddreg [dreg:$0x0];
	s2 =	simm.s32 $0x0  }
0x2: {  	s8 =	simm.s32 $0x5800;
	[smem:$0x7FF] =	sst s2  }
0x3: {  	s9 =	simm.s32 $0x6000;
	_ =	strace $0x8000004D;
	[dreg:$0x3] =	wrdreg s8  }
0x4: {  	s10 =	simm.s32 $0x6800;
	[dreg:$0x4] =	wrdreg s9  }
0x5: {  	s11 =	simm.s32 $0x7000;
	[dreg:$0x5] =	wrdreg s10  }
0x6: {  	s13 =	simm.s32 $0x7800;
	[dreg:$0x6] =	wrdreg s11  }
0x7: {  	s14 =	simm.s32 $0x8000;
	[dreg:$0x7] =	wrdreg s13  }
0x8: {  	s0 =	srdreg.scid;
	s6 =	simm.s32 $0x8800;
	[dreg:$0x8] =	wrdreg s14  }
0x9: {  	s7 =	stileid.u32;
	s15 =	simm.s32 $0x9800;
	[dreg:$0x9] =	wrdreg s6  }
0xa: {  	s16 =	simm.s32 $0xA000;
	s17 =	simm.s32 $0xA800;
	[dreg:$0xa] =	wrdreg s15  }
0xb: {  	s19 =	simm.s32 $0xB000;
	s20 =	simm.s32 $0xB800;
	[dreg:$0xb] =	wrdreg s16  }
0xc: {  	s22 =	simm.s32 $0xC000;
	s23 =	simm.s32 $0xC800;
	[dreg:$0xc] =	wrdreg s17  }
0xd: {  	s24 =	simm.s32 $0xD800;
	s25 =	simm.s32 $0xE000;
	[dreg:$0xd] =	wrdreg s19  }
0xe: {  	s26 =	simm.s32 $0xE800;
	s31 =	simm.s32 $0xF000;
	[dreg:$0xe] =	wrdreg s20  }
0xf: {  	s28 =	simm.s32 $0x7;
	s29 =	simm.s32 $0x8;
	[dreg:$0xf] =	wrdreg s22  }
0x10: {  	s1 =	sand.u32 $0x1, s0;
	s5 =	smul.u32 $0x50000, s7;
	[dreg:$0x10] =	wrdreg s23  }
0x11: {  	s30 =	simm.s32 $0x0;
	s3 =	smul.u32 $0x500000, s1;
	[dreg:$0x11] =	wrdreg s24  }
0x12: {  	s12 =	sshll.u32 s1, $0x4;
	s1 =	ssub.s32 $0x2, s1;
	[dreg:$0x12] =	wrdreg s25  }
0x13: {  	s6 =	simm.s32 $0x9;
	s8 =	simm.s32 $0x9000;
	[dreg:$0x13] =	wrdreg s26  }
0x14: {  	s9 =	simm.s32 $0xD000;
	[dreg:$0x14] =	wrdreg s31;
	s10 =	simm.s32 $0xF800  }
0x15: {  	s11 =	simm.s32 $0x10000;
	s13 =	simm.s32 $0x11000;
	s14 =	simm.s32 $0x11800  }
0x16: {  	s15 =	simm.s32 $0x12000;
	s16 =	simm.s32 $0x12800;
	s17 =	simm.s32 $0x13000  }
0x17: {  	s19 =	simm.s32 $0x14000;
	s20 =	simm.s32 $0x14800;
	s22 =	simm.s32 $0x2  }
0x18: {  	s23 =	simm.s32 $0x3;
	s24 =	simm.s32 $0x4;
	s3 =	sadd.s32 s3, s4  }
0x19: {  	s25 =	simm.s32 $0x5;
	s3 =	sadd.s32 s5, s3;
	s5 =	sor.u32 s7, s12  }
0x1a: {  	s26 =	simm.s32 $0x6;
	s18 =	sshrl.u32 s1, $0x1;
	s5 =	smul.u32 $0xA00, s5  }
0x1b: {  	s1 =	ssub.s32 s1, s18;
	s18 =	simm.s32 $0x13800;
	s3 =	sadd.s32 $0xF4EC00, s3  }
0x1c: {  	v2 =	vlaneseq.u32;
	[dreg:$0x2] =	wrdreg s3;
	s3 =	sadd.s32 $0xBC400, s4;
	s4 =	sadd.s32 s5, s4  }
0x1d: {  	vm0 =	vmmov $0xffff;
	v1 =	vshrl.u32 v2, $0x3;
	s7 =	simm.s32 $0x5000;
	s12 =	simm.s32 $0x10800;
	s21 =	sadd.s32 $0xA26400, s4  }
0x1e: {  	v0 =	vand.u32 $0x7, v2;
	v2 =	vor.u32 $0x8, v2;
	v1 =	vmul.u32 $0x8, v1;
	s5 =	smax.u32 s1, $0x1;
	[dreg:$0x15] =	wrdreg s21;
	s21 =	simm.s32 $0x1  }
.LBB2_1:
0x1f: {  	s0 =	rddreg [dreg:$0x15]  }
0x20: {  	[tilespmem:s2], [sflag:$0x9] =	stream.linear.gather [hbm4b:s0+s2], $0x5000, $0x38;
	[tilespmem:$0x15000] =	vst v63  }
0x21: {  	_ =	swait.ge [sflag:s6], $0x5000  }
0x22: {  	[sflag:s6] =	ssyncset.done $0x0  }
0x23: {  	s31 =	simm.s32 $0x100;
	s1 =	simm.s32 $0x0;
	[sflag:s6] =	ssyncadd.s32 $0xFFFFB000  }
.LBB2_2:
0x24: {  	p0 =	seq.s32 s1, $0x0  }
0x25: {  	s0 =	simm.s32 @!p0 $0x5  }
0x26: {  	_ =	swait.ge @!p0 [sflag:s0], $0x4000  }
0x27: {  	[sflag:s0] =	ssyncset.done @!p0 $0x0  }
0x28: {  	[sflag:s0] =	ssyncadd.s32 @!p0 $0xFFFFC000;
	s0 =	simm.s32 @!p0 $0x6  }
0x29: {  	_ =	swait.ge @!p0 [sflag:s0], $0x4000  }
0x2a: {  	[sflag:s0] =	ssyncset.done @!p0 $0x0  }
0x2b: {  	[sflag:s0] =	ssyncadd.s32 @!p0 $0xFFFFC000;
	s0 =	simm.s32 @!p0 $0x7  }
0x2c: {  	_ =	swait.ge @!p0 [sflag:s0], $0x4000  }
0x2d: {  	[sflag:s0] =	ssyncset.done @!p0 $0x0  }
0x2e: {  	[sflag:s0] =	ssyncadd.s32 @!p0 $0xFFFFC000;
	s0 =	simm.s32 @!p0 $0x8  }
0x2f: {  	_ =	swait.ge @!p0 [sflag:s0], $0x4000  }
0x30: {  	[sflag:s0] =	ssyncset.done @!p0 $0x0  }
0x31: {  	[sflag:s0] =	ssyncadd.s32 @!p0 $0xFFFFC000  }
0x32: {  	v3 =	vld [tilespmem:s31+$0xFFFFFF00];
	_ =	sdelay $0x4  }
0x33: {  	v4 =	vshll.u32 v3, $0x1  }
0x34: {  	v3 =	vand.u32 $0x7, v3;
	v4 =	vand.u32 $0xFFFFFFF0, v4  }
0x35: {  	v3 =	vor.u32 v3, v4  }
0x36: {  	v4 =	vperm.xlane v3, v0;
	_ =	sdelay $0x1  }
0x37: {  	v3 =	vperm.xlane v3, v2;
	v4 =	vadd.s32 v1, v4;
	_ =	sdelay $0x1  }
0x38: {  	v3 =	vadd.s32 v1, v3;
	_ =	sdelay $0x2  }
0x39: {  	[tilespmem:s7], [sflag:$0x1] =	stream.indirect_vreg.gather [hbm4b:s3+s2], $0x80, v4, vm0, $0xb8;
	[tilespmem:$0x15000] =	vst v63  }
0x3a: {  	s4 =	rddreg [dreg:$0x3]  }
0x3b: {  	[tilespmem:s4], [sflag:$0x1] =	stream.indirect_vreg.gather [hbm4b:s3+s2], $0x80, v3, vm0, $0xb8;
	[tilespmem:$0x15000] =	vst v63  }
0x3c: {  	v3 =	vld [tilespmem:s31+$0xFFFFFF10];
	_ =	sdelay $0x4  }
0x3d: {  	v49 =	vshll.u32 v3, $0x1  }
0x3e: {  	v3 =	vand.u32 $0x7, v3;
	v4 =	vand.u32 $0xFFFFFFF0, v49  }
0x3f: {  	v3 =	vor.u32 v3, v4  }
0x40: {  	v4 =	vperm.xlane v3, v0;
	_ =	sdelay $0x1  }
0x41: {  	v3 =	vperm.xlane v3, v2;
	v4 =	vadd.s32 v1, v4;
	_ =	sdelay $0x1  }
0x42: {  	v3 =	vadd.s32 v1, v3;
	_ =	sdelay $0x1  }
0x43: {  	s0 =	rddreg [dreg:$0x4]  }
0x44: {  	[tilespmem:s0], [sflag:$0x1] =	stream.indirect_vreg.gather [hbm4b:s3+s2], $0x80, v4, vm0, $0xb8;
	[tilespmem:$0x15000] =	vst v63  }
0x45: {  	s4 =	rddreg [dreg:$0x5]  }
0x46: {  	[tilespmem:s4], [sflag:$0x1] =	stream.indirect_vreg.gather [hbm4b:s3+s2], $0x80, v3, vm0, $0xb8;
	[tilespmem:$0x15000] =	vst v63  }
0x47: {  	v3 =	vld [tilespmem:s31+$0xFFFFFF20];
	_ =	sdelay $0x4  }
0x48: {  	v50 =	vshll.u32 v3, $0x1  }
0x49: {  	v3 =	vand.u32 $0x7, v3;
	v4 =	vand.u32 $0xFFFFFFF0, v50  }
0x4a: {  	v3 =	vor.u32 v3, v4  }
0x4b: {  	v4 =	vperm.xlane v3, v0;
	_ =	sdelay $0x1  }
0x4c: {  	v3 =	vperm.xlane v3, v2;
	v4 =	vadd.s32 v1, v4;
	_ =	sdelay $0x1  }
0x4d: {  	v3 =	vadd.s32 v1, v3;
	_ =	sdelay $0x1  }
0x4e: {  	s0 =	rddreg [dreg:$0x6]  }
0x4f: {  	[tilespmem:s0], [sflag:$0x1] =	stream.indirect_vreg.gather [hbm4b:s3+s2], $0x80, v4, vm0, $0xb8;
	[tilespmem:$0x15000] =	vst v63  }
0x50: {  	s4 =	rddreg [dreg:$0x7]  }
0x51: {  	[tilespmem:s4], [sflag:$0x1] =	stream.indirect_vreg.gather [hbm4b:s3+s2], $0x80, v3, vm0, $0xb8;
	[tilespmem:$0x15000] =	vst v63  }
0x52: {  	v3 =	vld [tilespmem:s31+$0xFFFFFF30];
	_ =	sdelay $0x4  }
0x53: {  	v51 =	vshll.u32 v3, $0x1  }
0x54: {  	v3 =	vand.u32 $0x7, v3;
	v4 =	vand.u32 $0xFFFFFFF0, v51  }
0x55: {  	v3 =	vor.u32 v3, v4  }
0x56: {  	v4 =	vperm.xlane v3, v0;
	_ =	sdelay $0x1  }
0x57: {  	v3 =	vperm.xlane v3, v2;
	v4 =	vadd.s32 v1, v4;
	_ =	sdelay $0x1  }
0x58: {  	v3 =	vadd.s32 v1, v3;
	_ =	sdelay $0x1  }
0x59: {  	s0 =	rddreg [dreg:$0x8]  }
0x5a: {  	[tilespmem:s0], [sflag:$0x1] =	stream.indirect_vreg.gather [hbm4b:s3+s2], $0x80, v4, vm0, $0xb8;
	[tilespmem:$0x15000] =	vst v63  }
0x5b: {  	s4 =	rddreg [dreg:$0x9]  }
0x5c: {  	[tilespmem:s4], [sflag:$0x1] =	stream.indirect_vreg.gather [hbm4b:s3+s2], $0x80, v3, vm0, $0xb8;
	[tilespmem:$0x15000] =	vst v63  }
0x5d: {  	v3 =	vld [tilespmem:s31+$0xFFFFFF80];
	_ =	sdelay $0x4  }
0x5e: {  	v52 =	vshll.u32 v3, $0x1  }
0x5f: {  	v3 =	vand.u32 $0x7, v3;
	v4 =	vand.u32 $0xFFFFFFF0, v52  }
0x60: {  	v3 =	vor.u32 v3, v4  }
0x61: {  	v4 =	vperm.xlane v3, v0;
	_ =	sdelay $0x1  }
0x62: {  	v3 =	vperm.xlane v3, v2;
	v4 =	vadd.s32 v1, v4;
	_ =	sdelay $0x1  }
0x63: {  	v3 =	vadd.s32 v1, v3;
	_ =	sdelay $0x2  }
0x64: {  	[tilespmem:s8], [sflag:$0x2] =	stream.indirect_vreg.gather [hbm4b:s3+s2], $0x80, v4, vm0, $0xb8;
	[tilespmem:$0x15000] =	vst v63  }
0x65: {  	s4 =	rddreg [dreg:$0xa]  }
0x66: {  	[tilespmem:s4], [sflag:$0x2] =	stream.indirect_vreg.gather [hbm4b:s3+s2], $0x80, v3, vm0, $0xb8;
	[tilespmem:$0x15000] =	vst v63  }
0x67: {  	v3 =	vld [tilespmem:s31+$0xFFFFFF90];
	_ =	sdelay $0x4  }
0x68: {  	v53 =	vshll.u32 v3, $0x1  }
0x69: {  	v3 =	vand.u32 $0x7, v3;
	v4 =	vand.u32 $0xFFFFFFF0, v53  }
0x6a: {  	v3 =	vor.u32 v3, v4  }
0x6b: {  	v4 =	vperm.xlane v3, v0;
	_ =	sdelay $0x1  }
0x6c: {  	v3 =	vperm.xlane v3, v2;
	v4 =	vadd.s32 v1, v4;
	_ =	sdelay $0x1  }
0x6d: {  	v3 =	vadd.s32 v1, v3;
	_ =	sdelay $0x1  }
0x6e: {  	s0 =	rddreg [dreg:$0xb]  }
0x6f: {  	[tilespmem:s0], [sflag:$0x2] =	stream.indirect_vreg.gather [hbm4b:s3+s2], $0x80, v4, vm0, $0xb8;
	[tilespmem:$0x15000] =	vst v63  }
0x70: {  	s4 =	rddreg [dreg:$0xc]  }
0x71: {  	[tilespmem:s4], [sflag:$0x2] =	stream.indirect_vreg.gather [hbm4b:s3+s2], $0x80, v3, vm0, $0xb8;
	[tilespmem:$0x15000] =	vst v63  }
0x72: {  	v3 =	vld [tilespmem:s31+$0xFFFFFFA0];
	_ =	sdelay $0x4  }
0x73: {  	v54 =	vshll.u32 v3, $0x1  }
0x74: {  	v3 =	vand.u32 $0x7, v3;
	v4 =	vand.u32 $0xFFFFFFF0, v54  }
0x75: {  	v3 =	vor.u32 v3, v4  }
0x76: {  	v4 =	vperm.xlane v3, v0;
	_ =	sdelay $0x1  }
0x77: {  	v3 =	vperm.xlane v3, v2;
	v4 =	vadd.s32 v1, v4;
	_ =	sdelay $0x1  }
0x78: {  	v3 =	vadd.s32 v1, v3;
	_ =	sdelay $0x1  }
0x79: {  	s0 =	rddreg [dreg:$0xd]  }
0x7a: {  	[tilespmem:s0], [sflag:$0x2] =	stream.indirect_vreg.gather [hbm4b:s3+s2], $0x80, v4, vm0, $0xb8;
	[tilespmem:$0x15000] =	vst v63  }
0x7b: {  	s4 =	rddreg [dreg:$0xe]  }
0x7c: {  	[tilespmem:s4], [sflag:$0x2] =	stream.indirect_vreg.gather [hbm4b:s3+s2], $0x80, v3, vm0, $0xb8;
	[tilespmem:$0x15000] =	vst v63  }
0x7d: {  	v3 =	vld [tilespmem:s31+$0xFFFFFFB0];
	_ =	sdelay $0x4  }
0x7e: {  	v55 =	vshll.u32 v3, $0x1  }
0x7f: {  	v3 =	vand.u32 $0x7, v3;
	v4 =	vand.u32 $0xFFFFFFF0, v55  }
0x80: {  	v3 =	vor.u32 v3, v4  }
0x81: {  	v4 =	vperm.xlane v3, v0;
	_ =	sdelay $0x1  }
0x82: {  	v3 =	vperm.xlane v3, v2;
	v4 =	vadd.s32 v1, v4;
	_ =	sdelay $0x1  }
0x83: {  	v3 =	vadd.s32 v1, v3;
	_ =	sdelay $0x1  }
0x84: {  	s0 =	rddreg [dreg:$0xf]  }
0x85: {  	[tilespmem:s0], [sflag:$0x2] =	stream.indirect_vreg.gather [hbm4b:s3+s2], $0x80, v4, vm0, $0xb8;
	[tilespmem:$0x15000] =	vst v63  }
0x86: {  	s4 =	rddreg [dreg:$0x10]  }
0x87: {  	[tilespmem:s4], [sflag:$0x2] =	stream.indirect_vreg.gather [hbm4b:s3+s2], $0x80, v3, vm0, $0xb8;
	[tilespmem:$0x15000] =	vst v63  }
0x88: {  	v3 =	vld [tilespmem:s31+$0x0];
	_ =	sdelay $0x4  }
0x89: {  	v56 =	vshll.u32 v3, $0x1  }
0x8a: {  	v3 =	vand.u32 $0x7, v3;
	v4 =	vand.u32 $0xFFFFFFF0, v56  }
0x8b: {  	v3 =	vor.u32 v3, v4  }
0x8c: {  	v4 =	vperm.xlane v3, v0;
	_ =	sdelay $0x1  }
0x8d: {  	v3 =	vperm.xlane v3, v2;
	v4 =	vadd.s32 v1, v4;
	_ =	sdelay $0x1  }
0x8e: {  	v3 =	vadd.s32 v1, v3;
	_ =	sdelay $0x2  }
0x8f: {  	[tilespmem:s9], [sflag:$0x3] =	stream.indirect_vreg.gather [hbm4b:s3+s2], $0x80, v4, vm0, $0xb8;
	[tilespmem:$0x15000] =	vst v63  }
0x90: {  	s4 =	rddreg [dreg:$0x11]  }
0x91: {  	[tilespmem:s4], [sflag:$0x3] =	stream.indirect_vreg.gather [hbm4b:s3+s2], $0x80, v3, vm0, $0xb8;
	[tilespmem:$0x15000] =	vst v63  }
0x92: {  	v3 =	vld [tilespmem:s31+$0x10];
	_ =	sdelay $0x4  }
0x93: {  	v57 =	vshll.u32 v3, $0x1  }
0x94: {  	v3 =	vand.u32 $0x7, v3;
	v4 =	vand.u32 $0xFFFFFFF0, v57  }
0x95: {  	v3 =	vor.u32 v3, v4  }
0x96: {  	v4 =	vperm.xlane v3, v0;
	_ =	sdelay $0x1  }
0x97: {  	v3 =	vperm.xlane v3, v2;
	v4 =	vadd.s32 v1, v4;
	_ =	sdelay $0x1  }
0x98: {  	v3 =	vadd.s32 v1, v3;
	_ =	sdelay $0x1  }
0x99: {  	s0 =	rddreg [dreg:$0x12]  }
0x9a: {  	[tilespmem:s0], [sflag:$0x3] =	stream.indirect_vreg.gather [hbm4b:s3+s2], $0x80, v4, vm0, $0xb8;
	[tilespmem:$0x15000] =	vst v63  }
0x9b: {  	s4 =	rddreg [dreg:$0x13]  }
0x9c: {  	[tilespmem:s4], [sflag:$0x3] =	stream.indirect_vreg.gather [hbm4b:s3+s2], $0x80, v3, vm0, $0xb8;
	[tilespmem:$0x15000] =	vst v63  }
0x9d: {  	v3 =	vld [tilespmem:s31+$0x20];
	_ =	sdelay $0x4  }
0x9e: {  	v58 =	vshll.u32 v3, $0x1  }
0x9f: {  	v3 =	vand.u32 $0x7, v3;
	v4 =	vand.u32 $0xFFFFFFF0, v58  }
0xa0: {  	v3 =	vor.u32 v3, v4  }
0xa1: {  	v4 =	vperm.xlane v3, v0;
	_ =	sdelay $0x1  }
0xa2: {  	v3 =	vperm.xlane v3, v2;
	v4 =	vadd.s32 v1, v4;
	_ =	sdelay $0x1  }
0xa3: {  	v3 =	vadd.s32 v1, v3;
	_ =	sdelay $0x1  }
0xa4: {  	s4 =	rddreg [dreg:$0x14]  }
0xa5: {  	[tilespmem:s4], [sflag:$0x3] =	stream.indirect_vreg.gather [hbm4b:s3+s2], $0x80, v4, vm0, $0xb8;
	[tilespmem:$0x15000] =	vst v63  }
0xa6: {  	_ = 	snop  }
0xa7: {  	[tilespmem:s10], [sflag:$0x3] =	stream.indirect_vreg.gather [hbm4b:s3+s2], $0x80, v3, vm0, $0xb8;
	[tilespmem:$0x15000] =	vst v63  }
0xa8: {  	v3 =	vld [tilespmem:s31+$0x30];
	_ =	sdelay $0x4  }
0xa9: {  	v59 =	vshll.u32 v3, $0x1  }
0xaa: {  	v3 =	vand.u32 $0x7, v3;
	v4 =	vand.u32 $0xFFFFFFF0, v59  }
0xab: {  	v3 =	vor.u32 v3, v4  }
0xac: {  	v4 =	vperm.xlane v3, v0;
	_ =	sdelay $0x1  }
0xad: {  	v3 =	vperm.xlane v3, v2;
	v4 =	vadd.s32 v1, v4;
	_ =	sdelay $0x1  }
0xae: {  	v3 =	vadd.s32 v1, v3;
	_ =	sdelay $0x2  }
0xaf: {  	[tilespmem:s11], [sflag:$0x3] =	stream.indirect_vreg.gather [hbm4b:s3+s2], $0x80, v4, vm0, $0xb8;
	[tilespmem:$0x15000] =	vst v63  }
0xb0: {  	_ = 	snop  }
0xb1: {  	[tilespmem:s12], [sflag:$0x3] =	stream.indirect_vreg.gather [hbm4b:s3+s2], $0x80, v3, vm0, $0xb8;
	[tilespmem:$0x15000] =	vst v63  }
0xb2: {  	v3 =	vld [tilespmem:s31+$0x80];
	_ =	sdelay $0x4  }
0xb3: {  	v60 =	vshll.u32 v3, $0x1  }
0xb4: {  	v3 =	vand.u32 $0x7, v3;
	v4 =	vand.u32 $0xFFFFFFF0, v60  }
0xb5: {  	v3 =	vor.u32 v3, v4  }
0xb6: {  	v4 =	vperm.xlane v3, v0;
	_ =	sdelay $0x1  }
0xb7: {  	v3 =	vperm.xlane v3, v2;
	v4 =	vadd.s32 v1, v4;
	_ =	sdelay $0x1  }
0xb8: {  	v3 =	vadd.s32 v1, v3;
	_ =	sdelay $0x2  }
0xb9: {  	[tilespmem:s13], [sflag:$0x4] =	stream.indirect_vreg.gather [hbm4b:s3+s2], $0x80, v4, vm0, $0xb8;
	[tilespmem:$0x15000] =	vst v63  }
0xba: {  	_ = 	snop  }
0xbb: {  	[tilespmem:s14], [sflag:$0x4] =	stream.indirect_vreg.gather [hbm4b:s3+s2], $0x80, v3, vm0, $0xb8;
	[tilespmem:$0x15000] =	vst v63  }
0xbc: {  	v3 =	vld [tilespmem:s31+$0x90];
	_ =	sdelay $0x4  }
0xbd: {  	v61 =	vshll.u32 v3, $0x1  }
0xbe: {  	v3 =	vand.u32 $0x7, v3;
	v4 =	vand.u32 $0xFFFFFFF0, v61  }
0xbf: {  	v3 =	vor.u32 v3, v4  }
0xc0: {  	v4 =	vperm.xlane v3, v0;
	_ =	sdelay $0x1  }
0xc1: {  	v3 =	vperm.xlane v3, v2;
	v4 =	vadd.s32 v1, v4;
	_ =	sdelay $0x1  }
0xc2: {  	v3 =	vadd.s32 v1, v3;
	_ =	sdelay $0x2  }
0xc3: {  	[tilespmem:s15], [sflag:$0x4] =	stream.indirect_vreg.gather [hbm4b:s3+s2], $0x80, v4, vm0, $0xb8;
	[tilespmem:$0x15000] =	vst v63  }
0xc4: {  	_ = 	snop  }
0xc5: {  	[tilespmem:s16], [sflag:$0x4] =	stream.indirect_vreg.gather [hbm4b:s3+s2], $0x80, v3, vm0, $0xb8;
	[tilespmem:$0x15000] =	vst v63  }
0xc6: {  	v3 =	vld [tilespmem:s31+$0xA0];
	_ =	sdelay $0x4  }
0xc7: {  	v62 =	vshll.u32 v3, $0x1  }
0xc8: {  	v3 =	vand.u32 $0x7, v3;
	v4 =	vand.u32 $0xFFFFFFF0, v62  }
0xc9: {  	v3 =	vor.u32 v3, v4  }
0xca: {  	v4 =	vperm.xlane v3, v0;
	_ =	sdelay $0x1  }
0xcb: {  	v3 =	vperm.xlane v3, v2;
	v4 =	vadd.s32 v1, v4;
	_ =	sdelay $0x1  }
0xcc: {  	v3 =	vadd.s32 v1, v3;
	_ =	sdelay $0x2  }
0xcd: {  	[tilespmem:s17], [sflag:$0x4] =	stream.indirect_vreg.gather [hbm4b:s3+s2], $0x80, v4, vm0, $0xb8;
	[tilespmem:$0x15000] =	vst v63  }
0xce: {  	_ = 	snop  }
0xcf: {  	[tilespmem:s18], [sflag:$0x4] =	stream.indirect_vreg.gather [hbm4b:s3+s2], $0x80, v3, vm0, $0xb8;
	[tilespmem:$0x15000] =	vst v63  }
0xd0: {  	v3 =	vld [tilespmem:s31+$0xB0];
	_ =	sdelay $0x4  }
0xd1: {  	v63 =	vshll.u32 v3, $0x1  }
0xd2: {  	v3 =	vand.u32 $0x7, v3;
	v4 =	vand.u32 $0xFFFFFFF0, v63  }
0xd3: {  	v3 =	vor.u32 v3, v4  }
0xd4: {  	v4 =	vperm.xlane v3, v0;
	_ =	sdelay $0x1  }
0xd5: {  	v3 =	vperm.xlane v3, v2;
	v4 =	vadd.s32 v1, v4;
	_ =	sdelay $0x1  }
0xd6: {  	v3 =	vadd.s32 v1, v3;
	_ =	sdelay $0x2  }
0xd7: {  	[tilespmem:s19], [sflag:$0x4] =	stream.indirect_vreg.gather [hbm4b:s3+s2], $0x80, v4, vm0, $0xb8;
	[tilespmem:$0x15000] =	vst v63  }
0xd8: {  	_ = 	snop  }
0xd9: {  	[tilespmem:s20], [sflag:$0x4] =	stream.indirect_vreg.gather [hbm4b:s3+s2], $0x80, v3, vm0, $0xb8;
	[tilespmem:$0x15000] =	vst v63  }
0xda: {  	_ =	swait.ge [sflag:s21], $0x4000  }
0xdb: {  	s4 =	rddreg [dreg:$0x2];
	[sflag:s21] =	ssyncset.done $0x0  }
0xdc: {  	[sflag:s21] =	ssyncadd.s32 $0xFFFFC000;
	s0 =	sadd.s32 s1, s4  }
0xdd: {  	[hbm4b:s0+s2] =	stream.linear.scatter [tilespmem:s7], [sflag:$0x5], $0x4000, $0x38;
	[tilespmem:$0x15000] =	vst v63  }
0xde: {  	_ =	swait.ge [sflag:s22], $0x4000  }
0xdf: {  	[sflag:s22] =	ssyncset.done $0x0  }
0xe0: {  	s4 =	sadd.s32 $0x800, s0;
	[sflag:s22] =	ssyncadd.s32 $0xFFFFC000  }
0xe1: {  	[hbm4b:s4+s2] =	stream.linear.scatter [tilespmem:s8], [sflag:$0x6], $0x4000, $0x38;
	[tilespmem:$0x15000] =	vst v63  }
0xe2: {  	_ =	swait.ge [sflag:s23], $0x4000  }
0xe3: {  	s1 =	sadd.s32 $0x2000, s1;
	[sflag:s23] =	ssyncset.done $0x0  }
0xe4: {  	p0 =	sne.s32 s1, $0x50000;
	s4 =	sadd.s32 $0x1000, s0;
	[sflag:s23] =	ssyncadd.s32 $0xFFFFC000  }
0xe5: {  	[hbm4b:s4+s2] =	stream.linear.scatter [tilespmem:s9], [sflag:$0x7], $0x4000, $0x38;
	[tilespmem:$0x15000] =	vst v63  }
.Ltmp0:
0xe6: {  	_ = 	snop;
	(pc) =	sbr.rel @p0 .LBB2_2-.Ltmp0, $4  }
0xe7: {  	_ =	swait.ge [sflag:s24], $0x4000  }
0xe8: {  	[sflag:s24] =	ssyncset.done $0x0  }
0xe9: {  	s31 =	sadd.s32 $0x200, s31;
	s0 =	sadd.s32 $0x1800, s0;
	[sflag:s24] =	ssyncadd.s32 $0xFFFFC000  }
0xea: {  	[hbm4b:s0+s2] =	stream.linear.scatter [tilespmem:s13], [sflag:$0x8], $0x4000, $0x38;
	[tilespmem:$0x15000] =	vst v63  }
0xeb: {  	_ =	swait.ge [sflag:s25], $0x4000  }
0xec: {  	[sflag:s25] =	ssyncset.done $0x0  }
0xed: {  	[sflag:s25] =	ssyncadd.s32 $0xFFFFC000  }
0xee: {  	_ =	swait.ge [sflag:s26], $0x4000  }
0xef: {  	[sflag:s26] =	ssyncset.done $0x0  }
0xf0: {  	s30 =	sadd.s32 $0x1, s30;
	[sflag:s26] =	ssyncadd.s32 $0xFFFFC000  }
0xf1: {  	p0 =	sne.s32 s30, s5;
	_ =	swait.ge [sflag:s28], $0x4000  }
.Ltmp1:
0xf2: {  	[sflag:s28] =	ssyncset.done $0x0;
	(pc) =	sbr.rel @p0 .LBB2_1-.Ltmp1, $4  }
0xf3: {  	[sflag:s28] =	ssyncadd.s32 $0xFFFFC000  }
0xf4: {  	_ =	swait.ge [sflag:s29], $0x4000  }
0xf5: {  	[sflag:s29] =	ssyncset.done $0x0  }
0xf6: {  	[sflag:s29] =	ssyncadd.s32 $0xFFFFC000  }
0xf7: {  	_ =	sfence.sel $0x180000  }
0xf8: {  	[bflag:$0x0] =	sbarrier.arrive $0xFFFF  }
0xf9: {  	_ =	strace $0x9000004D  }
0xfa: {  	s0 =	stileid.u32;
	[bflag:$0x2] =	sbarrier.arrive $0xFFFF  }
0xfb: {  	p0 =	sne.s32 s0, $0x0;
	s0 =	rddreg [dreg:$0x1]  }
0xfc: {  	s0 =	sadd.s32 @!p0 $0x100000, s0  }
0xfd: {  	[sflag:s0] =	ssyncadd.tile.s32 @!p0 $0x1;
	_ =	shalt  }
.Lfunc_end2:
_tile_overlayer_lowered:
.L_overlay_start_2:
0xfe: {  	(tag) =	ssettag $0x2  }
0xff: {  	s0 =	rddreg [dreg:$0x0];
	s2 =	stileid.u32  }
0x100: {  	s1 =	rddreg [dreg:$0x1];
	p0 =	sne.s32 s2, $0x0  }
0x101: {  	s3 =	rddreg [dreg:$0x2];
	[bflag:$0x3] =	sbarrier.arrive $0xFFFF;
	s2 =	simm.s32 @!p0 $0x1C09  }
0x102: {  	[timem:s3], [sflag:s2] =	dma.local @!p0 [hbm:s0], s1  }
0x103: {  	s0 =	simm.s32 @!p0 $0x9  }
0x104: {  	_ =	swait.ge @!p0 [sflag:s0], s1  }
0x105: {  	s1 =	ssub.s32 @!p0 $0x0, s1;
	[sflag:s0] =	ssyncset.done @!p0 $0x0  }
0x106: {  	[sflag:s0] =	ssyncadd.s32 @!p0 s1  }
0x107: {  	[bflag:$0x3] =	sbarrier.arrive $0xFFFF  }
0x108: {  	_ =	shalt  }

// kernel: kernel.21.cloned.1.call-start
scs
__scs_entry_jumppad:
0x0: {  	(pc) =	sbr.rel $0x88, $3  }
0x1: {  	(tag) =	ssettag $0x0;
	lr =	simm.s32 $0x1  }
0x2: {  	[smem:$0x3F7A] =	sst lr;
	_ =	strace $0xD0000000  }
0x3: {  	_ = 	snop  }
0x4: {  	_ = 	snop  }
0x5: {  	_ = 	snop  }
0x6: {  	_ = 	snop  }
0x7: {  	_ = 	snop  }
__scs_overlays_trampoline_lowered:
0x8: {  	[smem:$0x3F89] =	sst s0  }
0x9: {  	[smem:$0x3F8A] =	sst s1  }
0xa: {  	[smem:$0x3F8B] =	sst s2  }
0xb: {  	[smem:$0x3F8C] =	sst s3  }
0xc: {  	[smem:$0x3F8D] =	sst s4  }
0xd: {  	[smem:$0x3F8E] =	sst s5  }
0xe: {  	[smem:$0x3F8F] =	sst s6  }
0xf: {  	[smem:$0x3F90] =	sst s7  }
0x10: {  	[smem:$0x3F91] =	sst s8  }
0x11: {  	[smem:$0x3F92] =	sst s9;
	s0 =	simm.s32 @!p0 $0x0  }
0x12: {  	s1 =	sld [smem:$0x3F78];
	s0 =	simm.s32 @p0 $0x1  }
0x13: {  	[smem:$0x3F93] =	sst s0;
	s0 =	simm.s32 @!p1 $0x0  }
0x14: {  	s2 =	sld [smem:$0x3F77];
	s0 =	simm.s32 @p1 $0x1  }
0x15: {  	[smem:$0x3F94] =	sst s0;
	s0 =	simm.s32 @!p2 $0x0  }
0x16: {  	s3 =	sld [smem:$0x3FDB];
	s0 =	simm.s32 @p2 $0x1  }
0x17: {  	s4 =	simm.s32 $0x1BF5;
	[smem:$0x3F96] =	sst s0  }
0x18: {  	s0 =	sld [smem:$0x3F79];
	_ =	swait.ge [sflag:s4], $0x0  }
0x19: {  	s7 =	sld [smem:$0x3F7A]  }
0x1a: {  	s8 =	sadd.s32 $0xFFFFE003, lr  }
0x1b: {  	s9 =	sadd.s32 $0xFFFFFEF7, lr;
	s5 =	simm.s32 $0xFFFFFFFF;
	p2 =	slt.u32 s8, $0xFFFFF086  }
0x1c: {  	p1 =	slt.u32 s9, $0xF7A;
	s5 =	simm.s32 @!p2 $0x0  }
0x1d: {  	s5 =	simm.s32 @p1 $0x1;
	p0 =	seq.s32 s7, s2  }
0x1e: {  	s7 =	smul.u32 @!p0 $0xF7A, s2;
	p2 =	seq.s32 @!p0 s5, $0x0  }
0x1f: {  	s9 =	smul.u32 $0xF7A, s1;
	s8 =	simm.s32 @!p0 $0x1BF5;
	p2 =	por !p2, p0  }
0x20: {  	[sflag:s8] =	ssyncset.s32 @!p0 $0xFFFFF086;
	s6 =	sadd.s32 @!p0 s3, s7;
	s7 =	simm.s32 @!p0 $0x108  }
0x21: {  	s3 =	sadd.s32 s3, s9;
	s6 =	sadd.s32 @!p0 $0x88, s6;
	s7 =	simm.s32 @p2 $0x1082  }
0x22: {  	[simem:s7], [sflag:s8] =	dma.local @!p0 [hbm:s6], $0xF7A  }
0x23: {  	s9 =	sor.u32 $0xD0000000, s2;
	s6 =	simm.s32 $0x108;
	_ =	swait.ge @!p0 [sflag:s8], $0x0  }
0x24: {  	s3 =	sadd.s32 $0x88, s3;
	s6 =	simm.s32 @!p1 $0x1082;
	[sflag:s4] =	ssyncset.s32 $0xFFFFF086  }
0x25: {  	[simem:s6], [sflag:s4] =	dma.local [hbm:s3], $0xF7A  }
0x26: {  	[smem:$0x3F7A] =	sst s1;
	(tag) =	ssettag s2;
	_ =	strace s9  }
0x27: {  	s1 =	sld [smem:$0x3F8A]  }
0x28: {  	s2 =	sld [smem:$0x3F8B]  }
0x29: {  	s4 =	sld [smem:$0x3F8D]  }
0x2a: {  	p0 =	seq.s32 s5, $0x0;
	s5 =	sld [smem:$0x3F8E]  }
0x2b: {  	s6 =	sld [smem:$0x3F8F]  }
0x2c: {  	s7 =	sld [smem:$0x3F90]  }
0x2d: {  	s3 =	simm.s32 $0x108;
	s8 =	sld [smem:$0x3F91]  }
0x2e: {  	s3 =	simm.s32 @!p0 $0x1082;
	s9 =	sld [smem:$0x3F92]  }
0x2f: {  	lr =	sadd.s32 s0, s3;
	s0 =	sld [smem:$0x3F89]  }
0x30: {  	s3 =	sld [smem:$0x3F8C]  }
0x31: {  	[smem:$0x3F95] =	sst s10  }
0x32: {  	s10 =	sld [smem:$0x3F93];
	_ =	sdelay $0x3  }
0x33: {  	p0 =	seq.s32 s10, $0x1;
	s10 =	sld [smem:$0x3F95];
	_ =	sdelay $0x3  }
0x34: {  	[smem:$0x3F95] =	sst s10  }
0x35: {  	s10 =	sld [smem:$0x3F94];
	_ =	sdelay $0x3  }
0x36: {  	p1 =	seq.s32 s10, $0x1;
	s10 =	sld [smem:$0x3F95];
	_ =	sdelay $0x3  }
0x37: {  	[smem:$0x3F95] =	sst s10  }
0x38: {  	s10 =	sld [smem:$0x3F96]  }
0x39: {  	_ = 	snop;
	(pc) =	sbr.ind lr, $3  }
0x3a: {  	_ = 	snop  }
0x3b: {  	_ = 	snop  }
0x3c: {  	p2 =	seq.s32 s10, $0x1;
	s10 =	sld [smem:$0x3F95]  }
0x3d: {  	_ =	shalt  }
0x3e: {  	_ =	shalt  }
0x3f: {  	_ =	shalt  }
0x40: {  	_ =	shalt  }
0x41: {  	_ =	shalt  }
0x42: {  	_ =	shalt  }
0x43: {  	_ =	shalt  }
0x44: {  	_ =	shalt  }
0x45: {  	_ =	shalt  }
0x46: {  	_ =	shalt  }
0x47: {  	_ =	shalt  }
0x48: {  	_ =	shalt  }
0x49: {  	_ =	shalt  }
0x4a: {  	_ =	shalt  }
0x4b: {  	_ =	shalt  }
0x4c: {  	_ =	shalt  }
0x4d: {  	_ =	shalt  }
0x4e: {  	_ =	shalt  }
0x4f: {  	_ =	shalt  }
0x50: {  	_ =	shalt  }
0x51: {  	_ =	shalt  }
0x52: {  	_ =	shalt  }
0x53: {  	_ =	shalt  }
0x54: {  	_ =	shalt  }
0x55: {  	_ =	shalt  }
0x56: {  	_ =	shalt  }
0x57: {  	_ =	shalt  }
0x58: {  	_ =	shalt  }
0x59: {  	_ =	shalt  }
0x5a: {  	_ =	shalt  }
0x5b: {  	_ =	shalt  }
0x5c: {  	_ =	shalt  }
0x5d: {  	_ =	shalt  }
0x5e: {  	_ =	shalt  }
0x5f: {  	_ =	shalt  }
0x60: {  	_ =	shalt  }
0x61: {  	_ =	shalt  }
0x62: {  	_ =	shalt  }
0x63: {  	_ =	shalt  }
0x64: {  	_ =	shalt  }
0x65: {  	_ =	shalt  }
0x66: {  	_ =	shalt  }
0x67: {  	_ =	shalt  }
0x68: {  	_ =	shalt  }
0x69: {  	_ =	shalt  }
0x6a: {  	_ =	shalt  }
0x6b: {  	_ =	shalt  }
0x6c: {  	_ =	shalt  }
0x6d: {  	_ =	shalt  }
0x6e: {  	_ =	shalt  }
0x6f: {  	_ =	shalt  }
0x70: {  	_ =	shalt  }
0x71: {  	_ =	shalt  }
0x72: {  	_ =	shalt  }
0x73: {  	_ =	shalt  }
0x74: {  	_ =	shalt  }
0x75: {  	_ =	shalt  }
0x76: {  	_ =	shalt  }
0x77: {  	_ =	shalt  }
0x78: {  	_ =	shalt  }
0x79: {  	_ =	shalt  }
0x7a: {  	_ =	shalt  }
0x7b: {  	_ =	shalt  }
0x7c: {  	_ =	shalt  }
0x7d: {  	_ =	shalt  }
0x7e: {  	_ =	shalt  }
0x7f: {  	_ =	shalt  }
0x80: {  	_ =	shalt  }
0x81: {  	_ =	shalt  }
0x82: {  	_ =	shalt  }
0x83: {  	_ =	shalt  }
0x84: {  	_ =	shalt  }
0x85: {  	_ =	shalt  }
0x86: {  	_ =	shalt  }
0x87: {  	_ =	shalt  }
.Lfunc_end0:
.L_simem_size_0:
called_computation.3_lowered:
.L_overlay_start_0:
0x88: {  	s2 =	sld [smem:$0x3FD9]  }
0x89: {  	s3 =	sld [smem:$0x3FFE];
	_ =	sdelay $0x1  }
0x8a: {  	s1 =	srdreg.scid  }
0x8b: {  	s0 =	sand.u32 $0x1, s1  }
0x8c: {  	s16 =	sshll.u32 s0, $0xA;
	s2 =	sadd.s32 s3, s2  }
0x8d: {  	s2 =	sadd.s32 s2, s16  }
0x8e: {  	[smem:$0x3FA1] =	sst s2  }
0x8f: {  	_ = 	snop  }
0x90: {  	(tm) =	ssettm $0x1  }
0x91: {  	s17 =	sld [smem:$0x3FFB];
	_ =	sdelay $0x3  }
0x92: {  	_ =	strace s17  }
0x93: {  	s2 =	sld [smem:$0x3FFC];
	_ =	sdelay $0x3  }
0x94: {  	_ =	strace s2  }
0x95: {  	s2 =	sld [smem:$0x3FFD];
	_ =	sdelay $0x3  }
0x96: {  	_ =	strace s2  }
0x97: {  	_ =	strace $0x8FFFFFFF  }
0x98: {  	s18 =	sld [smem:$0x3FDB];
	_ =	sdelay $0x1  }
0x99: {  	s19 =	simm.s32 $_scs_section_size  }
0x9a: {  	s4 =	simm.s32 $_size__tile_overlayer_lowered;
	s5 =	simm.s32 $_tile_overlayer_lowered  }
0x9b: {  	s22 =	simm.s32 $0x1BFF;
	s21 =	sshll.u32 s5, $0x1;
	s2 =	sadd.s32 s19, s18  }
0x9c: {  	s6 =	simm.s32 $0x0;
	s20 =	sshll.u32 s4, $0x1;
	s4 =	sadd.s32 s21, s2  }
0x9d: {  	[timem:s6], [sflag:s22] =	dma.local [hbm:s4], s20  }
0x9e: {  	_ =	swait.ge [sflag:s22], s20  }
0x9f: {  	s3 =	ssub.s32 $0x0, s20;
	[sflag:s22] =	ssyncset.done $0x0  }
0xa0: {  	[sflag:s22] =	ssyncadd.s32 s3;
	_ =	sdelay $0x1  }
0xa1: {  	s23 =	simm.s32 $0x1B8B  }
0xa2: {  	_ =	swait.ge [sflag:s23], $0x1  }
0xa3: {  	[sflag:s23] =	ssyncset.done $0x0  }
0xa4: {  	s25 =	simm.s32 $0x1B8E;
	s24 =	sld [smem:$0x3FFE];
	[sflag:s23] =	ssyncadd.s32 $0xFFFFFFFF  }
0xa5: {  	s26 =	simm.s32 $execute0_lowered;
	[smem:$0x3FD2] =	sst s25  }
0xa6: {  	s4 =	sshll.u32 s26, $0x1;
	_ =	strace $0x8000004F;
	[dreg:$0x1] =	wrdreg $0xFFFFFFFF  }
0xa7: {  	s28 =	simm.s32 $_size_execute0_lowered;
	s2 =	sadd.s32 s2, s4;
	[dreg:$0x0] =	wrdreg $0x0  }
0xa8: {  	s4 =	sshll.u32 s28, $0x1;
	[dreg:$0x2] =	wrdreg s2  }
0xa9: {  	[dreg:$0x3] =	wrdreg s4  }
0xaa: {  	[dreg:$0x4] =	wrdreg $0xC0  }
0xab: {  	_ =	task [dreg:s6], $0x5FFFF  }
0xac: {  	[dreg:$0x1] =	wrdreg $0xFFFFFFFF  }
0xad: {  	[dreg:$0x0] =	wrdreg $0x60  }
0xae: {  	[dreg:$0x2] =	wrdreg s24  }
0xaf: {  	[dreg:$0x3] =	wrdreg $0xB8000  }
0xb0: {  	[dreg:$0x4] =	wrdreg $0x9  }
0xb1: {  	_ =	task.clear_ibuf [dreg:s6], $0x5FFFF;
	_ =	strace $0x9000004F  }
0xb2: {  	s29 =	simm.s32 $0x9;
	_ =	strace $0x80000051  }
0xb3: {  	_ =	swait.ge [sflag:s29], $0x1  }
0xb4: {  	[sflag:s29] =	ssyncadd.s32 $0xFFFFFFFF  }
0xb5: {  	_ =	strace $0x90000051  }
0xb6: {  	_ =	sfence  }
0xb7: {  	s30 =	sld [smem:$0x0];
	_ =	sdelay $0x2  }
0xb8: {  	s31 =	sshll.u32 s1, $0xD;
	s1 =	sshrl.u32 s1, $0x2  }
0xb9: {  	s3 =	sand.u32 $0x4000, s31;
	s1 =	sadd.s32 s1, s30  }
0xba: {  	s0 =	sor.u32 s3, s0;
	s1 =	sshll.u32 s1, $0x11  }
0xbb: {  	s0 =	sor.u32 s1, s0  }
0xbc: {  	s0 =	sadd.s32 $0x8F2B, s0  }
0xbd: {  	[sflag:s0] =	ssyncadd.remote.s32 $0x1  }
0xbe: {  	_ =	sfence.sel $0xFFFF  }
0xbf: {  	[dreg:$0x0] =	wrdreg $0xFFFFFFFF;
	(pc) =	sbr.abs _section_cstart, $3  }
0xc0: {  	[dreg:$0x1] =	wrdreg $0xFFFFFFFF  }
0xc1: {  	_ =	task.clear_ibuf [dreg:s6], $0x2FFFF;
	_ =	strace $0x9FFFFFFF  }
0xc2: {  	(tm) =	ssettm $0x7FFFFFFF  }
0xc3: {  	_ =	shalt  }
tec
execute0_lowered:
.L_overlay_start_1:
0x0: {  	(tag) =	ssettag $0x1  }
0x1: {  	s10 =	stileid.u32  }
0x2: {  	s6 =	smul.u32 $0x50, s10  }
0x3: {  	s0 =	srdreg.scid;
	s8 =	smul.u32 $0x50000, s10  }
0x4: {  	s0 =	sand.u32 $0x1, s0;
	s11 =	smul.u32 $0x2800, s10  }
0x5: {  	s1 =	rddreg [dreg:$0x0];
	s4 =	smul.u32 $0x280000, s0  }
0x6: {  	s2 =	rddreg [dreg:$0x1];
	s3 =	simm.s32 $0x0;
	s5 =	smul.u32 $0x500, s0  }
0x7: {  	[smem:$0x7FF] =	sst s3;
	s26 =	smul.u32 $0x28000, s0;
	s0 =	ssub.s32 $0x2, s0  }
0x8: {  	s21 =	smul.u32 $0x28000, s10;
	s7 =	sshrl.u32 s0, $0x1;
	s5 =	sadd.s32 s6, s5  }
0x9: {  	_ =	strace $0x80000050;
	s0 =	ssub.s32 s0, s7;
	s5 =	sshll.u32 s5, $0x4  }
0xa: {  	s4 =	sadd.s32 s4, s1;
	s0 =	smax.u32 s0, $0x1;
	s5 =	sadd.s32 s5, s1  }
0xb: {  	s1 =	sadd.s32 s26, s1;
	[dreg:$0x4] =	wrdreg s0;
	s0 =	sadd.s32 s21, s4  }
0xc: {  	s21 =	simm.s32 $0x2800;
	s5 =	sadd.s32 $0x8400, s5;
	s6 =	sadd.s32 $0x5BC400, s1  }
0xd: {  	s9 =	sshrl.u32 s8, $0x2;
	s12 =	sadd.s32 $0x60C400, s1;
	s4 =	sadd.s32 $0x194F400, s0  }
0xe: {  	s22 =	sadd.s32 $0x1E4F400, s0;
	s26 =	sadd.s32 $0xBCC00, s0;
	[dreg:$0x3] =	wrdreg s5  }
0xf: {  	s0 =	sadd.s32 $0x234F400, s0;
	s5 =	sadd.s32 s9, s2;
	[dreg:$0xb] =	wrdreg s4  }
0x10: {  	s9 =	sadd.s32 $0x65C400, s1;
	s1 =	sadd.s32 $0x6AC400, s1;
	[dreg:$0xc] =	wrdreg s22  }
0x11: {  	s23 =	sadd.s32 s11, s6;
	s24 =	sadd.s32 s11, s12;
	[dreg:$0x11] =	wrdreg s26  }
0x12: {  	[dreg:$0x12] =	wrdreg s0;
	s6 =	simm.s32 $0x3;
	s22 =	simm.s32 $0x6800  }
0x13: {  	s15 =	sadd.s32 $0x1000, s5;
	s16 =	sadd.s32 $0x2000, s5;
	s17 =	sadd.s32 $0x3000, s5  }
0x14: {  	s18 =	sadd.s32 $0x4000, s5;
	s19 =	sadd.s32 $0x5000, s5;
	[dreg:$0xd] =	wrdreg s23  }
0x15: {  	s20 =	sadd.s32 $0x6000, s5;
	s13 =	sadd.s32 $0x7000, s5;
	[dreg:$0xe] =	wrdreg s24  }
0x16: {  	s14 =	sadd.s32 $0x8000, s5;
	s25 =	sadd.s32 s11, s9;
	[dreg:$0x5] =	wrdreg s15  }
0x17: {  	s1 =	sadd.s32 s11, s1;
	s26 =	sadd.s32 $0xC000, s5;
	[dreg:$0x6] =	wrdreg s16  }
0x18: {  	s28 =	sadd.s32 $0xD000, s5;
	s29 =	sadd.s32 $0xE000, s5;
	[dreg:$0x7] =	wrdreg s17  }
0x19: {  	s30 =	sadd.s32 $0xF000, s5;
	s31 =	sadd.s32 $0x10000, s5;
	[dreg:$0x8] =	wrdreg s18  }
0x1a: {  	s0 =	sadd.s32 $0x11000, s5;
	s4 =	sadd.s32 $0x13000, s5;
	[dreg:$0x9] =	wrdreg s19  }
0x1b: {  	s23 =	simm.s32 $0x1;
	s24 =	simm.s32 $0x0;
	[dreg:$0xa] =	wrdreg s20  }
0x1c: {  	s15 =	sadd.s32 $0x9000, s5;
	s16 =	sadd.s32 $0xA000, s5;
	[dreg:$0xf] =	wrdreg s25  }
0x1d: {  	s17 =	sadd.s32 $0xB000, s5;
	[dreg:$0x10] =	wrdreg s1;
	s1 =	sadd.s32 $0x12000, s5  }
0x1e: {  	v0 =	vimm.f32 $0.0e+00;
	s20 =	simm.s32 $0xA800;
	s18 =	simm.s32 $0x80;
	s19 =	simm.s32 $0x2  }
.LBB2_1:
0x1f: {  	s7 =	rddreg [dreg:$0x3]  }
0x20: {  	[tilespmem:s3], [sflag:$0x3] =	stream.linear.gather [hbm4b:s7+s3], $0x2800, $0x38;
	[tilespmem:$0x1F800] =	vst v63  }
0x21: {  	s25 =	sand.u32 $0x3E00, s3;
	s8 =	sand.u32 $0x70, s3;
	_ =	swait.ge [sflag:s6], $0x2800  }
0x22: {  	s9 =	sshrl.u32 s25, $0x2;
	s7 =	simm.s32 $0x40;
	[sflag:s6] =	ssyncset.done $0x0  }
0x23: {  	s9 =	sor.u32 s8, s9;
	s8 =	simm.s32 $0x0;
	[sflag:s6] =	ssyncadd.s32 $0xFFFFD800  }
.LBB2_2:
0x24: {  	p0 =	sne.s32 s7, $0x3FC0  }
0x25: {  	[tilespmem:s9+$0xA800] =	vst v0;
	s8 =	sadd.s32 $0x10, s8;
	s9 =	smov.u32 s7;
	s7 =	sadd.s32 $0x40, s7  }
.Ltmp0:
0x26: {  	(pc) =	sbr.rel @p0 .LBB2_2-.Ltmp0, $4  }
0x27: {  	_ = 	snop  }
0x28: {  	s9 =	sand.u32 $0x3E00, s9  }
0x29: {  	s10 =	sand.u32 $0x70, s8;
	s9 =	sshrl.u32 s9, $0x2  }
0x2a: {  	s9 =	sor.u32 s10, s9  }
0x2b: {  	[tilespmem:s9+$0xA800] =	vst v0  }
0x2c: {  	[spmem:s5] =	stream.linear.scatter [tilespmem:s20], [sflag:$0x3], $0x1000, $0x38;
	[tilespmem:$0x1F800] =	vst v63  }
0x2d: {  	_ =	swait.ge [sflag:s6], $0x1000  }
0x2e: {  	[sflag:s6] =	ssyncset.done $0x0  }
0x2f: {  	s7 =	rddreg [dreg:$0x5];
	[sflag:s6] =	ssyncadd.s32 $0xFFFFF000  }
0x30: {  	[spmem:s7] =	stream.linear.scatter [tilespmem:s20], [sflag:$0x3], $0x1000, $0x38;
	[tilespmem:$0x1F800] =	vst v63  }
0x31: {  	_ =	swait.ge [sflag:s6], $0x1000  }
0x32: {  	[sflag:s6] =	ssyncset.done $0x0  }
0x33: {  	s12 =	rddreg [dreg:$0x6];
	[sflag:s6] =	ssyncadd.s32 $0xFFFFF000  }
0x34: {  	[spmem:s12] =	stream.linear.scatter [tilespmem:s20], [sflag:$0x3], $0x1000, $0x38;
	[tilespmem:$0x1F800] =	vst v63  }
0x35: {  	_ =	swait.ge [sflag:s6], $0x1000  }
0x36: {  	[sflag:s6] =	ssyncset.done $0x0  }
0x37: {  	s25 =	rddreg [dreg:$0x7];
	[sflag:s6] =	ssyncadd.s32 $0xFFFFF000  }
0x38: {  	[spmem:s25] =	stream.linear.scatter [tilespmem:s20], [sflag:$0x3], $0x1000, $0x38;
	[tilespmem:$0x1F800] =	vst v63  }
0x39: {  	_ =	swait.ge [sflag:s6], $0x1000  }
0x3a: {  	[sflag:s6] =	ssyncset.done $0x0  }
0x3b: {  	s8 =	rddreg [dreg:$0x8];
	[sflag:s6] =	ssyncadd.s32 $0xFFFFF000  }
0x3c: {  	[spmem:s8] =	stream.linear.scatter [tilespmem:s20], [sflag:$0x3], $0x1000, $0x38;
	[tilespmem:$0x1F800] =	vst v63  }
0x3d: {  	_ =	swait.ge [sflag:s6], $0x1000  }
0x3e: {  	[sflag:s6] =	ssyncset.done $0x0  }
0x3f: {  	s9 =	rddreg [dreg:$0x9];
	[sflag:s6] =	ssyncadd.s32 $0xFFFFF000  }
0x40: {  	[spmem:s9] =	stream.linear.scatter [tilespmem:s20], [sflag:$0x3], $0x1000, $0x38;
	[tilespmem:$0x1F800] =	vst v63  }
0x41: {  	_ =	swait.ge [sflag:s6], $0x1000  }
0x42: {  	[sflag:s6] =	ssyncset.done $0x0  }
0x43: {  	s10 =	rddreg [dreg:$0xa];
	[sflag:s6] =	ssyncadd.s32 $0xFFFFF000  }
0x44: {  	[spmem:s10] =	stream.linear.scatter [tilespmem:s20], [sflag:$0x3], $0x1000, $0x38;
	[tilespmem:$0x1F800] =	vst v63  }
0x45: {  	_ =	swait.ge [sflag:s6], $0x1000  }
0x46: {  	[sflag:s6] =	ssyncset.done $0x0  }
0x47: {  	[sflag:s6] =	ssyncadd.s32 $0xFFFFF000  }
0x48: {  	[spmem:s13] =	stream.linear.scatter [tilespmem:s20], [sflag:$0x3], $0x1000, $0x38;
	[tilespmem:$0x1F800] =	vst v63  }
0x49: {  	_ =	swait.ge [sflag:s6], $0x1000  }
0x4a: {  	[sflag:s6] =	ssyncset.done $0x0  }
0x4b: {  	[sflag:s6] =	ssyncadd.s32 $0xFFFFF000  }
0x4c: {  	[spmem:s14] =	stream.linear.scatter [tilespmem:s20], [sflag:$0x3], $0x1000, $0x38;
	[tilespmem:$0x1F800] =	vst v63  }
0x4d: {  	_ =	swait.ge [sflag:s6], $0x1000  }
0x4e: {  	[sflag:s6] =	ssyncset.done $0x0  }
0x4f: {  	[sflag:s6] =	ssyncadd.s32 $0xFFFFF000  }
0x50: {  	[spmem:s15] =	stream.linear.scatter [tilespmem:s20], [sflag:$0x3], $0x1000, $0x38;
	[tilespmem:$0x1F800] =	vst v63  }
0x51: {  	_ =	swait.ge [sflag:s6], $0x1000  }
0x52: {  	[sflag:s6] =	ssyncset.done $0x0  }
0x53: {  	[sflag:s6] =	ssyncadd.s32 $0xFFFFF000  }
0x54: {  	[spmem:s16] =	stream.linear.scatter [tilespmem:s20], [sflag:$0x3], $0x1000, $0x38;
	[tilespmem:$0x1F800] =	vst v63  }
0x55: {  	_ =	swait.ge [sflag:s6], $0x1000  }
0x56: {  	[sflag:s6] =	ssyncset.done $0x0  }
0x57: {  	[sflag:s6] =	ssyncadd.s32 $0xFFFFF000  }
0x58: {  	[spmem:s17] =	stream.linear.scatter [tilespmem:s20], [sflag:$0x3], $0x1000, $0x38;
	[tilespmem:$0x1F800] =	vst v63  }
0x59: {  	_ =	swait.ge [sflag:s6], $0x1000  }
0x5a: {  	[sflag:s6] =	ssyncset.done $0x0  }
0x5b: {  	[sflag:s6] =	ssyncadd.s32 $0xFFFFF000  }
0x5c: {  	[spmem:s26] =	stream.linear.scatter [tilespmem:s20], [sflag:$0x3], $0x1000, $0x38;
	[tilespmem:$0x1F800] =	vst v63  }
0x5d: {  	_ =	swait.ge [sflag:s6], $0x1000  }
0x5e: {  	[sflag:s6] =	ssyncset.done $0x0  }
0x5f: {  	[sflag:s6] =	ssyncadd.s32 $0xFFFFF000  }
0x60: {  	[spmem:s28] =	stream.linear.scatter [tilespmem:s20], [sflag:$0x3], $0x1000, $0x38;
	[tilespmem:$0x1F800] =	vst v63  }
0x61: {  	_ =	swait.ge [sflag:s6], $0x1000  }
0x62: {  	[sflag:s6] =	ssyncset.done $0x0  }
0x63: {  	[sflag:s6] =	ssyncadd.s32 $0xFFFFF000  }
0x64: {  	[spmem:s29] =	stream.linear.scatter [tilespmem:s20], [sflag:$0x3], $0x1000, $0x38;
	[tilespmem:$0x1F800] =	vst v63  }
0x65: {  	_ =	swait.ge [sflag:s6], $0x1000  }
0x66: {  	[sflag:s6] =	ssyncset.done $0x0  }
0x67: {  	[sflag:s6] =	ssyncadd.s32 $0xFFFFF000  }
0x68: {  	[spmem:s30] =	stream.linear.scatter [tilespmem:s20], [sflag:$0x3], $0x1000, $0x38;
	[tilespmem:$0x1F800] =	vst v63  }
0x69: {  	_ =	swait.ge [sflag:s6], $0x1000  }
0x6a: {  	[sflag:s6] =	ssyncset.done $0x0  }
0x6b: {  	[sflag:s6] =	ssyncadd.s32 $0xFFFFF000  }
0x6c: {  	[spmem:s31] =	stream.linear.scatter [tilespmem:s20], [sflag:$0x3], $0x1000, $0x38;
	[tilespmem:$0x1F800] =	vst v63  }
0x6d: {  	_ =	swait.ge [sflag:s6], $0x1000  }
0x6e: {  	[sflag:s6] =	ssyncset.done $0x0  }
0x6f: {  	[sflag:s6] =	ssyncadd.s32 $0xFFFFF000  }
0x70: {  	[spmem:s0] =	stream.linear.scatter [tilespmem:s20], [sflag:$0x3], $0x1000, $0x38;
	[tilespmem:$0x1F800] =	vst v63  }
0x71: {  	_ =	swait.ge [sflag:s6], $0x1000  }
0x72: {  	[sflag:s6] =	ssyncset.done $0x0  }
0x73: {  	[sflag:s6] =	ssyncadd.s32 $0xFFFFF000  }
0x74: {  	[spmem:s1] =	stream.linear.scatter [tilespmem:s20], [sflag:$0x3], $0x1000, $0x38;
	[tilespmem:$0x1F800] =	vst v63  }
0x75: {  	_ =	swait.ge [sflag:s6], $0x1000  }
0x76: {  	[sflag:s6] =	ssyncset.done $0x0  }
0x77: {  	[sflag:s6] =	ssyncadd.s32 $0xFFFFF000  }
0x78: {  	[spmem:s4] =	stream.linear.scatter [tilespmem:s20], [sflag:$0x3], $0x1000, $0x38;
	[tilespmem:$0x1F800] =	vst v63  }
0x79: {  	_ =	swait.ge [sflag:s6], $0x1000  }
0x7a: {  	[sflag:s6] =	ssyncset.done $0x0  }
0x7b: {  	[sflag:s6] =	ssyncadd.s32 $0xFFFFF000  }
0x7c: {  	[bflag:$0x0] =	sbarrier.arrive $0xFFFF  }
0x7d: {  	s8 =	rddreg [dreg:$0x11]  }
0x7e: {  	s11 =	sadd.s32 $0xFFFFF800, s8  }
0x7f: {  	[tilespmem:s21], [sflag:$0x1] =	stream.linear.gather [hbm4b:s11+s3], $0x4000, $0x38;
	[tilespmem:$0x1F800] =	vst v63  }
0x80: {  	_ = 	snop  }
0x81: {  	[tilespmem:s22], [sflag:$0x2] =	stream.linear.gather [hbm4b:s8+s3], $0x4000, $0x38;
	[tilespmem:$0x1F800] =	vst v63  }
0x82: {  	_ =	swait.ge [sflag:s23], $0x4000  }
0x83: {  	[sflag:s23] =	ssyncset.done $0x0  }
0x84: {  	s12 =	simm.s32 $0x0;
	[sflag:s23] =	ssyncadd.s32 $0xFFFFC000  }
0x85: {  	[spmem:s2] =	stream.indirect.scatter.add.f32 [tilespmem:s21], [sflag:$0x3], $0x80, s12, s18, $0xb8;
	[tilespmem:$0x1F800] =	vst v63  }
0x86: {  	_ =	swait.ge [sflag:s6], $0x4000  }
0x87: {  	[sflag:s6] =	ssyncset.done $0x0  }
0x88: {  	[sflag:s6] =	ssyncadd.s32 $0xFFFFC000  }
0x89: {  	_ =	swait.ge [sflag:s19], $0x4000  }
0x8a: {  	[sflag:s19] =	ssyncset.done $0x0  }
0x8b: {  	s25 =	simm.s32 $0x80;
	[sflag:s19] =	ssyncadd.s32 $0xFFFFC000  }
0x8c: {  	[spmem:s2] =	stream.indirect.scatter.add.f32 [tilespmem:s22], [sflag:$0x3], $0x80, s25, s18, $0xb8;
	[tilespmem:$0x1F800] =	vst v63  }
0x8d: {  	s7 =	simm.s32 $0x400;
	_ =	swait.ge [sflag:s6], $0x4000  }
0x8e: {  	s9 =	simm.s32 $0x800;
	s8 =	sadd.s32 $0x1000, s8;
	[sflag:s6] =	ssyncset.done $0x0  }
.LBB2_4:
0x8f: {  	p0 =	sne.s32 s9, $0x9C00;
	s10 =	sadd.s32 $0xFFFFF800, s8;
	[sflag:s6] =	ssyncadd.s32 $0xFFFFC000  }
0x90: {  	[tilespmem:s21], [sflag:$0x1] =	stream.linear.gather [hbm4b:s10+s3], $0x4000, $0x38;
	[tilespmem:$0x1F800] =	vst v63  }
0x91: {  	s10 =	smov.u32 s9;
	s9 =	sadd.s32 $0x400, s9  }
0x92: {  	[tilespmem:s22], [sflag:$0x2] =	stream.linear.gather [hbm4b:s8+s3], $0x4000, $0x38;
	[tilespmem:$0x1F800] =	vst v63  }
0x93: {  	_ =	swait.ge [sflag:s23], $0x4000  }
0x94: {  	[sflag:s23] =	ssyncset.done $0x0  }
0x95: {  	s25 =	sshra.s32 s7, $0x2;
	s7 =	smov.u32 s10;
	[sflag:s23] =	ssyncadd.s32 $0xFFFFC000  }
0x96: {  	[spmem:s2] =	stream.indirect.scatter.add.f32 [tilespmem:s21], [sflag:$0x3], $0x80, s25, s18, $0xb8;
	[tilespmem:$0x1F800] =	vst v63  }
0x97: {  	_ =	swait.ge [sflag:s6], $0x4000  }
0x98: {  	[sflag:s6] =	ssyncset.done $0x0  }
0x99: {  	[sflag:s6] =	ssyncadd.s32 $0xFFFFC000  }
0x9a: {  	_ =	swait.ge [sflag:s19], $0x4000  }
.Ltmp1:
0x9b: {  	[sflag:s19] =	ssyncset.done $0x0;
	(pc) =	sbr.rel @p0 .LBB2_4-.Ltmp1, $4  }
0x9c: {  	s10 =	sadd.s32 $0x80, s25;
	[sflag:s19] =	ssyncadd.s32 $0xFFFFC000  }
0x9d: {  	[spmem:s2] =	stream.indirect.scatter.add.f32 [tilespmem:s22], [sflag:$0x3], $0x80, s10, s18, $0xb8;
	[tilespmem:$0x1F800] =	vst v63  }
0x9e: {  	_ =	swait.ge [sflag:s6], $0x4000  }
0x9f: {  	s8 =	sadd.s32 $0x1000, s8;
	[sflag:s6] =	ssyncset.done $0x0  }
0xa0: {  	s9 =	sadd.s32 $0xFFFFF800, s8;
	[sflag:s6] =	ssyncadd.s32 $0xFFFFC000  }
0xa1: {  	[tilespmem:s21], [sflag:$0x1] =	stream.linear.gather [hbm4b:s9+s3], $0x4000, $0x38;
	[tilespmem:$0x1F800] =	vst v63  }
0xa2: {  	_ = 	snop  }
0xa3: {  	[tilespmem:s22], [sflag:$0x2] =	stream.linear.gather [hbm4b:s8+s3], $0x4000, $0x38;
	[tilespmem:$0x1F800] =	vst v63  }
0xa4: {  	_ =	swait.ge [sflag:s23], $0x4000  }
0xa5: {  	[sflag:s23] =	ssyncset.done $0x0  }
0xa6: {  	s7 =	sshra.s32 s7, $0x2;
	[sflag:s23] =	ssyncadd.s32 $0xFFFFC000  }
0xa7: {  	[spmem:s2] =	stream.indirect.scatter.add.f32 [tilespmem:s21], [sflag:$0x3], $0x80, s7, s18, $0xb8;
	[tilespmem:$0x1F800] =	vst v63  }
0xa8: {  	_ =	swait.ge [sflag:s6], $0x4000  }
0xa9: {  	[sflag:s6] =	ssyncset.done $0x0  }
0xaa: {  	[sflag:s6] =	ssyncadd.s32 $0xFFFFC000  }
0xab: {  	_ =	swait.ge [sflag:s19], $0x4000  }
0xac: {  	[sflag:s19] =	ssyncset.done $0x0  }
0xad: {  	s7 =	sadd.s32 $0x80, s7;
	[sflag:s19] =	ssyncadd.s32 $0xFFFFC000  }
0xae: {  	[spmem:s2] =	stream.indirect.scatter.add.f32 [tilespmem:s22], [sflag:$0x3], $0x80, s7, s18, $0xb8;
	[tilespmem:$0x1F800] =	vst v63  }
0xaf: {  	_ =	swait.ge [sflag:s6], $0x4000  }
0xb0: {  	[sflag:s6] =	ssyncset.done $0x0  }
0xb1: {  	s10 =	stileid.u32;
	[sflag:s6] =	ssyncadd.s32 $0xFFFFC000  }
0xb2: {  	s7 =	sshll.u32 s10, $0x6;
	[bflag:$0x0] =	sbarrier.arrive $0xFFFF  }
0xb3: {  	s25 =	sor.u32 $0x1C03, s7;
	s7 =	sshrl.u32 s5, $0x3;
	s11 =	rddreg [dreg:$0xd]  }
0xb4: {  	[hbm:s11], [sflag:s25] =	dma.local [spmem:s7], $0x2800  }
0xb5: {  	_ =	swait.ge [sflag:s6], $0x2800  }
0xb6: {  	[sflag:s6] =	ssyncset.done $0x0  }
0xb7: {  	[sflag:s6] =	ssyncadd.s32 $0xFFFFD800  }
0xb8: {  	[spmem:s5] =	stream.linear.scatter [tilespmem:s20], [sflag:$0x3], $0x1000, $0x38;
	[tilespmem:$0x1F800] =	vst v63  }
0xb9: {  	_ =	swait.ge [sflag:s6], $0x1000  }
0xba: {  	[sflag:s6] =	ssyncset.done $0x0  }
0xbb: {  	s12 =	rddreg [dreg:$0x5];
	[sflag:s6] =	ssyncadd.s32 $0xFFFFF000  }
0xbc: {  	[spmem:s12] =	stream.linear.scatter [tilespmem:s20], [sflag:$0x3], $0x1000, $0x38;
	[tilespmem:$0x1F800] =	vst v63  }
0xbd: {  	_ =	swait.ge [sflag:s6], $0x1000  }
0xbe: {  	[sflag:s6] =	ssyncset.done $0x0  }
0xbf: {  	s9 =	rddreg [dreg:$0x6];
	[sflag:s6] =	ssyncadd.s32 $0xFFFFF000  }
0xc0: {  	[spmem:s9] =	stream.linear.scatter [tilespmem:s20], [sflag:$0x3], $0x1000, $0x38;
	[tilespmem:$0x1F800] =	vst v63  }
0xc1: {  	_ =	swait.ge [sflag:s6], $0x1000  }
0xc2: {  	[sflag:s6] =	ssyncset.done $0x0  }
0xc3: {  	s10 =	rddreg [dreg:$0x7];
	[sflag:s6] =	ssyncadd.s32 $0xFFFFF000  }
0xc4: {  	[spmem:s10] =	stream.linear.scatter [tilespmem:s20], [sflag:$0x3], $0x1000, $0x38;
	[tilespmem:$0x1F800] =	vst v63  }
0xc5: {  	_ =	swait.ge [sflag:s6], $0x1000  }
0xc6: {  	[sflag:s6] =	ssyncset.done $0x0  }
0xc7: {  	s11 =	rddreg [dreg:$0x8];
	[sflag:s6] =	ssyncadd.s32 $0xFFFFF000  }
0xc8: {  	[spmem:s11] =	stream.linear.scatter [tilespmem:s20], [sflag:$0x3], $0x1000, $0x38;
	[tilespmem:$0x1F800] =	vst v63  }
0xc9: {  	_ =	swait.ge [sflag:s6], $0x1000  }
0xca: {  	[sflag:s6] =	ssyncset.done $0x0  }
0xcb: {  	s12 =	rddreg [dreg:$0x9];
	[sflag:s6] =	ssyncadd.s32 $0xFFFFF000  }
0xcc: {  	[spmem:s12] =	stream.linear.scatter [tilespmem:s20], [sflag:$0x3], $0x1000, $0x38;
	[tilespmem:$0x1F800] =	vst v63  }
0xcd: {  	_ =	swait.ge [sflag:s6], $0x1000  }
0xce: {  	[sflag:s6] =	ssyncset.done $0x0  }
0xcf: {  	s9 =	rddreg [dreg:$0xa];
	[sflag:s6] =	ssyncadd.s32 $0xFFFFF000  }
0xd0: {  	[spmem:s9] =	stream.linear.scatter [tilespmem:s20], [sflag:$0x3], $0x1000, $0x38;
	[tilespmem:$0x1F800] =	vst v63  }
0xd1: {  	_ =	swait.ge [sflag:s6], $0x1000  }
0xd2: {  	[sflag:s6] =	ssyncset.done $0x0  }
0xd3: {  	[sflag:s6] =	ssyncadd.s32 $0xFFFFF000  }
0xd4: {  	[spmem:s13] =	stream.linear.scatter [tilespmem:s20], [sflag:$0x3], $0x1000, $0x38;
	[tilespmem:$0x1F800] =	vst v63  }
0xd5: {  	_ =	swait.ge [sflag:s6], $0x1000  }
0xd6: {  	[sflag:s6] =	ssyncset.done $0x0  }
0xd7: {  	[sflag:s6] =	ssyncadd.s32 $0xFFFFF000  }
0xd8: {  	[spmem:s14] =	stream.linear.scatter [tilespmem:s20], [sflag:$0x3], $0x1000, $0x38;
	[tilespmem:$0x1F800] =	vst v63  }
0xd9: {  	_ =	swait.ge [sflag:s6], $0x1000  }
0xda: {  	[sflag:s6] =	ssyncset.done $0x0  }
0xdb: {  	[sflag:s6] =	ssyncadd.s32 $0xFFFFF000  }
0xdc: {  	[spmem:s15] =	stream.linear.scatter [tilespmem:s20], [sflag:$0x3], $0x1000, $0x38;
	[tilespmem:$0x1F800] =	vst v63  }
0xdd: {  	_ =	swait.ge [sflag:s6], $0x1000  }
0xde: {  	[sflag:s6] =	ssyncset.done $0x0  }
0xdf: {  	[sflag:s6] =	ssyncadd.s32 $0xFFFFF000  }
0xe0: {  	[spmem:s16] =	stream.linear.scatter [tilespmem:s20], [sflag:$0x3], $0x1000, $0x38;
	[tilespmem:$0x1F800] =	vst v63  }
0xe1: {  	_ =	swait.ge [sflag:s6], $0x1000  }
0xe2: {  	[sflag:s6] =	ssyncset.done $0x0  }
0xe3: {  	[sflag:s6] =	ssyncadd.s32 $0xFFFFF000  }
0xe4: {  	[spmem:s17] =	stream.linear.scatter [tilespmem:s20], [sflag:$0x3], $0x1000, $0x38;
	[tilespmem:$0x1F800] =	vst v63  }
0xe5: {  	_ =	swait.ge [sflag:s6], $0x1000  }
0xe6: {  	[sflag:s6] =	ssyncset.done $0x0  }
0xe7: {  	[sflag:s6] =	ssyncadd.s32 $0xFFFFF000  }
0xe8: {  	[spmem:s26] =	stream.linear.scatter [tilespmem:s20], [sflag:$0x3], $0x1000, $0x38;
	[tilespmem:$0x1F800] =	vst v63  }
0xe9: {  	_ =	swait.ge [sflag:s6], $0x1000  }
0xea: {  	[sflag:s6] =	ssyncset.done $0x0  }
0xeb: {  	[sflag:s6] =	ssyncadd.s32 $0xFFFFF000  }
0xec: {  	[spmem:s28] =	stream.linear.scatter [tilespmem:s20], [sflag:$0x3], $0x1000, $0x38;
	[tilespmem:$0x1F800] =	vst v63  }
0xed: {  	_ =	swait.ge [sflag:s6], $0x1000  }
0xee: {  	[sflag:s6] =	ssyncset.done $0x0  }
0xef: {  	[sflag:s6] =	ssyncadd.s32 $0xFFFFF000  }
0xf0: {  	[spmem:s29] =	stream.linear.scatter [tilespmem:s20], [sflag:$0x3], $0x1000, $0x38;
	[tilespmem:$0x1F800] =	vst v63  }
0xf1: {  	_ =	swait.ge [sflag:s6], $0x1000  }
0xf2: {  	[sflag:s6] =	ssyncset.done $0x0  }
0xf3: {  	[sflag:s6] =	ssyncadd.s32 $0xFFFFF000  }
0xf4: {  	[spmem:s30] =	stream.linear.scatter [tilespmem:s20], [sflag:$0x3], $0x1000, $0x38;
	[tilespmem:$0x1F800] =	vst v63  }
0xf5: {  	_ =	swait.ge [sflag:s6], $0x1000  }
0xf6: {  	[sflag:s6] =	ssyncset.done $0x0  }
0xf7: {  	[sflag:s6] =	ssyncadd.s32 $0xFFFFF000  }
0xf8: {  	[spmem:s31] =	stream.linear.scatter [tilespmem:s20], [sflag:$0x3], $0x1000, $0x38;
	[tilespmem:$0x1F800] =	vst v63  }
0xf9: {  	_ =	swait.ge [sflag:s6], $0x1000  }
0xfa: {  	[sflag:s6] =	ssyncset.done $0x0  }
0xfb: {  	[sflag:s6] =	ssyncadd.s32 $0xFFFFF000  }
0xfc: {  	[spmem:s0] =	stream.linear.scatter [tilespmem:s20], [sflag:$0x3], $0x1000, $0x38;
	[tilespmem:$0x1F800] =	vst v63  }
0xfd: {  	_ =	swait.ge [sflag:s6], $0x1000  }
0xfe: {  	[sflag:s6] =	ssyncset.done $0x0  }
0xff: {  	[sflag:s6] =	ssyncadd.s32 $0xFFFFF000  }
0x100: {  	[spmem:s1] =	stream.linear.scatter [tilespmem:s20], [sflag:$0x3], $0x1000, $0x38;
	[tilespmem:$0x1F800] =	vst v63  }
0x101: {  	_ =	swait.ge [sflag:s6], $0x1000  }
0x102: {  	[sflag:s6] =	ssyncset.done $0x0  }
0x103: {  	[sflag:s6] =	ssyncadd.s32 $0xFFFFF000  }
0x104: {  	[spmem:s4] =	stream.linear.scatter [tilespmem:s20], [sflag:$0x3], $0x1000, $0x38;
	[tilespmem:$0x1F800] =	vst v63  }
0x105: {  	_ =	swait.ge [sflag:s6], $0x1000  }
0x106: {  	[sflag:s6] =	ssyncset.done $0x0  }
0x107: {  	[sflag:s6] =	ssyncadd.s32 $0xFFFFF000  }
0x108: {  	[bflag:$0x0] =	sbarrier.arrive $0xFFFF  }
0x109: {  	s9 =	rddreg [dreg:$0xb]  }
0x10a: {  	s10 =	sadd.s32 $0xFFFFF800, s9  }
0x10b: {  	[tilespmem:s21], [sflag:$0x1] =	stream.linear.gather [hbm4b:s10+s3], $0x4000, $0x38;
	[tilespmem:$0x1F800] =	vst v63  }
0x10c: {  	_ = 	snop  }
0x10d: {  	[tilespmem:s22], [sflag:$0x2] =	stream.linear.gather [hbm4b:s9+s3], $0x4000, $0x38;
	[tilespmem:$0x1F800] =	vst v63  }
0x10e: {  	_ =	swait.ge [sflag:s23], $0x4000  }
0x10f: {  	[sflag:s23] =	ssyncset.done $0x0  }
0x110: {  	s11 =	simm.s32 $0x0;
	[sflag:s23] =	ssyncadd.s32 $0xFFFFC000  }
0x111: {  	[spmem:s2] =	stream.indirect.scatter.add.f32 [tilespmem:s21], [sflag:$0x3], $0x80, s11, s18, $0xb8;
	[tilespmem:$0x1F800] =	vst v63  }
0x112: {  	_ =	swait.ge [sflag:s6], $0x4000  }
0x113: {  	[sflag:s6] =	ssyncset.done $0x0  }
0x114: {  	[sflag:s6] =	ssyncadd.s32 $0xFFFFC000  }
0x115: {  	_ =	swait.ge [sflag:s19], $0x4000  }
0x116: {  	[sflag:s19] =	ssyncset.done $0x0  }
0x117: {  	s12 =	simm.s32 $0x80;
	[sflag:s19] =	ssyncadd.s32 $0xFFFFC000  }
0x118: {  	[spmem:s2] =	stream.indirect.scatter.add.f32 [tilespmem:s22], [sflag:$0x3], $0x80, s12, s18, $0xb8;
	[tilespmem:$0x1F800] =	vst v63  }
0x119: {  	s8 =	simm.s32 $0x400;
	_ =	swait.ge [sflag:s6], $0x4000  }
0x11a: {  	s10 =	simm.s32 $0x800;
	s9 =	sadd.s32 $0x1000, s9;
	[sflag:s6] =	ssyncset.done $0x0  }
.LBB2_6:
0x11b: {  	p0 =	sne.s32 s10, $0x9C00;
	s11 =	sadd.s32 $0xFFFFF800, s9;
	[sflag:s6] =	ssyncadd.s32 $0xFFFFC000  }
0x11c: {  	[tilespmem:s21], [sflag:$0x1] =	stream.linear.gather [hbm4b:s11+s3], $0x4000, $0x38;
	[tilespmem:$0x1F800] =	vst v63  }
0x11d: {  	s11 =	smov.u32 s10;
	s10 =	sadd.s32 $0x400, s10  }
0x11e: {  	[tilespmem:s22], [sflag:$0x2] =	stream.linear.gather [hbm4b:s9+s3], $0x4000, $0x38;
	[tilespmem:$0x1F800] =	vst v63  }
0x11f: {  	_ =	swait.ge [sflag:s23], $0x4000  }
0x120: {  	[sflag:s23] =	ssyncset.done $0x0  }
0x121: {  	s12 =	sshra.s32 s8, $0x2;
	s8 =	smov.u32 s11;
	[sflag:s23] =	ssyncadd.s32 $0xFFFFC000  }
0x122: {  	[spmem:s2] =	stream.indirect.scatter.add.f32 [tilespmem:s21], [sflag:$0x3], $0x80, s12, s18, $0xb8;
	[tilespmem:$0x1F800] =	vst v63  }
0x123: {  	_ =	swait.ge [sflag:s6], $0x4000  }
0x124: {  	[sflag:s6] =	ssyncset.done $0x0  }
0x125: {  	[sflag:s6] =	ssyncadd.s32 $0xFFFFC000  }
0x126: {  	_ =	swait.ge [sflag:s19], $0x4000  }
.Ltmp2:
0x127: {  	[sflag:s19] =	ssyncset.done $0x0;
	(pc) =	sbr.rel @p0 .LBB2_6-.Ltmp2, $4  }
0x128: {  	s11 =	sadd.s32 $0x80, s12;
	[sflag:s19] =	ssyncadd.s32 $0xFFFFC000  }
0x129: {  	[spmem:s2] =	stream.indirect.scatter.add.f32 [tilespmem:s22], [sflag:$0x3], $0x80, s11, s18, $0xb8;
	[tilespmem:$0x1F800] =	vst v63  }
0x12a: {  	_ =	swait.ge [sflag:s6], $0x4000  }
0x12b: {  	s9 =	sadd.s32 $0x1000, s9;
	[sflag:s6] =	ssyncset.done $0x0  }
0x12c: {  	s10 =	sadd.s32 $0xFFFFF800, s9;
	[sflag:s6] =	ssyncadd.s32 $0xFFFFC000  }
0x12d: {  	[tilespmem:s21], [sflag:$0x1] =	stream.linear.gather [hbm4b:s10+s3], $0x4000, $0x38;
	[tilespmem:$0x1F800] =	vst v63  }
0x12e: {  	_ = 	snop  }
0x12f: {  	[tilespmem:s22], [sflag:$0x2] =	stream.linear.gather [hbm4b:s9+s3], $0x4000, $0x38;
	[tilespmem:$0x1F800] =	vst v63  }
0x130: {  	_ =	swait.ge [sflag:s23], $0x4000  }
0x131: {  	[sflag:s23] =	ssyncset.done $0x0  }
0x132: {  	s8 =	sshra.s32 s8, $0x2;
	[sflag:s23] =	ssyncadd.s32 $0xFFFFC000  }
0x133: {  	[spmem:s2] =	stream.indirect.scatter.add.f32 [tilespmem:s21], [sflag:$0x3], $0x80, s8, s18, $0xb8;
	[tilespmem:$0x1F800] =	vst v63  }
0x134: {  	_ =	swait.ge [sflag:s6], $0x4000  }
0x135: {  	[sflag:s6] =	ssyncset.done $0x0  }
0x136: {  	[sflag:s6] =	ssyncadd.s32 $0xFFFFC000  }
0x137: {  	_ =	swait.ge [sflag:s19], $0x4000  }
0x138: {  	[sflag:s19] =	ssyncset.done $0x0  }
0x139: {  	s8 =	sadd.s32 $0x80, s8;
	[sflag:s19] =	ssyncadd.s32 $0xFFFFC000  }
0x13a: {  	[spmem:s2] =	stream.indirect.scatter.add.f32 [tilespmem:s22], [sflag:$0x3], $0x80, s8, s18, $0xb8;
	[tilespmem:$0x1F800] =	vst v63  }
0x13b: {  	_ =	swait.ge [sflag:s6], $0x4000  }
0x13c: {  	[sflag:s6] =	ssyncset.done $0x0  }
0x13d: {  	[sflag:s6] =	ssyncadd.s32 $0xFFFFC000  }
0x13e: {  	[bflag:$0x0] =	sbarrier.arrive $0xFFFF  }
0x13f: {  	s11 =	rddreg [dreg:$0xe]  }
0x140: {  	[hbm:s11], [sflag:s25] =	dma.local [spmem:s7], $0x2800  }
0x141: {  	_ =	swait.ge [sflag:s6], $0x2800  }
0x142: {  	[sflag:s6] =	ssyncset.done $0x0  }
0x143: {  	[sflag:s6] =	ssyncadd.s32 $0xFFFFD800  }
0x144: {  	[spmem:s5] =	stream.linear.scatter [tilespmem:s20], [sflag:$0x3], $0x1000, $0x38;
	[tilespmem:$0x1F800] =	vst v63  }
0x145: {  	_ =	swait.ge [sflag:s6], $0x1000  }
0x146: {  	[sflag:s6] =	ssyncset.done $0x0  }
0x147: {  	s12 =	rddreg [dreg:$0x5];
	[sflag:s6] =	ssyncadd.s32 $0xFFFFF000  }
0x148: {  	[spmem:s12] =	stream.linear.scatter [tilespmem:s20], [sflag:$0x3], $0x1000, $0x38;
	[tilespmem:$0x1F800] =	vst v63  }
0x149: {  	_ =	swait.ge [sflag:s6], $0x1000  }
0x14a: {  	[sflag:s6] =	ssyncset.done $0x0  }
0x14b: {  	s9 =	rddreg [dreg:$0x6];
	[sflag:s6] =	ssyncadd.s32 $0xFFFFF000  }
0x14c: {  	[spmem:s9] =	stream.linear.scatter [tilespmem:s20], [sflag:$0x3], $0x1000, $0x38;
	[tilespmem:$0x1F800] =	vst v63  }
0x14d: {  	_ =	swait.ge [sflag:s6], $0x1000  }
0x14e: {  	[sflag:s6] =	ssyncset.done $0x0  }
0x14f: {  	s10 =	rddreg [dreg:$0x7];
	[sflag:s6] =	ssyncadd.s32 $0xFFFFF000  }
0x150: {  	[spmem:s10] =	stream.linear.scatter [tilespmem:s20], [sflag:$0x3], $0x1000, $0x38;
	[tilespmem:$0x1F800] =	vst v63  }
0x151: {  	_ =	swait.ge [sflag:s6], $0x1000  }
0x152: {  	[sflag:s6] =	ssyncset.done $0x0  }
0x153: {  	s11 =	rddreg [dreg:$0x8];
	[sflag:s6] =	ssyncadd.s32 $0xFFFFF000  }
0x154: {  	[spmem:s11] =	stream.linear.scatter [tilespmem:s20], [sflag:$0x3], $0x1000, $0x38;
	[tilespmem:$0x1F800] =	vst v63  }
0x155: {  	_ =	swait.ge [sflag:s6], $0x1000  }
0x156: {  	[sflag:s6] =	ssyncset.done $0x0  }
0x157: {  	s12 =	rddreg [dreg:$0x9];
	[sflag:s6] =	ssyncadd.s32 $0xFFFFF000  }
0x158: {  	[spmem:s12] =	stream.linear.scatter [tilespmem:s20], [sflag:$0x3], $0x1000, $0x38;
	[tilespmem:$0x1F800] =	vst v63  }
0x159: {  	_ =	swait.ge [sflag:s6], $0x1000  }
0x15a: {  	[sflag:s6] =	ssyncset.done $0x0  }
0x15b: {  	s9 =	rddreg [dreg:$0xa];
	[sflag:s6] =	ssyncadd.s32 $0xFFFFF000  }
0x15c: {  	[spmem:s9] =	stream.linear.scatter [tilespmem:s20], [sflag:$0x3], $0x1000, $0x38;
	[tilespmem:$0x1F800] =	vst v63  }
0x15d: {  	_ =	swait.ge [sflag:s6], $0x1000  }
0x15e: {  	[sflag:s6] =	ssyncset.done $0x0  }
0x15f: {  	[sflag:s6] =	ssyncadd.s32 $0xFFFFF000  }
0x160: {  	[spmem:s13] =	stream.linear.scatter [tilespmem:s20], [sflag:$0x3], $0x1000, $0x38;
	[tilespmem:$0x1F800] =	vst v63  }
0x161: {  	_ =	swait.ge [sflag:s6], $0x1000  }
0x162: {  	[sflag:s6] =	ssyncset.done $0x0  }
0x163: {  	[sflag:s6] =	ssyncadd.s32 $0xFFFFF000  }
0x164: {  	[spmem:s14] =	stream.linear.scatter [tilespmem:s20], [sflag:$0x3], $0x1000, $0x38;
	[tilespmem:$0x1F800] =	vst v63  }
0x165: {  	_ =	swait.ge [sflag:s6], $0x1000  }
0x166: {  	[sflag:s6] =	ssyncset.done $0x0  }
0x167: {  	[sflag:s6] =	ssyncadd.s32 $0xFFFFF000  }
0x168: {  	[spmem:s15] =	stream.linear.scatter [tilespmem:s20], [sflag:$0x3], $0x1000, $0x38;
	[tilespmem:$0x1F800] =	vst v63  }
0x169: {  	_ =	swait.ge [sflag:s6], $0x1000  }
0x16a: {  	[sflag:s6] =	ssyncset.done $0x0  }
0x16b: {  	[sflag:s6] =	ssyncadd.s32 $0xFFFFF000  }
0x16c: {  	[spmem:s16] =	stream.linear.scatter [tilespmem:s20], [sflag:$0x3], $0x1000, $0x38;
	[tilespmem:$0x1F800] =	vst v63  }
0x16d: {  	_ =	swait.ge [sflag:s6], $0x1000  }
0x16e: {  	[sflag:s6] =	ssyncset.done $0x0  }
0x16f: {  	[sflag:s6] =	ssyncadd.s32 $0xFFFFF000  }
0x170: {  	[spmem:s17] =	stream.linear.scatter [tilespmem:s20], [sflag:$0x3], $0x1000, $0x38;
	[tilespmem:$0x1F800] =	vst v63  }
0x171: {  	_ =	swait.ge [sflag:s6], $0x1000  }
0x172: {  	[sflag:s6] =	ssyncset.done $0x0  }
0x173: {  	[sflag:s6] =	ssyncadd.s32 $0xFFFFF000  }
0x174: {  	[spmem:s26] =	stream.linear.scatter [tilespmem:s20], [sflag:$0x3], $0x1000, $0x38;
	[tilespmem:$0x1F800] =	vst v63  }
0x175: {  	_ =	swait.ge [sflag:s6], $0x1000  }
0x176: {  	[sflag:s6] =	ssyncset.done $0x0  }
0x177: {  	[sflag:s6] =	ssyncadd.s32 $0xFFFFF000  }
0x178: {  	[spmem:s28] =	stream.linear.scatter [tilespmem:s20], [sflag:$0x3], $0x1000, $0x38;
	[tilespmem:$0x1F800] =	vst v63  }
0x179: {  	_ =	swait.ge [sflag:s6], $0x1000  }
0x17a: {  	[sflag:s6] =	ssyncset.done $0x0  }
0x17b: {  	[sflag:s6] =	ssyncadd.s32 $0xFFFFF000  }
0x17c: {  	[spmem:s29] =	stream.linear.scatter [tilespmem:s20], [sflag:$0x3], $0x1000, $0x38;
	[tilespmem:$0x1F800] =	vst v63  }
0x17d: {  	_ =	swait.ge [sflag:s6], $0x1000  }
0x17e: {  	[sflag:s6] =	ssyncset.done $0x0  }
0x17f: {  	[sflag:s6] =	ssyncadd.s32 $0xFFFFF000  }
0x180: {  	[spmem:s30] =	stream.linear.scatter [tilespmem:s20], [sflag:$0x3], $0x1000, $0x38;
	[tilespmem:$0x1F800] =	vst v63  }
0x181: {  	_ =	swait.ge [sflag:s6], $0x1000  }
0x182: {  	[sflag:s6] =	ssyncset.done $0x0  }
0x183: {  	[sflag:s6] =	ssyncadd.s32 $0xFFFFF000  }
0x184: {  	[spmem:s31] =	stream.linear.scatter [tilespmem:s20], [sflag:$0x3], $0x1000, $0x38;
	[tilespmem:$0x1F800] =	vst v63  }
0x185: {  	_ =	swait.ge [sflag:s6], $0x1000  }
0x186: {  	[sflag:s6] =	ssyncset.done $0x0  }
0x187: {  	[sflag:s6] =	ssyncadd.s32 $0xFFFFF000  }
0x188: {  	[spmem:s0] =	stream.linear.scatter [tilespmem:s20], [sflag:$0x3], $0x1000, $0x38;
	[tilespmem:$0x1F800] =	vst v63  }
0x189: {  	_ =	swait.ge [sflag:s6], $0x1000  }
0x18a: {  	[sflag:s6] =	ssyncset.done $0x0  }
0x18b: {  	[sflag:s6] =	ssyncadd.s32 $0xFFFFF000  }
0x18c: {  	[spmem:s1] =	stream.linear.scatter [tilespmem:s20], [sflag:$0x3], $0x1000, $0x38;
	[tilespmem:$0x1F800] =	vst v63  }
0x18d: {  	_ =	swait.ge [sflag:s6], $0x1000  }
0x18e: {  	[sflag:s6] =	ssyncset.done $0x0  }
0x18f: {  	[sflag:s6] =	ssyncadd.s32 $0xFFFFF000  }
0x190: {  	[spmem:s4] =	stream.linear.scatter [tilespmem:s20], [sflag:$0x3], $0x1000, $0x38;
	[tilespmem:$0x1F800] =	vst v63  }
0x191: {  	_ =	swait.ge [sflag:s6], $0x1000  }
0x192: {  	[sflag:s6] =	ssyncset.done $0x0  }
0x193: {  	[sflag:s6] =	ssyncadd.s32 $0xFFFFF000  }
0x194: {  	[bflag:$0x0] =	sbarrier.arrive $0xFFFF  }
0x195: {  	s9 =	rddreg [dreg:$0xc]  }
0x196: {  	s10 =	sadd.s32 $0xFFFFF800, s9  }
0x197: {  	[tilespmem:s21], [sflag:$0x1] =	stream.linear.gather [hbm4b:s10+s3], $0x4000, $0x38;
	[tilespmem:$0x1F800] =	vst v63  }
0x198: {  	_ = 	snop  }
0x199: {  	[tilespmem:s22], [sflag:$0x2] =	stream.linear.gather [hbm4b:s9+s3], $0x4000, $0x38;
	[tilespmem:$0x1F800] =	vst v63  }
0x19a: {  	_ =	swait.ge [sflag:s23], $0x4000  }
0x19b: {  	[sflag:s23] =	ssyncset.done $0x0  }
0x19c: {  	s11 =	simm.s32 $0x0;
	[sflag:s23] =	ssyncadd.s32 $0xFFFFC000  }
0x19d: {  	[spmem:s2] =	stream.indirect.scatter.add.f32 [tilespmem:s21], [sflag:$0x3], $0x80, s11, s18, $0xb8;
	[tilespmem:$0x1F800] =	vst v63  }
0x19e: {  	_ =	swait.ge [sflag:s6], $0x4000  }
0x19f: {  	[sflag:s6] =	ssyncset.done $0x0  }
0x1a0: {  	[sflag:s6] =	ssyncadd.s32 $0xFFFFC000  }
0x1a1: {  	_ =	swait.ge [sflag:s19], $0x4000  }
0x1a2: {  	[sflag:s19] =	ssyncset.done $0x0  }
0x1a3: {  	s12 =	simm.s32 $0x80;
	[sflag:s19] =	ssyncadd.s32 $0xFFFFC000  }
0x1a4: {  	[spmem:s2] =	stream.indirect.scatter.add.f32 [tilespmem:s22], [sflag:$0x3], $0x80, s12, s18, $0xb8;
	[tilespmem:$0x1F800] =	vst v63  }
0x1a5: {  	s8 =	simm.s32 $0x400;
	_ =	swait.ge [sflag:s6], $0x4000  }
0x1a6: {  	s10 =	simm.s32 $0x800;
	s9 =	sadd.s32 $0x1000, s9;
	[sflag:s6] =	ssyncset.done $0x0  }
.LBB2_8:
0x1a7: {  	p0 =	sne.s32 s10, $0x9C00;
	s11 =	sadd.s32 $0xFFFFF800, s9;
	[sflag:s6] =	ssyncadd.s32 $0xFFFFC000  }
0x1a8: {  	[tilespmem:s21], [sflag:$0x1] =	stream.linear.gather [hbm4b:s11+s3], $0x4000, $0x38;
	[tilespmem:$0x1F800] =	vst v63  }
0x1a9: {  	s11 =	smov.u32 s10;
	s10 =	sadd.s32 $0x400, s10  }
0x1aa: {  	[tilespmem:s22], [sflag:$0x2] =	stream.linear.gather [hbm4b:s9+s3], $0x4000, $0x38;
	[tilespmem:$0x1F800] =	vst v63  }
0x1ab: {  	_ =	swait.ge [sflag:s23], $0x4000  }
0x1ac: {  	[sflag:s23] =	ssyncset.done $0x0  }
0x1ad: {  	s12 =	sshra.s32 s8, $0x2;
	s8 =	smov.u32 s11;
	[sflag:s23] =	ssyncadd.s32 $0xFFFFC000  }
0x1ae: {  	[spmem:s2] =	stream.indirect.scatter.add.f32 [tilespmem:s21], [sflag:$0x3], $0x80, s12, s18, $0xb8;
	[tilespmem:$0x1F800] =	vst v63  }
0x1af: {  	_ =	swait.ge [sflag:s6], $0x4000  }
0x1b0: {  	[sflag:s6] =	ssyncset.done $0x0  }
0x1b1: {  	[sflag:s6] =	ssyncadd.s32 $0xFFFFC000  }
0x1b2: {  	_ =	swait.ge [sflag:s19], $0x4000  }
.Ltmp3:
0x1b3: {  	[sflag:s19] =	ssyncset.done $0x0;
	(pc) =	sbr.rel @p0 .LBB2_8-.Ltmp3, $4  }
0x1b4: {  	s11 =	sadd.s32 $0x80, s12;
	[sflag:s19] =	ssyncadd.s32 $0xFFFFC000  }
0x1b5: {  	[spmem:s2] =	stream.indirect.scatter.add.f32 [tilespmem:s22], [sflag:$0x3], $0x80, s11, s18, $0xb8;
	[tilespmem:$0x1F800] =	vst v63  }
0x1b6: {  	_ =	swait.ge [sflag:s6], $0x4000  }
0x1b7: {  	s9 =	sadd.s32 $0x1000, s9;
	[sflag:s6] =	ssyncset.done $0x0  }
0x1b8: {  	s10 =	sadd.s32 $0xFFFFF800, s9;
	[sflag:s6] =	ssyncadd.s32 $0xFFFFC000  }
0x1b9: {  	[tilespmem:s21], [sflag:$0x1] =	stream.linear.gather [hbm4b:s10+s3], $0x4000, $0x38;
	[tilespmem:$0x1F800] =	vst v63  }
0x1ba: {  	_ = 	snop  }
0x1bb: {  	[tilespmem:s22], [sflag:$0x2] =	stream.linear.gather [hbm4b:s9+s3], $0x4000, $0x38;
	[tilespmem:$0x1F800] =	vst v63  }
0x1bc: {  	_ =	swait.ge [sflag:s23], $0x4000  }
0x1bd: {  	[sflag:s23] =	ssyncset.done $0x0  }
0x1be: {  	s8 =	sshra.s32 s8, $0x2;
	[sflag:s23] =	ssyncadd.s32 $0xFFFFC000  }
0x1bf: {  	[spmem:s2] =	stream.indirect.scatter.add.f32 [tilespmem:s21], [sflag:$0x3], $0x80, s8, s18, $0xb8;
	[tilespmem:$0x1F800] =	vst v63  }
0x1c0: {  	_ =	swait.ge [sflag:s6], $0x4000  }
0x1c1: {  	[sflag:s6] =	ssyncset.done $0x0  }
0x1c2: {  	[sflag:s6] =	ssyncadd.s32 $0xFFFFC000  }
0x1c3: {  	_ =	swait.ge [sflag:s19], $0x4000  }
0x1c4: {  	[sflag:s19] =	ssyncset.done $0x0  }
0x1c5: {  	s8 =	sadd.s32 $0x80, s8;
	[sflag:s19] =	ssyncadd.s32 $0xFFFFC000  }
0x1c6: {  	[spmem:s2] =	stream.indirect.scatter.add.f32 [tilespmem:s22], [sflag:$0x3], $0x80, s8, s18, $0xb8;
	[tilespmem:$0x1F800] =	vst v63  }
0x1c7: {  	_ =	swait.ge [sflag:s6], $0x4000  }
0x1c8: {  	[sflag:s6] =	ssyncset.done $0x0  }
0x1c9: {  	[sflag:s6] =	ssyncadd.s32 $0xFFFFC000  }
0x1ca: {  	[bflag:$0x0] =	sbarrier.arrive $0xFFFF  }
0x1cb: {  	s11 =	rddreg [dreg:$0xf]  }
0x1cc: {  	[hbm:s11], [sflag:s25] =	dma.local [spmem:s7], $0x2800  }
0x1cd: {  	_ =	swait.ge [sflag:s6], $0x2800  }
0x1ce: {  	[sflag:s6] =	ssyncset.done $0x0  }
0x1cf: {  	[sflag:s6] =	ssyncadd.s32 $0xFFFFD800  }
0x1d0: {  	[spmem:s5] =	stream.linear.scatter [tilespmem:s20], [sflag:$0x3], $0x1000, $0x38;
	[tilespmem:$0x1F800] =	vst v63  }
0x1d1: {  	_ =	swait.ge [sflag:s6], $0x1000  }
0x1d2: {  	[sflag:s6] =	ssyncset.done $0x0  }
0x1d3: {  	s12 =	rddreg [dreg:$0x5];
	[sflag:s6] =	ssyncadd.s32 $0xFFFFF000  }
0x1d4: {  	[spmem:s12] =	stream.linear.scatter [tilespmem:s20], [sflag:$0x3], $0x1000, $0x38;
	[tilespmem:$0x1F800] =	vst v63  }
0x1d5: {  	_ =	swait.ge [sflag:s6], $0x1000  }
0x1d6: {  	[sflag:s6] =	ssyncset.done $0x0  }
0x1d7: {  	s9 =	rddreg [dreg:$0x6];
	[sflag:s6] =	ssyncadd.s32 $0xFFFFF000  }
0x1d8: {  	[spmem:s9] =	stream.linear.scatter [tilespmem:s20], [sflag:$0x3], $0x1000, $0x38;
	[tilespmem:$0x1F800] =	vst v63  }
0x1d9: {  	_ =	swait.ge [sflag:s6], $0x1000  }
0x1da: {  	[sflag:s6] =	ssyncset.done $0x0  }
0x1db: {  	s10 =	rddreg [dreg:$0x7];
	[sflag:s6] =	ssyncadd.s32 $0xFFFFF000  }
0x1dc: {  	[spmem:s10] =	stream.linear.scatter [tilespmem:s20], [sflag:$0x3], $0x1000, $0x38;
	[tilespmem:$0x1F800] =	vst v63  }
0x1dd: {  	_ =	swait.ge [sflag:s6], $0x1000  }
0x1de: {  	[sflag:s6] =	ssyncset.done $0x0  }
0x1df: {  	s11 =	rddreg [dreg:$0x8];
	[sflag:s6] =	ssyncadd.s32 $0xFFFFF000  }
0x1e0: {  	[spmem:s11] =	stream.linear.scatter [tilespmem:s20], [sflag:$0x3], $0x1000, $0x38;
	[tilespmem:$0x1F800] =	vst v63  }
0x1e1: {  	_ =	swait.ge [sflag:s6], $0x1000  }
0x1e2: {  	[sflag:s6] =	ssyncset.done $0x0  }
0x1e3: {  	s12 =	rddreg [dreg:$0x9];
	[sflag:s6] =	ssyncadd.s32 $0xFFFFF000  }
0x1e4: {  	[spmem:s12] =	stream.linear.scatter [tilespmem:s20], [sflag:$0x3], $0x1000, $0x38;
	[tilespmem:$0x1F800] =	vst v63  }
0x1e5: {  	_ =	swait.ge [sflag:s6], $0x1000  }
0x1e6: {  	[sflag:s6] =	ssyncset.done $0x0  }
0x1e7: {  	s9 =	rddreg [dreg:$0xa];
	[sflag:s6] =	ssyncadd.s32 $0xFFFFF000  }
0x1e8: {  	[spmem:s9] =	stream.linear.scatter [tilespmem:s20], [sflag:$0x3], $0x1000, $0x38;
	[tilespmem:$0x1F800] =	vst v63  }
0x1e9: {  	_ =	swait.ge [sflag:s6], $0x1000  }
0x1ea: {  	[sflag:s6] =	ssyncset.done $0x0  }
0x1eb: {  	[sflag:s6] =	ssyncadd.s32 $0xFFFFF000  }
0x1ec: {  	[spmem:s13] =	stream.linear.scatter [tilespmem:s20], [sflag:$0x3], $0x1000, $0x38;
	[tilespmem:$0x1F800] =	vst v63  }
0x1ed: {  	_ =	swait.ge [sflag:s6], $0x1000  }
0x1ee: {  	[sflag:s6] =	ssyncset.done $0x0  }
0x1ef: {  	[sflag:s6] =	ssyncadd.s32 $0xFFFFF000  }
0x1f0: {  	[spmem:s14] =	stream.linear.scatter [tilespmem:s20], [sflag:$0x3], $0x1000, $0x38;
	[tilespmem:$0x1F800] =	vst v63  }
0x1f1: {  	_ =	swait.ge [sflag:s6], $0x1000  }
0x1f2: {  	[sflag:s6] =	ssyncset.done $0x0  }
0x1f3: {  	[sflag:s6] =	ssyncadd.s32 $0xFFFFF000  }
0x1f4: {  	[spmem:s15] =	stream.linear.scatter [tilespmem:s20], [sflag:$0x3], $0x1000, $0x38;
	[tilespmem:$0x1F800] =	vst v63  }
0x1f5: {  	_ =	swait.ge [sflag:s6], $0x1000  }
0x1f6: {  	[sflag:s6] =	ssyncset.done $0x0  }
0x1f7: {  	[sflag:s6] =	ssyncadd.s32 $0xFFFFF000  }
0x1f8: {  	[spmem:s16] =	stream.linear.scatter [tilespmem:s20], [sflag:$0x3], $0x1000, $0x38;
	[tilespmem:$0x1F800] =	vst v63  }
0x1f9: {  	_ =	swait.ge [sflag:s6], $0x1000  }
0x1fa: {  	[sflag:s6] =	ssyncset.done $0x0  }
0x1fb: {  	[sflag:s6] =	ssyncadd.s32 $0xFFFFF000  }
0x1fc: {  	[spmem:s17] =	stream.linear.scatter [tilespmem:s20], [sflag:$0x3], $0x1000, $0x38;
	[tilespmem:$0x1F800] =	vst v63  }
0x1fd: {  	_ =	swait.ge [sflag:s6], $0x1000  }
0x1fe: {  	[sflag:s6] =	ssyncset.done $0x0  }
0x1ff: {  	[sflag:s6] =	ssyncadd.s32 $0xFFFFF000  }
0x200: {  	[spmem:s26] =	stream.linear.scatter [tilespmem:s20], [sflag:$0x3], $0x1000, $0x38;
	[tilespmem:$0x1F800] =	vst v63  }
0x201: {  	_ =	swait.ge [sflag:s6], $0x1000  }
0x202: {  	[sflag:s6] =	ssyncset.done $0x0  }
0x203: {  	[sflag:s6] =	ssyncadd.s32 $0xFFFFF000  }
0x204: {  	[spmem:s28] =	stream.linear.scatter [tilespmem:s20], [sflag:$0x3], $0x1000, $0x38;
	[tilespmem:$0x1F800] =	vst v63  }
0x205: {  	_ =	swait.ge [sflag:s6], $0x1000  }
0x206: {  	[sflag:s6] =	ssyncset.done $0x0  }
0x207: {  	[sflag:s6] =	ssyncadd.s32 $0xFFFFF000  }
0x208: {  	[spmem:s29] =	stream.linear.scatter [tilespmem:s20], [sflag:$0x3], $0x1000, $0x38;
	[tilespmem:$0x1F800] =	vst v63  }
0x209: {  	_ =	swait.ge [sflag:s6], $0x1000  }
0x20a: {  	[sflag:s6] =	ssyncset.done $0x0  }
0x20b: {  	[sflag:s6] =	ssyncadd.s32 $0xFFFFF000  }
0x20c: {  	[spmem:s30] =	stream.linear.scatter [tilespmem:s20], [sflag:$0x3], $0x1000, $0x38;
	[tilespmem:$0x1F800] =	vst v63  }
0x20d: {  	_ =	swait.ge [sflag:s6], $0x1000  }
0x20e: {  	[sflag:s6] =	ssyncset.done $0x0  }
0x20f: {  	[sflag:s6] =	ssyncadd.s32 $0xFFFFF000  }
0x210: {  	[spmem:s31] =	stream.linear.scatter [tilespmem:s20], [sflag:$0x3], $0x1000, $0x38;
	[tilespmem:$0x1F800] =	vst v63  }
0x211: {  	_ =	swait.ge [sflag:s6], $0x1000  }
0x212: {  	[sflag:s6] =	ssyncset.done $0x0  }
0x213: {  	[sflag:s6] =	ssyncadd.s32 $0xFFFFF000  }
0x214: {  	[spmem:s0] =	stream.linear.scatter [tilespmem:s20], [sflag:$0x3], $0x1000, $0x38;
	[tilespmem:$0x1F800] =	vst v63  }
0x215: {  	_ =	swait.ge [sflag:s6], $0x1000  }
0x216: {  	[sflag:s6] =	ssyncset.done $0x0  }
0x217: {  	[sflag:s6] =	ssyncadd.s32 $0xFFFFF000  }
0x218: {  	[spmem:s1] =	stream.linear.scatter [tilespmem:s20], [sflag:$0x3], $0x1000, $0x38;
	[tilespmem:$0x1F800] =	vst v63  }
0x219: {  	_ =	swait.ge [sflag:s6], $0x1000  }
0x21a: {  	[sflag:s6] =	ssyncset.done $0x0  }
0x21b: {  	[sflag:s6] =	ssyncadd.s32 $0xFFFFF000  }
0x21c: {  	[spmem:s4] =	stream.linear.scatter [tilespmem:s20], [sflag:$0x3], $0x1000, $0x38;
	[tilespmem:$0x1F800] =	vst v63  }
0x21d: {  	_ =	swait.ge [sflag:s6], $0x1000  }
0x21e: {  	[sflag:s6] =	ssyncset.done $0x0  }
0x21f: {  	[sflag:s6] =	ssyncadd.s32 $0xFFFFF000  }
0x220: {  	[bflag:$0x0] =	sbarrier.arrive $0xFFFF  }
0x221: {  	s9 =	rddreg [dreg:$0x12]  }
0x222: {  	s10 =	sadd.s32 $0xFFFFF800, s9  }
0x223: {  	[tilespmem:s21], [sflag:$0x1] =	stream.linear.gather [hbm4b:s10+s3], $0x4000, $0x38;
	[tilespmem:$0x1F800] =	vst v63  }
0x224: {  	_ = 	snop  }
0x225: {  	[tilespmem:s22], [sflag:$0x2] =	stream.linear.gather [hbm4b:s9+s3], $0x4000, $0x38;
	[tilespmem:$0x1F800] =	vst v63  }
0x226: {  	_ =	swait.ge [sflag:s23], $0x4000  }
0x227: {  	[sflag:s23] =	ssyncset.done $0x0  }
0x228: {  	s11 =	simm.s32 $0x0;
	[sflag:s23] =	ssyncadd.s32 $0xFFFFC000  }
0x229: {  	[spmem:s2] =	stream.indirect.scatter.add.f32 [tilespmem:s21], [sflag:$0x3], $0x80, s11, s18, $0xb8;
	[tilespmem:$0x1F800] =	vst v63  }
0x22a: {  	_ =	swait.ge [sflag:s6], $0x4000  }
0x22b: {  	[sflag:s6] =	ssyncset.done $0x0  }
0x22c: {  	[sflag:s6] =	ssyncadd.s32 $0xFFFFC000  }
0x22d: {  	_ =	swait.ge [sflag:s19], $0x4000  }
0x22e: {  	[sflag:s19] =	ssyncset.done $0x0  }
0x22f: {  	s12 =	simm.s32 $0x80;
	[sflag:s19] =	ssyncadd.s32 $0xFFFFC000  }
0x230: {  	[spmem:s2] =	stream.indirect.scatter.add.f32 [tilespmem:s22], [sflag:$0x3], $0x80, s12, s18, $0xb8;
	[tilespmem:$0x1F800] =	vst v63  }
0x231: {  	s8 =	simm.s32 $0x400;
	_ =	swait.ge [sflag:s6], $0x4000  }
0x232: {  	s10 =	simm.s32 $0x800;
	s9 =	sadd.s32 $0x1000, s9;
	[sflag:s6] =	ssyncset.done $0x0  }
.LBB2_10:
0x233: {  	p0 =	sne.s32 s10, $0x9C00;
	s11 =	sadd.s32 $0xFFFFF800, s9;
	[sflag:s6] =	ssyncadd.s32 $0xFFFFC000  }
0x234: {  	[tilespmem:s21], [sflag:$0x1] =	stream.linear.gather [hbm4b:s11+s3], $0x4000, $0x38;
	[tilespmem:$0x1F800] =	vst v63  }
0x235: {  	s11 =	smov.u32 s10;
	s10 =	sadd.s32 $0x400, s10  }
0x236: {  	[tilespmem:s22], [sflag:$0x2] =	stream.linear.gather [hbm4b:s9+s3], $0x4000, $0x38;
	[tilespmem:$0x1F800] =	vst v63  }
0x237: {  	_ =	swait.ge [sflag:s23], $0x4000  }
0x238: {  	[sflag:s23] =	ssyncset.done $0x0  }
0x239: {  	s12 =	sshra.s32 s8, $0x2;
	s8 =	smov.u32 s11;
	[sflag:s23] =	ssyncadd.s32 $0xFFFFC000  }
0x23a: {  	[spmem:s2] =	stream.indirect.scatter.add.f32 [tilespmem:s21], [sflag:$0x3], $0x80, s12, s18, $0xb8;
	[tilespmem:$0x1F800] =	vst v63  }
0x23b: {  	_ =	swait.ge [sflag:s6], $0x4000  }
0x23c: {  	[sflag:s6] =	ssyncset.done $0x0  }
0x23d: {  	[sflag:s6] =	ssyncadd.s32 $0xFFFFC000  }
0x23e: {  	_ =	swait.ge [sflag:s19], $0x4000  }
.Ltmp4:
0x23f: {  	[sflag:s19] =	ssyncset.done $0x0;
	(pc) =	sbr.rel @p0 .LBB2_10-.Ltmp4, $4  }
0x240: {  	s11 =	sadd.s32 $0x80, s12;
	[sflag:s19] =	ssyncadd.s32 $0xFFFFC000  }
0x241: {  	[spmem:s2] =	stream.indirect.scatter.add.f32 [tilespmem:s22], [sflag:$0x3], $0x80, s11, s18, $0xb8;
	[tilespmem:$0x1F800] =	vst v63  }
0x242: {  	_ =	swait.ge [sflag:s6], $0x4000  }
0x243: {  	s9 =	sadd.s32 $0x1000, s9;
	[sflag:s6] =	ssyncset.done $0x0  }
0x244: {  	s10 =	sadd.s32 $0xFFFFF800, s9;
	[sflag:s6] =	ssyncadd.s32 $0xFFFFC000  }
0x245: {  	[tilespmem:s21], [sflag:$0x1] =	stream.linear.gather [hbm4b:s10+s3], $0x4000, $0x38;
	[tilespmem:$0x1F800] =	vst v63  }
0x246: {  	_ = 	snop  }
0x247: {  	[tilespmem:s22], [sflag:$0x2] =	stream.linear.gather [hbm4b:s9+s3], $0x4000, $0x38;
	[tilespmem:$0x1F800] =	vst v63  }
0x248: {  	_ =	swait.ge [sflag:s23], $0x4000  }
0x249: {  	[sflag:s23] =	ssyncset.done $0x0  }
0x24a: {  	s8 =	sshra.s32 s8, $0x2;
	[sflag:s23] =	ssyncadd.s32 $0xFFFFC000  }
0x24b: {  	[spmem:s2] =	stream.indirect.scatter.add.f32 [tilespmem:s21], [sflag:$0x3], $0x80, s8, s18, $0xb8;
	[tilespmem:$0x1F800] =	vst v63  }
0x24c: {  	_ =	swait.ge [sflag:s6], $0x4000  }
0x24d: {  	[sflag:s6] =	ssyncset.done $0x0  }
0x24e: {  	[sflag:s6] =	ssyncadd.s32 $0xFFFFC000  }
0x24f: {  	_ =	swait.ge [sflag:s19], $0x4000  }
0x250: {  	[sflag:s19] =	ssyncset.done $0x0  }
0x251: {  	s8 =	sadd.s32 $0x80, s8;
	[sflag:s19] =	ssyncadd.s32 $0xFFFFC000  }
0x252: {  	[spmem:s2] =	stream.indirect.scatter.add.f32 [tilespmem:s22], [sflag:$0x3], $0x80, s8, s18, $0xb8;
	[tilespmem:$0x1F800] =	vst v63  }
0x253: {  	_ =	swait.ge [sflag:s6], $0x4000  }
0x254: {  	[sflag:s6] =	ssyncset.done $0x0  }
0x255: {  	[sflag:s6] =	ssyncadd.s32 $0xFFFFC000  }
0x256: {  	[bflag:$0x0] =	sbarrier.arrive $0xFFFF  }
0x257: {  	s12 =	rddreg [dreg:$0x10]  }
0x258: {  	[hbm:s12], [sflag:s25] =	dma.local [spmem:s7], $0x2800  }
0x259: {  	_ =	swait.ge [sflag:s6], $0x2800  }
0x25a: {  	s24 =	sadd.s32 $0x1, s24;
	s25 =	rddreg [dreg:$0x4]  }
0x25b: {  	p0 =	sne.s32 s24, s25  }
.Ltmp5:
0x25c: {  	_ = 	snop;
	(pc) =	sbr.rel @p0 .LBB2_1-.Ltmp5, $3  }
0x25d: {  	_ =	sdelay $0x1  }
0x25e: {  	[sflag:s6] =	ssyncset.done $0x0  }
0x25f: {  	[sflag:s6] =	ssyncadd.s32 $0xFFFFD800  }
0x260: {  	_ =	sfence.sel $0x180000  }
0x261: {  	[bflag:$0x0] =	sbarrier.arrive $0xFFFF  }
0x262: {  	_ =	strace $0x90000050  }
0x263: {  	s0 =	stileid.u32;
	[bflag:$0x2] =	sbarrier.arrive $0xFFFF  }
0x264: {  	p0 =	sne.s32 s0, $0x0;
	s0 =	rddreg [dreg:$0x2]  }
0x265: {  	s0 =	sadd.s32 @!p0 $0x100000, s0  }
0x266: {  	[sflag:s0] =	ssyncadd.tile.s32 @!p0 $0x1;
	_ =	shalt  }
.Lfunc_end2:
_tile_overlayer_lowered:
.L_overlay_start_2:
0x267: {  	(tag) =	ssettag $0x2  }
0x268: {  	s0 =	rddreg [dreg:$0x0];
	s2 =	stileid.u32  }
0x269: {  	s1 =	rddreg [dreg:$0x1];
	p0 =	sne.s32 s2, $0x0  }
0x26a: {  	s3 =	rddreg [dreg:$0x2];
	[bflag:$0x3] =	sbarrier.arrive $0xFFFF;
	s2 =	simm.s32 @!p0 $0x1C03  }
0x26b: {  	[timem:s3], [sflag:s2] =	dma.local @!p0 [hbm:s0], s1  }
0x26c: {  	s0 =	simm.s32 @!p0 $0x3  }
0x26d: {  	_ =	swait.ge @!p0 [sflag:s0], s1  }
0x26e: {  	s1 =	ssub.s32 @!p0 $0x0, s1;
	[sflag:s0] =	ssyncset.done @!p0 $0x0  }
0x26f: {  	[sflag:s0] =	ssyncadd.s32 @!p0 s1  }
0x270: {  	[bflag:$0x3] =	sbarrier.arrive $0xFFFF  }
0x271: {  	_ =	shalt  }

</sc_bundles>
